<compile_context>
chip_gen: v7x
topology: tpu7x:2x2x1
jax: 0.10.2.dev20260603
libtpu: 0.0.44.dev20260713+nightly
codegen_flags: <defaults>
</compile_context>

<pallas_src>
import functools

import jax
import jax.numpy as jnp
from jax import lax
from jax.experimental import pallas as pl
from jax.experimental.pallas import tpu as pltpu
from jax.experimental.pallas import tpu_sc as plsc

N_NODES = 50000
M = 16
IN_FEA = 128
EDGE_FEA = 16
AFL = 64
HID = 128
B = 500
NPC = 100

RB = 1000
GRID = N_NODES // RB
NE = N_NODES * M
MP = M // 2


_SC_CHUNK = 1000


def _sc_gather_body(ne, off, table_hbm, idx_hbm, out_hbm,
                    idx0, idx1, rows0, rows1, gsem, wsem0, wsem1):
    info = plsc.get_sparse_core_info()
    nw = info.num_cores * info.num_subcores
    b_per_w = ne // nw
    n_chunks = b_per_w // _SC_CHUNK
    wid = lax.axis_index("s") * info.num_cores + lax.axis_index("c")
    w_base = off + wid * b_per_w

    def fetch(i, idx_v, rows_v):
        base = w_base + i * _SC_CHUNK
        pltpu.sync_copy(idx_hbm.at[pl.ds(base, _SC_CHUNK)], idx_v)
        pltpu.async_copy(table_hbm.at[idx_v], rows_v, gsem).wait()

    def put(i, rows_v, wsem):
        base = wid * b_per_w + i * _SC_CHUNK
        return pltpu.async_copy(rows_v, out_hbm.at[pl.ds(base, _SC_CHUNK)], wsem)

    def drain(i, rows_v, wsem):
        base = wid * b_per_w + i * _SC_CHUNK
        pltpu.make_async_copy(rows_v, out_hbm.at[pl.ds(base, _SC_CHUNK)], wsem).wait()

    fetch(0, idx0, rows0)
    put(0, rows0, wsem0)
    fetch(1, idx1, rows1)
    put(1, rows1, wsem1)

    def pair(k, carry):
        a = 2 * k
        drain(a - 2, rows0, wsem0)
        fetch(a, idx0, rows0)
        put(a, rows0, wsem0)
        drain(a - 1, rows1, wsem1)
        fetch(a + 1, idx1, rows1)
        put(a + 1, rows1, wsem1)
        return carry

    lax.fori_loop(1, n_chunks // 2, pair, 0)

    if n_chunks % 2:
        last = n_chunks - 1
        drain(last - 2, rows0, wsem0)
        fetch(last, idx0, rows0)
        put(last, rows0, wsem0)
        drain(last, rows0, wsem0)
        drain(last - 1, rows1, wsem1)
    else:
        drain(n_chunks - 2, rows0, wsem0)
        drain(n_chunks - 1, rows1, wsem1)


def _sc_gather(table, idx, ne=NE, off=0):
    mesh = plsc.VectorSubcoreMesh(core_axis_name="c", subcore_axis_name="s")
    kern = functools.partial(
        pl.kernel,
        mesh=mesh,
        out_type=jax.ShapeDtypeStruct((ne, AFL), jnp.float32),
        scratch_types=[
            pltpu.VMEM((_SC_CHUNK,), jnp.int32),
            pltpu.VMEM((_SC_CHUNK,), jnp.int32),
            pltpu.VMEM((_SC_CHUNK, AFL), jnp.float32),
            pltpu.VMEM((_SC_CHUNK, AFL), jnp.float32),
            pltpu.SemaphoreType.DMA,
            pltpu.SemaphoreType.DMA,
            pltpu.SemaphoreType.DMA,
        ],
        compiler_params=pltpu.CompilerParams(use_tc_tiling_on_sc=False),
    )(functools.partial(_sc_gather_body, ne, off))
    return kern(table, idx)




def _full(shape):
    nd = len(shape)
    return pl.BlockSpec(shape, lambda i: (0,) * nd)


def _dot(a, b):
    return jnp.dot(a, b, preferred_element_type=jnp.float32)


def _embed_kernel(af_ref, we_ref, be_ref, wn_ref, x_ref, y_ref):
    x = _dot(af_ref[...], we_ref[...]) + be_ref[...]
    x_ref[...] = x
    y_ref[...] = _dot(x, wn_ref[...])


def _embed(atom_fea, we, be, wn0):
    return pl.pallas_call(
        _embed_kernel,
        grid=(GRID,),
        in_specs=[
            pl.BlockSpec((RB, IN_FEA), lambda i: (i, 0)),
            _full((IN_FEA, AFL)),
            _full((1, AFL)),
            _full((AFL, AFL)),
        ],
        out_specs=[
            pl.BlockSpec((RB, AFL), lambda i: (i, 0)),
            pl.BlockSpec((RB, AFL), lambda i: (i, 0)),
        ],
        out_shape=[
            jax.ShapeDtypeStruct((N_NODES, AFL), jnp.float32),
            jax.ShapeDtypeStruct((N_NODES, AFL), jnp.float32),
        ],
    )(atom_fea, we, be, wn0)


def _conv_core(x_ref, g_ref, nf_ref, w):
    xc = x_ref[...]
    pc2 = _dot(xc, w["wc2"][...]) + w["bc2"][...]
    s2 = jnp.zeros((RB, 2 * AFL), jnp.float32)
    for j in range(MP):
        g2 = g_ref[:, j, :] + w["bn2"][...]
        pe2 = _dot(nf_ref[:, 32 * j:32 * (j + 1)], w["bdwe"][...]) + w["be2"][...]
        i2 = pc2 * g2 * pe2
        z = _dot(i2, w["wgm2"][...]) + w["bgm2"][...]
        s2 = s2 + jax.nn.sigmoid(z[:, :128]) * jax.nn.softplus(z[:, 128:])
    s = s2[:, :AFL] + s2[:, AFL:]
    mean = jnp.mean(s, axis=-1, keepdims=True)
    var = jnp.mean((s - mean) ** 2, axis=-1, keepdims=True)
    ln = (s - mean) * lax.rsqrt(var + 1e-6) * w["lns"][...] + w["lnb"][...]
    return xc + ln


_CONV_WNAMES = ["wc2", "bc2", "bn2", "bdwe", "be2", "wgm2", "bgm2", "lns", "lnb"]


def _conv_kernel(x_ref, g_ref, nf_ref, wc2, bc2, bn2, bdwe, be2, wgm2, bgm2,
                 lns, lnb, wnn, xo_ref, yo_ref):
    w = dict(zip(_CONV_WNAMES, [wc2, bc2, bn2, bdwe, be2, wgm2, bgm2, lns, lnb]))
    xn = _conv_core(x_ref, g_ref, nf_ref, w)
    xo_ref[...] = xn
    yo_ref[...] = _dot(xn, wnn[...])


def _conv_kernel_alias(x_ref, g_ref, nf_ref, yin_ref, wc2, bc2, bn2, bdwe, be2,
                       wgm2, bgm2, lns, lnb, wnn, xo_ref, yo_ref):
    del yin_ref
    w = dict(zip(_CONV_WNAMES, [wc2, bc2, bn2, bdwe, be2, wgm2, bgm2, lns, lnb]))
    xn = _conv_core(x_ref, g_ref, nf_ref, w)
    xo_ref[...] = xn
    yo_ref[...] = _dot(xn, wnn[...])


def _final_kernel(x_ref, g_ref, nf_ref, wc2, bc2, bn2, bdwe, be2, wgm2, bgm2,
                  lns, lnb, wh, bh, wo, bo, e_ref):
    w = dict(zip(_CONV_WNAMES, [wc2, bc2, bn2, bdwe, be2, wgm2, bgm2, lns, lnb]))
    xn = _conv_core(x_ref, g_ref, nf_ref, w)
    h = jax.nn.softplus(_dot(xn, wh[...]) + bh[...])
    p = h * wo[...]
    nc = RB // NPC
    sel = (lax.broadcasted_iota(jnp.int32, (nc, RB), 1) // NPC
           == lax.broadcasted_iota(jnp.int32, (nc, RB), 0)).astype(jnp.float32)
    cs = jnp.dot(sel, p, preferred_element_type=jnp.float32,
                 precision=lax.Precision.HIGHEST)
    e = jnp.sum(cs, axis=1, keepdims=True) + NPC * bo[0, 0]
    e_ref[...] = jnp.broadcast_to(e, (nc, 128))[None]


_CONV_WSPECS = [
    _full((AFL, 2 * AFL)),
    _full((1, 2 * AFL)),
    _full((1, 2 * AFL)),
    _full((2 * EDGE_FEA, 2 * AFL)),
    _full((1, 2 * AFL)),
    _full((2 * AFL, 4 * AFL)),
    _full((1, 4 * AFL)),
    _full((1, AFL)),
    _full((1, AFL)),
]

def _data_specs(off):
    return [
        pl.BlockSpec((RB, AFL), lambda i: (i, 0)),
        pl.BlockSpec((RB, MP, 2 * AFL), lambda i: (i, 0, 0)),
        pl.BlockSpec((RB, M * EDGE_FEA), lambda i, o=off: (i + o, 0)),
    ]


def _conv_layer(x, g3, nf2, cw, wn_next, rows, off, y_in=None):
    grid = rows // RB
    y_spec = pl.BlockSpec((RB, AFL), lambda i, o=off: (i + o, 0))
    kern = _conv_kernel if y_in is None else _conv_kernel_alias
    extra_in = [] if y_in is None else [pl.BlockSpec(memory_space=pl.ANY)]
    extra_arg = [] if y_in is None else [y_in]
    return pl.pallas_call(
        kern,
        grid=(grid,),
        in_specs=_data_specs(off) + extra_in + _CONV_WSPECS + [_full((AFL, AFL))],
        out_specs=[
            pl.BlockSpec((RB, AFL), lambda i: (i, 0)),
            y_spec,
        ],
        out_shape=[
            jax.ShapeDtypeStruct((rows, AFL), jnp.float32),
            jax.ShapeDtypeStruct((N_NODES, AFL), jnp.float32),
        ],
        input_output_aliases={} if y_in is None else {3: 1},
    )(x, g3, nf2, *extra_arg, *cw, wn_next)


def _final_layer(x, g3, nf2, cw, wh, bh, wo, bo, rows, off):
    nc = RB // NPC
    grid = rows // RB
    return pl.pallas_call(
        _final_kernel,
        grid=(grid,),
        in_specs=_data_specs(off) + _CONV_WSPECS + [
            _full((AFL, HID)),
            _full((1, HID)),
            _full((1, HID)),
            _full((1, 1)),
        ],
        out_specs=pl.BlockSpec((1, nc, 128), lambda i: (i, 0, 0)),
        out_shape=jax.ShapeDtypeStruct((grid, nc, 128), jnp.float32),
    )(x, g3, nf2, *cw, wh, bh, wo, bo)


def _conv_weights(c):
    z64 = jnp.zeros((AFL, AFL), jnp.float32)
    z32 = jnp.zeros((EDGE_FEA, AFL), jnp.float32)
    wg, wm = c["gate"]["W"], c["mag"]["W"]
    we = c["edge"]["W"]
    dup = lambda v: jnp.concatenate([v, v]).reshape(1, -1)
    return [
        jnp.concatenate([c["center"]["W"], c["center"]["W"]], axis=1),
        dup(c["center"]["b"]),
        dup(c["nbr"]["b"]),
        jnp.block([[we, z32], [z32, we]]),
        dup(c["edge"]["b"]),
        jnp.block([[wg, z64, wm, z64], [z64, wg, z64, wm]]),
        jnp.concatenate([c["gate"]["b"], c["gate"]["b"],
                         c["mag"]["b"], c["mag"]["b"]]).reshape(1, -1),
        c["ln_scale"].reshape(1, -1),
        c["ln_bias"].reshape(1, -1),
    ]


_ROWS_A = 26000
_ROWS_B = N_NODES - _ROWS_A
_NE_A = _ROWS_A * M
_NE_B = _ROWS_B * M


def kernel(atom_fea, nbr_fea, nbr_fea_idx, params, batch_size, n_atoms_per_crystal):
    convs = params["convs"]
    idx = nbr_fea_idx.reshape(-1)
    nf2 = nbr_fea.reshape(N_NODES, M * EDGE_FEA)

    x, y = _embed(atom_fea, params["embed"]["W"],
                  params["embed"]["b"].reshape(1, -1), convs[0]["nbr"]["W"])
    xa, xb = x[:_ROWS_A], x[_ROWS_A:]

    hidw = (params["hid"]["W"], params["hid"]["b"].reshape(1, -1),
            params["out"]["W"].reshape(1, -1), params["out"]["b"].reshape(1, 1))

    for c in range(3):
        cw = _conv_weights(convs[c])
        ga = _sc_gather(y, idx, _NE_A, 0)
        gb = _sc_gather(y, idx, _NE_B, _NE_A)
        g3a = ga.reshape(_ROWS_A, MP, 2 * AFL)
        g3b = gb.reshape(_ROWS_B, MP, 2 * AFL)
        if c < 2:
            wnn = convs[c + 1]["nbr"]["W"]
            xa, ya = _conv_layer(xa, g3a, nf2, cw, wnn, _ROWS_A, 0)
            xb, y = _conv_layer(xb, g3b, nf2, cw, wnn, _ROWS_B, _ROWS_A // RB,
                                y_in=ya)
        else:
            ea = _final_layer(xa, g3a, nf2, cw, *hidw, _ROWS_A, 0)
            eb = _final_layer(xb, g3b, nf2, cw, *hidw, _ROWS_B, _ROWS_A // RB)
            e = jnp.concatenate([ea, eb]).reshape(B, 128)[:, :1]
    dep = (batch_size * n_atoms_per_crystal - B * NPC)
    return e + jnp.asarray(dep).astype(e.dtype)

# --- scband reference (transcript-rebuilt; emitter-appended) ---
"""Pipeline reference for scband-neural-ce-ising-legacy-82712480186789 (READ-ONLY COPY).

The authoritative reference and input builder live on the scoring server;
editing this copy changes nothing except your own understanding.
"""

import jax, jax.numpy as jnp
import numpy as np

N_NODES = 50000
M = 16
IN_FEA = 128
EDGE_FEA = 16
AFL = 64
HID = 128
NCONV = 3
B = 500
NPC = 100


def _dense_params(key, din, dout):
    k1, k2 = jax.random.split(key)
    return {
        "W": jax.random.normal(k1, (din, dout), jnp.float32) * 0.05,
        "b": jax.random.normal(k2, (dout,), jnp.float32) * 0.01,
    }


def setup_inputs(seed: int = 0) -> dict:
    key = jax.random.key(seed)
    ks = jax.random.split(key, 16)
    atom_fea = jax.random.normal(ks[0], (N_NODES, IN_FEA), jnp.float32)
    nbr_fea = jax.random.normal(ks[1], (N_NODES, M, EDGE_FEA), jnp.float32)
    nbr_fea_idx = jax.random.randint(ks[2], (N_NODES, M), 0, N_NODES, jnp.int32)
    convs = []
    for i in range(NCONV):
        ck = jax.random.split(ks[3 + i], 5)
        convs.append({
            "center": _dense_params(ck[0], AFL, AFL),
            "nbr": _dense_params(ck[1], AFL, AFL),
            "edge": _dense_params(ck[2], EDGE_FEA, AFL),
            "gate": _dense_params(ck[3], AFL, AFL),
            "mag": _dense_params(ck[4], AFL, AFL),
            "ln_scale": jnp.ones((AFL,), jnp.float32),
            "ln_bias": jnp.zeros((AFL,), jnp.float32),
        })
    params = {
        "embed": _dense_params(ks[10], IN_FEA, AFL),
        "convs": convs,
        "hid": _dense_params(ks[11], AFL, HID),
        "out": _dense_params(ks[12], HID, 1),
    }
    return {
        "atom_fea": atom_fea,
        "nbr_fea": nbr_fea,
        "nbr_fea_idx": nbr_fea_idx,
        "params": params,
        "batch_size": B,
        "n_atoms_per_crystal": NPC,
    }


def _ln(x, scale, bias):
    m = jnp.mean(x, axis=-1, keepdims=True)
    v = jnp.var(x, axis=-1, keepdims=True)
    return (x - m) / jnp.sqrt(v + 1e-6) * scale + bias


def _forward(params, atom_fea, nbr_fea, nbr_fea_idx, batch_size, n_atoms_per_crystal):
    x = atom_fea @ params["embed"]["W"] + params["embed"]["b"]
    for c in params["convs"]:
        atom_nbr_fea = jnp.take(x, nbr_fea_idx, axis=0)  # [N, M, AFL]
        phi_center = (x @ c["center"]["W"] + c["center"]["b"])[:, None, :]
        phi_nbr = atom_nbr_fea @ c["nbr"]["W"] + c["nbr"]["b"]
        phi_edge = nbr_fea @ c["edge"]["W"] + c["edge"]["b"]
        interaction = phi_center * phi_nbr * phi_edge
        gate = jax.nn.sigmoid(interaction @ c["gate"]["W"] + c["gate"]["b"])
        magnitude = jax.nn.softplus(interaction @ c["mag"]["W"] + c["mag"]["b"])
        nbr_sumed = jnp.sum(gate * magnitude, axis=1)
        x = x + _ln(nbr_sumed, c["ln_scale"], c["ln_bias"])
    h = jax.nn.softplus(x @ params["hid"]["W"] + params["hid"]["b"])
    E_site = h @ params["out"]["W"] + params["out"]["b"]  # [N_total, 1]
    E = jnp.sum(E_site.reshape(B, NPC), axis=1, keepdims=True)
    dep = jnp.asarray(batch_size * n_atoms_per_crystal - B * NPC).astype(E.dtype)
    return E + dep


def reference(atom_fea, nbr_fea, nbr_fea_idx, params, batch_size, n_atoms_per_crystal):
    return _forward(params, atom_fea, nbr_fea, nbr_fea_idx, batch_size, n_atoms_per_crystal)

if __name__ == "__main__":
    import jax
    _d = setup_inputs()
    print(jax.jit(kernel)(*tuple(_d.values())))

</pallas_src>

<mosaic_0001>
#map = affine_map<(d0, d1) -> (0, 0)>
#map1 = affine_map<(d0, d1) -> (0)>
module attributes {stable_mosaic.version = 14 : i64} {
  func.func @_sc_gather_body(%arg0: i32, %arg1: i32, %arg2: memref<50000x64xf32, #tpu.memory_space<hbm>>, %arg3: memref<800000xi32, #tpu.memory_space<hbm>>, %arg4: memref<384000x64xf32, #tpu.memory_space<hbm>>, %arg5: memref<1000xi32, #tpu.memory_space<vmem>>, %arg6: memref<1000xi32, #tpu.memory_space<vmem>>, %arg7: memref<1000x64xf32, #tpu.memory_space<vmem>>, %arg8: memref<1000x64xf32, #tpu.memory_space<vmem>>, %arg9: memref<!tpu.dma_semaphore, #tpu.memory_space<semaphore_mem>>, %arg10: memref<!tpu.dma_semaphore, #tpu.memory_space<semaphore_mem>>, %arg11: memref<!tpu.dma_semaphore, #tpu.memory_space<semaphore_mem>>) attributes {dimension_semantics = [#tpu.dimension_semantics<core_parallel>, #tpu.dimension_semantics<subcore_parallel>], iteration_bounds = array<i64: 2, 16>, scalar_prefetch = 0 : i64, scratch_operands = 7 : i64, tpu.core_type = #tpu.core_type<sc_vector_subcore>, window_params = [{transform_indices = #map}, {transform_indices = #map1}, {transform_indices = #map}]} {
    %mul3A = arith.constant 2 : i32
    %mul3A_0 = arith.muli %arg1, %mul3A : i32
    %add3A = arith.addi %mul3A_0, %arg0 : i32
    %mul3A_1 = arith.constant 12000 : i32
    %mul3A_2 = arith.muli %add3A, %mul3A_1 : i32
    %add3A_3 = arith.constant 416000 : i32
    %add3A_4 = arith.addi %add3A_3, %mul3A_2 : i32
    %add3A_5 = arith.constant 0 : i32
    %add3A_6 = arith.addi %add3A_4, %add3A_5 : i32
    "tpu.region"() ({
      %run_scoped3A = tpu.sem_alloc : memref<!tpu.dma_semaphore, #tpu.memory_space<semaphore_mem>>
      %dma_start3A_56 = tpu.memref_slice %arg3[%add3A_6] : memref<800000xi32, #tpu.memory_space<hbm>> -> memref<1000xi32, #tpu.memory_space<hbm>>
      %dma_start3A_57 = tpu.memref_slice %arg3[%add3A_6] : memref<800000xi32, #tpu.memory_space<hbm>> -> memref<1000xi32, #tpu.memory_space<hbm>>
      tpu.enqueue_dma source(%dma_start3A_57 : memref<1000xi32, #tpu.memory_space<hbm>>) target(%arg5 : memref<1000xi32, #tpu.memory_space<vmem>>) target_semaphore(%run_scoped3A : memref<!tpu.dma_semaphore, #tpu.memory_space<semaphore_mem>>)
      %dma_wait3A_58 = tpu.memref_slice %arg3[%add3A_6] : memref<800000xi32, #tpu.memory_space<hbm>> -> memref<1000xi32, #tpu.memory_space<hbm>>
      %dma_wait3A_59 = tpu.memref_slice %arg3[%add3A_6] : memref<800000xi32, #tpu.memory_space<hbm>> -> memref<1000xi32, #tpu.memory_space<hbm>>
      tpu.wait_dma2 semaphore(%run_scoped3A : memref<!tpu.dma_semaphore, #tpu.memory_space<semaphore_mem>>) src(%dma_wait3A_59 : memref<1000xi32, #tpu.memory_space<hbm>>) dst(%arg5 : memref<1000xi32, #tpu.memory_space<vmem>>)
      tpu.yield
    }) : () -> ()
    %dma_start3A = arith.constant 0 : i32
    %dma_start3A_7 = arith.constant 0 : i32
    %dma_start3A_8 = tpu.memref_slice %arg2[%dma_start3A, %dma_start3A_7] : memref<50000x64xf32, #tpu.memory_space<hbm>> -> memref<50000x64xf32, #tpu.memory_space<hbm>>
    tpu.enqueue_indirect_dma source(%dma_start3A_8 : memref<50000x64xf32, #tpu.memory_space<hbm>>) target(%arg7 : memref<1000x64xf32, #tpu.memory_space<vmem>>) offsets(%arg5 : memref<1000xi32, #tpu.memory_space<vmem>>) semaphore(%arg9 : memref<!tpu.dma_semaphore, #tpu.memory_space<semaphore_mem>>)
    %dma_wait3A = arith.constant 0 : i32
    %dma_wait3A_9 = arith.constant 0 : i32
    %dma_wait3A_10 = tpu.memref_slice %arg2[%dma_wait3A, %dma_wait3A_9] : memref<50000x64xf32, #tpu.memory_space<hbm>> -> memref<50000x64xf32, #tpu.memory_space<hbm>>
    tpu.wait_indirect_dma semaphore(%arg9 : memref<!tpu.dma_semaphore, #tpu.memory_space<semaphore_mem>>) src(%dma_wait3A_10 : memref<50000x64xf32, #tpu.memory_space<hbm>>) dst(%arg7 : memref<1000x64xf32, #tpu.memory_space<vmem>>)
    %mul3A_11 = arith.constant 12000 : i32
    %mul3A_12 = arith.muli %add3A, %mul3A_11 : i32
    %add3A_13 = arith.constant 0 : i32
    %add3A_14 = arith.addi %mul3A_12, %add3A_13 : i32
    %dma_start3A_15 = arith.constant 0 : i32
    %dma_start3A_16 = tpu.memref_slice %arg4[%add3A_14, %dma_start3A_15] : memref<384000x64xf32, #tpu.memory_space<hbm>> -> memref<1000x64xf32, #tpu.memory_space<hbm>>
    %dma_start3A_17 = arith.constant 0 : i32
    %dma_start3A_18 = tpu.memref_slice %arg4[%add3A_14, %dma_start3A_17] : memref<384000x64xf32, #tpu.memory_space<hbm>> -> memref<1000x64xf32, #tpu.memory_space<hbm>>
    tpu.enqueue_dma source(%arg7 : memref<1000x64xf32, #tpu.memory_space<vmem>>) target(%dma_start3A_18 : memref<1000x64xf32, #tpu.memory_space<hbm>>) target_semaphore(%arg10 : memref<!tpu.dma_semaphore, #tpu.memory_space<semaphore_mem>>)
    %add3A_19 = arith.constant 1000 : i32
    %add3A_20 = arith.addi %add3A_4, %add3A_19 : i32
    "tpu.region"() ({
      %run_scoped3A = tpu.sem_alloc : memref<!tpu.dma_semaphore, #tpu.memory_space<semaphore_mem>>
      %dma_start3A_56 = tpu.memref_slice %arg3[%add3A_20] : memref<800000xi32, #tpu.memory_space<hbm>> -> memref<1000xi32, #tpu.memory_space<hbm>>
      %dma_start3A_57 = tpu.memref_slice %arg3[%add3A_20] : memref<800000xi32, #tpu.memory_space<hbm>> -> memref<1000xi32, #tpu.memory_space<hbm>>
      tpu.enqueue_dma source(%dma_start3A_57 : memref<1000xi32, #tpu.memory_space<hbm>>) target(%arg6 : memref<1000xi32, #tpu.memory_space<vmem>>) target_semaphore(%run_scoped3A : memref<!tpu.dma_semaphore, #tpu.memory_space<semaphore_mem>>)
      %dma_wait3A_58 = tpu.memref_slice %arg3[%add3A_20] : memref<800000xi32, #tpu.memory_space<hbm>> -> memref<1000xi32, #tpu.memory_space<hbm>>
      %dma_wait3A_59 = tpu.memref_slice %arg3[%add3A_20] : memref<800000xi32, #tpu.memory_space<hbm>> -> memref<1000xi32, #tpu.memory_space<hbm>>
      tpu.wait_dma2 semaphore(%run_scoped3A : memref<!tpu.dma_semaphore, #tpu.memory_space<semaphore_mem>>) src(%dma_wait3A_59 : memref<1000xi32, #tpu.memory_space<hbm>>) dst(%arg6 : memref<1000xi32, #tpu.memory_space<vmem>>)
      tpu.yield
    }) : () -> ()
    %dma_start3A_21 = arith.constant 0 : i32
    %dma_start3A_22 = arith.constant 0 : i32
    %dma_start3A_23 = tpu.memref_slice %arg2[%dma_start3A_21, %dma_start3A_22] : memref<50000x64xf32, #tpu.memory_space<hbm>> -> memref<50000x64xf32, #tpu.memory_space<hbm>>
    tpu.enqueue_indirect_dma source(%dma_start3A_23 : memref<50000x64xf32, #tpu.memory_space<hbm>>) target(%arg8 : memref<1000x64xf32, #tpu.memory_space<vmem>>) offsets(%arg6 : memref<1000xi32, #tpu.memory_space<vmem>>) semaphore(%arg9 : memref<!tpu.dma_semaphore, #tpu.memory_space<semaphore_mem>>)
    %dma_wait3A_24 = arith.constant 0 : i32
    %dma_wait3A_25 = arith.constant 0 : i32
    %dma_wait3A_26 = tpu.memref_slice %arg2[%dma_wait3A_24, %dma_wait3A_25] : memref<50000x64xf32, #tpu.memory_space<hbm>> -> memref<50000x64xf32, #tpu.memory_space<hbm>>
    tpu.wait_indirect_dma semaphore(%arg9 : memref<!tpu.dma_semaphore, #tpu.memory_space<semaphore_mem>>) src(%dma_wait3A_26 : memref<50000x64xf32, #tpu.memory_space<hbm>>) dst(%arg8 : memref<1000x64xf32, #tpu.memory_space<vmem>>)
    %mul3A_27 = arith.constant 12000 : i32
    %mul3A_28 = arith.muli %add3A, %mul3A_27 : i32
    %add3A_29 = arith.constant 1000 : i32
    %add3A_30 = arith.addi %mul3A_28, %add3A_29 : i32
    %dma_start3A_31 = arith.constant 0 : i32
    %dma_start3A_32 = tpu.memref_slice %arg4[%add3A_30, %dma_start3A_31] : memref<384000x64xf32, #tpu.memory_space<hbm>> -> memref<1000x64xf32, #tpu.memory_space<hbm>>
    %dma_start3A_33 = arith.constant 0 : i32
    %dma_start3A_34 = tpu.memref_slice %arg4[%add3A_30, %dma_start3A_33] : memref<384000x64xf32, #tpu.memory_space<hbm>> -> memref<1000x64xf32, #tpu.memory_space<hbm>>
    tpu.enqueue_dma source(%arg8 : memref<1000x64xf32, #tpu.memory_space<vmem>>) target(%dma_start3A_34 : memref<1000x64xf32, #tpu.memory_space<hbm>>) target_semaphore(%arg11 : memref<!tpu.dma_semaphore, #tpu.memory_space<semaphore_mem>>)
    %scan3A = arith.constant 0 : i32
    %scan3A_35 = arith.constant 1 : i32
    %scan3A_36 = arith.constant 5 : i32
    %scan3A_37 = arith.addi %scan3A_35, %scan3A_36 : i32
    %scan3A_38 = arith.constant 1 : i32
    scf.for %scan3A_56 = %scan3A_35 to %scan3A_37 step %scan3A_38  : i32 {
      %mul3A_57 = arith.constant 2 : i32
      %mul3A_58 = arith.muli %mul3A_57, %scan3A_56 : i32
      %sub3A = arith.constant 2 : i32
      %sub3A_59 = arith.subi %mul3A_58, %sub3A : i32
      %mul3A_60 = arith.constant 12000 : i32
      %mul3A_61 = arith.muli %add3A, %mul3A_60 : i32
      %mul3A_62 = arith.constant 1000 : i32
      %mul3A_63 = arith.muli %sub3A_59, %mul3A_62 : i32
      %add3A_64 = arith.addi %mul3A_61, %mul3A_63 : i32
      %dma_wait3A_65 = arith.constant 0 : i32
      %dma_wait3A_66 = tpu.memref_slice %arg4[%add3A_64, %dma_wait3A_65] : memref<384000x64xf32, #tpu.memory_space<hbm>> -> memref<1000x64xf32, #tpu.memory_space<hbm>>
      %dma_wait3A_67 = arith.constant 0 : i32
      %dma_wait3A_68 = tpu.memref_slice %arg4[%add3A_64, %dma_wait3A_67] : memref<384000x64xf32, #tpu.memory_space<hbm>> -> memref<1000x64xf32, #tpu.memory_space<hbm>>
      tpu.wait_dma2 semaphore(%arg10 : memref<!tpu.dma_semaphore, #tpu.memory_space<semaphore_mem>>) src(%arg7 : memref<1000x64xf32, #tpu.memory_space<vmem>>) dst(%dma_wait3A_68 : memref<1000x64xf32, #tpu.memory_space<hbm>>)
      %mul3A_69 = arith.constant 1000 : i32
      %mul3A_70 = arith.muli %mul3A_58, %mul3A_69 : i32
      %add3A_71 = arith.addi %add3A_4, %mul3A_70 : i32
      "tpu.region"() ({
        %run_scoped3A = tpu.sem_alloc : memref<!tpu.dma_semaphore, #tpu.memory_space<semaphore_mem>>
        %dma_start3A_120 = tpu.memref_slice %arg3[%add3A_71] : memref<800000xi32, #tpu.memory_space<hbm>> -> memref<1000xi32, #tpu.memory_space<hbm>>
        %dma_start3A_121 = tpu.memref_slice %arg3[%add3A_71] : memref<800000xi32, #tpu.memory_space<hbm>> -> memref<1000xi32, #tpu.memory_space<hbm>>
        tpu.enqueue_dma source(%dma_start3A_121 : memref<1000xi32, #tpu.memory_space<hbm>>) target(%arg5 : memref<1000xi32, #tpu.memory_space<vmem>>) target_semaphore(%run_scoped3A : memref<!tpu.dma_semaphore, #tpu.memory_space<semaphore_mem>>)
        %dma_wait3A_122 = tpu.memref_slice %arg3[%add3A_71] : memref<800000xi32, #tpu.memory_space<hbm>> -> memref<1000xi32, #tpu.memory_space<hbm>>
        %dma_wait3A_123 = tpu.memref_slice %arg3[%add3A_71] : memref<800000xi32, #tpu.memory_space<hbm>> -> memref<1000xi32, #tpu.memory_space<hbm>>
        tpu.wait_dma2 semaphore(%run_scoped3A : memref<!tpu.dma_semaphore, #tpu.memory_space<semaphore_mem>>) src(%dma_wait3A_123 : memref<1000xi32, #tpu.memory_space<hbm>>) dst(%arg5 : memref<1000xi32, #tpu.memory_space<vmem>>)
        tpu.yield
      }) : () -> ()
      %dma_start3A_72 = arith.constant 0 : i32
      %dma_start3A_73 = arith.constant 0 : i32
      %dma_start3A_74 = tpu.memref_slice %arg2[%dma_start3A_72, %dma_start3A_73] : memref<50000x64xf32, #tpu.memory_space<hbm>> -> memref<50000x64xf32, #tpu.memory_space<hbm>>
      tpu.enqueue_indirect_dma source(%dma_start3A_74 : memref<50000x64xf32, #tpu.memory_space<hbm>>) target(%arg7 : memref<1000x64xf32, #tpu.memory_space<vmem>>) offsets(%arg5 : memref<1000xi32, #tpu.memory_space<vmem>>) semaphore(%arg9 : memref<!tpu.dma_semaphore, #tpu.memory_space<semaphore_mem>>)
      %dma_wait3A_75 = arith.constant 0 : i32
      %dma_wait3A_76 = arith.constant 0 : i32
      %dma_wait3A_77 = tpu.memref_slice %arg2[%dma_wait3A_75, %dma_wait3A_76] : memref<50000x64xf32, #tpu.memory_space<hbm>> -> memref<50000x64xf32, #tpu.memory_space<hbm>>
      tpu.wait_indirect_dma semaphore(%arg9 : memref<!tpu.dma_semaphore, #tpu.memory_space<semaphore_mem>>) src(%dma_wait3A_77 : memref<50000x64xf32, #tpu.memory_space<hbm>>) dst(%arg7 : memref<1000x64xf32, #tpu.memory_space<vmem>>)
      %mul3A_78 = arith.constant 12000 : i32
      %mul3A_79 = arith.muli %add3A, %mul3A_78 : i32
      %mul3A_80 = arith.constant 1000 : i32
      %mul3A_81 = arith.muli %mul3A_58, %mul3A_80 : i32
      %add3A_82 = arith.addi %mul3A_79, %mul3A_81 : i32
      %dma_start3A_83 = arith.constant 0 : i32
      %dma_start3A_84 = tpu.memref_slice %arg4[%add3A_82, %dma_start3A_83] : memref<384000x64xf32, #tpu.memory_space<hbm>> -> memref<1000x64xf32, #tpu.memory_space<hbm>>
      %dma_start3A_85 = arith.constant 0 : i32
      %dma_start3A_86 = tpu.memref_slice %arg4[%add3A_82, %dma_start3A_85] : memref<384000x64xf32, #tpu.memory_space<hbm>> -> memref<1000x64xf32, #tpu.memory_space<hbm>>
      tpu.enqueue_dma source(%arg7 : memref<1000x64xf32, #tpu.memory_space<vmem>>) target(%dma_start3A_86 : memref<1000x64xf32, #tpu.memory_space<hbm>>) target_semaphore(%arg10 : memref<!tpu.dma_semaphore, #tpu.memory_space<semaphore_mem>>)
      %sub3A_87 = arith.constant 1 : i32
      %sub3A_88 = arith.subi %mul3A_58, %sub3A_87 : i32
      %mul3A_89 = arith.constant 12000 : i32
      %mul3A_90 = arith.muli %add3A, %mul3A_89 : i32
      %mul3A_91 = arith.constant 1000 : i32
      %mul3A_92 = arith.muli %sub3A_88, %mul3A_91 : i32
      %add3A_93 = arith.addi %mul3A_90, %mul3A_92 : i32
      %dma_wait3A_94 = arith.constant 0 : i32
      %dma_wait3A_95 = tpu.memref_slice %arg4[%add3A_93, %dma_wait3A_94] : memref<384000x64xf32, #tpu.memory_space<hbm>> -> memref<1000x64xf32, #tpu.memory_space<hbm>>
      %dma_wait3A_96 = arith.constant 0 : i32
      %dma_wait3A_97 = tpu.memref_slice %arg4[%add3A_93, %dma_wait3A_96] : memref<384000x64xf32, #tpu.memory_space<hbm>> -> memref<1000x64xf32, #tpu.memory_space<hbm>>
      tpu.wait_dma2 semaphore(%arg11 : memref<!tpu.dma_semaphore, #tpu.memory_space<semaphore_mem>>) src(%arg8 : memref<1000x64xf32, #tpu.memory_space<vmem>>) dst(%dma_wait3A_97 : memref<1000x64xf32, #tpu.memory_space<hbm>>)
      %add3A_98 = arith.constant 1 : i32
      %add3A_99 = arith.addi %mul3A_58, %add3A_98 : i32
      %mul3A_100 = arith.constant 1000 : i32
      %mul3A_101 = arith.muli %add3A_99, %mul3A_100 : i32
      %add3A_102 = arith.addi %add3A_4, %mul3A_101 : i32
      "tpu.region"() ({
        %run_scoped3A = tpu.sem_alloc : memref<!tpu.dma_semaphore, #tpu.memory_space<semaphore_mem>>
        %dma_start3A_120 = tpu.memref_slice %arg3[%add3A_102] : memref<800000xi32, #tpu.memory_space<hbm>> -> memref<1000xi32, #tpu.memory_space<hbm>>
        %dma_start3A_121 = tpu.memref_slice %arg3[%add3A_102] : memref<800000xi32, #tpu.memory_space<hbm>> -> memref<1000xi32, #tpu.memory_space<hbm>>
        tpu.enqueue_dma source(%dma_start3A_121 : memref<1000xi32, #tpu.memory_space<hbm>>) target(%arg6 : memref<1000xi32, #tpu.memory_space<vmem>>) target_semaphore(%run_scoped3A : memref<!tpu.dma_semaphore, #tpu.memory_space<semaphore_mem>>)
        %dma_wait3A_122 = tpu.memref_slice %arg3[%add3A_102] : memref<800000xi32, #tpu.memory_space<hbm>> -> memref<1000xi32, #tpu.memory_space<hbm>>
        %dma_wait3A_123 = tpu.memref_slice %arg3[%add3A_102] : memref<800000xi32, #tpu.memory_space<hbm>> -> memref<1000xi32, #tpu.memory_space<hbm>>
        tpu.wait_dma2 semaphore(%run_scoped3A : memref<!tpu.dma_semaphore, #tpu.memory_space<semaphore_mem>>) src(%dma_wait3A_123 : memref<1000xi32, #tpu.memory_space<hbm>>) dst(%arg6 : memref<1000xi32, #tpu.memory_space<vmem>>)
        tpu.yield
      }) : () -> ()
      %dma_start3A_103 = arith.constant 0 : i32
      %dma_start3A_104 = arith.constant 0 : i32
      %dma_start3A_105 = tpu.memref_slice %arg2[%dma_start3A_103, %dma_start3A_104] : memref<50000x64xf32, #tpu.memory_space<hbm>> -> memref<50000x64xf32, #tpu.memory_space<hbm>>
      tpu.enqueue_indirect_dma source(%dma_start3A_105 : memref<50000x64xf32, #tpu.memory_space<hbm>>) target(%arg8 : memref<1000x64xf32, #tpu.memory_space<vmem>>) offsets(%arg6 : memref<1000xi32, #tpu.memory_space<vmem>>) semaphore(%arg9 : memref<!tpu.dma_semaphore, #tpu.memory_space<semaphore_mem>>)
      %dma_wait3A_106 = arith.constant 0 : i32
      %dma_wait3A_107 = arith.constant 0 : i32
      %dma_wait3A_108 = tpu.memref_slice %arg2[%dma_wait3A_106, %dma_wait3A_107] : memref<50000x64xf32, #tpu.memory_space<hbm>> -> memref<50000x64xf32, #tpu.memory_space<hbm>>
      tpu.wait_indirect_dma semaphore(%arg9 : memref<!tpu.dma_semaphore, #tpu.memory_space<semaphore_mem>>) src(%dma_wait3A_108 : memref<50000x64xf32, #tpu.memory_space<hbm>>) dst(%arg8 : memref<1000x64xf32, #tpu.memory_space<vmem>>)
      %add3A_109 = arith.constant 1 : i32
      %add3A_110 = arith.addi %mul3A_58, %add3A_109 : i32
      %mul3A_111 = arith.constant 12000 : i32
      %mul3A_112 = arith.muli %add3A, %mul3A_111 : i32
      %mul3A_113 = arith.constant 1000 : i32
      %mul3A_114 = arith.muli %add3A_110, %mul3A_113 : i32
      %add3A_115 = arith.addi %mul3A_112, %mul3A_114 : i32
      %dma_start3A_116 = arith.constant 0 : i32
      %dma_start3A_117 = tpu.memref_slice %arg4[%add3A_115, %dma_start3A_116] : memref<384000x64xf32, #tpu.memory_space<hbm>> -> memref<1000x64xf32, #tpu.memory_space<hbm>>
      %dma_start3A_118 = arith.constant 0 : i32
      %dma_start3A_119 = tpu.memref_slice %arg4[%add3A_115, %dma_start3A_118] : memref<384000x64xf32, #tpu.memory_space<hbm>> -> memref<1000x64xf32, #tpu.memory_space<hbm>>
      tpu.enqueue_dma source(%arg8 : memref<1000x64xf32, #tpu.memory_space<vmem>>) target(%dma_start3A_119 : memref<1000x64xf32, #tpu.memory_space<hbm>>) target_semaphore(%arg11 : memref<!tpu.dma_semaphore, #tpu.memory_space<semaphore_mem>>)
    }
    %scan3A_39 = arith.constant 5 : i32
    %mul3A_40 = arith.constant 12000 : i32
    %mul3A_41 = arith.muli %add3A, %mul3A_40 : i32
    %add3A_42 = arith.constant 10000 : i32
    %add3A_43 = arith.addi %mul3A_41, %add3A_42 : i32
    %dma_wait3A_44 = arith.constant 0 : i32
    %dma_wait3A_45 = tpu.memref_slice %arg4[%add3A_43, %dma_wait3A_44] : memref<384000x64xf32, #tpu.memory_space<hbm>> -> memref<1000x64xf32, #tpu.memory_space<hbm>>
    %dma_wait3A_46 = arith.constant 0 : i32
    %dma_wait3A_47 = tpu.memref_slice %arg4[%add3A_43, %dma_wait3A_46] : memref<384000x64xf32, #tpu.memory_space<hbm>> -> memref<1000x64xf32, #tpu.memory_space<hbm>>
    tpu.wait_dma2 semaphore(%arg10 : memref<!tpu.dma_semaphore, #tpu.memory_space<semaphore_mem>>) src(%arg7 : memref<1000x64xf32, #tpu.memory_space<vmem>>) dst(%dma_wait3A_47 : memref<1000x64xf32, #tpu.memory_space<hbm>>)
    %mul3A_48 = arith.constant 12000 : i32
    %mul3A_49 = arith.muli %add3A, %mul3A_48 : i32
    %add3A_50 = arith.constant 11000 : i32
    %add3A_51 = arith.addi %mul3A_49, %add3A_50 : i32
    %dma_wait3A_52 = arith.constant 0 : i32
    %dma_wait3A_53 = tpu.memref_slice %arg4[%add3A_51, %dma_wait3A_52] : memref<384000x64xf32, #tpu.memory_space<hbm>> -> memref<1000x64xf32, #tpu.memory_space<hbm>>
    %dma_wait3A_54 = arith.constant 0 : i32
    %dma_wait3A_55 = tpu.memref_slice %arg4[%add3A_51, %dma_wait3A_54] : memref<384000x64xf32, #tpu.memory_space<hbm>> -> memref<1000x64xf32, #tpu.memory_space<hbm>>
    tpu.wait_dma2 semaphore(%arg11 : memref<!tpu.dma_semaphore, #tpu.memory_space<semaphore_mem>>) src(%arg8 : memref<1000x64xf32, #tpu.memory_space<vmem>>) dst(%dma_wait3A_55 : memref<1000x64xf32, #tpu.memory_space<hbm>>)
    return
  }
}

#map = affine_map<(d0, d1) -> (0, 0)>
#map1 = affine_map<(d0, d1) -> (0)>
module attributes {stable_mosaic.version = 14 : i64} {
  func.func @_sc_gather_body(%arg0: i32, %arg1: i32, %arg2: memref<50000x64xf32, #tpu.memory_space<hbm>>, %arg3: memref<800000xi32, #tpu.memory_space<hbm>>, %arg4: memref<416000x64xf32, #tpu.memory_space<hbm>>, %arg5: memref<1000xi32, #tpu.memory_space<vmem>>, %arg6: memref<1000xi32, #tpu.memory_space<vmem>>, %arg7: memref<1000x64xf32, #tpu.memory_space<vmem>>, %arg8: memref<1000x64xf32, #tpu.memory_space<vmem>>, %arg9: memref<!tpu.dma_semaphore, #tpu.memory_space<semaphore_mem>>, %arg10: memref<!tpu.dma_semaphore, #tpu.memory_space<semaphore_mem>>, %arg11: memref<!tpu.dma_semaphore, #tpu.memory_space<semaphore_mem>>) attributes {dimension_semantics = [#tpu.dimension_semantics<core_parallel>, #tpu.dimension_semantics<subcore_parallel>], iteration_bounds = array<i64: 2, 16>, scalar_prefetch = 0 : i64, scratch_operands = 7 : i64, tpu.core_type = #tpu.core_type<sc_vector_subcore>, window_params = [{transform_indices = #map}, {transform_indices = #map1}, {transform_indices = #map}]} {
    %mul3A = arith.constant 2 : i32
    %mul3A_0 = arith.muli %arg1, %mul3A : i32
    %add3A = arith.addi %mul3A_0, %arg0 : i32
    %mul3A_1 = arith.constant 13000 : i32
    %mul3A_2 = arith.muli %add3A, %mul3A_1 : i32
    %add3A_3 = arith.constant 0 : i32
    %add3A_4 = arith.addi %add3A_3, %mul3A_2 : i32
    %add3A_5 = arith.constant 0 : i32
    %add3A_6 = arith.addi %add3A_4, %add3A_5 : i32
    "tpu.region"() ({
      %run_scoped3A = tpu.sem_alloc : memref<!tpu.dma_semaphore, #tpu.memory_space<semaphore_mem>>
      %dma_start3A_80 = tpu.memref_slice %arg3[%add3A_6] : memref<800000xi32, #tpu.memory_space<hbm>> -> memref<1000xi32, #tpu.memory_space<hbm>>
      %dma_start3A_81 = tpu.memref_slice %arg3[%add3A_6] : memref<800000xi32, #tpu.memory_space<hbm>> -> memref<1000xi32, #tpu.memory_space<hbm>>
      tpu.enqueue_dma source(%dma_start3A_81 : memref<1000xi32, #tpu.memory_space<hbm>>) target(%arg5 : memref<1000xi32, #tpu.memory_space<vmem>>) target_semaphore(%run_scoped3A : memref<!tpu.dma_semaphore, #tpu.memory_space<semaphore_mem>>)
      %dma_wait3A_82 = tpu.memref_slice %arg3[%add3A_6] : memref<800000xi32, #tpu.memory_space<hbm>> -> memref<1000xi32, #tpu.memory_space<hbm>>
      %dma_wait3A_83 = tpu.memref_slice %arg3[%add3A_6] : memref<800000xi32, #tpu.memory_space<hbm>> -> memref<1000xi32, #tpu.memory_space<hbm>>
      tpu.wait_dma2 semaphore(%run_scoped3A : memref<!tpu.dma_semaphore, #tpu.memory_space<semaphore_mem>>) src(%dma_wait3A_83 : memref<1000xi32, #tpu.memory_space<hbm>>) dst(%arg5 : memref<1000xi32, #tpu.memory_space<vmem>>)
      tpu.yield
    }) : () -> ()
    %dma_start3A = arith.constant 0 : i32
    %dma_start3A_7 = arith.constant 0 : i32
    %dma_start3A_8 = tpu.memref_slice %arg2[%dma_start3A, %dma_start3A_7] : memref<50000x64xf32, #tpu.memory_space<hbm>> -> memref<50000x64xf32, #tpu.memory_space<hbm>>
    tpu.enqueue_indirect_dma source(%dma_start3A_8 : memref<50000x64xf32, #tpu.memory_space<hbm>>) target(%arg7 : memref<1000x64xf32, #tpu.memory_space<vmem>>) offsets(%arg5 : memref<1000xi32, #tpu.memory_space<vmem>>) semaphore(%arg9 : memref<!tpu.dma_semaphore, #tpu.memory_space<semaphore_mem>>)
    %dma_wait3A = arith.constant 0 : i32
    %dma_wait3A_9 = arith.constant 0 : i32
    %dma_wait3A_10 = tpu.memref_slice %arg2[%dma_wait3A, %dma_wait3A_9] : memref<50000x64xf32, #tpu.memory_space<hbm>> -> memref<50000x64xf32, #tpu.memory_space<hbm>>
    tpu.wait_indirect_dma semaphore(%arg9 : memref<!tpu.dma_semaphore, #tpu.memory_space<semaphore_mem>>) src(%dma_wait3A_10 : memref<50000x64xf32, #tpu.memory_space<hbm>>) dst(%arg7 : memref<1000x64xf32, #tpu.memory_space<vmem>>)
    %mul3A_11 = arith.constant 13000 : i32
    %mul3A_12 = arith.muli %add3A, %mul3A_11 : i32
    %add3A_13 = arith.constant 0 : i32
    %add3A_14 = arith.addi %mul3A_12, %add3A_13 : i32
    %dma_start3A_15 = arith.constant 0 : i32
    %dma_start3A_16 = tpu.memref_slice %arg4[%add3A_14, %dma_start3A_15] : memref<416000x64xf32, #tpu.memory_space<hbm>> -> memref<1000x64xf32, #tpu.memory_space<hbm>>
    %dma_start3A_17 = arith.constant 0 : i32
    %dma_start3A_18 = tpu.memref_slice %arg4[%add3A_14, %dma_start3A_17] : memref<416000x64xf32, #tpu.memory_space<hbm>> -> memref<1000x64xf32, #tpu.memory_space<hbm>>
    tpu.enqueue_dma source(%arg7 : memref<1000x64xf32, #tpu.memory_space<vmem>>) target(%dma_start3A_18 : memref<1000x64xf32, #tpu.memory_space<hbm>>) target_semaphore(%arg10 : memref<!tpu.dma_semaphore, #tpu.memory_space<semaphore_mem>>)
    %add3A_19 = arith.constant 1000 : i32
    %add3A_20 = arith.addi %add3A_4, %add3A_19 : i32
    "tpu.region"() ({
      %run_scoped3A = tpu.sem_alloc : memref<!tpu.dma_semaphore, #tpu.memory_space<semaphore_mem>>
      %dma_start3A_80 = tpu.memref_slice %arg3[%add3A_20] : memref<800000xi32, #tpu.memory_space<hbm>> -> memref<1000xi32, #tpu.memory_space<hbm>>
      %dma_start3A_81 = tpu.memref_slice %arg3[%add3A_20] : memref<800000xi32, #tpu.memory_space<hbm>> -> memref<1000xi32, #tpu.memory_space<hbm>>
      tpu.enqueue_dma source(%dma_start3A_81 : memref<1000xi32, #tpu.memory_space<hbm>>) target(%arg6 : memref<1000xi32, #tpu.memory_space<vmem>>) target_semaphore(%run_scoped3A : memref<!tpu.dma_semaphore, #tpu.memory_space<semaphore_mem>>)
      %dma_wait3A_82 = tpu.memref_slice %arg3[%add3A_20] : memref<800000xi32, #tpu.memory_space<hbm>> -> memref<1000xi32, #tpu.memory_space<hbm>>
      %dma_wait3A_83 = tpu.memref_slice %arg3[%add3A_20] : memref<800000xi32, #tpu.memory_space<hbm>> -> memref<1000xi32, #tpu.memory_space<hbm>>
      tpu.wait_dma2 semaphore(%run_scoped3A : memref<!tpu.dma_semaphore, #tpu.memory_space<semaphore_mem>>) src(%dma_wait3A_83 : memref<1000xi32, #tpu.memory_space<hbm>>) dst(%arg6 : memref<1000xi32, #tpu.memory_space<vmem>>)
      tpu.yield
    }) : () -> ()
    %dma_start3A_21 = arith.constant 0 : i32
    %dma_start3A_22 = arith.constant 0 : i32
    %dma_start3A_23 = tpu.memref_slice %arg2[%dma_start3A_21, %dma_start3A_22] : memref<50000x64xf32, #tpu.memory_space<hbm>> -> memref<50000x64xf32, #tpu.memory_space<hbm>>
    tpu.enqueue_indirect_dma source(%dma_start3A_23 : memref<50000x64xf32, #tpu.memory_space<hbm>>) target(%arg8 : memref<1000x64xf32, #tpu.memory_space<vmem>>) offsets(%arg6 : memref<1000xi32, #tpu.memory_space<vmem>>) semaphore(%arg9 : memref<!tpu.dma_semaphore, #tpu.memory_space<semaphore_mem>>)
    %dma_wait3A_24 = arith.constant 0 : i32
    %dma_wait3A_25 = arith.constant 0 : i32
    %dma_wait3A_26 = tpu.memref_slice %arg2[%dma_wait3A_24, %dma_wait3A_25] : memref<50000x64xf32, #tpu.memory_space<hbm>> -> memref<50000x64xf32, #tpu.memory_space<hbm>>
    tpu.wait_indirect_dma semaphore(%arg9 : memref<!tpu.dma_semaphore, #tpu.memory_space<semaphore_mem>>) src(%dma_wait3A_26 : memref<50000x64xf32, #tpu.memory_space<hbm>>) dst(%arg8 : memref<1000x64xf32, #tpu.memory_space<vmem>>)
    %mul3A_27 = arith.constant 13000 : i32
    %mul3A_28 = arith.muli %add3A, %mul3A_27 : i32
    %add3A_29 = arith.constant 1000 : i32
    %add3A_30 = arith.addi %mul3A_28, %add3A_29 : i32
    %dma_start3A_31 = arith.constant 0 : i32
    %dma_start3A_32 = tpu.memref_slice %arg4[%add3A_30, %dma_start3A_31] : memref<416000x64xf32, #tpu.memory_space<hbm>> -> memref<1000x64xf32, #tpu.memory_space<hbm>>
    %dma_start3A_33 = arith.constant 0 : i32
    %dma_start3A_34 = tpu.memref_slice %arg4[%add3A_30, %dma_start3A_33] : memref<416000x64xf32, #tpu.memory_space<hbm>> -> memref<1000x64xf32, #tpu.memory_space<hbm>>
    tpu.enqueue_dma source(%arg8 : memref<1000x64xf32, #tpu.memory_space<vmem>>) target(%dma_start3A_34 : memref<1000x64xf32, #tpu.memory_space<hbm>>) target_semaphore(%arg11 : memref<!tpu.dma_semaphore, #tpu.memory_space<semaphore_mem>>)
    %scan3A = arith.constant 0 : i32
    %scan3A_35 = arith.constant 1 : i32
    %scan3A_36 = arith.constant 5 : i32
    %scan3A_37 = arith.addi %scan3A_35, %scan3A_36 : i32
    %scan3A_38 = arith.constant 1 : i32
    scf.for %scan3A_80 = %scan3A_35 to %scan3A_37 step %scan3A_38  : i32 {
      %mul3A_81 = arith.constant 2 : i32
      %mul3A_82 = arith.muli %mul3A_81, %scan3A_80 : i32
      %sub3A = arith.constant 2 : i32
      %sub3A_83 = arith.subi %mul3A_82, %sub3A : i32
      %mul3A_84 = arith.constant 13000 : i32
      %mul3A_85 = arith.muli %add3A, %mul3A_84 : i32
      %mul3A_86 = arith.constant 1000 : i32
      %mul3A_87 = arith.muli %sub3A_83, %mul3A_86 : i32
      %add3A_88 = arith.addi %mul3A_85, %mul3A_87 : i32
      %dma_wait3A_89 = arith.constant 0 : i32
      %dma_wait3A_90 = tpu.memref_slice %arg4[%add3A_88, %dma_wait3A_89] : memref<416000x64xf32, #tpu.memory_space<hbm>> -> memref<1000x64xf32, #tpu.memory_space<hbm>>
      %dma_wait3A_91 = arith.constant 0 : i32
      %dma_wait3A_92 = tpu.memref_slice %arg4[%add3A_88, %dma_wait3A_91] : memref<416000x64xf32, #tpu.memory_space<hbm>> -> memref<1000x64xf32, #tpu.memory_space<hbm>>
      tpu.wait_dma2 semaphore(%arg10 : memref<!tpu.dma_semaphore, #tpu.memory_space<semaphore_mem>>) src(%arg7 : memref<1000x64xf32, #tpu.memory_space<vmem>>) dst(%dma_wait3A_92 : memref<1000x64xf32, #tpu.memory_space<hbm>>)
      %mul3A_93 = arith.constant 1000 : i32
      %mul3A_94 = arith.muli %mul3A_82, %mul3A_93 : i32
      %add3A_95 = arith.addi %add3A_4, %mul3A_94 : i32
      "tpu.region"() ({
        %run_scoped3A = tpu.sem_alloc : memref<!tpu.dma_semaphore, #tpu.memory_space<semaphore_mem>>
        %dma_start3A_144 = tpu.memref_slice %arg3[%add3A_95] : memref<800000xi32, #tpu.memory_space<hbm>> -> memref<1000xi32, #tpu.memory_space<hbm>>
        %dma_start3A_145 = tpu.memref_slice %arg3[%add3A_95] : memref<800000xi32, #tpu.memory_space<hbm>> -> memref<1000xi32, #tpu.memory_space<hbm>>
        tpu.enqueue_dma source(%dma_start3A_145 : memref<1000xi32, #tpu.memory_space<hbm>>) target(%arg5 : memref<1000xi32, #tpu.memory_space<vmem>>) target_semaphore(%run_scoped3A : memref<!tpu.dma_semaphore, #tpu.memory_space<semaphore_mem>>)
        %dma_wait3A_146 = tpu.memref_slice %arg3[%add3A_95] : memref<800000xi32, #tpu.memory_space<hbm>> -> memref<1000xi32, #tpu.memory_space<hbm>>
        %dma_wait3A_147 = tpu.memref_slice %arg3[%add3A_95] : memref<800000xi32, #tpu.memory_space<hbm>> -> memref<1000xi32, #tpu.memory_space<hbm>>
        tpu.wait_dma2 semaphore(%run_scoped3A : memref<!tpu.dma_semaphore, #tpu.memory_space<semaphore_mem>>) src(%dma_wait3A_147 : memref<1000xi32, #tpu.memory_space<hbm>>) dst(%arg5 : memref<1000xi32, #tpu.memory_space<vmem>>)
        tpu.yield
      }) : () -> ()
      %dma_start3A_96 = arith.constant 0 : i32
      %dma_start3A_97 = arith.constant 0 : i32
      %dma_start3A_98 = tpu.memref_slice %arg2[%dma_start3A_96, %dma_start3A_97] : memref<50000x64xf32, #tpu.memory_space<hbm>> -> memref<50000x64xf32, #tpu.memory_space<hbm>>
      tpu.enqueue_indirect_dma source(%dma_start3A_98 : memref<50000x64xf32, #tpu.memory_space<hbm>>) target(%arg7 : memref<1000x64xf32, #tpu.memory_space<vmem>>) offsets(%arg5 : memref<1000xi32, #tpu.memory_space<vmem>>) semaphore(%arg9 : memref<!tpu.dma_semaphore, #tpu.memory_space<semaphore_mem>>)
      %dma_wait3A_99 = arith.constant 0 : i32
      %dma_wait3A_100 = arith.constant 0 : i32
      %dma_wait3A_101 = tpu.memref_slice %arg2[%dma_wait3A_99, %dma_wait3A_100] : memref<50000x64xf32, #tpu.memory_space<hbm>> -> memref<50000x64xf32, #tpu.memory_space<hbm>>
      tpu.wait_indirect_dma semaphore(%arg9 : memref<!tpu.dma_semaphore, #tpu.memory_space<semaphore_mem>>) src(%dma_wait3A_101 : memref<50000x64xf32, #tpu.memory_space<hbm>>) dst(%arg7 : memref<1000x64xf32, #tpu.memory_space<vmem>>)
      %mul3A_102 = arith.constant 13000 : i32
      %mul3A_103 = arith.muli %add3A, %mul3A_102 : i32
      %mul3A_104 = arith.constant 1000 : i32
      %mul3A_105 = arith.muli %mul3A_82, %mul3A_104 : i32
      %add3A_106 = arith.addi %mul3A_103, %mul3A_105 : i32
      %dma_start3A_107 = arith.constant 0 : i32
      %dma_start3A_108 = tpu.memref_slice %arg4[%add3A_106, %dma_start3A_107] : memref<416000x64xf32, #tpu.memory_space<hbm>> -> memref<1000x64xf32, #tpu.memory_space<hbm>>
      %dma_start3A_109 = arith.constant 0 : i32
      %dma_start3A_110 = tpu.memref_slice %arg4[%add3A_106, %dma_start3A_109] : memref<416000x64xf32, #tpu.memory_space<hbm>> -> memref<1000x64xf32, #tpu.memory_space<hbm>>
      tpu.enqueue_dma source(%arg7 : memref<1000x64xf32, #tpu.memory_space<vmem>>) target(%dma_start3A_110 : memref<1000x64xf32, #tpu.memory_space<hbm>>) target_semaphore(%arg10 : memref<!tpu.dma_semaphore, #tpu.memory_space<semaphore_mem>>)
      %sub3A_111 = arith.constant 1 : i32
      %sub3A_112 = arith.subi %mul3A_82, %sub3A_111 : i32
      %mul3A_113 = arith.constant 13000 : i32
      %mul3A_114 = arith.muli %add3A, %mul3A_113 : i32
      %mul3A_115 = arith.constant 1000 : i32
      %mul3A_116 = arith.muli %sub3A_112, %mul3A_115 : i32
      %add3A_117 = arith.addi %mul3A_114, %mul3A_116 : i32
      %dma_wait3A_118 = arith.constant 0 : i32
      %dma_wait3A_119 = tpu.memref_slice %arg4[%add3A_117, %dma_wait3A_118] : memref<416000x64xf32, #tpu.memory_space<hbm>> -> memref<1000x64xf32, #tpu.memory_space<hbm>>
      %dma_wait3A_120 = arith.constant 0 : i32
      %dma_wait3A_121 = tpu.memref_slice %arg4[%add3A_117, %dma_wait3A_120] : memref<416000x64xf32, #tpu.memory_space<hbm>> -> memref<1000x64xf32, #tpu.memory_space<hbm>>
      tpu.wait_dma2 semaphore(%arg11 : memref<!tpu.dma_semaphore, #tpu.memory_space<semaphore_mem>>) src(%arg8 : memref<1000x64xf32, #tpu.memory_space<vmem>>) dst(%dma_wait3A_121 : memref<1000x64xf32, #tpu.memory_space<hbm>>)
      %add3A_122 = arith.constant 1 : i32
      %add3A_123 = arith.addi %mul3A_82, %add3A_122 : i32
      %mul3A_124 = arith.constant 1000 : i32
      %mul3A_125 = arith.muli %add3A_123, %mul3A_124 : i32
      %add3A_126 = arith.addi %add3A_4, %mul3A_125 : i32
      "tpu.region"() ({
        %run_scoped3A = tpu.sem_alloc : memref<!tpu.dma_semaphore, #tpu.memory_space<semaphore_mem>>
        %dma_start3A_144 = tpu.memref_slice %arg3[%add3A_126] : memref<800000xi32, #tpu.memory_space<hbm>> -> memref<1000xi32, #tpu.memory_space<hbm>>
        %dma_start3A_145 = tpu.memref_slice %arg3[%add3A_126] : memref<800000xi32, #tpu.memory_space<hbm>> -> memref<1000xi32, #tpu.memory_space<hbm>>
        tpu.enqueue_dma source(%dma_start3A_145 : memref<1000xi32, #tpu.memory_space<hbm>>) target(%arg6 : memref<1000xi32, #tpu.memory_space<vmem>>) target_semaphore(%run_scoped3A : memref<!tpu.dma_semaphore, #tpu.memory_space<semaphore_mem>>)
        %dma_wait3A_146 = tpu.memref_slice %arg3[%add3A_126] : memref<800000xi32, #tpu.memory_space<hbm>> -> memref<1000xi32, #tpu.memory_space<hbm>>
        %dma_wait3A_147 = tpu.memref_slice %arg3[%add3A_126] : memref<800000xi32, #tpu.memory_space<hbm>> -> memref<1000xi32, #tpu.memory_space<hbm>>
        tpu.wait_dma2 semaphore(%run_scoped3A : memref<!tpu.dma_semaphore, #tpu.memory_space<semaphore_mem>>) src(%dma_wait3A_147 : memref<1000xi32, #tpu.memory_space<hbm>>) dst(%arg6 : memref<1000xi32, #tpu.memory_space<vmem>>)
        tpu.yield
      }) : () -> ()
      %dma_start3A_127 = arith.constant 0 : i32
      %dma_start3A_128 = arith.constant 0 : i32
      %dma_start3A_129 = tpu.memref_slice %arg2[%dma_start3A_127, %dma_start3A_128] : memref<50000x64xf32, #tpu.memory_space<hbm>> -> memref<50000x64xf32, #tpu.memory_space<hbm>>
      tpu.enqueue_indirect_dma source(%dma_start3A_129 : memref<50000x64xf32, #tpu.memory_space<hbm>>) target(%arg8 : memref<1000x64xf32, #tpu.memory_space<vmem>>) offsets(%arg6 : memref<1000xi32, #tpu.memory_space<vmem>>) semaphore(%arg9 : memref<!tpu.dma_semaphore, #tpu.memory_space<semaphore_mem>>)
      %dma_wait3A_130 = arith.constant 0 : i32
      %dma_wait3A_131 = arith.constant 0 : i32
      %dma_wait3A_132 = tpu.memref_slice %arg2[%dma_wait3A_130, %dma_wait3A_131] : memref<50000x64xf32, #tpu.memory_space<hbm>> -> memref<50000x64xf32, #tpu.memory_space<hbm>>
      tpu.wait_indirect_dma semaphore(%arg9 : memref<!tpu.dma_semaphore, #tpu.memory_space<semaphore_mem>>) src(%dma_wait3A_132 : memref<50000x64xf32, #tpu.memory_space<hbm>>) dst(%arg8 : memref<1000x64xf32, #tpu.memory_space<vmem>>)
      %add3A_133 = arith.constant 1 : i32
      %add3A_134 = arith.addi %mul3A_82, %add3A_133 : i32
      %mul3A_135 = arith.constant 13000 : i32
      %mul3A_136 = arith.muli %add3A, %mul3A_135 : i32
      %mul3A_137 = arith.constant 1000 : i32
      %mul3A_138 = arith.muli %add3A_134, %mul3A_137 : i32
      %add3A_139 = arith.addi %mul3A_136, %mul3A_138 : i32
      %dma_start3A_140 = arith.constant 0 : i32
      %dma_start3A_141 = tpu.memref_slice %arg4[%add3A_139, %dma_start3A_140] : memref<416000x64xf32, #tpu.memory_space<hbm>> -> memref<1000x64xf32, #tpu.memory_space<hbm>>
      %dma_start3A_142 = arith.constant 0 : i32
      %dma_start3A_143 = tpu.memref_slice %arg4[%add3A_139, %dma_start3A_142] : memref<416000x64xf32, #tpu.memory_space<hbm>> -> memref<1000x64xf32, #tpu.memory_space<hbm>>
      tpu.enqueue_dma source(%arg8 : memref<1000x64xf32, #tpu.memory_space<vmem>>) target(%dma_start3A_143 : memref<1000x64xf32, #tpu.memory_space<hbm>>) target_semaphore(%arg11 : memref<!tpu.dma_semaphore, #tpu.memory_space<semaphore_mem>>)
    }
    %scan3A_39 = arith.constant 5 : i32
    %mul3A_40 = arith.constant 13000 : i32
    %mul3A_41 = arith.muli %add3A, %mul3A_40 : i32
    %add3A_42 = arith.constant 10000 : i32
    %add3A_43 = arith.addi %mul3A_41, %add3A_42 : i32
    %dma_wait3A_44 = arith.constant 0 : i32
    %dma_wait3A_45 = tpu.memref_slice %arg4[%add3A_43, %dma_wait3A_44] : memref<416000x64xf32, #tpu.memory_space<hbm>> -> memref<1000x64xf32, #tpu.memory_space<hbm>>
    %dma_wait3A_46 = arith.constant 0 : i32
    %dma_wait3A_47 = tpu.memref_slice %arg4[%add3A_43, %dma_wait3A_46] : memref<416000x64xf32, #tpu.memory_space<hbm>> -> memref<1000x64xf32, #tpu.memory_space<hbm>>
    tpu.wait_dma2 semaphore(%arg10 : memref<!tpu.dma_semaphore, #tpu.memory_space<semaphore_mem>>) src(%arg7 : memref<1000x64xf32, #tpu.memory_space<vmem>>) dst(%dma_wait3A_47 : memref<1000x64xf32, #tpu.memory_space<hbm>>)
    %add3A_48 = arith.constant 12000 : i32
    %add3A_49 = arith.addi %add3A_4, %add3A_48 : i32
    "tpu.region"() ({
      %run_scoped3A = tpu.sem_alloc : memref<!tpu.dma_semaphore, #tpu.memory_space<semaphore_mem>>
      %dma_start3A_80 = tpu.memref_slice %arg3[%add3A_49] : memref<800000xi32, #tpu.memory_space<hbm>> -> memref<1000xi32, #tpu.memory_space<hbm>>
      %dma_start3A_81 = tpu.memref_slice %arg3[%add3A_49] : memref<800000xi32, #tpu.memory_space<hbm>> -> memref<1000xi32, #tpu.memory_space<hbm>>
      tpu.enqueue_dma source(%dma_start3A_81 : memref<1000xi32, #tpu.memory_space<hbm>>) target(%arg5 : memref<1000xi32, #tpu.memory_space<vmem>>) target_semaphore(%run_scoped3A : memref<!tpu.dma_semaphore, #tpu.memory_space<semaphore_mem>>)
      %dma_wait3A_82 = tpu.memref_slice %arg3[%add3A_49] : memref<800000xi32, #tpu.memory_space<hbm>> -> memref<1000xi32, #tpu.memory_space<hbm>>
      %dma_wait3A_83 = tpu.memref_slice %arg3[%add3A_49] : memref<800000xi32, #tpu.memory_space<hbm>> -> memref<1000xi32, #tpu.memory_space<hbm>>
      tpu.wait_dma2 semaphore(%run_scoped3A : memref<!tpu.dma_semaphore, #tpu.memory_space<semaphore_mem>>) src(%dma_wait3A_83 : memref<1000xi32, #tpu.memory_space<hbm>>) dst(%arg5 : memref<1000xi32, #tpu.memory_space<vmem>>)
      tpu.yield
    }) : () -> ()
    %dma_start3A_50 = arith.constant 0 : i32
    %dma_start3A_51 = arith.constant 0 : i32
    %dma_start3A_52 = tpu.memref_slice %arg2[%dma_start3A_50, %dma_start3A_51] : memref<50000x64xf32, #tpu.memory_space<hbm>> -> memref<50000x64xf32, #tpu.memory_space<hbm>>
    tpu.enqueue_indirect_dma source(%dma_start3A_52 : memref<50000x64xf32, #tpu.memory_space<hbm>>) target(%arg7 : memref<1000x64xf32, #tpu.memory_space<vmem>>) offsets(%arg5 : memref<1000xi32, #tpu.memory_space<vmem>>) semaphore(%arg9 : memref<!tpu.dma_semaphore, #tpu.memory_space<semaphore_mem>>)
    %dma_wait3A_53 = arith.constant 0 : i32
    %dma_wait3A_54 = arith.constant 0 : i32
    %dma_wait3A_55 = tpu.memref_slice %arg2[%dma_wait3A_53, %dma_wait3A_54] : memref<50000x64xf32, #tpu.memory_space<hbm>> -> memref<50000x64xf32, #tpu.memory_space<hbm>>
    tpu.wait_indirect_dma semaphore(%arg9 : memref<!tpu.dma_semaphore, #tpu.memory_space<semaphore_mem>>) src(%dma_wait3A_55 : memref<50000x64xf32, #tpu.memory_space<hbm>>) dst(%arg7 : memref<1000x64xf32, #tpu.memory_space<vmem>>)
    %mul3A_56 = arith.constant 13000 : i32
    %mul3A_57 = arith.muli %add3A, %mul3A_56 : i32
    %add3A_58 = arith.constant 12000 : i32
    %add3A_59 = arith.addi %mul3A_57, %add3A_58 : i32
    %dma_start3A_60 = arith.constant 0 : i32
    %dma_start3A_61 = tpu.memref_slice %arg4[%add3A_59, %dma_start3A_60] : memref<416000x64xf32, #tpu.memory_space<hbm>> -> memref<1000x64xf32, #tpu.memory_space<hbm>>
    %dma_start3A_62 = arith.constant 0 : i32
    %dma_start3A_63 = tpu.memref_slice %arg4[%add3A_59, %dma_start3A_62] : memref<416000x64xf32, #tpu.memory_space<hbm>> -> memref<1000x64xf32, #tpu.memory_space<hbm>>
    tpu.enqueue_dma source(%arg7 : memref<1000x64xf32, #tpu.memory_space<vmem>>) target(%dma_start3A_63 : memref<1000x64xf32, #tpu.memory_space<hbm>>) target_semaphore(%arg10 : memref<!tpu.dma_semaphore, #tpu.memory_space<semaphore_mem>>)
    %mul3A_64 = arith.constant 13000 : i32
    %mul3A_65 = arith.muli %add3A, %mul3A_64 : i32
    %add3A_66 = arith.constant 12000 : i32
    %add3A_67 = arith.addi %mul3A_65, %add3A_66 : i32
    %dma_wait3A_68 = arith.constant 0 : i32
    %dma_wait3A_69 = tpu.memref_slice %arg4[%add3A_67, %dma_wait3A_68] : memref<416000x64xf32, #tpu.memory_space<hbm>> -> memref<1000x64xf32, #tpu.memory_space<hbm>>
    %dma_wait3A_70 = arith.constant 0 : i32
    %dma_wait3A_71 = tpu.memref_slice %arg4[%add3A_67, %dma_wait3A_70] : memref<416000x64xf32, #tpu.memory_space<hbm>> -> memref<1000x64xf32, #tpu.memory_space<hbm>>
    tpu.wait_dma2 semaphore(%arg10 : memref<!tpu.dma_semaphore, #tpu.memory_space<semaphore_mem>>) src(%arg7 : memref<1000x64xf32, #tpu.memory_space<vmem>>) dst(%dma_wait3A_71 : memref<1000x64xf32, #tpu.memory_space<hbm>>)
    %mul3A_72 = arith.constant 13000 : i32
    %mul3A_73 = arith.muli %add3A, %mul3A_72 : i32
    %add3A_74 = arith.constant 11000 : i32
    %add3A_75 = arith.addi %mul3A_73, %add3A_74 : i32
    %dma_wait3A_76 = arith.constant 0 : i32
    %dma_wait3A_77 = tpu.memref_slice %arg4[%add3A_75, %dma_wait3A_76] : memref<416000x64xf32, #tpu.memory_space<hbm>> -> memref<1000x64xf32, #tpu.memory_space<hbm>>
    %dma_wait3A_78 = arith.constant 0 : i32
    %dma_wait3A_79 = tpu.memref_slice %arg4[%add3A_75, %dma_wait3A_78] : memref<416000x64xf32, #tpu.memory_space<hbm>> -> memref<1000x64xf32, #tpu.memory_space<hbm>>
    tpu.wait_dma2 semaphore(%arg11 : memref<!tpu.dma_semaphore, #tpu.memory_space<semaphore_mem>>) src(%arg8 : memref<1000x64xf32, #tpu.memory_space<vmem>>) dst(%dma_wait3A_79 : memref<1000x64xf32, #tpu.memory_space<hbm>>)
    return
  }
}

#map = affine_map<(d0, d1) -> (0, 0)>
#map1 = affine_map<(d0, d1) -> (0)>
module attributes {stable_mosaic.version = 14 : i64} {
  func.func @_sc_gather_body(%arg0: i32, %arg1: i32, %arg2: memref<50000x64xf32, #tpu.memory_space<hbm>>, %arg3: memref<800000xi32, #tpu.memory_space<hbm>>, %arg4: memref<384000x64xf32, #tpu.memory_space<hbm>>, %arg5: memref<1000xi32, #tpu.memory_space<vmem>>, %arg6: memref<1000xi32, #tpu.memory_space<vmem>>, %arg7: memref<1000x64xf32, #tpu.memory_space<vmem>>, %arg8: memref<1000x64xf32, #tpu.memory_space<vmem>>, %arg9: memref<!tpu.dma_semaphore, #tpu.memory_space<semaphore_mem>>, %arg10: memref<!tpu.dma_semaphore, #tpu.memory_space<semaphore_mem>>, %arg11: memref<!tpu.dma_semaphore, #tpu.memory_space<semaphore_mem>>) attributes {dimension_semantics = [#tpu.dimension_semantics<core_parallel>, #tpu.dimension_semantics<subcore_parallel>], iteration_bounds = array<i64: 2, 16>, scalar_prefetch = 0 : i64, scratch_operands = 7 : i64, tpu.core_type = #tpu.core_type<sc_vector_subcore>, window_params = [{transform_indices = #map}, {transform_indices = #map1}, {transform_indices = #map}]} {
    %mul3A = arith.constant 2 : i32
    %mul3A_0 = arith.muli %arg1, %mul3A : i32
    %add3A = arith.addi %mul3A_0, %arg0 : i32
    %mul3A_1 = arith.constant 12000 : i32
    %mul3A_2 = arith.muli %add3A, %mul3A_1 : i32
    %add3A_3 = arith.constant 416000 : i32
    %add3A_4 = arith.addi %add3A_3, %mul3A_2 : i32
    %add3A_5 = arith.constant 0 : i32
    %add3A_6 = arith.addi %add3A_4, %add3A_5 : i32
    "tpu.region"() ({
      %run_scoped3A = tpu.sem_alloc : memref<!tpu.dma_semaphore, #tpu.memory_space<semaphore_mem>>
      %dma_start3A_56 = tpu.memref_slice %arg3[%add3A_6] : memref<800000xi32, #tpu.memory_space<hbm>> -> memref<1000xi32, #tpu.memory_space<hbm>>
      %dma_start3A_57 = tpu.memref_slice %arg3[%add3A_6] : memref<800000xi32, #tpu.memory_space<hbm>> -> memref<1000xi32, #tpu.memory_space<hbm>>
      tpu.enqueue_dma source(%dma_start3A_57 : memref<1000xi32, #tpu.memory_space<hbm>>) target(%arg5 : memref<1000xi32, #tpu.memory_space<vmem>>) target_semaphore(%run_scoped3A : memref<!tpu.dma_semaphore, #tpu.memory_space<semaphore_mem>>)
      %dma_wait3A_58 = tpu.memref_slice %arg3[%add3A_6] : memref<800000xi32, #tpu.memory_space<hbm>> -> memref<1000xi32, #tpu.memory_space<hbm>>
      %dma_wait3A_59 = tpu.memref_slice %arg3[%add3A_6] : memref<800000xi32, #tpu.memory_space<hbm>> -> memref<1000xi32, #tpu.memory_space<hbm>>
      tpu.wait_dma2 semaphore(%run_scoped3A : memref<!tpu.dma_semaphore, #tpu.memory_space<semaphore_mem>>) src(%dma_wait3A_59 : memref<1000xi32, #tpu.memory_space<hbm>>) dst(%arg5 : memref<1000xi32, #tpu.memory_space<vmem>>)
      tpu.yield
    }) : () -> ()
    %dma_start3A = arith.constant 0 : i32
    %dma_start3A_7 = arith.constant 0 : i32
    %dma_start3A_8 = tpu.memref_slice %arg2[%dma_start3A, %dma_start3A_7] : memref<50000x64xf32, #tpu.memory_space<hbm>> -> memref<50000x64xf32, #tpu.memory_space<hbm>>
    tpu.enqueue_indirect_dma source(%dma_start3A_8 : memref<50000x64xf32, #tpu.memory_space<hbm>>) target(%arg7 : memref<1000x64xf32, #tpu.memory_space<vmem>>) offsets(%arg5 : memref<1000xi32, #tpu.memory_space<vmem>>) semaphore(%arg9 : memref<!tpu.dma_semaphore, #tpu.memory_space<semaphore_mem>>)
    %dma_wait3A = arith.constant 0 : i32
    %dma_wait3A_9 = arith.constant 0 : i32
    %dma_wait3A_10 = tpu.memref_slice %arg2[%dma_wait3A, %dma_wait3A_9] : memref<50000x64xf32, #tpu.memory_space<hbm>> -> memref<50000x64xf32, #tpu.memory_space<hbm>>
    tpu.wait_indirect_dma semaphore(%arg9 : memref<!tpu.dma_semaphore, #tpu.memory_space<semaphore_mem>>) src(%dma_wait3A_10 : memref<50000x64xf32, #tpu.memory_space<hbm>>) dst(%arg7 : memref<1000x64xf32, #tpu.memory_space<vmem>>)
    %mul3A_11 = arith.constant 12000 : i32
    %mul3A_12 = arith.muli %add3A, %mul3A_11 : i32
    %add3A_13 = arith.constant 0 : i32
    %add3A_14 = arith.addi %mul3A_12, %add3A_13 : i32
    %dma_start3A_15 = arith.constant 0 : i32
    %dma_start3A_16 = tpu.memref_slice %arg4[%add3A_14, %dma_start3A_15] : memref<384000x64xf32, #tpu.memory_space<hbm>> -> memref<1000x64xf32, #tpu.memory_space<hbm>>
    %dma_start3A_17 = arith.constant 0 : i32
    %dma_start3A_18 = tpu.memref_slice %arg4[%add3A_14, %dma_start3A_17] : memref<384000x64xf32, #tpu.memory_space<hbm>> -> memref<1000x64xf32, #tpu.memory_space<hbm>>
    tpu.enqueue_dma source(%arg7 : memref<1000x64xf32, #tpu.memory_space<vmem>>) target(%dma_start3A_18 : memref<1000x64xf32, #tpu.memory_space<hbm>>) target_semaphore(%arg10 : memref<!tpu.dma_semaphore, #tpu.memory_space<semaphore_mem>>)
    %add3A_19 = arith.constant 1000 : i32
    %add3A_20 = arith.addi %add3A_4, %add3A_19 : i32
    "tpu.region"() ({
      %run_scoped3A = tpu.sem_alloc : memref<!tpu.dma_semaphore, #tpu.memory_space<semaphore_mem>>
      %dma_start3A_56 = tpu.memref_slice %arg3[%add3A_20] : memref<800000xi32, #tpu.memory_space<hbm>> -> memref<1000xi32, #tpu.memory_space<hbm>>
      %dma_start3A_57 = tpu.memref_slice %arg3[%add3A_20] : memref<800000xi32, #tpu.memory_space<hbm>> -> memref<1000xi32, #tpu.memory_space<hbm>>
      tpu.enqueue_dma source(%dma_start3A_57 : memref<1000xi32, #tpu.memory_space<hbm>>) target(%arg6 : memref<1000xi32, #tpu.memory_space<vmem>>) target_semaphore(%run_scoped3A : memref<!tpu.dma_semaphore, #tpu.memory_space<semaphore_mem>>)
      %dma_wait3A_58 = tpu.memref_slice %arg3[%add3A_20] : memref<800000xi32, #tpu.memory_space<hbm>> -> memref<1000xi32, #tpu.memory_space<hbm>>
      %dma_wait3A_59 = tpu.memref_slice %arg3[%add3A_20] : memref<800000xi32, #tpu.memory_space<hbm>> -> memref<1000xi32, #tpu.memory_space<hbm>>
      tpu.wait_dma2 semaphore(%run_scoped3A : memref<!tpu.dma_semaphore, #tpu.memory_space<semaphore_mem>>) src(%dma_wait3A_59 : memref<1000xi32, #tpu.memory_space<hbm>>) dst(%arg6 : memref<1000xi32, #tpu.memory_space<vmem>>)
      tpu.yield
    }) : () -> ()
    %dma_start3A_21 = arith.constant 0 : i32
    %dma_start3A_22 = arith.constant 0 : i32
    %dma_start3A_23 = tpu.memref_slice %arg2[%dma_start3A_21, %dma_start3A_22] : memref<50000x64xf32, #tpu.memory_space<hbm>> -> memref<50000x64xf32, #tpu.memory_space<hbm>>
    tpu.enqueue_indirect_dma source(%dma_start3A_23 : memref<50000x64xf32, #tpu.memory_space<hbm>>) target(%arg8 : memref<1000x64xf32, #tpu.memory_space<vmem>>) offsets(%arg6 : memref<1000xi32, #tpu.memory_space<vmem>>) semaphore(%arg9 : memref<!tpu.dma_semaphore, #tpu.memory_space<semaphore_mem>>)
    %dma_wait3A_24 = arith.constant 0 : i32
    %dma_wait3A_25 = arith.constant 0 : i32
    %dma_wait3A_26 = tpu.memref_slice %arg2[%dma_wait3A_24, %dma_wait3A_25] : memref<50000x64xf32, #tpu.memory_space<hbm>> -> memref<50000x64xf32, #tpu.memory_space<hbm>>
    tpu.wait_indirect_dma semaphore(%arg9 : memref<!tpu.dma_semaphore, #tpu.memory_space<semaphore_mem>>) src(%dma_wait3A_26 : memref<50000x64xf32, #tpu.memory_space<hbm>>) dst(%arg8 : memref<1000x64xf32, #tpu.memory_space<vmem>>)
    %mul3A_27 = arith.constant 12000 : i32
    %mul3A_28 = arith.muli %add3A, %mul3A_27 : i32
    %add3A_29 = arith.constant 1000 : i32
    %add3A_30 = arith.addi %mul3A_28, %add3A_29 : i32
    %dma_start3A_31 = arith.constant 0 : i32
    %dma_start3A_32 = tpu.memref_slice %arg4[%add3A_30, %dma_start3A_31] : memref<384000x64xf32, #tpu.memory_space<hbm>> -> memref<1000x64xf32, #tpu.memory_space<hbm>>
    %dma_start3A_33 = arith.constant 0 : i32
    %dma_start3A_34 = tpu.memref_slice %arg4[%add3A_30, %dma_start3A_33] : memref<384000x64xf32, #tpu.memory_space<hbm>> -> memref<1000x64xf32, #tpu.memory_space<hbm>>
    tpu.enqueue_dma source(%arg8 : memref<1000x64xf32, #tpu.memory_space<vmem>>) target(%dma_start3A_34 : memref<1000x64xf32, #tpu.memory_space<hbm>>) target_semaphore(%arg11 : memref<!tpu.dma_semaphore, #tpu.memory_space<semaphore_mem>>)
    %scan3A = arith.constant 0 : i32
    %scan3A_35 = arith.constant 1 : i32
    %scan3A_36 = arith.constant 5 : i32
    %scan3A_37 = arith.addi %scan3A_35, %scan3A_36 : i32
    %scan3A_38 = arith.constant 1 : i32
    scf.for %scan3A_56 = %scan3A_35 to %scan3A_37 step %scan3A_38  : i32 {
      %mul3A_57 = arith.constant 2 : i32
      %mul3A_58 = arith.muli %mul3A_57, %scan3A_56 : i32
      %sub3A = arith.constant 2 : i32
      %sub3A_59 = arith.subi %mul3A_58, %sub3A : i32
      %mul3A_60 = arith.constant 12000 : i32
      %mul3A_61 = arith.muli %add3A, %mul3A_60 : i32
      %mul3A_62 = arith.constant 1000 : i32
      %mul3A_63 = arith.muli %sub3A_59, %mul3A_62 : i32
      %add3A_64 = arith.addi %mul3A_61, %mul3A_63 : i32
      %dma_wait3A_65 = arith.constant 0 : i32
      %dma_wait3A_66 = tpu.memref_slice %arg4[%add3A_64, %dma_wait3A_65] : memref<384000x64xf32, #tpu.memory_space<hbm>> -> memref<1000x64xf32, #tpu.memory_space<hbm>>
      %dma_wait3A_67 = arith.constant 0 : i32
      %dma_wait3A_68 = tpu.memref_slice %arg4[%add3A_64, %dma_wait3A_67] : memref<384000x64xf32, #tpu.memory_space<hbm>> -> memref<1000x64xf32, #tpu.memory_space<hbm>>
      tpu.wait_dma2 semaphore(%arg10 : memref<!tpu.dma_semaphore, #tpu.memory_space<semaphore_mem>>) src(%arg7 : memref<1000x64xf32, #tpu.memory_space<vmem>>) dst(%dma_wait3A_68 : memref<1000x64xf32, #tpu.memory_space<hbm>>)
      %mul3A_69 = arith.constant 1000 : i32
      %mul3A_70 = arith.muli %mul3A_58, %mul3A_69 : i32
      %add3A_71 = arith.addi %add3A_4, %mul3A_70 : i32
      "tpu.region"() ({
        %run_scoped3A = tpu.sem_alloc : memref<!tpu.dma_semaphore, #tpu.memory_space<semaphore_mem>>
        %dma_start3A_120 = tpu.memref_slice %arg3[%add3A_71] : memref<800000xi32, #tpu.memory_space<hbm>> -> memref<1000xi32, #tpu.memory_space<hbm>>
        %dma_start3A_121 = tpu.memref_slice %arg3[%add3A_71] : memref<800000xi32, #tpu.memory_space<hbm>> -> memref<1000xi32, #tpu.memory_space<hbm>>
        tpu.enqueue_dma source(%dma_start3A_121 : memref<1000xi32, #tpu.memory_space<hbm>>) target(%arg5 : memref<1000xi32, #tpu.memory_space<vmem>>) target_semaphore(%run_scoped3A : memref<!tpu.dma_semaphore, #tpu.memory_space<semaphore_mem>>)
        %dma_wait3A_122 = tpu.memref_slice %arg3[%add3A_71] : memref<800000xi32, #tpu.memory_space<hbm>> -> memref<1000xi32, #tpu.memory_space<hbm>>
        %dma_wait3A_123 = tpu.memref_slice %arg3[%add3A_71] : memref<800000xi32, #tpu.memory_space<hbm>> -> memref<1000xi32, #tpu.memory_space<hbm>>
        tpu.wait_dma2 semaphore(%run_scoped3A : memref<!tpu.dma_semaphore, #tpu.memory_space<semaphore_mem>>) src(%dma_wait3A_123 : memref<1000xi32, #tpu.memory_space<hbm>>) dst(%arg5 : memref<1000xi32, #tpu.memory_space<vmem>>)
        tpu.yield
      }) : () -> ()
      %dma_start3A_72 = arith.constant 0 : i32
      %dma_start3A_73 = arith.constant 0 : i32
      %dma_start3A_74 = tpu.memref_slice %arg2[%dma_start3A_72, %dma_start3A_73] : memref<50000x64xf32, #tpu.memory_space<hbm>> -> memref<50000x64xf32, #tpu.memory_space<hbm>>
      tpu.enqueue_indirect_dma source(%dma_start3A_74 : memref<50000x64xf32, #tpu.memory_space<hbm>>) target(%arg7 : memref<1000x64xf32, #tpu.memory_space<vmem>>) offsets(%arg5 : memref<1000xi32, #tpu.memory_space<vmem>>) semaphore(%arg9 : memref<!tpu.dma_semaphore, #tpu.memory_space<semaphore_mem>>)
      %dma_wait3A_75 = arith.constant 0 : i32
      %dma_wait3A_76 = arith.constant 0 : i32
      %dma_wait3A_77 = tpu.memref_slice %arg2[%dma_wait3A_75, %dma_wait3A_76] : memref<50000x64xf32, #tpu.memory_space<hbm>> -> memref<50000x64xf32, #tpu.memory_space<hbm>>
      tpu.wait_indirect_dma semaphore(%arg9 : memref<!tpu.dma_semaphore, #tpu.memory_space<semaphore_mem>>) src(%dma_wait3A_77 : memref<50000x64xf32, #tpu.memory_space<hbm>>) dst(%arg7 : memref<1000x64xf32, #tpu.memory_space<vmem>>)
      %mul3A_78 = arith.constant 12000 : i32
      %mul3A_79 = arith.muli %add3A, %mul3A_78 : i32
      %mul3A_80 = arith.constant 1000 : i32
      %mul3A_81 = arith.muli %mul3A_58, %mul3A_80 : i32
      %add3A_82 = arith.addi %mul3A_79, %mul3A_81 : i32
      %dma_start3A_83 = arith.constant 0 : i32
      %dma_start3A_84 = tpu.memref_slice %arg4[%add3A_82, %dma_start3A_83] : memref<384000x64xf32, #tpu.memory_space<hbm>> -> memref<1000x64xf32, #tpu.memory_space<hbm>>
      %dma_start3A_85 = arith.constant 0 : i32
      %dma_start3A_86 = tpu.memref_slice %arg4[%add3A_82, %dma_start3A_85] : memref<384000x64xf32, #tpu.memory_space<hbm>> -> memref<1000x64xf32, #tpu.memory_space<hbm>>
      tpu.enqueue_dma source(%arg7 : memref<1000x64xf32, #tpu.memory_space<vmem>>) target(%dma_start3A_86 : memref<1000x64xf32, #tpu.memory_space<hbm>>) target_semaphore(%arg10 : memref<!tpu.dma_semaphore, #tpu.memory_space<semaphore_mem>>)
      %sub3A_87 = arith.constant 1 : i32
      %sub3A_88 = arith.subi %mul3A_58, %sub3A_87 : i32
      %mul3A_89 = arith.constant 12000 : i32
      %mul3A_90 = arith.muli %add3A, %mul3A_89 : i32
      %mul3A_91 = arith.constant 1000 : i32
      %mul3A_92 = arith.muli %sub3A_88, %mul3A_91 : i32
      %add3A_93 = arith.addi %mul3A_90, %mul3A_92 : i32
      %dma_wait3A_94 = arith.constant 0 : i32
      %dma_wait3A_95 = tpu.memref_slice %arg4[%add3A_93, %dma_wait3A_94] : memref<384000x64xf32, #tpu.memory_space<hbm>> -> memref<1000x64xf32, #tpu.memory_space<hbm>>
      %dma_wait3A_96 = arith.constant 0 : i32
      %dma_wait3A_97 = tpu.memref_slice %arg4[%add3A_93, %dma_wait3A_96] : memref<384000x64xf32, #tpu.memory_space<hbm>> -> memref<1000x64xf32, #tpu.memory_space<hbm>>
      tpu.wait_dma2 semaphore(%arg11 : memref<!tpu.dma_semaphore, #tpu.memory_space<semaphore_mem>>) src(%arg8 : memref<1000x64xf32, #tpu.memory_space<vmem>>) dst(%dma_wait3A_97 : memref<1000x64xf32, #tpu.memory_space<hbm>>)
      %add3A_98 = arith.constant 1 : i32
      %add3A_99 = arith.addi %mul3A_58, %add3A_98 : i32
      %mul3A_100 = arith.constant 1000 : i32
      %mul3A_101 = arith.muli %add3A_99, %mul3A_100 : i32
      %add3A_102 = arith.addi %add3A_4, %mul3A_101 : i32
      "tpu.region"() ({
        %run_scoped3A = tpu.sem_alloc : memref<!tpu.dma_semaphore, #tpu.memory_space<semaphore_mem>>
        %dma_start3A_120 = tpu.memref_slice %arg3[%add3A_102] : memref<800000xi32, #tpu.memory_space<hbm>> -> memref<1000xi32, #tpu.memory_space<hbm>>
        %dma_start3A_121 = tpu.memref_slice %arg3[%add3A_102] : memref<800000xi32, #tpu.memory_space<hbm>> -> memref<1000xi32, #tpu.memory_space<hbm>>
        tpu.enqueue_dma source(%dma_start3A_121 : memref<1000xi32, #tpu.memory_space<hbm>>) target(%arg6 : memref<1000xi32, #tpu.memory_space<vmem>>) target_semaphore(%run_scoped3A : memref<!tpu.dma_semaphore, #tpu.memory_space<semaphore_mem>>)
        %dma_wait3A_122 = tpu.memref_slice %arg3[%add3A_102] : memref<800000xi32, #tpu.memory_space<hbm>> -> memref<1000xi32, #tpu.memory_space<hbm>>
        %dma_wait3A_123 = tpu.memref_slice %arg3[%add3A_102] : memref<800000xi32, #tpu.memory_space<hbm>> -> memref<1000xi32, #tpu.memory_space<hbm>>
        tpu.wait_dma2 semaphore(%run_scoped3A : memref<!tpu.dma_semaphore, #tpu.memory_space<semaphore_mem>>) src(%dma_wait3A_123 : memref<1000xi32, #tpu.memory_space<hbm>>) dst(%arg6 : memref<1000xi32, #tpu.memory_space<vmem>>)
        tpu.yield
      }) : () -> ()
      %dma_start3A_103 = arith.constant 0 : i32
      %dma_start3A_104 = arith.constant 0 : i32
      %dma_start3A_105 = tpu.memref_slice %arg2[%dma_start3A_103, %dma_start3A_104] : memref<50000x64xf32, #tpu.memory_space<hbm>> -> memref<50000x64xf32, #tpu.memory_space<hbm>>
      tpu.enqueue_indirect_dma source(%dma_start3A_105 : memref<50000x64xf32, #tpu.memory_space<hbm>>) target(%arg8 : memref<1000x64xf32, #tpu.memory_space<vmem>>) offsets(%arg6 : memref<1000xi32, #tpu.memory_space<vmem>>) semaphore(%arg9 : memref<!tpu.dma_semaphore, #tpu.memory_space<semaphore_mem>>)
      %dma_wait3A_106 = arith.constant 0 : i32
      %dma_wait3A_107 = arith.constant 0 : i32
      %dma_wait3A_108 = tpu.memref_slice %arg2[%dma_wait3A_106, %dma_wait3A_107] : memref<50000x64xf32, #tpu.memory_space<hbm>> -> memref<50000x64xf32, #tpu.memory_space<hbm>>
      tpu.wait_indirect_dma semaphore(%arg9 : memref<!tpu.dma_semaphore, #tpu.memory_space<semaphore_mem>>) src(%dma_wait3A_108 : memref<50000x64xf32, #tpu.memory_space<hbm>>) dst(%arg8 : memref<1000x64xf32, #tpu.memory_space<vmem>>)
      %add3A_109 = arith.constant 1 : i32
      %add3A_110 = arith.addi %mul3A_58, %add3A_109 : i32
      %mul3A_111 = arith.constant 12000 : i32
      %mul3A_112 = arith.muli %add3A, %mul3A_111 : i32
      %mul3A_113 = arith.constant 1000 : i32
      %mul3A_114 = arith.muli %add3A_110, %mul3A_113 : i32
      %add3A_115 = arith.addi %mul3A_112, %mul3A_114 : i32
      %dma_start3A_116 = arith.constant 0 : i32
      %dma_start3A_117 = tpu.memref_slice %arg4[%add3A_115, %dma_start3A_116] : memref<384000x64xf32, #tpu.memory_space<hbm>> -> memref<1000x64xf32, #tpu.memory_space<hbm>>
      %dma_start3A_118 = arith.constant 0 : i32
      %dma_start3A_119 = tpu.memref_slice %arg4[%add3A_115, %dma_start3A_118] : memref<384000x64xf32, #tpu.memory_space<hbm>> -> memref<1000x64xf32, #tpu.memory_space<hbm>>
      tpu.enqueue_dma source(%arg8 : memref<1000x64xf32, #tpu.memory_space<vmem>>) target(%dma_start3A_119 : memref<1000x64xf32, #tpu.memory_space<hbm>>) target_semaphore(%arg11 : memref<!tpu.dma_semaphore, #tpu.memory_space<semaphore_mem>>)
    }
    %scan3A_39 = arith.constant 5 : i32
    %mul3A_40 = arith.constant 12000 : i32
    %mul3A_41 = arith.muli %add3A, %mul3A_40 : i32
    %add3A_42 = arith.constant 10000 : i32
    %add3A_43 = arith.addi %mul3A_41, %add3A_42 : i32
    %dma_wait3A_44 = arith.constant 0 : i32
    %dma_wait3A_45 = tpu.memref_slice %arg4[%add3A_43, %dma_wait3A_44] : memref<384000x64xf32, #tpu.memory_space<hbm>> -> memref<1000x64xf32, #tpu.memory_space<hbm>>
    %dma_wait3A_46 = arith.constant 0 : i32
    %dma_wait3A_47 = tpu.memref_slice %arg4[%add3A_43, %dma_wait3A_46] : memref<384000x64xf32, #tpu.memory_space<hbm>> -> memref<1000x64xf32, #tpu.memory_space<hbm>>
    tpu.wait_dma2 semaphore(%arg10 : memref<!tpu.dma_semaphore, #tpu.memory_space<semaphore_mem>>) src(%arg7 : memref<1000x64xf32, #tpu.memory_space<vmem>>) dst(%dma_wait3A_47 : memref<1000x64xf32, #tpu.memory_space<hbm>>)
    %mul3A_48 = arith.constant 12000 : i32
    %mul3A_49 = arith.muli %add3A, %mul3A_48 : i32
    %add3A_50 = arith.constant 11000 : i32
    %add3A_51 = arith.addi %mul3A_49, %add3A_50 : i32
    %dma_wait3A_52 = arith.constant 0 : i32
    %dma_wait3A_53 = tpu.memref_slice %arg4[%add3A_51, %dma_wait3A_52] : memref<384000x64xf32, #tpu.memory_space<hbm>> -> memref<1000x64xf32, #tpu.memory_space<hbm>>
    %dma_wait3A_54 = arith.constant 0 : i32
    %dma_wait3A_55 = tpu.memref_slice %arg4[%add3A_51, %dma_wait3A_54] : memref<384000x64xf32, #tpu.memory_space<hbm>> -> memref<1000x64xf32, #tpu.memory_space<hbm>>
    tpu.wait_dma2 semaphore(%arg11 : memref<!tpu.dma_semaphore, #tpu.memory_space<semaphore_mem>>) src(%arg8 : memref<1000x64xf32, #tpu.memory_space<vmem>>) dst(%dma_wait3A_55 : memref<1000x64xf32, #tpu.memory_space<hbm>>)
    return
  }
}

#map = affine_map<(d0, d1) -> (0, 0)>
#map1 = affine_map<(d0, d1) -> (0)>
module attributes {stable_mosaic.version = 14 : i64} {
  func.func @_sc_gather_body(%arg0: i32, %arg1: i32, %arg2: memref<50000x64xf32, #tpu.memory_space<hbm>>, %arg3: memref<800000xi32, #tpu.memory_space<hbm>>, %arg4: memref<416000x64xf32, #tpu.memory_space<hbm>>, %arg5: memref<1000xi32, #tpu.memory_space<vmem>>, %arg6: memref<1000xi32, #tpu.memory_space<vmem>>, %arg7: memref<1000x64xf32, #tpu.memory_space<vmem>>, %arg8: memref<1000x64xf32, #tpu.memory_space<vmem>>, %arg9: memref<!tpu.dma_semaphore, #tpu.memory_space<semaphore_mem>>, %arg10: memref<!tpu.dma_semaphore, #tpu.memory_space<semaphore_mem>>, %arg11: memref<!tpu.dma_semaphore, #tpu.memory_space<semaphore_mem>>) attributes {dimension_semantics = [#tpu.dimension_semantics<core_parallel>, #tpu.dimension_semantics<subcore_parallel>], iteration_bounds = array<i64: 2, 16>, scalar_prefetch = 0 : i64, scratch_operands = 7 : i64, tpu.core_type = #tpu.core_type<sc_vector_subcore>, window_params = [{transform_indices = #map}, {transform_indices = #map1}, {transform_indices = #map}]} {
    %mul3A = arith.constant 2 : i32
    %mul3A_0 = arith.muli %arg1, %mul3A : i32
    %add3A = arith.addi %mul3A_0, %arg0 : i32
    %mul3A_1 = arith.constant 13000 : i32
    %mul3A_2 = arith.muli %add3A, %mul3A_1 : i32
    %add3A_3 = arith.constant 0 : i32
    %add3A_4 = arith.addi %add3A_3, %mul3A_2 : i32
    %add3A_5 = arith.constant 0 : i32
    %add3A_6 = arith.addi %add3A_4, %add3A_5 : i32
    "tpu.region"() ({
      %run_scoped3A = tpu.sem_alloc : memref<!tpu.dma_semaphore, #tpu.memory_space<semaphore_mem>>
      %dma_start3A_80 = tpu.memref_slice %arg3[%add3A_6] : memref<800000xi32, #tpu.memory_space<hbm>> -> memref<1000xi32, #tpu.memory_space<hbm>>
      %dma_start3A_81 = tpu.memref_slice %arg3[%add3A_6] : memref<800000xi32, #tpu.memory_space<hbm>> -> memref<1000xi32, #tpu.memory_space<hbm>>
      tpu.enqueue_dma source(%dma_start3A_81 : memref<1000xi32, #tpu.memory_space<hbm>>) target(%arg5 : memref<1000xi32, #tpu.memory_space<vmem>>) target_semaphore(%run_scoped3A : memref<!tpu.dma_semaphore, #tpu.memory_space<semaphore_mem>>)
      %dma_wait3A_82 = tpu.memref_slice %arg3[%add3A_6] : memref<800000xi32, #tpu.memory_space<hbm>> -> memref<1000xi32, #tpu.memory_space<hbm>>
      %dma_wait3A_83 = tpu.memref_slice %arg3[%add3A_6] : memref<800000xi32, #tpu.memory_space<hbm>> -> memref<1000xi32, #tpu.memory_space<hbm>>
      tpu.wait_dma2 semaphore(%run_scoped3A : memref<!tpu.dma_semaphore, #tpu.memory_space<semaphore_mem>>) src(%dma_wait3A_83 : memref<1000xi32, #tpu.memory_space<hbm>>) dst(%arg5 : memref<1000xi32, #tpu.memory_space<vmem>>)
      tpu.yield
    }) : () -> ()
    %dma_start3A = arith.constant 0 : i32
    %dma_start3A_7 = arith.constant 0 : i32
    %dma_start3A_8 = tpu.memref_slice %arg2[%dma_start3A, %dma_start3A_7] : memref<50000x64xf32, #tpu.memory_space<hbm>> -> memref<50000x64xf32, #tpu.memory_space<hbm>>
    tpu.enqueue_indirect_dma source(%dma_start3A_8 : memref<50000x64xf32, #tpu.memory_space<hbm>>) target(%arg7 : memref<1000x64xf32, #tpu.memory_space<vmem>>) offsets(%arg5 : memref<1000xi32, #tpu.memory_space<vmem>>) semaphore(%arg9 : memref<!tpu.dma_semaphore, #tpu.memory_space<semaphore_mem>>)
    %dma_wait3A = arith.constant 0 : i32
    %dma_wait3A_9 = arith.constant 0 : i32
    %dma_wait3A_10 = tpu.memref_slice %arg2[%dma_wait3A, %dma_wait3A_9] : memref<50000x64xf32, #tpu.memory_space<hbm>> -> memref<50000x64xf32, #tpu.memory_space<hbm>>
    tpu.wait_indirect_dma semaphore(%arg9 : memref<!tpu.dma_semaphore, #tpu.memory_space<semaphore_mem>>) src(%dma_wait3A_10 : memref<50000x64xf32, #tpu.memory_space<hbm>>) dst(%arg7 : memref<1000x64xf32, #tpu.memory_space<vmem>>)
    %mul3A_11 = arith.constant 13000 : i32
    %mul3A_12 = arith.muli %add3A, %mul3A_11 : i32
    %add3A_13 = arith.constant 0 : i32
    %add3A_14 = arith.addi %mul3A_12, %add3A_13 : i32
    %dma_start3A_15 = arith.constant 0 : i32
    %dma_start3A_16 = tpu.memref_slice %arg4[%add3A_14, %dma_start3A_15] : memref<416000x64xf32, #tpu.memory_space<hbm>> -> memref<1000x64xf32, #tpu.memory_space<hbm>>
    %dma_start3A_17 = arith.constant 0 : i32
    %dma_start3A_18 = tpu.memref_slice %arg4[%add3A_14, %dma_start3A_17] : memref<416000x64xf32, #tpu.memory_space<hbm>> -> memref<1000x64xf32, #tpu.memory_space<hbm>>
    tpu.enqueue_dma source(%arg7 : memref<1000x64xf32, #tpu.memory_space<vmem>>) target(%dma_start3A_18 : memref<1000x64xf32, #tpu.memory_space<hbm>>) target_semaphore(%arg10 : memref<!tpu.dma_semaphore, #tpu.memory_space<semaphore_mem>>)
    %add3A_19 = arith.constant 1000 : i32
    %add3A_20 = arith.addi %add3A_4, %add3A_19 : i32
    "tpu.region"() ({
      %run_scoped3A = tpu.sem_alloc : memref<!tpu.dma_semaphore, #tpu.memory_space<semaphore_mem>>
      %dma_start3A_80 = tpu.memref_slice %arg3[%add3A_20] : memref<800000xi32, #tpu.memory_space<hbm>> -> memref<1000xi32, #tpu.memory_space<hbm>>
      %dma_start3A_81 = tpu.memref_slice %arg3[%add3A_20] : memref<800000xi32, #tpu.memory_space<hbm>> -> memref<1000xi32, #tpu.memory_space<hbm>>
      tpu.enqueue_dma source(%dma_start3A_81 : memref<1000xi32, #tpu.memory_space<hbm>>) target(%arg6 : memref<1000xi32, #tpu.memory_space<vmem>>) target_semaphore(%run_scoped3A : memref<!tpu.dma_semaphore, #tpu.memory_space<semaphore_mem>>)
      %dma_wait3A_82 = tpu.memref_slice %arg3[%add3A_20] : memref<800000xi32, #tpu.memory_space<hbm>> -> memref<1000xi32, #tpu.memory_space<hbm>>
      %dma_wait3A_83 = tpu.memref_slice %arg3[%add3A_20] : memref<800000xi32, #tpu.memory_space<hbm>> -> memref<1000xi32, #tpu.memory_space<hbm>>
      tpu.wait_dma2 semaphore(%run_scoped3A : memref<!tpu.dma_semaphore, #tpu.memory_space<semaphore_mem>>) src(%dma_wait3A_83 : memref<1000xi32, #tpu.memory_space<hbm>>) dst(%arg6 : memref<1000xi32, #tpu.memory_space<vmem>>)
      tpu.yield
    }) : () -> ()
    %dma_start3A_21 = arith.constant 0 : i32
    %dma_start3A_22 = arith.constant 0 : i32
    %dma_start3A_23 = tpu.memref_slice %arg2[%dma_start3A_21, %dma_start3A_22] : memref<50000x64xf32, #tpu.memory_space<hbm>> -> memref<50000x64xf32, #tpu.memory_space<hbm>>
    tpu.enqueue_indirect_dma source(%dma_start3A_23 : memref<50000x64xf32, #tpu.memory_space<hbm>>) target(%arg8 : memref<1000x64xf32, #tpu.memory_space<vmem>>) offsets(%arg6 : memref<1000xi32, #tpu.memory_space<vmem>>) semaphore(%arg9 : memref<!tpu.dma_semaphore, #tpu.memory_space<semaphore_mem>>)
    %dma_wait3A_24 = arith.constant 0 : i32
    %dma_wait3A_25 = arith.constant 0 : i32
    %dma_wait3A_26 = tpu.memref_slice %arg2[%dma_wait3A_24, %dma_wait3A_25] : memref<50000x64xf32, #tpu.memory_space<hbm>> -> memref<50000x64xf32, #tpu.memory_space<hbm>>
    tpu.wait_indirect_dma semaphore(%arg9 : memref<!tpu.dma_semaphore, #tpu.memory_space<semaphore_mem>>) src(%dma_wait3A_26 : memref<50000x64xf32, #tpu.memory_space<hbm>>) dst(%arg8 : memref<1000x64xf32, #tpu.memory_space<vmem>>)
    %mul3A_27 = arith.constant 13000 : i32
    %mul3A_28 = arith.muli %add3A, %mul3A_27 : i32
    %add3A_29 = arith.constant 1000 : i32
    %add3A_30 = arith.addi %mul3A_28, %add3A_29 : i32
    %dma_start3A_31 = arith.constant 0 : i32
    %dma_start3A_32 = tpu.memref_slice %arg4[%add3A_30, %dma_start3A_31] : memref<416000x64xf32, #tpu.memory_space<hbm>> -> memref<1000x64xf32, #tpu.memory_space<hbm>>
    %dma_start3A_33 = arith.constant 0 : i32
    %dma_start3A_34 = tpu.memref_slice %arg4[%add3A_30, %dma_start3A_33] : memref<416000x64xf32, #tpu.memory_space<hbm>> -> memref<1000x64xf32, #tpu.memory_space<hbm>>
    tpu.enqueue_dma source(%arg8 : memref<1000x64xf32, #tpu.memory_space<vmem>>) target(%dma_start3A_34 : memref<1000x64xf32, #tpu.memory_space<hbm>>) target_semaphore(%arg11 : memref<!tpu.dma_semaphore, #tpu.memory_space<semaphore_mem>>)
    %scan3A = arith.constant 0 : i32
    %scan3A_35 = arith.constant 1 : i32
    %scan3A_36 = arith.constant 5 : i32
    %scan3A_37 = arith.addi %scan3A_35, %scan3A_36 : i32
    %scan3A_38 = arith.constant 1 : i32
    scf.for %scan3A_80 = %scan3A_35 to %scan3A_37 step %scan3A_38  : i32 {
      %mul3A_81 = arith.constant 2 : i32
      %mul3A_82 = arith.muli %mul3A_81, %scan3A_80 : i32
      %sub3A = arith.constant 2 : i32
      %sub3A_83 = arith.subi %mul3A_82, %sub3A : i32
      %mul3A_84 = arith.constant 13000 : i32
      %mul3A_85 = arith.muli %add3A, %mul3A_84 : i32
      %mul3A_86 = arith.constant 1000 : i32
      %mul3A_87 = arith.muli %sub3A_83, %mul3A_86 : i32
      %add3A_88 = arith.addi %mul3A_85, %mul3A_87 : i32
      %dma_wait3A_89 = arith.constant 0 : i32
      %dma_wait3A_90 = tpu.memref_slice %arg4[%add3A_88, %dma_wait3A_89] : memref<416000x64xf32, #tpu.memory_space<hbm>> -> memref<1000x64xf32, #tpu.memory_space<hbm>>
      %dma_wait3A_91 = arith.constant 0 : i32
      %dma_wait3A_92 = tpu.memref_slice %arg4[%add3A_88, %dma_wait3A_91] : memref<416000x64xf32, #tpu.memory_space<hbm>> -> memref<1000x64xf32, #tpu.memory_space<hbm>>
      tpu.wait_dma2 semaphore(%arg10 : memref<!tpu.dma_semaphore, #tpu.memory_space<semaphore_mem>>) src(%arg7 : memref<1000x64xf32, #tpu.memory_space<vmem>>) dst(%dma_wait3A_92 : memref<1000x64xf32, #tpu.memory_space<hbm>>)
      %mul3A_93 = arith.constant 1000 : i32
      %mul3A_94 = arith.muli %mul3A_82, %mul3A_93 : i32
      %add3A_95 = arith.addi %add3A_4, %mul3A_94 : i32
      "tpu.region"() ({
        %run_scoped3A = tpu.sem_alloc : memref<!tpu.dma_semaphore, #tpu.memory_space<semaphore_mem>>
        %dma_start3A_144 = tpu.memref_slice %arg3[%add3A_95] : memref<800000xi32, #tpu.memory_space<hbm>> -> memref<1000xi32, #tpu.memory_space<hbm>>
        %dma_start3A_145 = tpu.memref_slice %arg3[%add3A_95] : memref<800000xi32, #tpu.memory_space<hbm>> -> memref<1000xi32, #tpu.memory_space<hbm>>
        tpu.enqueue_dma source(%dma_start3A_145 : memref<1000xi32, #tpu.memory_space<hbm>>) target(%arg5 : memref<1000xi32, #tpu.memory_space<vmem>>) target_semaphore(%run_scoped3A : memref<!tpu.dma_semaphore, #tpu.memory_space<semaphore_mem>>)
        %dma_wait3A_146 = tpu.memref_slice %arg3[%add3A_95] : memref<800000xi32, #tpu.memory_space<hbm>> -> memref<1000xi32, #tpu.memory_space<hbm>>
        %dma_wait3A_147 = tpu.memref_slice %arg3[%add3A_95] : memref<800000xi32, #tpu.memory_space<hbm>> -> memref<1000xi32, #tpu.memory_space<hbm>>
        tpu.wait_dma2 semaphore(%run_scoped3A : memref<!tpu.dma_semaphore, #tpu.memory_space<semaphore_mem>>) src(%dma_wait3A_147 : memref<1000xi32, #tpu.memory_space<hbm>>) dst(%arg5 : memref<1000xi32, #tpu.memory_space<vmem>>)
        tpu.yield
      }) : () -> ()
      %dma_start3A_96 = arith.constant 0 : i32
      %dma_start3A_97 = arith.constant 0 : i32
      %dma_start3A_98 = tpu.memref_slice %arg2[%dma_start3A_96, %dma_start3A_97] : memref<50000x64xf32, #tpu.memory_space<hbm>> -> memref<50000x64xf32, #tpu.memory_space<hbm>>
      tpu.enqueue_indirect_dma source(%dma_start3A_98 : memref<50000x64xf32, #tpu.memory_space<hbm>>) target(%arg7 : memref<1000x64xf32, #tpu.memory_space<vmem>>) offsets(%arg5 : memref<1000xi32, #tpu.memory_space<vmem>>) semaphore(%arg9 : memref<!tpu.dma_semaphore, #tpu.memory_space<semaphore_mem>>)
      %dma_wait3A_99 = arith.constant 0 : i32
      %dma_wait3A_100 = arith.constant 0 : i32
      %dma_wait3A_101 = tpu.memref_slice %arg2[%dma_wait3A_99, %dma_wait3A_100] : memref<50000x64xf32, #tpu.memory_space<hbm>> -> memref<50000x64xf32, #tpu.memory_space<hbm>>
      tpu.wait_indirect_dma semaphore(%arg9 : memref<!tpu.dma_semaphore, #tpu.memory_space<semaphore_mem>>) src(%dma_wait3A_101 : memref<50000x64xf32, #tpu.memory_space<hbm>>) dst(%arg7 : memref<1000x64xf32, #tpu.memory_space<vmem>>)
      %mul3A_102 = arith.constant 13000 : i32
      %mul3A_103 = arith.muli %add3A, %mul3A_102 : i32
      %mul3A_104 = arith.constant 1000 : i32
      %mul3A_105 = arith.muli %mul3A_82, %mul3A_104 : i32
      %add3A_106 = arith.addi %mul3A_103, %mul3A_105 : i32
      %dma_start3A_107 = arith.constant 0 : i32
      %dma_start3A_108 = tpu.memref_slice %arg4[%add3A_106, %dma_start3A_107] : memref<416000x64xf32, #tpu.memory_space<hbm>> -> memref<1000x64xf32, #tpu.memory_space<hbm>>
      %dma_start3A_109 = arith.constant 0 : i32
      %dma_start3A_110 = tpu.memref_slice %arg4[%add3A_106, %dma_start3A_109] : memref<416000x64xf32, #tpu.memory_space<hbm>> -> memref<1000x64xf32, #tpu.memory_space<hbm>>
      tpu.enqueue_dma source(%arg7 : memref<1000x64xf32, #tpu.memory_space<vmem>>) target(%dma_start3A_110 : memref<1000x64xf32, #tpu.memory_space<hbm>>) target_semaphore(%arg10 : memref<!tpu.dma_semaphore, #tpu.memory_space<semaphore_mem>>)
      %sub3A_111 = arith.constant 1 : i32
      %sub3A_112 = arith.subi %mul3A_82, %sub3A_111 : i32
      %mul3A_113 = arith.constant 13000 : i32
      %mul3A_114 = arith.muli %add3A, %mul3A_113 : i32
      %mul3A_115 = arith.constant 1000 : i32
      %mul3A_116 = arith.muli %sub3A_112, %mul3A_115 : i32
      %add3A_117 = arith.addi %mul3A_114, %mul3A_116 : i32
      %dma_wait3A_118 = arith.constant 0 : i32
      %dma_wait3A_119 = tpu.memref_slice %arg4[%add3A_117, %dma_wait3A_118] : memref<416000x64xf32, #tpu.memory_space<hbm>> -> memref<1000x64xf32, #tpu.memory_space<hbm>>
      %dma_wait3A_120 = arith.constant 0 : i32
      %dma_wait3A_121 = tpu.memref_slice %arg4[%add3A_117, %dma_wait3A_120] : memref<416000x64xf32, #tpu.memory_space<hbm>> -> memref<1000x64xf32, #tpu.memory_space<hbm>>
      tpu.wait_dma2 semaphore(%arg11 : memref<!tpu.dma_semaphore, #tpu.memory_space<semaphore_mem>>) src(%arg8 : memref<1000x64xf32, #tpu.memory_space<vmem>>) dst(%dma_wait3A_121 : memref<1000x64xf32, #tpu.memory_space<hbm>>)
      %add3A_122 = arith.constant 1 : i32
      %add3A_123 = arith.addi %mul3A_82, %add3A_122 : i32
      %mul3A_124 = arith.constant 1000 : i32
      %mul3A_125 = arith.muli %add3A_123, %mul3A_124 : i32
      %add3A_126 = arith.addi %add3A_4, %mul3A_125 : i32
      "tpu.region"() ({
        %run_scoped3A = tpu.sem_alloc : memref<!tpu.dma_semaphore, #tpu.memory_space<semaphore_mem>>
        %dma_start3A_144 = tpu.memref_slice %arg3[%add3A_126] : memref<800000xi32, #tpu.memory_space<hbm>> -> memref<1000xi32, #tpu.memory_space<hbm>>
        %dma_start3A_145 = tpu.memref_slice %arg3[%add3A_126] : memref<800000xi32, #tpu.memory_space<hbm>> -> memref<1000xi32, #tpu.memory_space<hbm>>
        tpu.enqueue_dma source(%dma_start3A_145 : memref<1000xi32, #tpu.memory_space<hbm>>) target(%arg6 : memref<1000xi32, #tpu.memory_space<vmem>>) target_semaphore(%run_scoped3A : memref<!tpu.dma_semaphore, #tpu.memory_space<semaphore_mem>>)
        %dma_wait3A_146 = tpu.memref_slice %arg3[%add3A_126] : memref<800000xi32, #tpu.memory_space<hbm>> -> memref<1000xi32, #tpu.memory_space<hbm>>
        %dma_wait3A_147 = tpu.memref_slice %arg3[%add3A_126] : memref<800000xi32, #tpu.memory_space<hbm>> -> memref<1000xi32, #tpu.memory_space<hbm>>
        tpu.wait_dma2 semaphore(%run_scoped3A : memref<!tpu.dma_semaphore, #tpu.memory_space<semaphore_mem>>) src(%dma_wait3A_147 : memref<1000xi32, #tpu.memory_space<hbm>>) dst(%arg6 : memref<1000xi32, #tpu.memory_space<vmem>>)
        tpu.yield
      }) : () -> ()
      %dma_start3A_127 = arith.constant 0 : i32
      %dma_start3A_128 = arith.constant 0 : i32
      %dma_start3A_129 = tpu.memref_slice %arg2[%dma_start3A_127, %dma_start3A_128] : memref<50000x64xf32, #tpu.memory_space<hbm>> -> memref<50000x64xf32, #tpu.memory_space<hbm>>
      tpu.enqueue_indirect_dma source(%dma_start3A_129 : memref<50000x64xf32, #tpu.memory_space<hbm>>) target(%arg8 : memref<1000x64xf32, #tpu.memory_space<vmem>>) offsets(%arg6 : memref<1000xi32, #tpu.memory_space<vmem>>) semaphore(%arg9 : memref<!tpu.dma_semaphore, #tpu.memory_space<semaphore_mem>>)
      %dma_wait3A_130 = arith.constant 0 : i32
      %dma_wait3A_131 = arith.constant 0 : i32
      %dma_wait3A_132 = tpu.memref_slice %arg2[%dma_wait3A_130, %dma_wait3A_131] : memref<50000x64xf32, #tpu.memory_space<hbm>> -> memref<50000x64xf32, #tpu.memory_space<hbm>>
      tpu.wait_indirect_dma semaphore(%arg9 : memref<!tpu.dma_semaphore, #tpu.memory_space<semaphore_mem>>) src(%dma_wait3A_132 : memref<50000x64xf32, #tpu.memory_space<hbm>>) dst(%arg8 : memref<1000x64xf32, #tpu.memory_space<vmem>>)
      %add3A_133 = arith.constant 1 : i32
      %add3A_134 = arith.addi %mul3A_82, %add3A_133 : i32
      %mul3A_135 = arith.constant 13000 : i32
      %mul3A_136 = arith.muli %add3A, %mul3A_135 : i32
      %mul3A_137 = arith.constant 1000 : i32
      %mul3A_138 = arith.muli %add3A_134, %mul3A_137 : i32
      %add3A_139 = arith.addi %mul3A_136, %mul3A_138 : i32
      %dma_start3A_140 = arith.constant 0 : i32
      %dma_start3A_141 = tpu.memref_slice %arg4[%add3A_139, %dma_start3A_140] : memref<416000x64xf32, #tpu.memory_space<hbm>> -> memref<1000x64xf32, #tpu.memory_space<hbm>>
      %dma_start3A_142 = arith.constant 0 : i32
      %dma_start3A_143 = tpu.memref_slice %arg4[%add3A_139, %dma_start3A_142] : memref<416000x64xf32, #tpu.memory_space<hbm>> -> memref<1000x64xf32, #tpu.memory_space<hbm>>
      tpu.enqueue_dma source(%arg8 : memref<1000x64xf32, #tpu.memory_space<vmem>>) target(%dma_start3A_143 : memref<1000x64xf32, #tpu.memory_space<hbm>>) target_semaphore(%arg11 : memref<!tpu.dma_semaphore, #tpu.memory_space<semaphore_mem>>)
    }
    %scan3A_39 = arith.constant 5 : i32
    %mul3A_40 = arith.constant 13000 : i32
    %mul3A_41 = arith.muli %add3A, %mul3A_40 : i32
    %add3A_42 = arith.constant 10000 : i32
    %add3A_43 = arith.addi %mul3A_41, %add3A_42 : i32
    %dma_wait3A_44 = arith.constant 0 : i32
    %dma_wait3A_45 = tpu.memref_slice %arg4[%add3A_43, %dma_wait3A_44] : memref<416000x64xf32, #tpu.memory_space<hbm>> -> memref<1000x64xf32, #tpu.memory_space<hbm>>
    %dma_wait3A_46 = arith.constant 0 : i32
    %dma_wait3A_47 = tpu.memref_slice %arg4[%add3A_43, %dma_wait3A_46] : memref<416000x64xf32, #tpu.memory_space<hbm>> -> memref<1000x64xf32, #tpu.memory_space<hbm>>
    tpu.wait_dma2 semaphore(%arg10 : memref<!tpu.dma_semaphore, #tpu.memory_space<semaphore_mem>>) src(%arg7 : memref<1000x64xf32, #tpu.memory_space<vmem>>) dst(%dma_wait3A_47 : memref<1000x64xf32, #tpu.memory_space<hbm>>)
    %add3A_48 = arith.constant 12000 : i32
    %add3A_49 = arith.addi %add3A_4, %add3A_48 : i32
    "tpu.region"() ({
      %run_scoped3A = tpu.sem_alloc : memref<!tpu.dma_semaphore, #tpu.memory_space<semaphore_mem>>
      %dma_start3A_80 = tpu.memref_slice %arg3[%add3A_49] : memref<800000xi32, #tpu.memory_space<hbm>> -> memref<1000xi32, #tpu.memory_space<hbm>>
      %dma_start3A_81 = tpu.memref_slice %arg3[%add3A_49] : memref<800000xi32, #tpu.memory_space<hbm>> -> memref<1000xi32, #tpu.memory_space<hbm>>
      tpu.enqueue_dma source(%dma_start3A_81 : memref<1000xi32, #tpu.memory_space<hbm>>) target(%arg5 : memref<1000xi32, #tpu.memory_space<vmem>>) target_semaphore(%run_scoped3A : memref<!tpu.dma_semaphore, #tpu.memory_space<semaphore_mem>>)
      %dma_wait3A_82 = tpu.memref_slice %arg3[%add3A_49] : memref<800000xi32, #tpu.memory_space<hbm>> -> memref<1000xi32, #tpu.memory_space<hbm>>
      %dma_wait3A_83 = tpu.memref_slice %arg3[%add3A_49] : memref<800000xi32, #tpu.memory_space<hbm>> -> memref<1000xi32, #tpu.memory_space<hbm>>
      tpu.wait_dma2 semaphore(%run_scoped3A : memref<!tpu.dma_semaphore, #tpu.memory_space<semaphore_mem>>) src(%dma_wait3A_83 : memref<1000xi32, #tpu.memory_space<hbm>>) dst(%arg5 : memref<1000xi32, #tpu.memory_space<vmem>>)
      tpu.yield
    }) : () -> ()
    %dma_start3A_50 = arith.constant 0 : i32
    %dma_start3A_51 = arith.constant 0 : i32
    %dma_start3A_52 = tpu.memref_slice %arg2[%dma_start3A_50, %dma_start3A_51] : memref<50000x64xf32, #tpu.memory_space<hbm>> -> memref<50000x64xf32, #tpu.memory_space<hbm>>
    tpu.enqueue_indirect_dma source(%dma_start3A_52 : memref<50000x64xf32, #tpu.memory_space<hbm>>) target(%arg7 : memref<1000x64xf32, #tpu.memory_space<vmem>>) offsets(%arg5 : memref<1000xi32, #tpu.memory_space<vmem>>) semaphore(%arg9 : memref<!tpu.dma_semaphore, #tpu.memory_space<semaphore_mem>>)
    %dma_wait3A_53 = arith.constant 0 : i32
    %dma_wait3A_54 = arith.constant 0 : i32
    %dma_wait3A_55 = tpu.memref_slice %arg2[%dma_wait3A_53, %dma_wait3A_54] : memref<50000x64xf32, #tpu.memory_space<hbm>> -> memref<50000x64xf32, #tpu.memory_space<hbm>>
    tpu.wait_indirect_dma semaphore(%arg9 : memref<!tpu.dma_semaphore, #tpu.memory_space<semaphore_mem>>) src(%dma_wait3A_55 : memref<50000x64xf32, #tpu.memory_space<hbm>>) dst(%arg7 : memref<1000x64xf32, #tpu.memory_space<vmem>>)
    %mul3A_56 = arith.constant 13000 : i32
    %mul3A_57 = arith.muli %add3A, %mul3A_56 : i32
    %add3A_58 = arith.constant 12000 : i32
    %add3A_59 = arith.addi %mul3A_57, %add3A_58 : i32
    %dma_start3A_60 = arith.constant 0 : i32
    %dma_start3A_61 = tpu.memref_slice %arg4[%add3A_59, %dma_start3A_60] : memref<416000x64xf32, #tpu.memory_space<hbm>> -> memref<1000x64xf32, #tpu.memory_space<hbm>>
    %dma_start3A_62 = arith.constant 0 : i32
    %dma_start3A_63 = tpu.memref_slice %arg4[%add3A_59, %dma_start3A_62] : memref<416000x64xf32, #tpu.memory_space<hbm>> -> memref<1000x64xf32, #tpu.memory_space<hbm>>
    tpu.enqueue_dma source(%arg7 : memref<1000x64xf32, #tpu.memory_space<vmem>>) target(%dma_start3A_63 : memref<1000x64xf32, #tpu.memory_space<hbm>>) target_semaphore(%arg10 : memref<!tpu.dma_semaphore, #tpu.memory_space<semaphore_mem>>)
    %mul3A_64 = arith.constant 13000 : i32
    %mul3A_65 = arith.muli %add3A, %mul3A_64 : i32
    %add3A_66 = arith.constant 12000 : i32
    %add3A_67 = arith.addi %mul3A_65, %add3A_66 : i32
    %dma_wait3A_68 = arith.constant 0 : i32
    %dma_wait3A_69 = tpu.memref_slice %arg4[%add3A_67, %dma_wait3A_68] : memref<416000x64xf32, #tpu.memory_space<hbm>> -> memref<1000x64xf32, #tpu.memory_space<hbm>>
    %dma_wait3A_70 = arith.constant 0 : i32
    %dma_wait3A_71 = tpu.memref_slice %arg4[%add3A_67, %dma_wait3A_70] : memref<416000x64xf32, #tpu.memory_space<hbm>> -> memref<1000x64xf32, #tpu.memory_space<hbm>>
    tpu.wait_dma2 semaphore(%arg10 : memref<!tpu.dma_semaphore, #tpu.memory_space<semaphore_mem>>) src(%arg7 : memref<1000x64xf32, #tpu.memory_space<vmem>>) dst(%dma_wait3A_71 : memref<1000x64xf32, #tpu.memory_space<hbm>>)
    %mul3A_72 = arith.constant 13000 : i32
    %mul3A_73 = arith.muli %add3A, %mul3A_72 : i32
    %add3A_74 = arith.constant 11000 : i32
    %add3A_75 = arith.addi %mul3A_73, %add3A_74 : i32
    %dma_wait3A_76 = arith.constant 0 : i32
    %dma_wait3A_77 = tpu.memref_slice %arg4[%add3A_75, %dma_wait3A_76] : memref<416000x64xf32, #tpu.memory_space<hbm>> -> memref<1000x64xf32, #tpu.memory_space<hbm>>
    %dma_wait3A_78 = arith.constant 0 : i32
    %dma_wait3A_79 = tpu.memref_slice %arg4[%add3A_75, %dma_wait3A_78] : memref<416000x64xf32, #tpu.memory_space<hbm>> -> memref<1000x64xf32, #tpu.memory_space<hbm>>
    tpu.wait_dma2 semaphore(%arg11 : memref<!tpu.dma_semaphore, #tpu.memory_space<semaphore_mem>>) src(%arg8 : memref<1000x64xf32, #tpu.memory_space<vmem>>) dst(%dma_wait3A_79 : memref<1000x64xf32, #tpu.memory_space<hbm>>)
    return
  }
}

#map = affine_map<(d0, d1) -> (0, 0)>
#map1 = affine_map<(d0, d1) -> (0)>
module attributes {stable_mosaic.version = 14 : i64} {
  func.func @_sc_gather_body(%arg0: i32, %arg1: i32, %arg2: memref<50000x64xf32, #tpu.memory_space<hbm>>, %arg3: memref<800000xi32, #tpu.memory_space<hbm>>, %arg4: memref<416000x64xf32, #tpu.memory_space<hbm>>, %arg5: memref<1000xi32, #tpu.memory_space<vmem>>, %arg6: memref<1000xi32, #tpu.memory_space<vmem>>, %arg7: memref<1000x64xf32, #tpu.memory_space<vmem>>, %arg8: memref<1000x64xf32, #tpu.memory_space<vmem>>, %arg9: memref<!tpu.dma_semaphore, #tpu.memory_space<semaphore_mem>>, %arg10: memref<!tpu.dma_semaphore, #tpu.memory_space<semaphore_mem>>, %arg11: memref<!tpu.dma_semaphore, #tpu.memory_space<semaphore_mem>>) attributes {dimension_semantics = [#tpu.dimension_semantics<core_parallel>, #tpu.dimension_semantics<subcore_parallel>], iteration_bounds = array<i64: 2, 16>, scalar_prefetch = 0 : i64, scratch_operands = 7 : i64, tpu.core_type = #tpu.core_type<sc_vector_subcore>, window_params = [{transform_indices = #map}, {transform_indices = #map1}, {transform_indices = #map}]} {
    %mul3A = arith.constant 2 : i32
    %mul3A_0 = arith.muli %arg1, %mul3A : i32
    %add3A = arith.addi %mul3A_0, %arg0 : i32
    %mul3A_1 = arith.constant 13000 : i32
    %mul3A_2 = arith.muli %add3A, %mul3A_1 : i32
    %add3A_3 = arith.constant 0 : i32
    %add3A_4 = arith.addi %add3A_3, %mul3A_2 : i32
    %add3A_5 = arith.constant 0 : i32
    %add3A_6 = arith.addi %add3A_4, %add3A_5 : i32
    "tpu.region"() ({
      %run_scoped3A = tpu.sem_alloc : memref<!tpu.dma_semaphore, #tpu.memory_space<semaphore_mem>>
      %dma_start3A_80 = tpu.memref_slice %arg3[%add3A_6] : memref<800000xi32, #tpu.memory_space<hbm>> -> memref<1000xi32, #tpu.memory_space<hbm>>
      %dma_start3A_81 = tpu.memref_slice %arg3[%add3A_6] : memref<800000xi32, #tpu.memory_space<hbm>> -> memref<1000xi32, #tpu.memory_space<hbm>>
      tpu.enqueue_dma source(%dma_start3A_81 : memref<1000xi32, #tpu.memory_space<hbm>>) target(%arg5 : memref<1000xi32, #tpu.memory_space<vmem>>) target_semaphore(%run_scoped3A : memref<!tpu.dma_semaphore, #tpu.memory_space<semaphore_mem>>)
      %dma_wait3A_82 = tpu.memref_slice %arg3[%add3A_6] : memref<800000xi32, #tpu.memory_space<hbm>> -> memref<1000xi32, #tpu.memory_space<hbm>>
      %dma_wait3A_83 = tpu.memref_slice %arg3[%add3A_6] : memref<800000xi32, #tpu.memory_space<hbm>> -> memref<1000xi32, #tpu.memory_space<hbm>>
      tpu.wait_dma2 semaphore(%run_scoped3A : memref<!tpu.dma_semaphore, #tpu.memory_space<semaphore_mem>>) src(%dma_wait3A_83 : memref<1000xi32, #tpu.memory_space<hbm>>) dst(%arg5 : memref<1000xi32, #tpu.memory_space<vmem>>)
      tpu.yield
    }) : () -> ()
    %dma_start3A = arith.constant 0 : i32
    %dma_start3A_7 = arith.constant 0 : i32
    %dma_start3A_8 = tpu.memref_slice %arg2[%dma_start3A, %dma_start3A_7] : memref<50000x64xf32, #tpu.memory_space<hbm>> -> memref<50000x64xf32, #tpu.memory_space<hbm>>
    tpu.enqueue_indirect_dma source(%dma_start3A_8 : memref<50000x64xf32, #tpu.memory_space<hbm>>) target(%arg7 : memref<1000x64xf32, #tpu.memory_space<vmem>>) offsets(%arg5 : memref<1000xi32, #tpu.memory_space<vmem>>) semaphore(%arg9 : memref<!tpu.dma_semaphore, #tpu.memory_space<semaphore_mem>>)
    %dma_wait3A = arith.constant 0 : i32
    %dma_wait3A_9 = arith.constant 0 : i32
    %dma_wait3A_10 = tpu.memref_slice %arg2[%dma_wait3A, %dma_wait3A_9] : memref<50000x64xf32, #tpu.memory_space<hbm>> -> memref<50000x64xf32, #tpu.memory_space<hbm>>
    tpu.wait_indirect_dma semaphore(%arg9 : memref<!tpu.dma_semaphore, #tpu.memory_space<semaphore_mem>>) src(%dma_wait3A_10 : memref<50000x64xf32, #tpu.memory_space<hbm>>) dst(%arg7 : memref<1000x64xf32, #tpu.memory_space<vmem>>)
    %mul3A_11 = arith.constant 13000 : i32
    %mul3A_12 = arith.muli %add3A, %mul3A_11 : i32
    %add3A_13 = arith.constant 0 : i32
    %add3A_14 = arith.addi %mul3A_12, %add3A_13 : i32
    %dma_start3A_15 = arith.constant 0 : i32
    %dma_start3A_16 = tpu.memref_slice %arg4[%add3A_14, %dma_start3A_15] : memref<416000x64xf32, #tpu.memory_space<hbm>> -> memref<1000x64xf32, #tpu.memory_space<hbm>>
    %dma_start3A_17 = arith.constant 0 : i32
    %dma_start3A_18 = tpu.memref_slice %arg4[%add3A_14, %dma_start3A_17] : memref<416000x64xf32, #tpu.memory_space<hbm>> -> memref<1000x64xf32, #tpu.memory_space<hbm>>
    tpu.enqueue_dma source(%arg7 : memref<1000x64xf32, #tpu.memory_space<vmem>>) target(%dma_start3A_18 : memref<1000x64xf32, #tpu.memory_space<hbm>>) target_semaphore(%arg10 : memref<!tpu.dma_semaphore, #tpu.memory_space<semaphore_mem>>)
    %add3A_19 = arith.constant 1000 : i32
    %add3A_20 = arith.addi %add3A_4, %add3A_19 : i32
    "tpu.region"() ({
      %run_scoped3A = tpu.sem_alloc : memref<!tpu.dma_semaphore, #tpu.memory_space<semaphore_mem>>
      %dma_start3A_80 = tpu.memref_slice %arg3[%add3A_20] : memref<800000xi32, #tpu.memory_space<hbm>> -> memref<1000xi32, #tpu.memory_space<hbm>>
      %dma_start3A_81 = tpu.memref_slice %arg3[%add3A_20] : memref<800000xi32, #tpu.memory_space<hbm>> -> memref<1000xi32, #tpu.memory_space<hbm>>
      tpu.enqueue_dma source(%dma_start3A_81 : memref<1000xi32, #tpu.memory_space<hbm>>) target(%arg6 : memref<1000xi32, #tpu.memory_space<vmem>>) target_semaphore(%run_scoped3A : memref<!tpu.dma_semaphore, #tpu.memory_space<semaphore_mem>>)
      %dma_wait3A_82 = tpu.memref_slice %arg3[%add3A_20] : memref<800000xi32, #tpu.memory_space<hbm>> -> memref<1000xi32, #tpu.memory_space<hbm>>
      %dma_wait3A_83 = tpu.memref_slice %arg3[%add3A_20] : memref<800000xi32, #tpu.memory_space<hbm>> -> memref<1000xi32, #tpu.memory_space<hbm>>
      tpu.wait_dma2 semaphore(%run_scoped3A : memref<!tpu.dma_semaphore, #tpu.memory_space<semaphore_mem>>) src(%dma_wait3A_83 : memref<1000xi32, #tpu.memory_space<hbm>>) dst(%arg6 : memref<1000xi32, #tpu.memory_space<vmem>>)
      tpu.yield
    }) : () -> ()
    %dma_start3A_21 = arith.constant 0 : i32
    %dma_start3A_22 = arith.constant 0 : i32
    %dma_start3A_23 = tpu.memref_slice %arg2[%dma_start3A_21, %dma_start3A_22] : memref<50000x64xf32, #tpu.memory_space<hbm>> -> memref<50000x64xf32, #tpu.memory_space<hbm>>
    tpu.enqueue_indirect_dma source(%dma_start3A_23 : memref<50000x64xf32, #tpu.memory_space<hbm>>) target(%arg8 : memref<1000x64xf32, #tpu.memory_space<vmem>>) offsets(%arg6 : memref<1000xi32, #tpu.memory_space<vmem>>) semaphore(%arg9 : memref<!tpu.dma_semaphore, #tpu.memory_space<semaphore_mem>>)
    %dma_wait3A_24 = arith.constant 0 : i32
    %dma_wait3A_25 = arith.constant 0 : i32
    %dma_wait3A_26 = tpu.memref_slice %arg2[%dma_wait3A_24, %dma_wait3A_25] : memref<50000x64xf32, #tpu.memory_space<hbm>> -> memref<50000x64xf32, #tpu.memory_space<hbm>>
    tpu.wait_indirect_dma semaphore(%arg9 : memref<!tpu.dma_semaphore, #tpu.memory_space<semaphore_mem>>) src(%dma_wait3A_26 : memref<50000x64xf32, #tpu.memory_space<hbm>>) dst(%arg8 : memref<1000x64xf32, #tpu.memory_space<vmem>>)
    %mul3A_27 = arith.constant 13000 : i32
    %mul3A_28 = arith.muli %add3A, %mul3A_27 : i32
    %add3A_29 = arith.constant 1000 : i32
    %add3A_30 = arith.addi %mul3A_28, %add3A_29 : i32
    %dma_start3A_31 = arith.constant 0 : i32
    %dma_start3A_32 = tpu.memref_slice %arg4[%add3A_30, %dma_start3A_31] : memref<416000x64xf32, #tpu.memory_space<hbm>> -> memref<1000x64xf32, #tpu.memory_space<hbm>>
    %dma_start3A_33 = arith.constant 0 : i32
    %dma_start3A_34 = tpu.memref_slice %arg4[%add3A_30, %dma_start3A_33] : memref<416000x64xf32, #tpu.memory_space<hbm>> -> memref<1000x64xf32, #tpu.memory_space<hbm>>
    tpu.enqueue_dma source(%arg8 : memref<1000x64xf32, #tpu.memory_space<vmem>>) target(%dma_start3A_34 : memref<1000x64xf32, #tpu.memory_space<hbm>>) target_semaphore(%arg11 : memref<!tpu.dma_semaphore, #tpu.memory_space<semaphore_mem>>)
    %scan3A = arith.constant 0 : i32
    %scan3A_35 = arith.constant 1 : i32
    %scan3A_36 = arith.constant 5 : i32
    %scan3A_37 = arith.addi %scan3A_35, %scan3A_36 : i32
    %scan3A_38 = arith.constant 1 : i32
    scf.for %scan3A_80 = %scan3A_35 to %scan3A_37 step %scan3A_38  : i32 {
      %mul3A_81 = arith.constant 2 : i32
      %mul3A_82 = arith.muli %mul3A_81, %scan3A_80 : i32
      %sub3A = arith.constant 2 : i32
      %sub3A_83 = arith.subi %mul3A_82, %sub3A : i32
      %mul3A_84 = arith.constant 13000 : i32
      %mul3A_85 = arith.muli %add3A, %mul3A_84 : i32
      %mul3A_86 = arith.constant 1000 : i32
      %mul3A_87 = arith.muli %sub3A_83, %mul3A_86 : i32
      %add3A_88 = arith.addi %mul3A_85, %mul3A_87 : i32
      %dma_wait3A_89 = arith.constant 0 : i32
      %dma_wait3A_90 = tpu.memref_slice %arg4[%add3A_88, %dma_wait3A_89] : memref<416000x64xf32, #tpu.memory_space<hbm>> -> memref<1000x64xf32, #tpu.memory_space<hbm>>
      %dma_wait3A_91 = arith.constant 0 : i32
      %dma_wait3A_92 = tpu.memref_slice %arg4[%add3A_88, %dma_wait3A_91] : memref<416000x64xf32, #tpu.memory_space<hbm>> -> memref<1000x64xf32, #tpu.memory_space<hbm>>
      tpu.wait_dma2 semaphore(%arg10 : memref<!tpu.dma_semaphore, #tpu.memory_space<semaphore_mem>>) src(%arg7 : memref<1000x64xf32, #tpu.memory_space<vmem>>) dst(%dma_wait3A_92 : memref<1000x64xf32, #tpu.memory_space<hbm>>)
      %mul3A_93 = arith.constant 1000 : i32
      %mul3A_94 = arith.muli %mul3A_82, %mul3A_93 : i32
      %add3A_95 = arith.addi %add3A_4, %mul3A_94 : i32
      "tpu.region"() ({
        %run_scoped3A = tpu.sem_alloc : memref<!tpu.dma_semaphore, #tpu.memory_space<semaphore_mem>>
        %dma_start3A_144 = tpu.memref_slice %arg3[%add3A_95] : memref<800000xi32, #tpu.memory_space<hbm>> -> memref<1000xi32, #tpu.memory_space<hbm>>
        %dma_start3A_145 = tpu.memref_slice %arg3[%add3A_95] : memref<800000xi32, #tpu.memory_space<hbm>> -> memref<1000xi32, #tpu.memory_space<hbm>>
        tpu.enqueue_dma source(%dma_start3A_145 : memref<1000xi32, #tpu.memory_space<hbm>>) target(%arg5 : memref<1000xi32, #tpu.memory_space<vmem>>) target_semaphore(%run_scoped3A : memref<!tpu.dma_semaphore, #tpu.memory_space<semaphore_mem>>)
        %dma_wait3A_146 = tpu.memref_slice %arg3[%add3A_95] : memref<800000xi32, #tpu.memory_space<hbm>> -> memref<1000xi32, #tpu.memory_space<hbm>>
        %dma_wait3A_147 = tpu.memref_slice %arg3[%add3A_95] : memref<800000xi32, #tpu.memory_space<hbm>> -> memref<1000xi32, #tpu.memory_space<hbm>>
        tpu.wait_dma2 semaphore(%run_scoped3A : memref<!tpu.dma_semaphore, #tpu.memory_space<semaphore_mem>>) src(%dma_wait3A_147 : memref<1000xi32, #tpu.memory_space<hbm>>) dst(%arg5 : memref<1000xi32, #tpu.memory_space<vmem>>)
        tpu.yield
      }) : () -> ()
      %dma_start3A_96 = arith.constant 0 : i32
      %dma_start3A_97 = arith.constant 0 : i32
      %dma_start3A_98 = tpu.memref_slice %arg2[%dma_start3A_96, %dma_start3A_97] : memref<50000x64xf32, #tpu.memory_space<hbm>> -> memref<50000x64xf32, #tpu.memory_space<hbm>>
      tpu.enqueue_indirect_dma source(%dma_start3A_98 : memref<50000x64xf32, #tpu.memory_space<hbm>>) target(%arg7 : memref<1000x64xf32, #tpu.memory_space<vmem>>) offsets(%arg5 : memref<1000xi32, #tpu.memory_space<vmem>>) semaphore(%arg9 : memref<!tpu.dma_semaphore, #tpu.memory_space<semaphore_mem>>)
      %dma_wait3A_99 = arith.constant 0 : i32
      %dma_wait3A_100 = arith.constant 0 : i32
      %dma_wait3A_101 = tpu.memref_slice %arg2[%dma_wait3A_99, %dma_wait3A_100] : memref<50000x64xf32, #tpu.memory_space<hbm>> -> memref<50000x64xf32, #tpu.memory_space<hbm>>
      tpu.wait_indirect_dma semaphore(%arg9 : memref<!tpu.dma_semaphore, #tpu.memory_space<semaphore_mem>>) src(%dma_wait3A_101 : memref<50000x64xf32, #tpu.memory_space<hbm>>) dst(%arg7 : memref<1000x64xf32, #tpu.memory_space<vmem>>)
      %mul3A_102 = arith.constant 13000 : i32
      %mul3A_103 = arith.muli %add3A, %mul3A_102 : i32
      %mul3A_104 = arith.constant 1000 : i32
      %mul3A_105 = arith.muli %mul3A_82, %mul3A_104 : i32
      %add3A_106 = arith.addi %mul3A_103, %mul3A_105 : i32
      %dma_start3A_107 = arith.constant 0 : i32
      %dma_start3A_108 = tpu.memref_slice %arg4[%add3A_106, %dma_start3A_107] : memref<416000x64xf32, #tpu.memory_space<hbm>> -> memref<1000x64xf32, #tpu.memory_space<hbm>>
      %dma_start3A_109 = arith.constant 0 : i32
      %dma_start3A_110 = tpu.memref_slice %arg4[%add3A_106, %dma_start3A_109] : memref<416000x64xf32, #tpu.memory_space<hbm>> -> memref<1000x64xf32, #tpu.memory_space<hbm>>
      tpu.enqueue_dma source(%arg7 : memref<1000x64xf32, #tpu.memory_space<vmem>>) target(%dma_start3A_110 : memref<1000x64xf32, #tpu.memory_space<hbm>>) target_semaphore(%arg10 : memref<!tpu.dma_semaphore, #tpu.memory_space<semaphore_mem>>)
      %sub3A_111 = arith.constant 1 : i32
      %sub3A_112 = arith.subi %mul3A_82, %sub3A_111 : i32
      %mul3A_113 = arith.constant 13000 : i32
      %mul3A_114 = arith.muli %add3A, %mul3A_113 : i32
      %mul3A_115 = arith.constant 1000 : i32
      %mul3A_116 = arith.muli %sub3A_112, %mul3A_115 : i32
      %add3A_117 = arith.addi %mul3A_114, %mul3A_116 : i32
      %dma_wait3A_118 = arith.constant 0 : i32
      %dma_wait3A_119 = tpu.memref_slice %arg4[%add3A_117, %dma_wait3A_118] : memref<416000x64xf32, #tpu.memory_space<hbm>> -> memref<1000x64xf32, #tpu.memory_space<hbm>>
      %dma_wait3A_120 = arith.constant 0 : i32
      %dma_wait3A_121 = tpu.memref_slice %arg4[%add3A_117, %dma_wait3A_120] : memref<416000x64xf32, #tpu.memory_space<hbm>> -> memref<1000x64xf32, #tpu.memory_space<hbm>>
      tpu.wait_dma2 semaphore(%arg11 : memref<!tpu.dma_semaphore, #tpu.memory_space<semaphore_mem>>) src(%arg8 : memref<1000x64xf32, #tpu.memory_space<vmem>>) dst(%dma_wait3A_121 : memref<1000x64xf32, #tpu.memory_space<hbm>>)
      %add3A_122 = arith.constant 1 : i32
      %add3A_123 = arith.addi %mul3A_82, %add3A_122 : i32
      %mul3A_124 = arith.constant 1000 : i32
      %mul3A_125 = arith.muli %add3A_123, %mul3A_124 : i32
      %add3A_126 = arith.addi %add3A_4, %mul3A_125 : i32
      "tpu.region"() ({
        %run_scoped3A = tpu.sem_alloc : memref<!tpu.dma_semaphore, #tpu.memory_space<semaphore_mem>>
        %dma_start3A_144 = tpu.memref_slice %arg3[%add3A_126] : memref<800000xi32, #tpu.memory_space<hbm>> -> memref<1000xi32, #tpu.memory_space<hbm>>
        %dma_start3A_145 = tpu.memref_slice %arg3[%add3A_126] : memref<800000xi32, #tpu.memory_space<hbm>> -> memref<1000xi32, #tpu.memory_space<hbm>>
        tpu.enqueue_dma source(%dma_start3A_145 : memref<1000xi32, #tpu.memory_space<hbm>>) target(%arg6 : memref<1000xi32, #tpu.memory_space<vmem>>) target_semaphore(%run_scoped3A : memref<!tpu.dma_semaphore, #tpu.memory_space<semaphore_mem>>)
        %dma_wait3A_146 = tpu.memref_slice %arg3[%add3A_126] : memref<800000xi32, #tpu.memory_space<hbm>> -> memref<1000xi32, #tpu.memory_space<hbm>>
        %dma_wait3A_147 = tpu.memref_slice %arg3[%add3A_126] : memref<800000xi32, #tpu.memory_space<hbm>> -> memref<1000xi32, #tpu.memory_space<hbm>>
        tpu.wait_dma2 semaphore(%run_scoped3A : memref<!tpu.dma_semaphore, #tpu.memory_space<semaphore_mem>>) src(%dma_wait3A_147 : memref<1000xi32, #tpu.memory_space<hbm>>) dst(%arg6 : memref<1000xi32, #tpu.memory_space<vmem>>)
        tpu.yield
      }) : () -> ()
      %dma_start3A_127 = arith.constant 0 : i32
      %dma_start3A_128 = arith.constant 0 : i32
      %dma_start3A_129 = tpu.memref_slice %arg2[%dma_start3A_127, %dma_start3A_128] : memref<50000x64xf32, #tpu.memory_space<hbm>> -> memref<50000x64xf32, #tpu.memory_space<hbm>>
      tpu.enqueue_indirect_dma source(%dma_start3A_129 : memref<50000x64xf32, #tpu.memory_space<hbm>>) target(%arg8 : memref<1000x64xf32, #tpu.memory_space<vmem>>) offsets(%arg6 : memref<1000xi32, #tpu.memory_space<vmem>>) semaphore(%arg9 : memref<!tpu.dma_semaphore, #tpu.memory_space<semaphore_mem>>)
      %dma_wait3A_130 = arith.constant 0 : i32
      %dma_wait3A_131 = arith.constant 0 : i32
      %dma_wait3A_132 = tpu.memref_slice %arg2[%dma_wait3A_130, %dma_wait3A_131] : memref<50000x64xf32, #tpu.memory_space<hbm>> -> memref<50000x64xf32, #tpu.memory_space<hbm>>
      tpu.wait_indirect_dma semaphore(%arg9 : memref<!tpu.dma_semaphore, #tpu.memory_space<semaphore_mem>>) src(%dma_wait3A_132 : memref<50000x64xf32, #tpu.memory_space<hbm>>) dst(%arg8 : memref<1000x64xf32, #tpu.memory_space<vmem>>)
      %add3A_133 = arith.constant 1 : i32
      %add3A_134 = arith.addi %mul3A_82, %add3A_133 : i32
      %mul3A_135 = arith.constant 13000 : i32
      %mul3A_136 = arith.muli %add3A, %mul3A_135 : i32
      %mul3A_137 = arith.constant 1000 : i32
      %mul3A_138 = arith.muli %add3A_134, %mul3A_137 : i32
      %add3A_139 = arith.addi %mul3A_136, %mul3A_138 : i32
      %dma_start3A_140 = arith.constant 0 : i32
      %dma_start3A_141 = tpu.memref_slice %arg4[%add3A_139, %dma_start3A_140] : memref<416000x64xf32, #tpu.memory_space<hbm>> -> memref<1000x64xf32, #tpu.memory_space<hbm>>
      %dma_start3A_142 = arith.constant 0 : i32
      %dma_start3A_143 = tpu.memref_slice %arg4[%add3A_139, %dma_start3A_142] : memref<416000x64xf32, #tpu.memory_space<hbm>> -> memref<1000x64xf32, #tpu.memory_space<hbm>>
      tpu.enqueue_dma source(%arg8 : memref<1000x64xf32, #tpu.memory_space<vmem>>) target(%dma_start3A_143 : memref<1000x64xf32, #tpu.memory_space<hbm>>) target_semaphore(%arg11 : memref<!tpu.dma_semaphore, #tpu.memory_space<semaphore_mem>>)
    }
    %scan3A_39 = arith.constant 5 : i32
    %mul3A_40 = arith.constant 13000 : i32
    %mul3A_41 = arith.muli %add3A, %mul3A_40 : i32
    %add3A_42 = arith.constant 10000 : i32
    %add3A_43 = arith.addi %mul3A_41, %add3A_42 : i32
    %dma_wait3A_44 = arith.constant 0 : i32
    %dma_wait3A_45 = tpu.memref_slice %arg4[%add3A_43, %dma_wait3A_44] : memref<416000x64xf32, #tpu.memory_space<hbm>> -> memref<1000x64xf32, #tpu.memory_space<hbm>>
    %dma_wait3A_46 = arith.constant 0 : i32
    %dma_wait3A_47 = tpu.memref_slice %arg4[%add3A_43, %dma_wait3A_46] : memref<416000x64xf32, #tpu.memory_space<hbm>> -> memref<1000x64xf32, #tpu.memory_space<hbm>>
    tpu.wait_dma2 semaphore(%arg10 : memref<!tpu.dma_semaphore, #tpu.memory_space<semaphore_mem>>) src(%arg7 : memref<1000x64xf32, #tpu.memory_space<vmem>>) dst(%dma_wait3A_47 : memref<1000x64xf32, #tpu.memory_space<hbm>>)
    %add3A_48 = arith.constant 12000 : i32
    %add3A_49 = arith.addi %add3A_4, %add3A_48 : i32
    "tpu.region"() ({
      %run_scoped3A = tpu.sem_alloc : memref<!tpu.dma_semaphore, #tpu.memory_space<semaphore_mem>>
      %dma_start3A_80 = tpu.memref_slice %arg3[%add3A_49] : memref<800000xi32, #tpu.memory_space<hbm>> -> memref<1000xi32, #tpu.memory_space<hbm>>
      %dma_start3A_81 = tpu.memref_slice %arg3[%add3A_49] : memref<800000xi32, #tpu.memory_space<hbm>> -> memref<1000xi32, #tpu.memory_space<hbm>>
      tpu.enqueue_dma source(%dma_start3A_81 : memref<1000xi32, #tpu.memory_space<hbm>>) target(%arg5 : memref<1000xi32, #tpu.memory_space<vmem>>) target_semaphore(%run_scoped3A : memref<!tpu.dma_semaphore, #tpu.memory_space<semaphore_mem>>)
      %dma_wait3A_82 = tpu.memref_slice %arg3[%add3A_49] : memref<800000xi32, #tpu.memory_space<hbm>> -> memref<1000xi32, #tpu.memory_space<hbm>>
      %dma_wait3A_83 = tpu.memref_slice %arg3[%add3A_49] : memref<800000xi32, #tpu.memory_space<hbm>> -> memref<1000xi32, #tpu.memory_space<hbm>>
      tpu.wait_dma2 semaphore(%run_scoped3A : memref<!tpu.dma_semaphore, #tpu.memory_space<semaphore_mem>>) src(%dma_wait3A_83 : memref<1000xi32, #tpu.memory_space<hbm>>) dst(%arg5 : memref<1000xi32, #tpu.memory_space<vmem>>)
      tpu.yield
    }) : () -> ()
    %dma_start3A_50 = arith.constant 0 : i32
    %dma_start3A_51 = arith.constant 0 : i32
    %dma_start3A_52 = tpu.memref_slice %arg2[%dma_start3A_50, %dma_start3A_51] : memref<50000x64xf32, #tpu.memory_space<hbm>> -> memref<50000x64xf32, #tpu.memory_space<hbm>>
    tpu.enqueue_indirect_dma source(%dma_start3A_52 : memref<50000x64xf32, #tpu.memory_space<hbm>>) target(%arg7 : memref<1000x64xf32, #tpu.memory_space<vmem>>) offsets(%arg5 : memref<1000xi32, #tpu.memory_space<vmem>>) semaphore(%arg9 : memref<!tpu.dma_semaphore, #tpu.memory_space<semaphore_mem>>)
    %dma_wait3A_53 = arith.constant 0 : i32
    %dma_wait3A_54 = arith.constant 0 : i32
    %dma_wait3A_55 = tpu.memref_slice %arg2[%dma_wait3A_53, %dma_wait3A_54] : memref<50000x64xf32, #tpu.memory_space<hbm>> -> memref<50000x64xf32, #tpu.memory_space<hbm>>
    tpu.wait_indirect_dma semaphore(%arg9 : memref<!tpu.dma_semaphore, #tpu.memory_space<semaphore_mem>>) src(%dma_wait3A_55 : memref<50000x64xf32, #tpu.memory_space<hbm>>) dst(%arg7 : memref<1000x64xf32, #tpu.memory_space<vmem>>)
    %mul3A_56 = arith.constant 13000 : i32
    %mul3A_57 = arith.muli %add3A, %mul3A_56 : i32
    %add3A_58 = arith.constant 12000 : i32
    %add3A_59 = arith.addi %mul3A_57, %add3A_58 : i32
    %dma_start3A_60 = arith.constant 0 : i32
    %dma_start3A_61 = tpu.memref_slice %arg4[%add3A_59, %dma_start3A_60] : memref<416000x64xf32, #tpu.memory_space<hbm>> -> memref<1000x64xf32, #tpu.memory_space<hbm>>
    %dma_start3A_62 = arith.constant 0 : i32
    %dma_start3A_63 = tpu.memref_slice %arg4[%add3A_59, %dma_start3A_62] : memref<416000x64xf32, #tpu.memory_space<hbm>> -> memref<1000x64xf32, #tpu.memory_space<hbm>>
    tpu.enqueue_dma source(%arg7 : memref<1000x64xf32, #tpu.memory_space<vmem>>) target(%dma_start3A_63 : memref<1000x64xf32, #tpu.memory_space<hbm>>) target_semaphore(%arg10 : memref<!tpu.dma_semaphore, #tpu.memory_space<semaphore_mem>>)
    %mul3A_64 = arith.constant 13000 : i32
    %mul3A_65 = arith.muli %add3A, %mul3A_64 : i32
    %add3A_66 = arith.constant 12000 : i32
    %add3A_67 = arith.addi %mul3A_65, %add3A_66 : i32
    %dma_wait3A_68 = arith.constant 0 : i32
    %dma_wait3A_69 = tpu.memref_slice %arg4[%add3A_67, %dma_wait3A_68] : memref<416000x64xf32, #tpu.memory_space<hbm>> -> memref<1000x64xf32, #tpu.memory_space<hbm>>
    %dma_wait3A_70 = arith.constant 0 : i32
    %dma_wait3A_71 = tpu.memref_slice %arg4[%add3A_67, %dma_wait3A_70] : memref<416000x64xf32, #tpu.memory_space<hbm>> -> memref<1000x64xf32, #tpu.memory_space<hbm>>
    tpu.wait_dma2 semaphore(%arg10 : memref<!tpu.dma_semaphore, #tpu.memory_space<semaphore_mem>>) src(%arg7 : memref<1000x64xf32, #tpu.memory_space<vmem>>) dst(%dma_wait3A_71 : memref<1000x64xf32, #tpu.memory_space<hbm>>)
    %mul3A_72 = arith.constant 13000 : i32
    %mul3A_73 = arith.muli %add3A, %mul3A_72 : i32
    %add3A_74 = arith.constant 11000 : i32
    %add3A_75 = arith.addi %mul3A_73, %add3A_74 : i32
    %dma_wait3A_76 = arith.constant 0 : i32
    %dma_wait3A_77 = tpu.memref_slice %arg4[%add3A_75, %dma_wait3A_76] : memref<416000x64xf32, #tpu.memory_space<hbm>> -> memref<1000x64xf32, #tpu.memory_space<hbm>>
    %dma_wait3A_78 = arith.constant 0 : i32
    %dma_wait3A_79 = tpu.memref_slice %arg4[%add3A_75, %dma_wait3A_78] : memref<416000x64xf32, #tpu.memory_space<hbm>> -> memref<1000x64xf32, #tpu.memory_space<hbm>>
    tpu.wait_dma2 semaphore(%arg11 : memref<!tpu.dma_semaphore, #tpu.memory_space<semaphore_mem>>) src(%arg8 : memref<1000x64xf32, #tpu.memory_space<vmem>>) dst(%dma_wait3A_79 : memref<1000x64xf32, #tpu.memory_space<hbm>>)
    return
  }
}

#map = affine_map<(d0, d1) -> (0, 0)>
#map1 = affine_map<(d0, d1) -> (0)>
module attributes {stable_mosaic.version = 14 : i64} {
  func.func @_sc_gather_body(%arg0: i32, %arg1: i32, %arg2: memref<50000x64xf32, #tpu.memory_space<hbm>>, %arg3: memref<800000xi32, #tpu.memory_space<hbm>>, %arg4: memref<384000x64xf32, #tpu.memory_space<hbm>>, %arg5: memref<1000xi32, #tpu.memory_space<vmem>>, %arg6: memref<1000xi32, #tpu.memory_space<vmem>>, %arg7: memref<1000x64xf32, #tpu.memory_space<vmem>>, %arg8: memref<1000x64xf32, #tpu.memory_space<vmem>>, %arg9: memref<!tpu.dma_semaphore, #tpu.memory_space<semaphore_mem>>, %arg10: memref<!tpu.dma_semaphore, #tpu.memory_space<semaphore_mem>>, %arg11: memref<!tpu.dma_semaphore, #tpu.memory_space<semaphore_mem>>) attributes {dimension_semantics = [#tpu.dimension_semantics<core_parallel>, #tpu.dimension_semantics<subcore_parallel>], iteration_bounds = array<i64: 2, 16>, scalar_prefetch = 0 : i64, scratch_operands = 7 : i64, tpu.core_type = #tpu.core_type<sc_vector_subcore>, window_params = [{transform_indices = #map}, {transform_indices = #map1}, {transform_indices = #map}]} {
    %mul3A = arith.constant 2 : i32
    %mul3A_0 = arith.muli %arg1, %mul3A : i32
    %add3A = arith.addi %mul3A_0, %arg0 : i32
    %mul3A_1 = arith.constant 12000 : i32
    %mul3A_2 = arith.muli %add3A, %mul3A_1 : i32
    %add3A_3 = arith.constant 416000 : i32
    %add3A_4 = arith.addi %add3A_3, %mul3A_2 : i32
    %add3A_5 = arith.constant 0 : i32
    %add3A_6 = arith.addi %add3A_4, %add3A_5 : i32
    "tpu.region"() ({
      %run_scoped3A = tpu.sem_alloc : memref<!tpu.dma_semaphore, #tpu.memory_space<semaphore_mem>>
      %dma_start3A_56 = tpu.memref_slice %arg3[%add3A_6] : memref<800000xi32, #tpu.memory_space<hbm>> -> memref<1000xi32, #tpu.memory_space<hbm>>
      %dma_start3A_57 = tpu.memref_slice %arg3[%add3A_6] : memref<800000xi32, #tpu.memory_space<hbm>> -> memref<1000xi32, #tpu.memory_space<hbm>>
      tpu.enqueue_dma source(%dma_start3A_57 : memref<1000xi32, #tpu.memory_space<hbm>>) target(%arg5 : memref<1000xi32, #tpu.memory_space<vmem>>) target_semaphore(%run_scoped3A : memref<!tpu.dma_semaphore, #tpu.memory_space<semaphore_mem>>)
      %dma_wait3A_58 = tpu.memref_slice %arg3[%add3A_6] : memref<800000xi32, #tpu.memory_space<hbm>> -> memref<1000xi32, #tpu.memory_space<hbm>>
      %dma_wait3A_59 = tpu.memref_slice %arg3[%add3A_6] : memref<800000xi32, #tpu.memory_space<hbm>> -> memref<1000xi32, #tpu.memory_space<hbm>>
      tpu.wait_dma2 semaphore(%run_scoped3A : memref<!tpu.dma_semaphore, #tpu.memory_space<semaphore_mem>>) src(%dma_wait3A_59 : memref<1000xi32, #tpu.memory_space<hbm>>) dst(%arg5 : memref<1000xi32, #tpu.memory_space<vmem>>)
      tpu.yield
    }) : () -> ()
    %dma_start3A = arith.constant 0 : i32
    %dma_start3A_7 = arith.constant 0 : i32
    %dma_start3A_8 = tpu.memref_slice %arg2[%dma_start3A, %dma_start3A_7] : memref<50000x64xf32, #tpu.memory_space<hbm>> -> memref<50000x64xf32, #tpu.memory_space<hbm>>
    tpu.enqueue_indirect_dma source(%dma_start3A_8 : memref<50000x64xf32, #tpu.memory_space<hbm>>) target(%arg7 : memref<1000x64xf32, #tpu.memory_space<vmem>>) offsets(%arg5 : memref<1000xi32, #tpu.memory_space<vmem>>) semaphore(%arg9 : memref<!tpu.dma_semaphore, #tpu.memory_space<semaphore_mem>>)
    %dma_wait3A = arith.constant 0 : i32
    %dma_wait3A_9 = arith.constant 0 : i32
    %dma_wait3A_10 = tpu.memref_slice %arg2[%dma_wait3A, %dma_wait3A_9] : memref<50000x64xf32, #tpu.memory_space<hbm>> -> memref<50000x64xf32, #tpu.memory_space<hbm>>
    tpu.wait_indirect_dma semaphore(%arg9 : memref<!tpu.dma_semaphore, #tpu.memory_space<semaphore_mem>>) src(%dma_wait3A_10 : memref<50000x64xf32, #tpu.memory_space<hbm>>) dst(%arg7 : memref<1000x64xf32, #tpu.memory_space<vmem>>)
    %mul3A_11 = arith.constant 12000 : i32
    %mul3A_12 = arith.muli %add3A, %mul3A_11 : i32
    %add3A_13 = arith.constant 0 : i32
    %add3A_14 = arith.addi %mul3A_12, %add3A_13 : i32
    %dma_start3A_15 = arith.constant 0 : i32
    %dma_start3A_16 = tpu.memref_slice %arg4[%add3A_14, %dma_start3A_15] : memref<384000x64xf32, #tpu.memory_space<hbm>> -> memref<1000x64xf32, #tpu.memory_space<hbm>>
    %dma_start3A_17 = arith.constant 0 : i32
    %dma_start3A_18 = tpu.memref_slice %arg4[%add3A_14, %dma_start3A_17] : memref<384000x64xf32, #tpu.memory_space<hbm>> -> memref<1000x64xf32, #tpu.memory_space<hbm>>
    tpu.enqueue_dma source(%arg7 : memref<1000x64xf32, #tpu.memory_space<vmem>>) target(%dma_start3A_18 : memref<1000x64xf32, #tpu.memory_space<hbm>>) target_semaphore(%arg10 : memref<!tpu.dma_semaphore, #tpu.memory_space<semaphore_mem>>)
    %add3A_19 = arith.constant 1000 : i32
    %add3A_20 = arith.addi %add3A_4, %add3A_19 : i32
    "tpu.region"() ({
      %run_scoped3A = tpu.sem_alloc : memref<!tpu.dma_semaphore, #tpu.memory_space<semaphore_mem>>
      %dma_start3A_56 = tpu.memref_slice %arg3[%add3A_20] : memref<800000xi32, #tpu.memory_space<hbm>> -> memref<1000xi32, #tpu.memory_space<hbm>>
      %dma_start3A_57 = tpu.memref_slice %arg3[%add3A_20] : memref<800000xi32, #tpu.memory_space<hbm>> -> memref<1000xi32, #tpu.memory_space<hbm>>
      tpu.enqueue_dma source(%dma_start3A_57 : memref<1000xi32, #tpu.memory_space<hbm>>) target(%arg6 : memref<1000xi32, #tpu.memory_space<vmem>>) target_semaphore(%run_scoped3A : memref<!tpu.dma_semaphore, #tpu.memory_space<semaphore_mem>>)
      %dma_wait3A_58 = tpu.memref_slice %arg3[%add3A_20] : memref<800000xi32, #tpu.memory_space<hbm>> -> memref<1000xi32, #tpu.memory_space<hbm>>
      %dma_wait3A_59 = tpu.memref_slice %arg3[%add3A_20] : memref<800000xi32, #tpu.memory_space<hbm>> -> memref<1000xi32, #tpu.memory_space<hbm>>
      tpu.wait_dma2 semaphore(%run_scoped3A : memref<!tpu.dma_semaphore, #tpu.memory_space<semaphore_mem>>) src(%dma_wait3A_59 : memref<1000xi32, #tpu.memory_space<hbm>>) dst(%arg6 : memref<1000xi32, #tpu.memory_space<vmem>>)
      tpu.yield
    }) : () -> ()
    %dma_start3A_21 = arith.constant 0 : i32
    %dma_start3A_22 = arith.constant 0 : i32
    %dma_start3A_23 = tpu.memref_slice %arg2[%dma_start3A_21, %dma_start3A_22] : memref<50000x64xf32, #tpu.memory_space<hbm>> -> memref<50000x64xf32, #tpu.memory_space<hbm>>
    tpu.enqueue_indirect_dma source(%dma_start3A_23 : memref<50000x64xf32, #tpu.memory_space<hbm>>) target(%arg8 : memref<1000x64xf32, #tpu.memory_space<vmem>>) offsets(%arg6 : memref<1000xi32, #tpu.memory_space<vmem>>) semaphore(%arg9 : memref<!tpu.dma_semaphore, #tpu.memory_space<semaphore_mem>>)
    %dma_wait3A_24 = arith.constant 0 : i32
    %dma_wait3A_25 = arith.constant 0 : i32
    %dma_wait3A_26 = tpu.memref_slice %arg2[%dma_wait3A_24, %dma_wait3A_25] : memref<50000x64xf32, #tpu.memory_space<hbm>> -> memref<50000x64xf32, #tpu.memory_space<hbm>>
    tpu.wait_indirect_dma semaphore(%arg9 : memref<!tpu.dma_semaphore, #tpu.memory_space<semaphore_mem>>) src(%dma_wait3A_26 : memref<50000x64xf32, #tpu.memory_space<hbm>>) dst(%arg8 : memref<1000x64xf32, #tpu.memory_space<vmem>>)
    %mul3A_27 = arith.constant 12000 : i32
    %mul3A_28 = arith.muli %add3A, %mul3A_27 : i32
    %add3A_29 = arith.constant 1000 : i32
    %add3A_30 = arith.addi %mul3A_28, %add3A_29 : i32
    %dma_start3A_31 = arith.constant 0 : i32
    %dma_start3A_32 = tpu.memref_slice %arg4[%add3A_30, %dma_start3A_31] : memref<384000x64xf32, #tpu.memory_space<hbm>> -> memref<1000x64xf32, #tpu.memory_space<hbm>>
    %dma_start3A_33 = arith.constant 0 : i32
    %dma_start3A_34 = tpu.memref_slice %arg4[%add3A_30, %dma_start3A_33] : memref<384000x64xf32, #tpu.memory_space<hbm>> -> memref<1000x64xf32, #tpu.memory_space<hbm>>
    tpu.enqueue_dma source(%arg8 : memref<1000x64xf32, #tpu.memory_space<vmem>>) target(%dma_start3A_34 : memref<1000x64xf32, #tpu.memory_space<hbm>>) target_semaphore(%arg11 : memref<!tpu.dma_semaphore, #tpu.memory_space<semaphore_mem>>)
    %scan3A = arith.constant 0 : i32
    %scan3A_35 = arith.constant 1 : i32
    %scan3A_36 = arith.constant 5 : i32
    %scan3A_37 = arith.addi %scan3A_35, %scan3A_36 : i32
    %scan3A_38 = arith.constant 1 : i32
    scf.for %scan3A_56 = %scan3A_35 to %scan3A_37 step %scan3A_38  : i32 {
      %mul3A_57 = arith.constant 2 : i32
      %mul3A_58 = arith.muli %mul3A_57, %scan3A_56 : i32
      %sub3A = arith.constant 2 : i32
      %sub3A_59 = arith.subi %mul3A_58, %sub3A : i32
      %mul3A_60 = arith.constant 12000 : i32
      %mul3A_61 = arith.muli %add3A, %mul3A_60 : i32
      %mul3A_62 = arith.constant 1000 : i32
      %mul3A_63 = arith.muli %sub3A_59, %mul3A_62 : i32
      %add3A_64 = arith.addi %mul3A_61, %mul3A_63 : i32
      %dma_wait3A_65 = arith.constant 0 : i32
      %dma_wait3A_66 = tpu.memref_slice %arg4[%add3A_64, %dma_wait3A_65] : memref<384000x64xf32, #tpu.memory_space<hbm>> -> memref<1000x64xf32, #tpu.memory_space<hbm>>
      %dma_wait3A_67 = arith.constant 0 : i32
      %dma_wait3A_68 = tpu.memref_slice %arg4[%add3A_64, %dma_wait3A_67] : memref<384000x64xf32, #tpu.memory_space<hbm>> -> memref<1000x64xf32, #tpu.memory_space<hbm>>
      tpu.wait_dma2 semaphore(%arg10 : memref<!tpu.dma_semaphore, #tpu.memory_space<semaphore_mem>>) src(%arg7 : memref<1000x64xf32, #tpu.memory_space<vmem>>) dst(%dma_wait3A_68 : memref<1000x64xf32, #tpu.memory_space<hbm>>)
      %mul3A_69 = arith.constant 1000 : i32
      %mul3A_70 = arith.muli %mul3A_58, %mul3A_69 : i32
      %add3A_71 = arith.addi %add3A_4, %mul3A_70 : i32
      "tpu.region"() ({
        %run_scoped3A = tpu.sem_alloc : memref<!tpu.dma_semaphore, #tpu.memory_space<semaphore_mem>>
        %dma_start3A_120 = tpu.memref_slice %arg3[%add3A_71] : memref<800000xi32, #tpu.memory_space<hbm>> -> memref<1000xi32, #tpu.memory_space<hbm>>
        %dma_start3A_121 = tpu.memref_slice %arg3[%add3A_71] : memref<800000xi32, #tpu.memory_space<hbm>> -> memref<1000xi32, #tpu.memory_space<hbm>>
        tpu.enqueue_dma source(%dma_start3A_121 : memref<1000xi32, #tpu.memory_space<hbm>>) target(%arg5 : memref<1000xi32, #tpu.memory_space<vmem>>) target_semaphore(%run_scoped3A : memref<!tpu.dma_semaphore, #tpu.memory_space<semaphore_mem>>)
        %dma_wait3A_122 = tpu.memref_slice %arg3[%add3A_71] : memref<800000xi32, #tpu.memory_space<hbm>> -> memref<1000xi32, #tpu.memory_space<hbm>>
        %dma_wait3A_123 = tpu.memref_slice %arg3[%add3A_71] : memref<800000xi32, #tpu.memory_space<hbm>> -> memref<1000xi32, #tpu.memory_space<hbm>>
        tpu.wait_dma2 semaphore(%run_scoped3A : memref<!tpu.dma_semaphore, #tpu.memory_space<semaphore_mem>>) src(%dma_wait3A_123 : memref<1000xi32, #tpu.memory_space<hbm>>) dst(%arg5 : memref<1000xi32, #tpu.memory_space<vmem>>)
        tpu.yield
      }) : () -> ()
      %dma_start3A_72 = arith.constant 0 : i32
      %dma_start3A_73 = arith.constant 0 : i32
      %dma_start3A_74 = tpu.memref_slice %arg2[%dma_start3A_72, %dma_start3A_73] : memref<50000x64xf32, #tpu.memory_space<hbm>> -> memref<50000x64xf32, #tpu.memory_space<hbm>>
      tpu.enqueue_indirect_dma source(%dma_start3A_74 : memref<50000x64xf32, #tpu.memory_space<hbm>>) target(%arg7 : memref<1000x64xf32, #tpu.memory_space<vmem>>) offsets(%arg5 : memref<1000xi32, #tpu.memory_space<vmem>>) semaphore(%arg9 : memref<!tpu.dma_semaphore, #tpu.memory_space<semaphore_mem>>)
      %dma_wait3A_75 = arith.constant 0 : i32
      %dma_wait3A_76 = arith.constant 0 : i32
      %dma_wait3A_77 = tpu.memref_slice %arg2[%dma_wait3A_75, %dma_wait3A_76] : memref<50000x64xf32, #tpu.memory_space<hbm>> -> memref<50000x64xf32, #tpu.memory_space<hbm>>
      tpu.wait_indirect_dma semaphore(%arg9 : memref<!tpu.dma_semaphore, #tpu.memory_space<semaphore_mem>>) src(%dma_wait3A_77 : memref<50000x64xf32, #tpu.memory_space<hbm>>) dst(%arg7 : memref<1000x64xf32, #tpu.memory_space<vmem>>)
      %mul3A_78 = arith.constant 12000 : i32
      %mul3A_79 = arith.muli %add3A, %mul3A_78 : i32
      %mul3A_80 = arith.constant 1000 : i32
      %mul3A_81 = arith.muli %mul3A_58, %mul3A_80 : i32
      %add3A_82 = arith.addi %mul3A_79, %mul3A_81 : i32
      %dma_start3A_83 = arith.constant 0 : i32
      %dma_start3A_84 = tpu.memref_slice %arg4[%add3A_82, %dma_start3A_83] : memref<384000x64xf32, #tpu.memory_space<hbm>> -> memref<1000x64xf32, #tpu.memory_space<hbm>>
      %dma_start3A_85 = arith.constant 0 : i32
      %dma_start3A_86 = tpu.memref_slice %arg4[%add3A_82, %dma_start3A_85] : memref<384000x64xf32, #tpu.memory_space<hbm>> -> memref<1000x64xf32, #tpu.memory_space<hbm>>
      tpu.enqueue_dma source(%arg7 : memref<1000x64xf32, #tpu.memory_space<vmem>>) target(%dma_start3A_86 : memref<1000x64xf32, #tpu.memory_space<hbm>>) target_semaphore(%arg10 : memref<!tpu.dma_semaphore, #tpu.memory_space<semaphore_mem>>)
      %sub3A_87 = arith.constant 1 : i32
      %sub3A_88 = arith.subi %mul3A_58, %sub3A_87 : i32
      %mul3A_89 = arith.constant 12000 : i32
      %mul3A_90 = arith.muli %add3A, %mul3A_89 : i32
      %mul3A_91 = arith.constant 1000 : i32
      %mul3A_92 = arith.muli %sub3A_88, %mul3A_91 : i32
      %add3A_93 = arith.addi %mul3A_90, %mul3A_92 : i32
      %dma_wait3A_94 = arith.constant 0 : i32
      %dma_wait3A_95 = tpu.memref_slice %arg4[%add3A_93, %dma_wait3A_94] : memref<384000x64xf32, #tpu.memory_space<hbm>> -> memref<1000x64xf32, #tpu.memory_space<hbm>>
      %dma_wait3A_96 = arith.constant 0 : i32
      %dma_wait3A_97 = tpu.memref_slice %arg4[%add3A_93, %dma_wait3A_96] : memref<384000x64xf32, #tpu.memory_space<hbm>> -> memref<1000x64xf32, #tpu.memory_space<hbm>>
      tpu.wait_dma2 semaphore(%arg11 : memref<!tpu.dma_semaphore, #tpu.memory_space<semaphore_mem>>) src(%arg8 : memref<1000x64xf32, #tpu.memory_space<vmem>>) dst(%dma_wait3A_97 : memref<1000x64xf32, #tpu.memory_space<hbm>>)
      %add3A_98 = arith.constant 1 : i32
      %add3A_99 = arith.addi %mul3A_58, %add3A_98 : i32
      %mul3A_100 = arith.constant 1000 : i32
      %mul3A_101 = arith.muli %add3A_99, %mul3A_100 : i32
      %add3A_102 = arith.addi %add3A_4, %mul3A_101 : i32
      "tpu.region"() ({
        %run_scoped3A = tpu.sem_alloc : memref<!tpu.dma_semaphore, #tpu.memory_space<semaphore_mem>>
        %dma_start3A_120 = tpu.memref_slice %arg3[%add3A_102] : memref<800000xi32, #tpu.memory_space<hbm>> -> memref<1000xi32, #tpu.memory_space<hbm>>
        %dma_start3A_121 = tpu.memref_slice %arg3[%add3A_102] : memref<800000xi32, #tpu.memory_space<hbm>> -> memref<1000xi32, #tpu.memory_space<hbm>>
        tpu.enqueue_dma source(%dma_start3A_121 : memref<1000xi32, #tpu.memory_space<hbm>>) target(%arg6 : memref<1000xi32, #tpu.memory_space<vmem>>) target_semaphore(%run_scoped3A : memref<!tpu.dma_semaphore, #tpu.memory_space<semaphore_mem>>)
        %dma_wait3A_122 = tpu.memref_slice %arg3[%add3A_102] : memref<800000xi32, #tpu.memory_space<hbm>> -> memref<1000xi32, #tpu.memory_space<hbm>>
        %dma_wait3A_123 = tpu.memref_slice %arg3[%add3A_102] : memref<800000xi32, #tpu.memory_space<hbm>> -> memref<1000xi32, #tpu.memory_space<hbm>>
        tpu.wait_dma2 semaphore(%run_scoped3A : memref<!tpu.dma_semaphore, #tpu.memory_space<semaphore_mem>>) src(%dma_wait3A_123 : memref<1000xi32, #tpu.memory_space<hbm>>) dst(%arg6 : memref<1000xi32, #tpu.memory_space<vmem>>)
        tpu.yield
      }) : () -> ()
      %dma_start3A_103 = arith.constant 0 : i32
      %dma_start3A_104 = arith.constant 0 : i32
      %dma_start3A_105 = tpu.memref_slice %arg2[%dma_start3A_103, %dma_start3A_104] : memref<50000x64xf32, #tpu.memory_space<hbm>> -> memref<50000x64xf32, #tpu.memory_space<hbm>>
      tpu.enqueue_indirect_dma source(%dma_start3A_105 : memref<50000x64xf32, #tpu.memory_space<hbm>>) target(%arg8 : memref<1000x64xf32, #tpu.memory_space<vmem>>) offsets(%arg6 : memref<1000xi32, #tpu.memory_space<vmem>>) semaphore(%arg9 : memref<!tpu.dma_semaphore, #tpu.memory_space<semaphore_mem>>)
      %dma_wait3A_106 = arith.constant 0 : i32
      %dma_wait3A_107 = arith.constant 0 : i32
      %dma_wait3A_108 = tpu.memref_slice %arg2[%dma_wait3A_106, %dma_wait3A_107] : memref<50000x64xf32, #tpu.memory_space<hbm>> -> memref<50000x64xf32, #tpu.memory_space<hbm>>
      tpu.wait_indirect_dma semaphore(%arg9 : memref<!tpu.dma_semaphore, #tpu.memory_space<semaphore_mem>>) src(%dma_wait3A_108 : memref<50000x64xf32, #tpu.memory_space<hbm>>) dst(%arg8 : memref<1000x64xf32, #tpu.memory_space<vmem>>)
      %add3A_109 = arith.constant 1 : i32
      %add3A_110 = arith.addi %mul3A_58, %add3A_109 : i32
      %mul3A_111 = arith.constant 12000 : i32
      %mul3A_112 = arith.muli %add3A, %mul3A_111 : i32
      %mul3A_113 = arith.constant 1000 : i32
      %mul3A_114 = arith.muli %add3A_110, %mul3A_113 : i32
      %add3A_115 = arith.addi %mul3A_112, %mul3A_114 : i32
      %dma_start3A_116 = arith.constant 0 : i32
      %dma_start3A_117 = tpu.memref_slice %arg4[%add3A_115, %dma_start3A_116] : memref<384000x64xf32, #tpu.memory_space<hbm>> -> memref<1000x64xf32, #tpu.memory_space<hbm>>
      %dma_start3A_118 = arith.constant 0 : i32
      %dma_start3A_119 = tpu.memref_slice %arg4[%add3A_115, %dma_start3A_118] : memref<384000x64xf32, #tpu.memory_space<hbm>> -> memref<1000x64xf32, #tpu.memory_space<hbm>>
      tpu.enqueue_dma source(%arg8 : memref<1000x64xf32, #tpu.memory_space<vmem>>) target(%dma_start3A_119 : memref<1000x64xf32, #tpu.memory_space<hbm>>) target_semaphore(%arg11 : memref<!tpu.dma_semaphore, #tpu.memory_space<semaphore_mem>>)
    }
    %scan3A_39 = arith.constant 5 : i32
    %mul3A_40 = arith.constant 12000 : i32
    %mul3A_41 = arith.muli %add3A, %mul3A_40 : i32
    %add3A_42 = arith.constant 10000 : i32
    %add3A_43 = arith.addi %mul3A_41, %add3A_42 : i32
    %dma_wait3A_44 = arith.constant 0 : i32
    %dma_wait3A_45 = tpu.memref_slice %arg4[%add3A_43, %dma_wait3A_44] : memref<384000x64xf32, #tpu.memory_space<hbm>> -> memref<1000x64xf32, #tpu.memory_space<hbm>>
    %dma_wait3A_46 = arith.constant 0 : i32
    %dma_wait3A_47 = tpu.memref_slice %arg4[%add3A_43, %dma_wait3A_46] : memref<384000x64xf32, #tpu.memory_space<hbm>> -> memref<1000x64xf32, #tpu.memory_space<hbm>>
    tpu.wait_dma2 semaphore(%arg10 : memref<!tpu.dma_semaphore, #tpu.memory_space<semaphore_mem>>) src(%arg7 : memref<1000x64xf32, #tpu.memory_space<vmem>>) dst(%dma_wait3A_47 : memref<1000x64xf32, #tpu.memory_space<hbm>>)
    %mul3A_48 = arith.constant 12000 : i32
    %mul3A_49 = arith.muli %add3A, %mul3A_48 : i32
    %add3A_50 = arith.constant 11000 : i32
    %add3A_51 = arith.addi %mul3A_49, %add3A_50 : i32
    %dma_wait3A_52 = arith.constant 0 : i32
    %dma_wait3A_53 = tpu.memref_slice %arg4[%add3A_51, %dma_wait3A_52] : memref<384000x64xf32, #tpu.memory_space<hbm>> -> memref<1000x64xf32, #tpu.memory_space<hbm>>
    %dma_wait3A_54 = arith.constant 0 : i32
    %dma_wait3A_55 = tpu.memref_slice %arg4[%add3A_51, %dma_wait3A_54] : memref<384000x64xf32, #tpu.memory_space<hbm>> -> memref<1000x64xf32, #tpu.memory_space<hbm>>
    tpu.wait_dma2 semaphore(%arg11 : memref<!tpu.dma_semaphore, #tpu.memory_space<semaphore_mem>>) src(%arg8 : memref<1000x64xf32, #tpu.memory_space<vmem>>) dst(%dma_wait3A_55 : memref<1000x64xf32, #tpu.memory_space<hbm>>)
    return
  }
}

module attributes {stable_mosaic.version = 14 : i64} {
  func.func @_embed_kernel(%arg0: i32, %arg1: memref<1000x128xf32, #tpu.memory_space<vmem>>, %arg2: memref<128x64xf32, #tpu.memory_space<vmem>>, %arg3: memref<1x64xf32, #tpu.memory_space<vmem>>, %arg4: memref<64x64xf32, #tpu.memory_space<vmem>>, %arg5: memref<1000x64xf32, #tpu.memory_space<vmem>>, %arg6: memref<1000x64xf32, #tpu.memory_space<vmem>>) attributes {dimension_semantics = [#tpu.dimension_semantics<arbitrary>], iteration_bounds = array<i64: 50>, scalar_prefetch = 0 : i64, scratch_operands = 0 : i64, tpu.core_type = #tpu.core_type<tc>, window_params = [{transform_indices = @transform_0, window_bounds = array<i64: 1000, 128>}, {pipeline_mode = #tpu.pipeline_mode<synchronous>, transform_indices = @transform_1, window_bounds = array<i64: 128, 64>}, {pipeline_mode = #tpu.pipeline_mode<synchronous>, transform_indices = @transform_2, window_bounds = array<i64: 1, 64>}, {pipeline_mode = #tpu.pipeline_mode<synchronous>, transform_indices = @transform_3, window_bounds = array<i64: 64, 64>}, {transform_indices = @transform_4, window_bounds = array<i64: 1000, 64>}, {transform_indices = @transform_5, window_bounds = array<i64: 1000, 64>}]} {
    %get3A = arith.constant 0 : index
    %get3A_0 = arith.constant 0 : index
    %get3A_1 = vector.load %arg1[%get3A, %get3A_0] : memref<1000x128xf32, #tpu.memory_space<vmem>>, vector<1000x128xf32>
    %get3A_2 = arith.constant 0 : index
    %get3A_3 = arith.constant 0 : index
    %get3A_4 = vector.load %arg2[%get3A_2, %get3A_3] : memref<128x64xf32, #tpu.memory_space<vmem>>, vector<128x64xf32>
    %dot_general3A = arith.constant dense<0.000000e+00> : vector<1000x64xf32>
    %dot_general3A_5 = tpu.matmul %get3A_1, %get3A_4, %dot_general3A {dimension_numbers = #tpu.dot_dimension_numbers<[1], [0], [0], [1], [0, 0, 1, 1], [], []>, transpose_lhs_hint = false} : vector<1000x128xf32>, vector<128x64xf32>, vector<1000x64xf32> -> vector<1000x64xf32>
    %get3A_6 = arith.constant 0 : index
    %get3A_7 = arith.constant 0 : index
    %get3A_8 = vector.load %arg3[%get3A_6, %get3A_7] : memref<1x64xf32, #tpu.memory_space<vmem>>, vector<1x64xf32>
    %add3A = vector.broadcast %get3A_8 : vector<1x64xf32> to vector<1000x64xf32>
    %add3A_9 = arith.addf %dot_general3A_5, %add3A : vector<1000x64xf32>
    %swap3A = arith.constant 0 : index
    %swap3A_10 = arith.constant 0 : index
    %swap3A_11 = vector.load %arg5[%swap3A, %swap3A_10] : memref<1000x64xf32, #tpu.memory_space<vmem>>, vector<1000x64xf32>
    tpu.vector_store %arg5[%swap3A, %swap3A_10], %add3A_9 {strides = array<i32>} : memref<1000x64xf32, #tpu.memory_space<vmem>>, vector<1000x64xf32>,
    %get3A_12 = arith.constant 0 : index
    %get3A_13 = arith.constant 0 : index
    %get3A_14 = vector.load %arg4[%get3A_12, %get3A_13] : memref<64x64xf32, #tpu.memory_space<vmem>>, vector<64x64xf32>
    %dot_general3A_15 = arith.constant dense<0.000000e+00> : vector<1000x64xf32>
    %dot_general3A_16 = tpu.matmul %add3A_9, %get3A_14, %dot_general3A_15 {dimension_numbers = #tpu.dot_dimension_numbers<[1], [0], [0], [1], [0, 0, 1, 1], [], []>, transpose_lhs_hint = false} : vector<1000x64xf32>, vector<64x64xf32>, vector<1000x64xf32> -> vector<1000x64xf32>
    %swap3A_17 = arith.constant 0 : index
    %swap3A_18 = arith.constant 0 : index
    %swap3A_19 = vector.load %arg6[%swap3A_17, %swap3A_18] : memref<1000x64xf32, #tpu.memory_space<vmem>>, vector<1000x64xf32>
    tpu.vector_store %arg6[%swap3A_17, %swap3A_18], %dot_general3A_16 {strides = array<i32>} : memref<1000x64xf32, #tpu.memory_space<vmem>>, vector<1000x64xf32>,
    return
  }
  func.func @transform_0(%arg0: i32) -> (i32, i32) {
    %c0_i32 = arith.constant 0 : i32
    %c0_i32_0 = arith.constant 0 : i32
    return %arg0, %c0_i32 : i32, i32
  }
  func.func @transform_1(%arg0: i32) -> (i32, i32) {
    %c0_i32 = arith.constant 0 : i32
    %c0_i32_0 = arith.constant 0 : i32
    %c0_i32_1 = arith.constant 0 : i32
    return %c0_i32, %c0_i32_0 : i32, i32
  }
  func.func @transform_2(%arg0: i32) -> (i32, i32) {
    %c0_i32 = arith.constant 0 : i32
    %c0_i32_0 = arith.constant 0 : i32
    %c0_i32_1 = arith.constant 0 : i32
    return %c0_i32, %c0_i32_0 : i32, i32
  }
  func.func @transform_3(%arg0: i32) -> (i32, i32) {
    %c0_i32 = arith.constant 0 : i32
    %c0_i32_0 = arith.constant 0 : i32
    %c0_i32_1 = arith.constant 0 : i32
    return %c0_i32, %c0_i32_0 : i32, i32
  }
  func.func @transform_4(%arg0: i32) -> (i32, i32) {
    %c0_i32 = arith.constant 0 : i32
    %c0_i32_0 = arith.constant 0 : i32
    return %arg0, %c0_i32 : i32, i32
  }
  func.func @transform_5(%arg0: i32) -> (i32, i32) {
    %c0_i32 = arith.constant 0 : i32
    %c0_i32_0 = arith.constant 0 : i32
    return %arg0, %c0_i32 : i32, i32
  }
}

module attributes {stable_mosaic.version = 14 : i64} {
  func.func @_conv_kernel(%arg0: i32, %arg1: memref<1000x64xf32, #tpu.memory_space<vmem>>, %arg2: memref<1000x8x128xf32, #tpu.memory_space<vmem>>, %arg3: memref<1000x256xf32, #tpu.memory_space<vmem>>, %arg4: memref<64x128xf32, #tpu.memory_space<vmem>>, %arg5: memref<1x128xf32, #tpu.memory_space<vmem>>, %arg6: memref<1x128xf32, #tpu.memory_space<vmem>>, %arg7: memref<32x128xf32, #tpu.memory_space<vmem>>, %arg8: memref<1x128xf32, #tpu.memory_space<vmem>>, %arg9: memref<128x256xf32, #tpu.memory_space<vmem>>, %arg10: memref<1x256xf32, #tpu.memory_space<vmem>>, %arg11: memref<1x64xf32, #tpu.memory_space<vmem>>, %arg12: memref<1x64xf32, #tpu.memory_space<vmem>>, %arg13: memref<64x64xf32, #tpu.memory_space<vmem>>, %arg14: memref<1000x64xf32, #tpu.memory_space<vmem>>, %arg15: memref<1000x64xf32, #tpu.memory_space<vmem>>) attributes {dimension_semantics = [#tpu.dimension_semantics<arbitrary>], iteration_bounds = array<i64: 26>, scalar_prefetch = 0 : i64, scratch_operands = 0 : i64, tpu.core_type = #tpu.core_type<tc>, window_params = [{transform_indices = @transform_0, window_bounds = array<i64: 1000, 64>}, {transform_indices = @transform_1, window_bounds = array<i64: 1000, 8, 128>}, {transform_indices = @transform_2, window_bounds = array<i64: 1000, 256>}, {pipeline_mode = #tpu.pipeline_mode<synchronous>, transform_indices = @transform_3, window_bounds = array<i64: 64, 128>}, {pipeline_mode = #tpu.pipeline_mode<synchronous>, transform_indices = @transform_4, window_bounds = array<i64: 1, 128>}, {pipeline_mode = #tpu.pipeline_mode<synchronous>, transform_indices = @transform_5, window_bounds = array<i64: 1, 128>}, {pipeline_mode = #tpu.pipeline_mode<synchronous>, transform_indices = @transform_6, window_bounds = array<i64: 32, 128>}, {pipeline_mode = #tpu.pipeline_mode<synchronous>, transform_indices = @transform_7, window_bounds = array<i64: 1, 128>}, {pipeline_mode = #tpu.pipeline_mode<synchronous>, transform_indices = @transform_8, window_bounds = array<i64: 128, 256>}, {pipeline_mode = #tpu.pipeline_mode<synchronous>, transform_indices = @transform_9, window_bounds = array<i64: 1, 256>}, {pipeline_mode = #tpu.pipeline_mode<synchronous>, transform_indices = @transform_10, window_bounds = array<i64: 1, 64>}, {pipeline_mode = #tpu.pipeline_mode<synchronous>, transform_indices = @transform_11, window_bounds = array<i64: 1, 64>}, {pipeline_mode = #tpu.pipeline_mode<synchronous>, transform_indices = @transform_12, window_bounds = array<i64: 64, 64>}, {transform_indices = @transform_13, window_bounds = array<i64: 1000, 64>}, {transform_indices = @transform_14, window_bounds = array<i64: 1000, 64>}]} {
    %get3A = arith.constant 0 : index
    %get3A_0 = arith.constant 0 : index
    %get3A_1 = vector.load %arg1[%get3A, %get3A_0] : memref<1000x64xf32, #tpu.memory_space<vmem>>, vector<1000x64xf32>
    %get3A_2 = arith.constant 0 : index
    %get3A_3 = arith.constant 0 : index
    %get3A_4 = vector.load %arg4[%get3A_2, %get3A_3] : memref<64x128xf32, #tpu.memory_space<vmem>>, vector<64x128xf32>
    %dot_general3A = arith.constant dense<0.000000e+00> : vector<1000x128xf32>
    %dot_general3A_5 = tpu.matmul %get3A_1, %get3A_4, %dot_general3A {dimension_numbers = #tpu.dot_dimension_numbers<[1], [0], [0], [1], [0, 0, 1, 1], [], []>, transpose_lhs_hint = false} : vector<1000x64xf32>, vector<64x128xf32>, vector<1000x128xf32> -> vector<1000x128xf32>
    %get3A_6 = arith.constant 0 : index
    %get3A_7 = arith.constant 0 : index
    %get3A_8 = vector.load %arg5[%get3A_6, %get3A_7] : memref<1x128xf32, #tpu.memory_space<vmem>>, vector<1x128xf32>
    %add3A = vector.broadcast %get3A_8 : vector<1x128xf32> to vector<1000x128xf32>
    %add3A_9 = arith.addf %dot_general3A_5, %add3A : vector<1000x128xf32>
    %broadcast_in_dim3A = arith.constant 0.000000e+00 : f32
    %broadcast_in_dim3A_10 = vector.broadcast %broadcast_in_dim3A : f32 to vector<1000x128xf32>
    %get3A_11 = arith.constant 0 : index
    %get3A_12 = arith.constant 0 : index
    %get3A_13 = arith.constant 0 : index
    %get3A_14 = vector.load %arg2[%get3A_11, %get3A_12, %get3A_13] : memref<1000x8x128xf32, #tpu.memory_space<vmem>>, vector<1000x1x128xf32>
    %get3A_15 = vector.shape_cast %get3A_14 : vector<1000x1x128xf32> to vector<1000x128xf32>
    %get3A_16 = arith.constant 0 : index
    %get3A_17 = arith.constant 0 : index
    %get3A_18 = vector.load %arg6[%get3A_16, %get3A_17] : memref<1x128xf32, #tpu.memory_space<vmem>>, vector<1x128xf32>
    %add3A_19 = vector.broadcast %get3A_18 : vector<1x128xf32> to vector<1000x128xf32>
    %add3A_20 = arith.addf %get3A_15, %add3A_19 : vector<1000x128xf32>
    %get3A_21 = arith.constant 0 : index
    %get3A_22 = arith.constant 0 : index
    %get3A_23 = vector.load %arg3[%get3A_21, %get3A_22] : memref<1000x256xf32, #tpu.memory_space<vmem>>, vector<1000x32xf32>
    %get3A_24 = arith.constant 0 : index
    %get3A_25 = arith.constant 0 : index
    %get3A_26 = vector.load %arg7[%get3A_24, %get3A_25] : memref<32x128xf32, #tpu.memory_space<vmem>>, vector<32x128xf32>
    %dot_general3A_27 = arith.constant dense<0.000000e+00> : vector<1000x128xf32>
    %dot_general3A_28 = tpu.matmul %get3A_23, %get3A_26, %dot_general3A_27 {dimension_numbers = #tpu.dot_dimension_numbers<[1], [0], [0], [1], [0, 0, 1, 1], [], []>, transpose_lhs_hint = false} : vector<1000x32xf32>, vector<32x128xf32>, vector<1000x128xf32> -> vector<1000x128xf32>
    %get3A_29 = arith.constant 0 : index
    %get3A_30 = arith.constant 0 : index
    %get3A_31 = vector.load %arg8[%get3A_29, %get3A_30] : memref<1x128xf32, #tpu.memory_space<vmem>>, vector<1x128xf32>
    %add3A_32 = vector.broadcast %get3A_31 : vector<1x128xf32> to vector<1000x128xf32>
    %add3A_33 = arith.addf %dot_general3A_28, %add3A_32 : vector<1000x128xf32>
    %mul3A = arith.mulf %add3A_9, %add3A_20 : vector<1000x128xf32>
    %mul3A_34 = arith.mulf %mul3A, %add3A_33 : vector<1000x128xf32>
    %get3A_35 = arith.constant 0 : index
    %get3A_36 = arith.constant 0 : index
    %get3A_37 = vector.load %arg9[%get3A_35, %get3A_36] : memref<128x256xf32, #tpu.memory_space<vmem>>, vector<128x256xf32>
    %dot_general3A_38 = arith.constant dense<0.000000e+00> : vector<1000x256xf32>
    %dot_general3A_39 = tpu.matmul %mul3A_34, %get3A_37, %dot_general3A_38 {dimension_numbers = #tpu.dot_dimension_numbers<[1], [0], [0], [1], [0, 0, 1, 1], [], []>, transpose_lhs_hint = false} : vector<1000x128xf32>, vector<128x256xf32>, vector<1000x256xf32> -> vector<1000x256xf32>
    %get3A_40 = arith.constant 0 : index
    %get3A_41 = arith.constant 0 : index
    %get3A_42 = vector.load %arg10[%get3A_40, %get3A_41] : memref<1x256xf32, #tpu.memory_space<vmem>>, vector<1x256xf32>
    %add3A_43 = vector.broadcast %get3A_42 : vector<1x256xf32> to vector<1000x256xf32>
    %add3A_44 = arith.addf %dot_general3A_39, %add3A_43 : vector<1000x256xf32>
    %slice3A = vector.extract_strided_slice %add3A_44 {offsets = [0, 0], sizes = [1000, 128], strides = [1, 1]} : vector<1000x256xf32> to vector<1000x128xf32>
    %logistic3A = arith.negf %slice3A : vector<1000x128xf32>
    %logistic3A_45 = math.exp %logistic3A : vector<1000x128xf32>
    %logistic3A_46 = arith.constant 1.000000e+00 : f32
    %logistic3A_47 = vector.broadcast %logistic3A_46 : f32 to vector<1000x128xf32>
    %logistic3A_48 = arith.addf %logistic3A_47, %logistic3A_45 : vector<1000x128xf32>
    %logistic3A_49 = arith.divf %logistic3A_47, %logistic3A_48 : vector<1000x128xf32>
    %slice3A_50 = vector.extract_strided_slice %add3A_44 {offsets = [0, 128], sizes = [1000, 128], strides = [1, 1]} : vector<1000x256xf32> to vector<1000x128xf32>
    %custom_jvp_call3A = arith.constant 0.000000e+00 : f32
    %max3A = vector.broadcast %custom_jvp_call3A : f32 to vector<1000x128xf32>
    %max3A_51 = arith.maximumf %slice3A_50, %max3A : vector<1000x128xf32>
    %sub3A = vector.broadcast %custom_jvp_call3A : f32 to vector<1000x128xf32>
    %sub3A_52 = arith.subf %slice3A_50, %sub3A : vector<1000x128xf32>
    %ne3A = arith.cmpf one, %sub3A_52, %sub3A_52 : vector<1000x128xf32>
    %add3A_53 = vector.broadcast %custom_jvp_call3A : f32 to vector<1000x128xf32>
    %add3A_54 = arith.addf %slice3A_50, %add3A_53 : vector<1000x128xf32>
    %abs3A = math.absf %sub3A_52 : vector<1000x128xf32>
    %neg3A = arith.constant 0.000000e+00 : f32
    %neg3A_55 = vector.broadcast %neg3A : f32 to vector<1000x128xf32>
    %neg3A_56 = arith.subf %neg3A_55, %abs3A : vector<1000x128xf32>
    %exp3A = math.exp %neg3A_56 : vector<1000x128xf32>
    %log1p3A = math.log1p %exp3A : vector<1000x128xf32>
    %add3A_57 = arith.addf %max3A_51, %log1p3A : vector<1000x128xf32>
    %select_n3A = arith.select %ne3A, %add3A_54, %add3A_57 : vector<1000x128xi1>, vector<1000x128xf32>
    %mul3A_58 = arith.mulf %logistic3A_49, %select_n3A : vector<1000x128xf32>
    %add3A_59 = arith.addf %broadcast_in_dim3A_10, %mul3A_58 : vector<1000x128xf32>
    %get3A_60 = arith.constant 0 : index
    %get3A_61 = arith.constant 1 : index
    %get3A_62 = arith.constant 0 : index
    %get3A_63 = vector.load %arg2[%get3A_60, %get3A_61, %get3A_62] : memref<1000x8x128xf32, #tpu.memory_space<vmem>>, vector<1000x1x128xf32>
    %get3A_64 = vector.shape_cast %get3A_63 : vector<1000x1x128xf32> to vector<1000x128xf32>
    %get3A_65 = arith.constant 0 : index
    %get3A_66 = arith.constant 0 : index
    %get3A_67 = vector.load %arg6[%get3A_65, %get3A_66] : memref<1x128xf32, #tpu.memory_space<vmem>>, vector<1x128xf32>
    %add3A_68 = vector.broadcast %get3A_67 : vector<1x128xf32> to vector<1000x128xf32>
    %add3A_69 = arith.addf %get3A_64, %add3A_68 : vector<1000x128xf32>
    %get3A_70 = arith.constant 0 : index
    %get3A_71 = arith.constant 32 : index
    %get3A_72 = vector.load %arg3[%get3A_70, %get3A_71] : memref<1000x256xf32, #tpu.memory_space<vmem>>, vector<1000x32xf32>
    %get3A_73 = arith.constant 0 : index
    %get3A_74 = arith.constant 0 : index
    %get3A_75 = vector.load %arg7[%get3A_73, %get3A_74] : memref<32x128xf32, #tpu.memory_space<vmem>>, vector<32x128xf32>
    %dot_general3A_76 = arith.constant dense<0.000000e+00> : vector<1000x128xf32>
    %dot_general3A_77 = tpu.matmul %get3A_72, %get3A_75, %dot_general3A_76 {dimension_numbers = #tpu.dot_dimension_numbers<[1], [0], [0], [1], [0, 0, 1, 1], [], []>, transpose_lhs_hint = false} : vector<1000x32xf32>, vector<32x128xf32>, vector<1000x128xf32> -> vector<1000x128xf32>
    %get3A_78 = arith.constant 0 : index
    %get3A_79 = arith.constant 0 : index
    %get3A_80 = vector.load %arg8[%get3A_78, %get3A_79] : memref<1x128xf32, #tpu.memory_space<vmem>>, vector<1x128xf32>
    %add3A_81 = vector.broadcast %get3A_80 : vector<1x128xf32> to vector<1000x128xf32>
    %add3A_82 = arith.addf %dot_general3A_77, %add3A_81 : vector<1000x128xf32>
    %mul3A_83 = arith.mulf %add3A_9, %add3A_69 : vector<1000x128xf32>
    %mul3A_84 = arith.mulf %mul3A_83, %add3A_82 : vector<1000x128xf32>
    %get3A_85 = arith.constant 0 : index
    %get3A_86 = arith.constant 0 : index
    %get3A_87 = vector.load %arg9[%get3A_85, %get3A_86] : memref<128x256xf32, #tpu.memory_space<vmem>>, vector<128x256xf32>
    %dot_general3A_88 = arith.constant dense<0.000000e+00> : vector<1000x256xf32>
    %dot_general3A_89 = tpu.matmul %mul3A_84, %get3A_87, %dot_general3A_88 {dimension_numbers = #tpu.dot_dimension_numbers<[1], [0], [0], [1], [0, 0, 1, 1], [], []>, transpose_lhs_hint = false} : vector<1000x128xf32>, vector<128x256xf32>, vector<1000x256xf32> -> vector<1000x256xf32>
    %get3A_90 = arith.constant 0 : index
    %get3A_91 = arith.constant 0 : index
    %get3A_92 = vector.load %arg10[%get3A_90, %get3A_91] : memref<1x256xf32, #tpu.memory_space<vmem>>, vector<1x256xf32>
    %add3A_93 = vector.broadcast %get3A_92 : vector<1x256xf32> to vector<1000x256xf32>
    %add3A_94 = arith.addf %dot_general3A_89, %add3A_93 : vector<1000x256xf32>
    %slice3A_95 = vector.extract_strided_slice %add3A_94 {offsets = [0, 0], sizes = [1000, 128], strides = [1, 1]} : vector<1000x256xf32> to vector<1000x128xf32>
    %logistic3A_96 = arith.negf %slice3A_95 : vector<1000x128xf32>
    %logistic3A_97 = math.exp %logistic3A_96 : vector<1000x128xf32>
    %logistic3A_98 = arith.constant 1.000000e+00 : f32
    %logistic3A_99 = vector.broadcast %logistic3A_98 : f32 to vector<1000x128xf32>
    %logistic3A_100 = arith.addf %logistic3A_99, %logistic3A_97 : vector<1000x128xf32>
    %logistic3A_101 = arith.divf %logistic3A_99, %logistic3A_100 : vector<1000x128xf32>
    %slice3A_102 = vector.extract_strided_slice %add3A_94 {offsets = [0, 128], sizes = [1000, 128], strides = [1, 1]} : vector<1000x256xf32> to vector<1000x128xf32>
    %custom_jvp_call3A_103 = arith.constant 0.000000e+00 : f32
    %max3A_104 = vector.broadcast %custom_jvp_call3A_103 : f32 to vector<1000x128xf32>
    %max3A_105 = arith.maximumf %slice3A_102, %max3A_104 : vector<1000x128xf32>
    %sub3A_106 = vector.broadcast %custom_jvp_call3A_103 : f32 to vector<1000x128xf32>
    %sub3A_107 = arith.subf %slice3A_102, %sub3A_106 : vector<1000x128xf32>
    %ne3A_108 = arith.cmpf one, %sub3A_107, %sub3A_107 : vector<1000x128xf32>
    %add3A_109 = vector.broadcast %custom_jvp_call3A_103 : f32 to vector<1000x128xf32>
    %add3A_110 = arith.addf %slice3A_102, %add3A_109 : vector<1000x128xf32>
    %abs3A_111 = math.absf %sub3A_107 : vector<1000x128xf32>
    %neg3A_112 = arith.constant 0.000000e+00 : f32
    %neg3A_113 = vector.broadcast %neg3A_112 : f32 to vector<1000x128xf32>
    %neg3A_114 = arith.subf %neg3A_113, %abs3A_111 : vector<1000x128xf32>
    %exp3A_115 = math.exp %neg3A_114 : vector<1000x128xf32>
    %log1p3A_116 = math.log1p %exp3A_115 : vector<1000x128xf32>
    %add3A_117 = arith.addf %max3A_105, %log1p3A_116 : vector<1000x128xf32>
    %select_n3A_118 = arith.select %ne3A_108, %add3A_110, %add3A_117 : vector<1000x128xi1>, vector<1000x128xf32>
    %mul3A_119 = arith.mulf %logistic3A_101, %select_n3A_118 : vector<1000x128xf32>
    %add3A_120 = arith.addf %add3A_59, %mul3A_119 : vector<1000x128xf32>
    %get3A_121 = arith.constant 0 : index
    %get3A_122 = arith.constant 2 : index
    %get3A_123 = arith.constant 0 : index
    %get3A_124 = vector.load %arg2[%get3A_121, %get3A_122, %get3A_123] : memref<1000x8x128xf32, #tpu.memory_space<vmem>>, vector<1000x1x128xf32>
    %get3A_125 = vector.shape_cast %get3A_124 : vector<1000x1x128xf32> to vector<1000x128xf32>
    %get3A_126 = arith.constant 0 : index
    %get3A_127 = arith.constant 0 : index
    %get3A_128 = vector.load %arg6[%get3A_126, %get3A_127] : memref<1x128xf32, #tpu.memory_space<vmem>>, vector<1x128xf32>
    %add3A_129 = vector.broadcast %get3A_128 : vector<1x128xf32> to vector<1000x128xf32>
    %add3A_130 = arith.addf %get3A_125, %add3A_129 : vector<1000x128xf32>
    %get3A_131 = arith.constant 0 : index
    %get3A_132 = arith.constant 64 : index
    %get3A_133 = vector.load %arg3[%get3A_131, %get3A_132] : memref<1000x256xf32, #tpu.memory_space<vmem>>, vector<1000x32xf32>
    %get3A_134 = arith.constant 0 : index
    %get3A_135 = arith.constant 0 : index
    %get3A_136 = vector.load %arg7[%get3A_134, %get3A_135] : memref<32x128xf32, #tpu.memory_space<vmem>>, vector<32x128xf32>
    %dot_general3A_137 = arith.constant dense<0.000000e+00> : vector<1000x128xf32>
    %dot_general3A_138 = tpu.matmul %get3A_133, %get3A_136, %dot_general3A_137 {dimension_numbers = #tpu.dot_dimension_numbers<[1], [0], [0], [1], [0, 0, 1, 1], [], []>, transpose_lhs_hint = false} : vector<1000x32xf32>, vector<32x128xf32>, vector<1000x128xf32> -> vector<1000x128xf32>
    %get3A_139 = arith.constant 0 : index
    %get3A_140 = arith.constant 0 : index
    %get3A_141 = vector.load %arg8[%get3A_139, %get3A_140] : memref<1x128xf32, #tpu.memory_space<vmem>>, vector<1x128xf32>
    %add3A_142 = vector.broadcast %get3A_141 : vector<1x128xf32> to vector<1000x128xf32>
    %add3A_143 = arith.addf %dot_general3A_138, %add3A_142 : vector<1000x128xf32>
    %mul3A_144 = arith.mulf %add3A_9, %add3A_130 : vector<1000x128xf32>
    %mul3A_145 = arith.mulf %mul3A_144, %add3A_143 : vector<1000x128xf32>
    %get3A_146 = arith.constant 0 : index
    %get3A_147 = arith.constant 0 : index
    %get3A_148 = vector.load %arg9[%get3A_146, %get3A_147] : memref<128x256xf32, #tpu.memory_space<vmem>>, vector<128x256xf32>
    %dot_general3A_149 = arith.constant dense<0.000000e+00> : vector<1000x256xf32>
    %dot_general3A_150 = tpu.matmul %mul3A_145, %get3A_148, %dot_general3A_149 {dimension_numbers = #tpu.dot_dimension_numbers<[1], [0], [0], [1], [0, 0, 1, 1], [], []>, transpose_lhs_hint = false} : vector<1000x128xf32>, vector<128x256xf32>, vector<1000x256xf32> -> vector<1000x256xf32>
    %get3A_151 = arith.constant 0 : index
    %get3A_152 = arith.constant 0 : index
    %get3A_153 = vector.load %arg10[%get3A_151, %get3A_152] : memref<1x256xf32, #tpu.memory_space<vmem>>, vector<1x256xf32>
    %add3A_154 = vector.broadcast %get3A_153 : vector<1x256xf32> to vector<1000x256xf32>
    %add3A_155 = arith.addf %dot_general3A_150, %add3A_154 : vector<1000x256xf32>
    %slice3A_156 = vector.extract_strided_slice %add3A_155 {offsets = [0, 0], sizes = [1000, 128], strides = [1, 1]} : vector<1000x256xf32> to vector<1000x128xf32>
    %logistic3A_157 = arith.negf %slice3A_156 : vector<1000x128xf32>
    %logistic3A_158 = math.exp %logistic3A_157 : vector<1000x128xf32>
    %logistic3A_159 = arith.constant 1.000000e+00 : f32
    %logistic3A_160 = vector.broadcast %logistic3A_159 : f32 to vector<1000x128xf32>
    %logistic3A_161 = arith.addf %logistic3A_160, %logistic3A_158 : vector<1000x128xf32>
    %logistic3A_162 = arith.divf %logistic3A_160, %logistic3A_161 : vector<1000x128xf32>
    %slice3A_163 = vector.extract_strided_slice %add3A_155 {offsets = [0, 128], sizes = [1000, 128], strides = [1, 1]} : vector<1000x256xf32> to vector<1000x128xf32>
    %custom_jvp_call3A_164 = arith.constant 0.000000e+00 : f32
    %max3A_165 = vector.broadcast %custom_jvp_call3A_164 : f32 to vector<1000x128xf32>
    %max3A_166 = arith.maximumf %slice3A_163, %max3A_165 : vector<1000x128xf32>
    %sub3A_167 = vector.broadcast %custom_jvp_call3A_164 : f32 to vector<1000x128xf32>
    %sub3A_168 = arith.subf %slice3A_163, %sub3A_167 : vector<1000x128xf32>
    %ne3A_169 = arith.cmpf one, %sub3A_168, %sub3A_168 : vector<1000x128xf32>
    %add3A_170 = vector.broadcast %custom_jvp_call3A_164 : f32 to vector<1000x128xf32>
    %add3A_171 = arith.addf %slice3A_163, %add3A_170 : vector<1000x128xf32>
    %abs3A_172 = math.absf %sub3A_168 : vector<1000x128xf32>
    %neg3A_173 = arith.constant 0.000000e+00 : f32
    %neg3A_174 = vector.broadcast %neg3A_173 : f32 to vector<1000x128xf32>
    %neg3A_175 = arith.subf %neg3A_174, %abs3A_172 : vector<1000x128xf32>
    %exp3A_176 = math.exp %neg3A_175 : vector<1000x128xf32>
    %log1p3A_177 = math.log1p %exp3A_176 : vector<1000x128xf32>
    %add3A_178 = arith.addf %max3A_166, %log1p3A_177 : vector<1000x128xf32>
    %select_n3A_179 = arith.select %ne3A_169, %add3A_171, %add3A_178 : vector<1000x128xi1>, vector<1000x128xf32>
    %mul3A_180 = arith.mulf %logistic3A_162, %select_n3A_179 : vector<1000x128xf32>
    %add3A_181 = arith.addf %add3A_120, %mul3A_180 : vector<1000x128xf32>
    %get3A_182 = arith.constant 0 : index
    %get3A_183 = arith.constant 3 : index
    %get3A_184 = arith.constant 0 : index
    %get3A_185 = vector.load %arg2[%get3A_182, %get3A_183, %get3A_184] : memref<1000x8x128xf32, #tpu.memory_space<vmem>>, vector<1000x1x128xf32>
    %get3A_186 = vector.shape_cast %get3A_185 : vector<1000x1x128xf32> to vector<1000x128xf32>
    %get3A_187 = arith.constant 0 : index
    %get3A_188 = arith.constant 0 : index
    %get3A_189 = vector.load %arg6[%get3A_187, %get3A_188] : memref<1x128xf32, #tpu.memory_space<vmem>>, vector<1x128xf32>
    %add3A_190 = vector.broadcast %get3A_189 : vector<1x128xf32> to vector<1000x128xf32>
    %add3A_191 = arith.addf %get3A_186, %add3A_190 : vector<1000x128xf32>
    %get3A_192 = arith.constant 0 : index
    %get3A_193 = arith.constant 96 : index
    %get3A_194 = vector.load %arg3[%get3A_192, %get3A_193] : memref<1000x256xf32, #tpu.memory_space<vmem>>, vector<1000x32xf32>
    %get3A_195 = arith.constant 0 : index
    %get3A_196 = arith.constant 0 : index
    %get3A_197 = vector.load %arg7[%get3A_195, %get3A_196] : memref<32x128xf32, #tpu.memory_space<vmem>>, vector<32x128xf32>
    %dot_general3A_198 = arith.constant dense<0.000000e+00> : vector<1000x128xf32>
    %dot_general3A_199 = tpu.matmul %get3A_194, %get3A_197, %dot_general3A_198 {dimension_numbers = #tpu.dot_dimension_numbers<[1], [0], [0], [1], [0, 0, 1, 1], [], []>, transpose_lhs_hint = false} : vector<1000x32xf32>, vector<32x128xf32>, vector<1000x128xf32> -> vector<1000x128xf32>
    %get3A_200 = arith.constant 0 : index
    %get3A_201 = arith.constant 0 : index
    %get3A_202 = vector.load %arg8[%get3A_200, %get3A_201] : memref<1x128xf32, #tpu.memory_space<vmem>>, vector<1x128xf32>
    %add3A_203 = vector.broadcast %get3A_202 : vector<1x128xf32> to vector<1000x128xf32>
    %add3A_204 = arith.addf %dot_general3A_199, %add3A_203 : vector<1000x128xf32>
    %mul3A_205 = arith.mulf %add3A_9, %add3A_191 : vector<1000x128xf32>
    %mul3A_206 = arith.mulf %mul3A_205, %add3A_204 : vector<1000x128xf32>
    %get3A_207 = arith.constant 0 : index
    %get3A_208 = arith.constant 0 : index
    %get3A_209 = vector.load %arg9[%get3A_207, %get3A_208] : memref<128x256xf32, #tpu.memory_space<vmem>>, vector<128x256xf32>
    %dot_general3A_210 = arith.constant dense<0.000000e+00> : vector<1000x256xf32>
    %dot_general3A_211 = tpu.matmul %mul3A_206, %get3A_209, %dot_general3A_210 {dimension_numbers = #tpu.dot_dimension_numbers<[1], [0], [0], [1], [0, 0, 1, 1], [], []>, transpose_lhs_hint = false} : vector<1000x128xf32>, vector<128x256xf32>, vector<1000x256xf32> -> vector<1000x256xf32>
    %get3A_212 = arith.constant 0 : index
    %get3A_213 = arith.constant 0 : index
    %get3A_214 = vector.load %arg10[%get3A_212, %get3A_213] : memref<1x256xf32, #tpu.memory_space<vmem>>, vector<1x256xf32>
    %add3A_215 = vector.broadcast %get3A_214 : vector<1x256xf32> to vector<1000x256xf32>
    %add3A_216 = arith.addf %dot_general3A_211, %add3A_215 : vector<1000x256xf32>
    %slice3A_217 = vector.extract_strided_slice %add3A_216 {offsets = [0, 0], sizes = [1000, 128], strides = [1, 1]} : vector<1000x256xf32> to vector<1000x128xf32>
    %logistic3A_218 = arith.negf %slice3A_217 : vector<1000x128xf32>
    %logistic3A_219 = math.exp %logistic3A_218 : vector<1000x128xf32>
    %logistic3A_220 = arith.constant 1.000000e+00 : f32
    %logistic3A_221 = vector.broadcast %logistic3A_220 : f32 to vector<1000x128xf32>
    %logistic3A_222 = arith.addf %logistic3A_221, %logistic3A_219 : vector<1000x128xf32>
    %logistic3A_223 = arith.divf %logistic3A_221, %logistic3A_222 : vector<1000x128xf32>
    %slice3A_224 = vector.extract_strided_slice %add3A_216 {offsets = [0, 128], sizes = [1000, 128], strides = [1, 1]} : vector<1000x256xf32> to vector<1000x128xf32>
    %custom_jvp_call3A_225 = arith.constant 0.000000e+00 : f32
    %max3A_226 = vector.broadcast %custom_jvp_call3A_225 : f32 to vector<1000x128xf32>
    %max3A_227 = arith.maximumf %slice3A_224, %max3A_226 : vector<1000x128xf32>
    %sub3A_228 = vector.broadcast %custom_jvp_call3A_225 : f32 to vector<1000x128xf32>
    %sub3A_229 = arith.subf %slice3A_224, %sub3A_228 : vector<1000x128xf32>
    %ne3A_230 = arith.cmpf one, %sub3A_229, %sub3A_229 : vector<1000x128xf32>
    %add3A_231 = vector.broadcast %custom_jvp_call3A_225 : f32 to vector<1000x128xf32>
    %add3A_232 = arith.addf %slice3A_224, %add3A_231 : vector<1000x128xf32>
    %abs3A_233 = math.absf %sub3A_229 : vector<1000x128xf32>
    %neg3A_234 = arith.constant 0.000000e+00 : f32
    %neg3A_235 = vector.broadcast %neg3A_234 : f32 to vector<1000x128xf32>
    %neg3A_236 = arith.subf %neg3A_235, %abs3A_233 : vector<1000x128xf32>
    %exp3A_237 = math.exp %neg3A_236 : vector<1000x128xf32>
    %log1p3A_238 = math.log1p %exp3A_237 : vector<1000x128xf32>
    %add3A_239 = arith.addf %max3A_227, %log1p3A_238 : vector<1000x128xf32>
    %select_n3A_240 = arith.select %ne3A_230, %add3A_232, %add3A_239 : vector<1000x128xi1>, vector<1000x128xf32>
    %mul3A_241 = arith.mulf %logistic3A_223, %select_n3A_240 : vector<1000x128xf32>
    %add3A_242 = arith.addf %add3A_181, %mul3A_241 : vector<1000x128xf32>
    %get3A_243 = arith.constant 0 : index
    %get3A_244 = arith.constant 4 : index
    %get3A_245 = arith.constant 0 : index
    %get3A_246 = vector.load %arg2[%get3A_243, %get3A_244, %get3A_245] : memref<1000x8x128xf32, #tpu.memory_space<vmem>>, vector<1000x1x128xf32>
    %get3A_247 = vector.shape_cast %get3A_246 : vector<1000x1x128xf32> to vector<1000x128xf32>
    %get3A_248 = arith.constant 0 : index
    %get3A_249 = arith.constant 0 : index
    %get3A_250 = vector.load %arg6[%get3A_248, %get3A_249] : memref<1x128xf32, #tpu.memory_space<vmem>>, vector<1x128xf32>
    %add3A_251 = vector.broadcast %get3A_250 : vector<1x128xf32> to vector<1000x128xf32>
    %add3A_252 = arith.addf %get3A_247, %add3A_251 : vector<1000x128xf32>
    %get3A_253 = arith.constant 0 : index
    %get3A_254 = arith.constant 128 : index
    %get3A_255 = vector.load %arg3[%get3A_253, %get3A_254] : memref<1000x256xf32, #tpu.memory_space<vmem>>, vector<1000x32xf32>
    %get3A_256 = arith.constant 0 : index
    %get3A_257 = arith.constant 0 : index
    %get3A_258 = vector.load %arg7[%get3A_256, %get3A_257] : memref<32x128xf32, #tpu.memory_space<vmem>>, vector<32x128xf32>
    %dot_general3A_259 = arith.constant dense<0.000000e+00> : vector<1000x128xf32>
    %dot_general3A_260 = tpu.matmul %get3A_255, %get3A_258, %dot_general3A_259 {dimension_numbers = #tpu.dot_dimension_numbers<[1], [0], [0], [1], [0, 0, 1, 1], [], []>, transpose_lhs_hint = false} : vector<1000x32xf32>, vector<32x128xf32>, vector<1000x128xf32> -> vector<1000x128xf32>
    %get3A_261 = arith.constant 0 : index
    %get3A_262 = arith.constant 0 : index
    %get3A_263 = vector.load %arg8[%get3A_261, %get3A_262] : memref<1x128xf32, #tpu.memory_space<vmem>>, vector<1x128xf32>
    %add3A_264 = vector.broadcast %get3A_263 : vector<1x128xf32> to vector<1000x128xf32>
    %add3A_265 = arith.addf %dot_general3A_260, %add3A_264 : vector<1000x128xf32>
    %mul3A_266 = arith.mulf %add3A_9, %add3A_252 : vector<1000x128xf32>
    %mul3A_267 = arith.mulf %mul3A_266, %add3A_265 : vector<1000x128xf32>
    %get3A_268 = arith.constant 0 : index
    %get3A_269 = arith.constant 0 : index
    %get3A_270 = vector.load %arg9[%get3A_268, %get3A_269] : memref<128x256xf32, #tpu.memory_space<vmem>>, vector<128x256xf32>
    %dot_general3A_271 = arith.constant dense<0.000000e+00> : vector<1000x256xf32>
    %dot_general3A_272 = tpu.matmul %mul3A_267, %get3A_270, %dot_general3A_271 {dimension_numbers = #tpu.dot_dimension_numbers<[1], [0], [0], [1], [0, 0, 1, 1], [], []>, transpose_lhs_hint = false} : vector<1000x128xf32>, vector<128x256xf32>, vector<1000x256xf32> -> vector<1000x256xf32>
    %get3A_273 = arith.constant 0 : index
    %get3A_274 = arith.constant 0 : index
    %get3A_275 = vector.load %arg10[%get3A_273, %get3A_274] : memref<1x256xf32, #tpu.memory_space<vmem>>, vector<1x256xf32>
    %add3A_276 = vector.broadcast %get3A_275 : vector<1x256xf32> to vector<1000x256xf32>
    %add3A_277 = arith.addf %dot_general3A_272, %add3A_276 : vector<1000x256xf32>
    %slice3A_278 = vector.extract_strided_slice %add3A_277 {offsets = [0, 0], sizes = [1000, 128], strides = [1, 1]} : vector<1000x256xf32> to vector<1000x128xf32>
    %logistic3A_279 = arith.negf %slice3A_278 : vector<1000x128xf32>
    %logistic3A_280 = math.exp %logistic3A_279 : vector<1000x128xf32>
    %logistic3A_281 = arith.constant 1.000000e+00 : f32
    %logistic3A_282 = vector.broadcast %logistic3A_281 : f32 to vector<1000x128xf32>
    %logistic3A_283 = arith.addf %logistic3A_282, %logistic3A_280 : vector<1000x128xf32>
    %logistic3A_284 = arith.divf %logistic3A_282, %logistic3A_283 : vector<1000x128xf32>
    %slice3A_285 = vector.extract_strided_slice %add3A_277 {offsets = [0, 128], sizes = [1000, 128], strides = [1, 1]} : vector<1000x256xf32> to vector<1000x128xf32>
    %custom_jvp_call3A_286 = arith.constant 0.000000e+00 : f32
    %max3A_287 = vector.broadcast %custom_jvp_call3A_286 : f32 to vector<1000x128xf32>
    %max3A_288 = arith.maximumf %slice3A_285, %max3A_287 : vector<1000x128xf32>
    %sub3A_289 = vector.broadcast %custom_jvp_call3A_286 : f32 to vector<1000x128xf32>
    %sub3A_290 = arith.subf %slice3A_285, %sub3A_289 : vector<1000x128xf32>
    %ne3A_291 = arith.cmpf one, %sub3A_290, %sub3A_290 : vector<1000x128xf32>
    %add3A_292 = vector.broadcast %custom_jvp_call3A_286 : f32 to vector<1000x128xf32>
    %add3A_293 = arith.addf %slice3A_285, %add3A_292 : vector<1000x128xf32>
    %abs3A_294 = math.absf %sub3A_290 : vector<1000x128xf32>
    %neg3A_295 = arith.constant 0.000000e+00 : f32
    %neg3A_296 = vector.broadcast %neg3A_295 : f32 to vector<1000x128xf32>
    %neg3A_297 = arith.subf %neg3A_296, %abs3A_294 : vector<1000x128xf32>
    %exp3A_298 = math.exp %neg3A_297 : vector<1000x128xf32>
    %log1p3A_299 = math.log1p %exp3A_298 : vector<1000x128xf32>
    %add3A_300 = arith.addf %max3A_288, %log1p3A_299 : vector<1000x128xf32>
    %select_n3A_301 = arith.select %ne3A_291, %add3A_293, %add3A_300 : vector<1000x128xi1>, vector<1000x128xf32>
    %mul3A_302 = arith.mulf %logistic3A_284, %select_n3A_301 : vector<1000x128xf32>
    %add3A_303 = arith.addf %add3A_242, %mul3A_302 : vector<1000x128xf32>
    %get3A_304 = arith.constant 0 : index
    %get3A_305 = arith.constant 5 : index
    %get3A_306 = arith.constant 0 : index
    %get3A_307 = vector.load %arg2[%get3A_304, %get3A_305, %get3A_306] : memref<1000x8x128xf32, #tpu.memory_space<vmem>>, vector<1000x1x128xf32>
    %get3A_308 = vector.shape_cast %get3A_307 : vector<1000x1x128xf32> to vector<1000x128xf32>
    %get3A_309 = arith.constant 0 : index
    %get3A_310 = arith.constant 0 : index
    %get3A_311 = vector.load %arg6[%get3A_309, %get3A_310] : memref<1x128xf32, #tpu.memory_space<vmem>>, vector<1x128xf32>
    %add3A_312 = vector.broadcast %get3A_311 : vector<1x128xf32> to vector<1000x128xf32>
    %add3A_313 = arith.addf %get3A_308, %add3A_312 : vector<1000x128xf32>
    %get3A_314 = arith.constant 0 : index
    %get3A_315 = arith.constant 160 : index
    %get3A_316 = vector.load %arg3[%get3A_314, %get3A_315] : memref<1000x256xf32, #tpu.memory_space<vmem>>, vector<1000x32xf32>
    %get3A_317 = arith.constant 0 : index
    %get3A_318 = arith.constant 0 : index
    %get3A_319 = vector.load %arg7[%get3A_317, %get3A_318] : memref<32x128xf32, #tpu.memory_space<vmem>>, vector<32x128xf32>
    %dot_general3A_320 = arith.constant dense<0.000000e+00> : vector<1000x128xf32>
    %dot_general3A_321 = tpu.matmul %get3A_316, %get3A_319, %dot_general3A_320 {dimension_numbers = #tpu.dot_dimension_numbers<[1], [0], [0], [1], [0, 0, 1, 1], [], []>, transpose_lhs_hint = false} : vector<1000x32xf32>, vector<32x128xf32>, vector<1000x128xf32> -> vector<1000x128xf32>
    %get3A_322 = arith.constant 0 : index
    %get3A_323 = arith.constant 0 : index
    %get3A_324 = vector.load %arg8[%get3A_322, %get3A_323] : memref<1x128xf32, #tpu.memory_space<vmem>>, vector<1x128xf32>
    %add3A_325 = vector.broadcast %get3A_324 : vector<1x128xf32> to vector<1000x128xf32>
    %add3A_326 = arith.addf %dot_general3A_321, %add3A_325 : vector<1000x128xf32>
    %mul3A_327 = arith.mulf %add3A_9, %add3A_313 : vector<1000x128xf32>
    %mul3A_328 = arith.mulf %mul3A_327, %add3A_326 : vector<1000x128xf32>
    %get3A_329 = arith.constant 0 : index
    %get3A_330 = arith.constant 0 : index
    %get3A_331 = vector.load %arg9[%get3A_329, %get3A_330] : memref<128x256xf32, #tpu.memory_space<vmem>>, vector<128x256xf32>
    %dot_general3A_332 = arith.constant dense<0.000000e+00> : vector<1000x256xf32>
    %dot_general3A_333 = tpu.matmul %mul3A_328, %get3A_331, %dot_general3A_332 {dimension_numbers = #tpu.dot_dimension_numbers<[1], [0], [0], [1], [0, 0, 1, 1], [], []>, transpose_lhs_hint = false} : vector<1000x128xf32>, vector<128x256xf32>, vector<1000x256xf32> -> vector<1000x256xf32>
    %get3A_334 = arith.constant 0 : index
    %get3A_335 = arith.constant 0 : index
    %get3A_336 = vector.load %arg10[%get3A_334, %get3A_335] : memref<1x256xf32, #tpu.memory_space<vmem>>, vector<1x256xf32>
    %add3A_337 = vector.broadcast %get3A_336 : vector<1x256xf32> to vector<1000x256xf32>
    %add3A_338 = arith.addf %dot_general3A_333, %add3A_337 : vector<1000x256xf32>
    %slice3A_339 = vector.extract_strided_slice %add3A_338 {offsets = [0, 0], sizes = [1000, 128], strides = [1, 1]} : vector<1000x256xf32> to vector<1000x128xf32>
    %logistic3A_340 = arith.negf %slice3A_339 : vector<1000x128xf32>
    %logistic3A_341 = math.exp %logistic3A_340 : vector<1000x128xf32>
    %logistic3A_342 = arith.constant 1.000000e+00 : f32
    %logistic3A_343 = vector.broadcast %logistic3A_342 : f32 to vector<1000x128xf32>
    %logistic3A_344 = arith.addf %logistic3A_343, %logistic3A_341 : vector<1000x128xf32>
    %logistic3A_345 = arith.divf %logistic3A_343, %logistic3A_344 : vector<1000x128xf32>
    %slice3A_346 = vector.extract_strided_slice %add3A_338 {offsets = [0, 128], sizes = [1000, 128], strides = [1, 1]} : vector<1000x256xf32> to vector<1000x128xf32>
    %custom_jvp_call3A_347 = arith.constant 0.000000e+00 : f32
    %max3A_348 = vector.broadcast %custom_jvp_call3A_347 : f32 to vector<1000x128xf32>
    %max3A_349 = arith.maximumf %slice3A_346, %max3A_348 : vector<1000x128xf32>
    %sub3A_350 = vector.broadcast %custom_jvp_call3A_347 : f32 to vector<1000x128xf32>
    %sub3A_351 = arith.subf %slice3A_346, %sub3A_350 : vector<1000x128xf32>
    %ne3A_352 = arith.cmpf one, %sub3A_351, %sub3A_351 : vector<1000x128xf32>
    %add3A_353 = vector.broadcast %custom_jvp_call3A_347 : f32 to vector<1000x128xf32>
    %add3A_354 = arith.addf %slice3A_346, %add3A_353 : vector<1000x128xf32>
    %abs3A_355 = math.absf %sub3A_351 : vector<1000x128xf32>
    %neg3A_356 = arith.constant 0.000000e+00 : f32
    %neg3A_357 = vector.broadcast %neg3A_356 : f32 to vector<1000x128xf32>
    %neg3A_358 = arith.subf %neg3A_357, %abs3A_355 : vector<1000x128xf32>
    %exp3A_359 = math.exp %neg3A_358 : vector<1000x128xf32>
    %log1p3A_360 = math.log1p %exp3A_359 : vector<1000x128xf32>
    %add3A_361 = arith.addf %max3A_349, %log1p3A_360 : vector<1000x128xf32>
    %select_n3A_362 = arith.select %ne3A_352, %add3A_354, %add3A_361 : vector<1000x128xi1>, vector<1000x128xf32>
    %mul3A_363 = arith.mulf %logistic3A_345, %select_n3A_362 : vector<1000x128xf32>
    %add3A_364 = arith.addf %add3A_303, %mul3A_363 : vector<1000x128xf32>
    %get3A_365 = arith.constant 0 : index
    %get3A_366 = arith.constant 6 : index
    %get3A_367 = arith.constant 0 : index
    %get3A_368 = vector.load %arg2[%get3A_365, %get3A_366, %get3A_367] : memref<1000x8x128xf32, #tpu.memory_space<vmem>>, vector<1000x1x128xf32>
    %get3A_369 = vector.shape_cast %get3A_368 : vector<1000x1x128xf32> to vector<1000x128xf32>
    %get3A_370 = arith.constant 0 : index
    %get3A_371 = arith.constant 0 : index
    %get3A_372 = vector.load %arg6[%get3A_370, %get3A_371] : memref<1x128xf32, #tpu.memory_space<vmem>>, vector<1x128xf32>
    %add3A_373 = vector.broadcast %get3A_372 : vector<1x128xf32> to vector<1000x128xf32>
    %add3A_374 = arith.addf %get3A_369, %add3A_373 : vector<1000x128xf32>
    %get3A_375 = arith.constant 0 : index
    %get3A_376 = arith.constant 192 : index
    %get3A_377 = vector.load %arg3[%get3A_375, %get3A_376] : memref<1000x256xf32, #tpu.memory_space<vmem>>, vector<1000x32xf32>
    %get3A_378 = arith.constant 0 : index
    %get3A_379 = arith.constant 0 : index
    %get3A_380 = vector.load %arg7[%get3A_378, %get3A_379] : memref<32x128xf32, #tpu.memory_space<vmem>>, vector<32x128xf32>
    %dot_general3A_381 = arith.constant dense<0.000000e+00> : vector<1000x128xf32>
    %dot_general3A_382 = tpu.matmul %get3A_377, %get3A_380, %dot_general3A_381 {dimension_numbers = #tpu.dot_dimension_numbers<[1], [0], [0], [1], [0, 0, 1, 1], [], []>, transpose_lhs_hint = false} : vector<1000x32xf32>, vector<32x128xf32>, vector<1000x128xf32> -> vector<1000x128xf32>
    %get3A_383 = arith.constant 0 : index
    %get3A_384 = arith.constant 0 : index
    %get3A_385 = vector.load %arg8[%get3A_383, %get3A_384] : memref<1x128xf32, #tpu.memory_space<vmem>>, vector<1x128xf32>
    %add3A_386 = vector.broadcast %get3A_385 : vector<1x128xf32> to vector<1000x128xf32>
    %add3A_387 = arith.addf %dot_general3A_382, %add3A_386 : vector<1000x128xf32>
    %mul3A_388 = arith.mulf %add3A_9, %add3A_374 : vector<1000x128xf32>
    %mul3A_389 = arith.mulf %mul3A_388, %add3A_387 : vector<1000x128xf32>
    %get3A_390 = arith.constant 0 : index
    %get3A_391 = arith.constant 0 : index
    %get3A_392 = vector.load %arg9[%get3A_390, %get3A_391] : memref<128x256xf32, #tpu.memory_space<vmem>>, vector<128x256xf32>
    %dot_general3A_393 = arith.constant dense<0.000000e+00> : vector<1000x256xf32>
    %dot_general3A_394 = tpu.matmul %mul3A_389, %get3A_392, %dot_general3A_393 {dimension_numbers = #tpu.dot_dimension_numbers<[1], [0], [0], [1], [0, 0, 1, 1], [], []>, transpose_lhs_hint = false} : vector<1000x128xf32>, vector<128x256xf32>, vector<1000x256xf32> -> vector<1000x256xf32>
    %get3A_395 = arith.constant 0 : index
    %get3A_396 = arith.constant 0 : index
    %get3A_397 = vector.load %arg10[%get3A_395, %get3A_396] : memref<1x256xf32, #tpu.memory_space<vmem>>, vector<1x256xf32>
    %add3A_398 = vector.broadcast %get3A_397 : vector<1x256xf32> to vector<1000x256xf32>
    %add3A_399 = arith.addf %dot_general3A_394, %add3A_398 : vector<1000x256xf32>
    %slice3A_400 = vector.extract_strided_slice %add3A_399 {offsets = [0, 0], sizes = [1000, 128], strides = [1, 1]} : vector<1000x256xf32> to vector<1000x128xf32>
    %logistic3A_401 = arith.negf %slice3A_400 : vector<1000x128xf32>
    %logistic3A_402 = math.exp %logistic3A_401 : vector<1000x128xf32>
    %logistic3A_403 = arith.constant 1.000000e+00 : f32
    %logistic3A_404 = vector.broadcast %logistic3A_403 : f32 to vector<1000x128xf32>
    %logistic3A_405 = arith.addf %logistic3A_404, %logistic3A_402 : vector<1000x128xf32>
    %logistic3A_406 = arith.divf %logistic3A_404, %logistic3A_405 : vector<1000x128xf32>
    %slice3A_407 = vector.extract_strided_slice %add3A_399 {offsets = [0, 128], sizes = [1000, 128], strides = [1, 1]} : vector<1000x256xf32> to vector<1000x128xf32>
    %custom_jvp_call3A_408 = arith.constant 0.000000e+00 : f32
    %max3A_409 = vector.broadcast %custom_jvp_call3A_408 : f32 to vector<1000x128xf32>
    %max3A_410 = arith.maximumf %slice3A_407, %max3A_409 : vector<1000x128xf32>
    %sub3A_411 = vector.broadcast %custom_jvp_call3A_408 : f32 to vector<1000x128xf32>
    %sub3A_412 = arith.subf %slice3A_407, %sub3A_411 : vector<1000x128xf32>
    %ne3A_413 = arith.cmpf one, %sub3A_412, %sub3A_412 : vector<1000x128xf32>
    %add3A_414 = vector.broadcast %custom_jvp_call3A_408 : f32 to vector<1000x128xf32>
    %add3A_415 = arith.addf %slice3A_407, %add3A_414 : vector<1000x128xf32>
    %abs3A_416 = math.absf %sub3A_412 : vector<1000x128xf32>
    %neg3A_417 = arith.constant 0.000000e+00 : f32
    %neg3A_418 = vector.broadcast %neg3A_417 : f32 to vector<1000x128xf32>
    %neg3A_419 = arith.subf %neg3A_418, %abs3A_416 : vector<1000x128xf32>
    %exp3A_420 = math.exp %neg3A_419 : vector<1000x128xf32>
    %log1p3A_421 = math.log1p %exp3A_420 : vector<1000x128xf32>
    %add3A_422 = arith.addf %max3A_410, %log1p3A_421 : vector<1000x128xf32>
    %select_n3A_423 = arith.select %ne3A_413, %add3A_415, %add3A_422 : vector<1000x128xi1>, vector<1000x128xf32>
    %mul3A_424 = arith.mulf %logistic3A_406, %select_n3A_423 : vector<1000x128xf32>
    %add3A_425 = arith.addf %add3A_364, %mul3A_424 : vector<1000x128xf32>
    %get3A_426 = arith.constant 0 : index
    %get3A_427 = arith.constant 7 : index
    %get3A_428 = arith.constant 0 : index
    %get3A_429 = vector.load %arg2[%get3A_426, %get3A_427, %get3A_428] : memref<1000x8x128xf32, #tpu.memory_space<vmem>>, vector<1000x1x128xf32>
    %get3A_430 = vector.shape_cast %get3A_429 : vector<1000x1x128xf32> to vector<1000x128xf32>
    %get3A_431 = arith.constant 0 : index
    %get3A_432 = arith.constant 0 : index
    %get3A_433 = vector.load %arg6[%get3A_431, %get3A_432] : memref<1x128xf32, #tpu.memory_space<vmem>>, vector<1x128xf32>
    %add3A_434 = vector.broadcast %get3A_433 : vector<1x128xf32> to vector<1000x128xf32>
    %add3A_435 = arith.addf %get3A_430, %add3A_434 : vector<1000x128xf32>
    %get3A_436 = arith.constant 0 : index
    %get3A_437 = arith.constant 224 : index
    %get3A_438 = vector.load %arg3[%get3A_436, %get3A_437] : memref<1000x256xf32, #tpu.memory_space<vmem>>, vector<1000x32xf32>
    %get3A_439 = arith.constant 0 : index
    %get3A_440 = arith.constant 0 : index
    %get3A_441 = vector.load %arg7[%get3A_439, %get3A_440] : memref<32x128xf32, #tpu.memory_space<vmem>>, vector<32x128xf32>
    %dot_general3A_442 = arith.constant dense<0.000000e+00> : vector<1000x128xf32>
    %dot_general3A_443 = tpu.matmul %get3A_438, %get3A_441, %dot_general3A_442 {dimension_numbers = #tpu.dot_dimension_numbers<[1], [0], [0], [1], [0, 0, 1, 1], [], []>, transpose_lhs_hint = false} : vector<1000x32xf32>, vector<32x128xf32>, vector<1000x128xf32> -> vector<1000x128xf32>
    %get3A_444 = arith.constant 0 : index
    %get3A_445 = arith.constant 0 : index
    %get3A_446 = vector.load %arg8[%get3A_444, %get3A_445] : memref<1x128xf32, #tpu.memory_space<vmem>>, vector<1x128xf32>
    %add3A_447 = vector.broadcast %get3A_446 : vector<1x128xf32> to vector<1000x128xf32>
    %add3A_448 = arith.addf %dot_general3A_443, %add3A_447 : vector<1000x128xf32>
    %mul3A_449 = arith.mulf %add3A_9, %add3A_435 : vector<1000x128xf32>
    %mul3A_450 = arith.mulf %mul3A_449, %add3A_448 : vector<1000x128xf32>
    %get3A_451 = arith.constant 0 : index
    %get3A_452 = arith.constant 0 : index
    %get3A_453 = vector.load %arg9[%get3A_451, %get3A_452] : memref<128x256xf32, #tpu.memory_space<vmem>>, vector<128x256xf32>
    %dot_general3A_454 = arith.constant dense<0.000000e+00> : vector<1000x256xf32>
    %dot_general3A_455 = tpu.matmul %mul3A_450, %get3A_453, %dot_general3A_454 {dimension_numbers = #tpu.dot_dimension_numbers<[1], [0], [0], [1], [0, 0, 1, 1], [], []>, transpose_lhs_hint = false} : vector<1000x128xf32>, vector<128x256xf32>, vector<1000x256xf32> -> vector<1000x256xf32>
    %get3A_456 = arith.constant 0 : index
    %get3A_457 = arith.constant 0 : index
    %get3A_458 = vector.load %arg10[%get3A_456, %get3A_457] : memref<1x256xf32, #tpu.memory_space<vmem>>, vector<1x256xf32>
    %add3A_459 = vector.broadcast %get3A_458 : vector<1x256xf32> to vector<1000x256xf32>
    %add3A_460 = arith.addf %dot_general3A_455, %add3A_459 : vector<1000x256xf32>
    %slice3A_461 = vector.extract_strided_slice %add3A_460 {offsets = [0, 0], sizes = [1000, 128], strides = [1, 1]} : vector<1000x256xf32> to vector<1000x128xf32>
    %logistic3A_462 = arith.negf %slice3A_461 : vector<1000x128xf32>
    %logistic3A_463 = math.exp %logistic3A_462 : vector<1000x128xf32>
    %logistic3A_464 = arith.constant 1.000000e+00 : f32
    %logistic3A_465 = vector.broadcast %logistic3A_464 : f32 to vector<1000x128xf32>
    %logistic3A_466 = arith.addf %logistic3A_465, %logistic3A_463 : vector<1000x128xf32>
    %logistic3A_467 = arith.divf %logistic3A_465, %logistic3A_466 : vector<1000x128xf32>
    %slice3A_468 = vector.extract_strided_slice %add3A_460 {offsets = [0, 128], sizes = [1000, 128], strides = [1, 1]} : vector<1000x256xf32> to vector<1000x128xf32>
    %custom_jvp_call3A_469 = arith.constant 0.000000e+00 : f32
    %max3A_470 = vector.broadcast %custom_jvp_call3A_469 : f32 to vector<1000x128xf32>
    %max3A_471 = arith.maximumf %slice3A_468, %max3A_470 : vector<1000x128xf32>
    %sub3A_472 = vector.broadcast %custom_jvp_call3A_469 : f32 to vector<1000x128xf32>
    %sub3A_473 = arith.subf %slice3A_468, %sub3A_472 : vector<1000x128xf32>
    %ne3A_474 = arith.cmpf one, %sub3A_473, %sub3A_473 : vector<1000x128xf32>
    %add3A_475 = vector.broadcast %custom_jvp_call3A_469 : f32 to vector<1000x128xf32>
    %add3A_476 = arith.addf %slice3A_468, %add3A_475 : vector<1000x128xf32>
    %abs3A_477 = math.absf %sub3A_473 : vector<1000x128xf32>
    %neg3A_478 = arith.constant 0.000000e+00 : f32
    %neg3A_479 = vector.broadcast %neg3A_478 : f32 to vector<1000x128xf32>
    %neg3A_480 = arith.subf %neg3A_479, %abs3A_477 : vector<1000x128xf32>
    %exp3A_481 = math.exp %neg3A_480 : vector<1000x128xf32>
    %log1p3A_482 = math.log1p %exp3A_481 : vector<1000x128xf32>
    %add3A_483 = arith.addf %max3A_471, %log1p3A_482 : vector<1000x128xf32>
    %select_n3A_484 = arith.select %ne3A_474, %add3A_476, %add3A_483 : vector<1000x128xi1>, vector<1000x128xf32>
    %mul3A_485 = arith.mulf %logistic3A_467, %select_n3A_484 : vector<1000x128xf32>
    %add3A_486 = arith.addf %add3A_425, %mul3A_485 : vector<1000x128xf32>
    %slice3A_487 = vector.extract_strided_slice %add3A_486 {offsets = [0, 0], sizes = [1000, 64], strides = [1, 1]} : vector<1000x128xf32> to vector<1000x64xf32>
    %slice3A_488 = vector.extract_strided_slice %add3A_486 {offsets = [0, 64], sizes = [1000, 64], strides = [1, 1]} : vector<1000x128xf32> to vector<1000x64xf32>
    %add3A_489 = arith.addf %slice3A_487, %slice3A_488 : vector<1000x64xf32>
    %reduce_sum3A = arith.constant dense<0.000000e+00> : vector<1000xf32>
    %reduce_sum3A_490 = vector.multi_reduction <add>, %add3A_489, %reduce_sum3A [1] : vector<1000x64xf32> to vector<1000xf32>
    %broadcast_in_dim3A_491 = vector.shape_cast %reduce_sum3A_490 : vector<1000xf32> to vector<1000x1xf32>
    %div3A = arith.constant 6.400000e+01 : f32
    %div3A_492 = vector.broadcast %div3A : f32 to vector<1000x1xf32>
    %div3A_493 = arith.divf %broadcast_in_dim3A_491, %div3A_492 : vector<1000x1xf32>
    %sub3A_494 = vector.broadcast %div3A_493 : vector<1000x1xf32> to vector<1000x64xf32>
    %sub3A_495 = arith.subf %add3A_489, %sub3A_494 : vector<1000x64xf32>
    %integer_pow3A = arith.mulf %sub3A_495, %sub3A_495 : vector<1000x64xf32>
    %reduce_sum3A_496 = arith.constant dense<0.000000e+00> : vector<1000xf32>
    %reduce_sum3A_497 = vector.multi_reduction <add>, %integer_pow3A, %reduce_sum3A_496 [1] : vector<1000x64xf32> to vector<1000xf32>
    %broadcast_in_dim3A_498 = vector.shape_cast %reduce_sum3A_497 : vector<1000xf32> to vector<1000x1xf32>
    %div3A_499 = arith.constant 6.400000e+01 : f32
    %div3A_500 = vector.broadcast %div3A_499 : f32 to vector<1000x1xf32>
    %div3A_501 = arith.divf %broadcast_in_dim3A_498, %div3A_500 : vector<1000x1xf32>
    %sub3A_502 = vector.broadcast %div3A_493 : vector<1000x1xf32> to vector<1000x64xf32>
    %sub3A_503 = arith.subf %add3A_489, %sub3A_502 : vector<1000x64xf32>
    %add3A_504 = arith.constant 9.99999997E-7 : f32
    %add3A_505 = vector.broadcast %add3A_504 : f32 to vector<1000x1xf32>
    %add3A_506 = arith.addf %div3A_501, %add3A_505 : vector<1000x1xf32>
    %rsqrt3A = math.rsqrt %add3A_506 : vector<1000x1xf32>
    %mul3A_507 = vector.broadcast %rsqrt3A : vector<1000x1xf32> to vector<1000x64xf32>
    %mul3A_508 = arith.mulf %sub3A_503, %mul3A_507 : vector<1000x64xf32>
    %get3A_509 = arith.constant 0 : index
    %get3A_510 = arith.constant 0 : index
    %get3A_511 = vector.load %arg11[%get3A_509, %get3A_510] : memref<1x64xf32, #tpu.memory_space<vmem>>, vector<1x64xf32>
    %mul3A_512 = vector.broadcast %get3A_511 : vector<1x64xf32> to vector<1000x64xf32>
    %mul3A_513 = arith.mulf %mul3A_508, %mul3A_512 : vector<1000x64xf32>
    %get3A_514 = arith.constant 0 : index
    %get3A_515 = arith.constant 0 : index
    %get3A_516 = vector.load %arg12[%get3A_514, %get3A_515] : memref<1x64xf32, #tpu.memory_space<vmem>>, vector<1x64xf32>
    %add3A_517 = vector.broadcast %get3A_516 : vector<1x64xf32> to vector<1000x64xf32>
    %add3A_518 = arith.addf %mul3A_513, %add3A_517 : vector<1000x64xf32>
    %add3A_519 = arith.addf %get3A_1, %add3A_518 : vector<1000x64xf32>
    %swap3A = arith.constant 0 : index
    %swap3A_520 = arith.constant 0 : index
    %swap3A_521 = vector.load %arg14[%swap3A, %swap3A_520] : memref<1000x64xf32, #tpu.memory_space<vmem>>, vector<1000x64xf32>
    tpu.vector_store %arg14[%swap3A, %swap3A_520], %add3A_519 {strides = array<i32>} : memref<1000x64xf32, #tpu.memory_space<vmem>>, vector<1000x64xf32>,
    %get3A_522 = arith.constant 0 : index
    %get3A_523 = arith.constant 0 : index
    %get3A_524 = vector.load %arg13[%get3A_522, %get3A_523] : memref<64x64xf32, #tpu.memory_space<vmem>>, vector<64x64xf32>
    %dot_general3A_525 = arith.constant dense<0.000000e+00> : vector<1000x64xf32>
    %dot_general3A_526 = tpu.matmul %add3A_519, %get3A_524, %dot_general3A_525 {dimension_numbers = #tpu.dot_dimension_numbers<[1], [0], [0], [1], [0, 0, 1, 1], [], []>, transpose_lhs_hint = false} : vector<1000x64xf32>, vector<64x64xf32>, vector<1000x64xf32> -> vector<1000x64xf32>
    %swap3A_527 = arith.constant 0 : index
    %swap3A_528 = arith.constant 0 : index
    %swap3A_529 = vector.load %arg15[%swap3A_527, %swap3A_528] : memref<1000x64xf32, #tpu.memory_space<vmem>>, vector<1000x64xf32>
    tpu.vector_store %arg15[%swap3A_527, %swap3A_528], %dot_general3A_526 {strides = array<i32>} : memref<1000x64xf32, #tpu.memory_space<vmem>>, vector<1000x64xf32>,
    return
  }
  func.func @transform_0(%arg0: i32) -> (i32, i32) {
    %c0_i32 = arith.constant 0 : i32
    %c0_i32_0 = arith.constant 0 : i32
    return %arg0, %c0_i32 : i32, i32
  }
  func.func @transform_1(%arg0: i32) -> (i32, i32, i32) {
    %c0_i32 = arith.constant 0 : i32
    %c0_i32_0 = arith.constant 0 : i32
    %c0_i32_1 = arith.constant 0 : i32
    return %arg0, %c0_i32, %c0_i32_0 : i32, i32, i32
  }
  func.func @transform_2(%arg0: i32) -> (i32, i32) {
    %add3A = arith.constant 0 : i32
    %add3A_0 = arith.addi %arg0, %add3A : i32
    %c0_i32 = arith.constant 0 : i32
    %c0_i32_1 = arith.constant 0 : i32
    return %add3A_0, %c0_i32 : i32, i32
  }
  func.func @transform_3(%arg0: i32) -> (i32, i32) {
    %c0_i32 = arith.constant 0 : i32
    %c0_i32_0 = arith.constant 0 : i32
    %c0_i32_1 = arith.constant 0 : i32
    return %c0_i32, %c0_i32_0 : i32, i32
  }
  func.func @transform_4(%arg0: i32) -> (i32, i32) {
    %c0_i32 = arith.constant 0 : i32
    %c0_i32_0 = arith.constant 0 : i32
    %c0_i32_1 = arith.constant 0 : i32
    return %c0_i32, %c0_i32_0 : i32, i32
  }
  func.func @transform_5(%arg0: i32) -> (i32, i32) {
    %c0_i32 = arith.constant 0 : i32
    %c0_i32_0 = arith.constant 0 : i32
    %c0_i32_1 = arith.constant 0 : i32
    return %c0_i32, %c0_i32_0 : i32, i32
  }
  func.func @transform_6(%arg0: i32) -> (i32, i32) {
    %c0_i32 = arith.constant 0 : i32
    %c0_i32_0 = arith.constant 0 : i32
    %c0_i32_1 = arith.constant 0 : i32
    return %c0_i32, %c0_i32_0 : i32, i32
  }
  func.func @transform_7(%arg0: i32) -> (i32, i32) {
    %c0_i32 = arith.constant 0 : i32
    %c0_i32_0 = arith.constant 0 : i32
    %c0_i32_1 = arith.constant 0 : i32
    return %c0_i32, %c0_i32_0 : i32, i32
  }
  func.func @transform_8(%arg0: i32) -> (i32, i32) {
    %c0_i32 = arith.constant 0 : i32
    %c0_i32_0 = arith.constant 0 : i32
    %c0_i32_1 = arith.constant 0 : i32
    return %c0_i32, %c0_i32_0 : i32, i32
  }
  func.func @transform_9(%arg0: i32) -> (i32, i32) {
    %c0_i32 = arith.constant 0 : i32
    %c0_i32_0 = arith.constant 0 : i32
    %c0_i32_1 = arith.constant 0 : i32
    return %c0_i32, %c0_i32_0 : i32, i32
  }
  func.func @transform_10(%arg0: i32) -> (i32, i32) {
    %c0_i32 = arith.constant 0 : i32
    %c0_i32_0 = arith.constant 0 : i32
    %c0_i32_1 = arith.constant 0 : i32
    return %c0_i32, %c0_i32_0 : i32, i32
  }
  func.func @transform_11(%arg0: i32) -> (i32, i32) {
    %c0_i32 = arith.constant 0 : i32
    %c0_i32_0 = arith.constant 0 : i32
    %c0_i32_1 = arith.constant 0 : i32
    return %c0_i32, %c0_i32_0 : i32, i32
  }
  func.func @transform_12(%arg0: i32) -> (i32, i32) {
    %c0_i32 = arith.constant 0 : i32
    %c0_i32_0 = arith.constant 0 : i32
    %c0_i32_1 = arith.constant 0 : i32
    return %c0_i32, %c0_i32_0 : i32, i32
  }
  func.func @transform_13(%arg0: i32) -> (i32, i32) {
    %c0_i32 = arith.constant 0 : i32
    %c0_i32_0 = arith.constant 0 : i32
    return %arg0, %c0_i32 : i32, i32
  }
  func.func @transform_14(%arg0: i32) -> (i32, i32) {
    %add3A = arith.constant 0 : i32
    %add3A_0 = arith.addi %arg0, %add3A : i32
    %c0_i32 = arith.constant 0 : i32
    %c0_i32_1 = arith.constant 0 : i32
    return %add3A_0, %c0_i32 : i32, i32
  }
}

module attributes {stable_mosaic.version = 14 : i64} {
  func.func @_conv_kernel_alias(%arg0: i32, %arg1: memref<1000x64xf32, #tpu.memory_space<vmem>>, %arg2: memref<1000x8x128xf32, #tpu.memory_space<vmem>>, %arg3: memref<1000x256xf32, #tpu.memory_space<vmem>>, %arg4: memref<50000x64xf32, #tpu.memory_space<any>>, %arg5: memref<64x128xf32, #tpu.memory_space<vmem>>, %arg6: memref<1x128xf32, #tpu.memory_space<vmem>>, %arg7: memref<1x128xf32, #tpu.memory_space<vmem>>, %arg8: memref<32x128xf32, #tpu.memory_space<vmem>>, %arg9: memref<1x128xf32, #tpu.memory_space<vmem>>, %arg10: memref<128x256xf32, #tpu.memory_space<vmem>>, %arg11: memref<1x256xf32, #tpu.memory_space<vmem>>, %arg12: memref<1x64xf32, #tpu.memory_space<vmem>>, %arg13: memref<1x64xf32, #tpu.memory_space<vmem>>, %arg14: memref<64x64xf32, #tpu.memory_space<vmem>>, %arg15: memref<1000x64xf32, #tpu.memory_space<vmem>>, %arg16: memref<1000x64xf32, #tpu.memory_space<vmem>>) attributes {dimension_semantics = [#tpu.dimension_semantics<arbitrary>], iteration_bounds = array<i64: 24>, scalar_prefetch = 0 : i64, scratch_operands = 0 : i64, tpu.core_type = #tpu.core_type<tc>, window_params = [{transform_indices = @transform_0, window_bounds = array<i64: 1000, 64>}, {transform_indices = @transform_1, window_bounds = array<i64: 1000, 8, 128>}, {transform_indices = @transform_2, window_bounds = array<i64: 1000, 256>}, {}, {pipeline_mode = #tpu.pipeline_mode<synchronous>, transform_indices = @transform_4, window_bounds = array<i64: 64, 128>}, {pipeline_mode = #tpu.pipeline_mode<synchronous>, transform_indices = @transform_5, window_bounds = array<i64: 1, 128>}, {pipeline_mode = #tpu.pipeline_mode<synchronous>, transform_indices = @transform_6, window_bounds = array<i64: 1, 128>}, {pipeline_mode = #tpu.pipeline_mode<synchronous>, transform_indices = @transform_7, window_bounds = array<i64: 32, 128>}, {pipeline_mode = #tpu.pipeline_mode<synchronous>, transform_indices = @transform_8, window_bounds = array<i64: 1, 128>}, {pipeline_mode = #tpu.pipeline_mode<synchronous>, transform_indices = @transform_9, window_bounds = array<i64: 128, 256>}, {pipeline_mode = #tpu.pipeline_mode<synchronous>, transform_indices = @transform_10, window_bounds = array<i64: 1, 256>}, {pipeline_mode = #tpu.pipeline_mode<synchronous>, transform_indices = @transform_11, window_bounds = array<i64: 1, 64>}, {pipeline_mode = #tpu.pipeline_mode<synchronous>, transform_indices = @transform_12, window_bounds = array<i64: 1, 64>}, {pipeline_mode = #tpu.pipeline_mode<synchronous>, transform_indices = @transform_13, window_bounds = array<i64: 64, 64>}, {transform_indices = @transform_14, window_bounds = array<i64: 1000, 64>}, {transform_indices = @transform_15, window_bounds = array<i64: 1000, 64>}]} {
    %get3A = arith.constant 0 : index
    %get3A_0 = arith.constant 0 : index
    %get3A_1 = vector.load %arg1[%get3A, %get3A_0] : memref<1000x64xf32, #tpu.memory_space<vmem>>, vector<1000x64xf32>
    %get3A_2 = arith.constant 0 : index
    %get3A_3 = arith.constant 0 : index
    %get3A_4 = vector.load %arg5[%get3A_2, %get3A_3] : memref<64x128xf32, #tpu.memory_space<vmem>>, vector<64x128xf32>
    %dot_general3A = arith.constant dense<0.000000e+00> : vector<1000x128xf32>
    %dot_general3A_5 = tpu.matmul %get3A_1, %get3A_4, %dot_general3A {dimension_numbers = #tpu.dot_dimension_numbers<[1], [0], [0], [1], [0, 0, 1, 1], [], []>, transpose_lhs_hint = false} : vector<1000x64xf32>, vector<64x128xf32>, vector<1000x128xf32> -> vector<1000x128xf32>
    %get3A_6 = arith.constant 0 : index
    %get3A_7 = arith.constant 0 : index
    %get3A_8 = vector.load %arg6[%get3A_6, %get3A_7] : memref<1x128xf32, #tpu.memory_space<vmem>>, vector<1x128xf32>
    %add3A = vector.broadcast %get3A_8 : vector<1x128xf32> to vector<1000x128xf32>
    %add3A_9 = arith.addf %dot_general3A_5, %add3A : vector<1000x128xf32>
    %broadcast_in_dim3A = arith.constant 0.000000e+00 : f32
    %broadcast_in_dim3A_10 = vector.broadcast %broadcast_in_dim3A : f32 to vector<1000x128xf32>
    %get3A_11 = arith.constant 0 : index
    %get3A_12 = arith.constant 0 : index
    %get3A_13 = arith.constant 0 : index
    %get3A_14 = vector.load %arg2[%get3A_11, %get3A_12, %get3A_13] : memref<1000x8x128xf32, #tpu.memory_space<vmem>>, vector<1000x1x128xf32>
    %get3A_15 = vector.shape_cast %get3A_14 : vector<1000x1x128xf32> to vector<1000x128xf32>
    %get3A_16 = arith.constant 0 : index
    %get3A_17 = arith.constant 0 : index
    %get3A_18 = vector.load %arg7[%get3A_16, %get3A_17] : memref<1x128xf32, #tpu.memory_space<vmem>>, vector<1x128xf32>
    %add3A_19 = vector.broadcast %get3A_18 : vector<1x128xf32> to vector<1000x128xf32>
    %add3A_20 = arith.addf %get3A_15, %add3A_19 : vector<1000x128xf32>
    %get3A_21 = arith.constant 0 : index
    %get3A_22 = arith.constant 0 : index
    %get3A_23 = vector.load %arg3[%get3A_21, %get3A_22] : memref<1000x256xf32, #tpu.memory_space<vmem>>, vector<1000x32xf32>
    %get3A_24 = arith.constant 0 : index
    %get3A_25 = arith.constant 0 : index
    %get3A_26 = vector.load %arg8[%get3A_24, %get3A_25] : memref<32x128xf32, #tpu.memory_space<vmem>>, vector<32x128xf32>
    %dot_general3A_27 = arith.constant dense<0.000000e+00> : vector<1000x128xf32>
    %dot_general3A_28 = tpu.matmul %get3A_23, %get3A_26, %dot_general3A_27 {dimension_numbers = #tpu.dot_dimension_numbers<[1], [0], [0], [1], [0, 0, 1, 1], [], []>, transpose_lhs_hint = false} : vector<1000x32xf32>, vector<32x128xf32>, vector<1000x128xf32> -> vector<1000x128xf32>
    %get3A_29 = arith.constant 0 : index
    %get3A_30 = arith.constant 0 : index
    %get3A_31 = vector.load %arg9[%get3A_29, %get3A_30] : memref<1x128xf32, #tpu.memory_space<vmem>>, vector<1x128xf32>
    %add3A_32 = vector.broadcast %get3A_31 : vector<1x128xf32> to vector<1000x128xf32>
    %add3A_33 = arith.addf %dot_general3A_28, %add3A_32 : vector<1000x128xf32>
    %mul3A = arith.mulf %add3A_9, %add3A_20 : vector<1000x128xf32>
    %mul3A_34 = arith.mulf %mul3A, %add3A_33 : vector<1000x128xf32>
    %get3A_35 = arith.constant 0 : index
    %get3A_36 = arith.constant 0 : index
    %get3A_37 = vector.load %arg10[%get3A_35, %get3A_36] : memref<128x256xf32, #tpu.memory_space<vmem>>, vector<128x256xf32>
    %dot_general3A_38 = arith.constant dense<0.000000e+00> : vector<1000x256xf32>
    %dot_general3A_39 = tpu.matmul %mul3A_34, %get3A_37, %dot_general3A_38 {dimension_numbers = #tpu.dot_dimension_numbers<[1], [0], [0], [1], [0, 0, 1, 1], [], []>, transpose_lhs_hint = false} : vector<1000x128xf32>, vector<128x256xf32>, vector<1000x256xf32> -> vector<1000x256xf32>
    %get3A_40 = arith.constant 0 : index
    %get3A_41 = arith.constant 0 : index
    %get3A_42 = vector.load %arg11[%get3A_40, %get3A_41] : memref<1x256xf32, #tpu.memory_space<vmem>>, vector<1x256xf32>
    %add3A_43 = vector.broadcast %get3A_42 : vector<1x256xf32> to vector<1000x256xf32>
    %add3A_44 = arith.addf %dot_general3A_39, %add3A_43 : vector<1000x256xf32>
    %slice3A = vector.extract_strided_slice %add3A_44 {offsets = [0, 0], sizes = [1000, 128], strides = [1, 1]} : vector<1000x256xf32> to vector<1000x128xf32>
    %logistic3A = arith.negf %slice3A : vector<1000x128xf32>
    %logistic3A_45 = math.exp %logistic3A : vector<1000x128xf32>
    %logistic3A_46 = arith.constant 1.000000e+00 : f32
    %logistic3A_47 = vector.broadcast %logistic3A_46 : f32 to vector<1000x128xf32>
    %logistic3A_48 = arith.addf %logistic3A_47, %logistic3A_45 : vector<1000x128xf32>
    %logistic3A_49 = arith.divf %logistic3A_47, %logistic3A_48 : vector<1000x128xf32>
    %slice3A_50 = vector.extract_strided_slice %add3A_44 {offsets = [0, 128], sizes = [1000, 128], strides = [1, 1]} : vector<1000x256xf32> to vector<1000x128xf32>
    %custom_jvp_call3A = arith.constant 0.000000e+00 : f32
    %max3A = vector.broadcast %custom_jvp_call3A : f32 to vector<1000x128xf32>
    %max3A_51 = arith.maximumf %slice3A_50, %max3A : vector<1000x128xf32>
    %sub3A = vector.broadcast %custom_jvp_call3A : f32 to vector<1000x128xf32>
    %sub3A_52 = arith.subf %slice3A_50, %sub3A : vector<1000x128xf32>
    %ne3A = arith.cmpf one, %sub3A_52, %sub3A_52 : vector<1000x128xf32>
    %add3A_53 = vector.broadcast %custom_jvp_call3A : f32 to vector<1000x128xf32>
    %add3A_54 = arith.addf %slice3A_50, %add3A_53 : vector<1000x128xf32>
    %abs3A = math.absf %sub3A_52 : vector<1000x128xf32>
    %neg3A = arith.constant 0.000000e+00 : f32
    %neg3A_55 = vector.broadcast %neg3A : f32 to vector<1000x128xf32>
    %neg3A_56 = arith.subf %neg3A_55, %abs3A : vector<1000x128xf32>
    %exp3A = math.exp %neg3A_56 : vector<1000x128xf32>
    %log1p3A = math.log1p %exp3A : vector<1000x128xf32>
    %add3A_57 = arith.addf %max3A_51, %log1p3A : vector<1000x128xf32>
    %select_n3A = arith.select %ne3A, %add3A_54, %add3A_57 : vector<1000x128xi1>, vector<1000x128xf32>
    %mul3A_58 = arith.mulf %logistic3A_49, %select_n3A : vector<1000x128xf32>
    %add3A_59 = arith.addf %broadcast_in_dim3A_10, %mul3A_58 : vector<1000x128xf32>
    %get3A_60 = arith.constant 0 : index
    %get3A_61 = arith.constant 1 : index
    %get3A_62 = arith.constant 0 : index
    %get3A_63 = vector.load %arg2[%get3A_60, %get3A_61, %get3A_62] : memref<1000x8x128xf32, #tpu.memory_space<vmem>>, vector<1000x1x128xf32>
    %get3A_64 = vector.shape_cast %get3A_63 : vector<1000x1x128xf32> to vector<1000x128xf32>
    %get3A_65 = arith.constant 0 : index
    %get3A_66 = arith.constant 0 : index
    %get3A_67 = vector.load %arg7[%get3A_65, %get3A_66] : memref<1x128xf32, #tpu.memory_space<vmem>>, vector<1x128xf32>
    %add3A_68 = vector.broadcast %get3A_67 : vector<1x128xf32> to vector<1000x128xf32>
    %add3A_69 = arith.addf %get3A_64, %add3A_68 : vector<1000x128xf32>
    %get3A_70 = arith.constant 0 : index
    %get3A_71 = arith.constant 32 : index
    %get3A_72 = vector.load %arg3[%get3A_70, %get3A_71] : memref<1000x256xf32, #tpu.memory_space<vmem>>, vector<1000x32xf32>
    %get3A_73 = arith.constant 0 : index
    %get3A_74 = arith.constant 0 : index
    %get3A_75 = vector.load %arg8[%get3A_73, %get3A_74] : memref<32x128xf32, #tpu.memory_space<vmem>>, vector<32x128xf32>
    %dot_general3A_76 = arith.constant dense<0.000000e+00> : vector<1000x128xf32>
    %dot_general3A_77 = tpu.matmul %get3A_72, %get3A_75, %dot_general3A_76 {dimension_numbers = #tpu.dot_dimension_numbers<[1], [0], [0], [1], [0, 0, 1, 1], [], []>, transpose_lhs_hint = false} : vector<1000x32xf32>, vector<32x128xf32>, vector<1000x128xf32> -> vector<1000x128xf32>
    %get3A_78 = arith.constant 0 : index
    %get3A_79 = arith.constant 0 : index
    %get3A_80 = vector.load %arg9[%get3A_78, %get3A_79] : memref<1x128xf32, #tpu.memory_space<vmem>>, vector<1x128xf32>
    %add3A_81 = vector.broadcast %get3A_80 : vector<1x128xf32> to vector<1000x128xf32>
    %add3A_82 = arith.addf %dot_general3A_77, %add3A_81 : vector<1000x128xf32>
    %mul3A_83 = arith.mulf %add3A_9, %add3A_69 : vector<1000x128xf32>
    %mul3A_84 = arith.mulf %mul3A_83, %add3A_82 : vector<1000x128xf32>
    %get3A_85 = arith.constant 0 : index
    %get3A_86 = arith.constant 0 : index
    %get3A_87 = vector.load %arg10[%get3A_85, %get3A_86] : memref<128x256xf32, #tpu.memory_space<vmem>>, vector<128x256xf32>
    %dot_general3A_88 = arith.constant dense<0.000000e+00> : vector<1000x256xf32>
    %dot_general3A_89 = tpu.matmul %mul3A_84, %get3A_87, %dot_general3A_88 {dimension_numbers = #tpu.dot_dimension_numbers<[1], [0], [0], [1], [0, 0, 1, 1], [], []>, transpose_lhs_hint = false} : vector<1000x128xf32>, vector<128x256xf32>, vector<1000x256xf32> -> vector<1000x256xf32>
    %get3A_90 = arith.constant 0 : index
    %get3A_91 = arith.constant 0 : index
    %get3A_92 = vector.load %arg11[%get3A_90, %get3A_91] : memref<1x256xf32, #tpu.memory_space<vmem>>, vector<1x256xf32>
    %add3A_93 = vector.broadcast %get3A_92 : vector<1x256xf32> to vector<1000x256xf32>
    %add3A_94 = arith.addf %dot_general3A_89, %add3A_93 : vector<1000x256xf32>
    %slice3A_95 = vector.extract_strided_slice %add3A_94 {offsets = [0, 0], sizes = [1000, 128], strides = [1, 1]} : vector<1000x256xf32> to vector<1000x128xf32>
    %logistic3A_96 = arith.negf %slice3A_95 : vector<1000x128xf32>
    %logistic3A_97 = math.exp %logistic3A_96 : vector<1000x128xf32>
    %logistic3A_98 = arith.constant 1.000000e+00 : f32
    %logistic3A_99 = vector.broadcast %logistic3A_98 : f32 to vector<1000x128xf32>
    %logistic3A_100 = arith.addf %logistic3A_99, %logistic3A_97 : vector<1000x128xf32>
    %logistic3A_101 = arith.divf %logistic3A_99, %logistic3A_100 : vector<1000x128xf32>
    %slice3A_102 = vector.extract_strided_slice %add3A_94 {offsets = [0, 128], sizes = [1000, 128], strides = [1, 1]} : vector<1000x256xf32> to vector<1000x128xf32>
    %custom_jvp_call3A_103 = arith.constant 0.000000e+00 : f32
    %max3A_104 = vector.broadcast %custom_jvp_call3A_103 : f32 to vector<1000x128xf32>
    %max3A_105 = arith.maximumf %slice3A_102, %max3A_104 : vector<1000x128xf32>
    %sub3A_106 = vector.broadcast %custom_jvp_call3A_103 : f32 to vector<1000x128xf32>
    %sub3A_107 = arith.subf %slice3A_102, %sub3A_106 : vector<1000x128xf32>
    %ne3A_108 = arith.cmpf one, %sub3A_107, %sub3A_107 : vector<1000x128xf32>
    %add3A_109 = vector.broadcast %custom_jvp_call3A_103 : f32 to vector<1000x128xf32>
    %add3A_110 = arith.addf %slice3A_102, %add3A_109 : vector<1000x128xf32>
    %abs3A_111 = math.absf %sub3A_107 : vector<1000x128xf32>
    %neg3A_112 = arith.constant 0.000000e+00 : f32
    %neg3A_113 = vector.broadcast %neg3A_112 : f32 to vector<1000x128xf32>
    %neg3A_114 = arith.subf %neg3A_113, %abs3A_111 : vector<1000x128xf32>
    %exp3A_115 = math.exp %neg3A_114 : vector<1000x128xf32>
    %log1p3A_116 = math.log1p %exp3A_115 : vector<1000x128xf32>
    %add3A_117 = arith.addf %max3A_105, %log1p3A_116 : vector<1000x128xf32>
    %select_n3A_118 = arith.select %ne3A_108, %add3A_110, %add3A_117 : vector<1000x128xi1>, vector<1000x128xf32>
    %mul3A_119 = arith.mulf %logistic3A_101, %select_n3A_118 : vector<1000x128xf32>
    %add3A_120 = arith.addf %add3A_59, %mul3A_119 : vector<1000x128xf32>
    %get3A_121 = arith.constant 0 : index
    %get3A_122 = arith.constant 2 : index
    %get3A_123 = arith.constant 0 : index
    %get3A_124 = vector.load %arg2[%get3A_121, %get3A_122, %get3A_123] : memref<1000x8x128xf32, #tpu.memory_space<vmem>>, vector<1000x1x128xf32>
    %get3A_125 = vector.shape_cast %get3A_124 : vector<1000x1x128xf32> to vector<1000x128xf32>
    %get3A_126 = arith.constant 0 : index
    %get3A_127 = arith.constant 0 : index
    %get3A_128 = vector.load %arg7[%get3A_126, %get3A_127] : memref<1x128xf32, #tpu.memory_space<vmem>>, vector<1x128xf32>
    %add3A_129 = vector.broadcast %get3A_128 : vector<1x128xf32> to vector<1000x128xf32>
    %add3A_130 = arith.addf %get3A_125, %add3A_129 : vector<1000x128xf32>
    %get3A_131 = arith.constant 0 : index
    %get3A_132 = arith.constant 64 : index
    %get3A_133 = vector.load %arg3[%get3A_131, %get3A_132] : memref<1000x256xf32, #tpu.memory_space<vmem>>, vector<1000x32xf32>
    %get3A_134 = arith.constant 0 : index
    %get3A_135 = arith.constant 0 : index
    %get3A_136 = vector.load %arg8[%get3A_134, %get3A_135] : memref<32x128xf32, #tpu.memory_space<vmem>>, vector<32x128xf32>
    %dot_general3A_137 = arith.constant dense<0.000000e+00> : vector<1000x128xf32>
    %dot_general3A_138 = tpu.matmul %get3A_133, %get3A_136, %dot_general3A_137 {dimension_numbers = #tpu.dot_dimension_numbers<[1], [0], [0], [1], [0, 0, 1, 1], [], []>, transpose_lhs_hint = false} : vector<1000x32xf32>, vector<32x128xf32>, vector<1000x128xf32> -> vector<1000x128xf32>
    %get3A_139 = arith.constant 0 : index
    %get3A_140 = arith.constant 0 : index
    %get3A_141 = vector.load %arg9[%get3A_139, %get3A_140] : memref<1x128xf32, #tpu.memory_space<vmem>>, vector<1x128xf32>
    %add3A_142 = vector.broadcast %get3A_141 : vector<1x128xf32> to vector<1000x128xf32>
    %add3A_143 = arith.addf %dot_general3A_138, %add3A_142 : vector<1000x128xf32>
    %mul3A_144 = arith.mulf %add3A_9, %add3A_130 : vector<1000x128xf32>
    %mul3A_145 = arith.mulf %mul3A_144, %add3A_143 : vector<1000x128xf32>
    %get3A_146 = arith.constant 0 : index
    %get3A_147 = arith.constant 0 : index
    %get3A_148 = vector.load %arg10[%get3A_146, %get3A_147] : memref<128x256xf32, #tpu.memory_space<vmem>>, vector<128x256xf32>
    %dot_general3A_149 = arith.constant dense<0.000000e+00> : vector<1000x256xf32>
    %dot_general3A_150 = tpu.matmul %mul3A_145, %get3A_148, %dot_general3A_149 {dimension_numbers = #tpu.dot_dimension_numbers<[1], [0], [0], [1], [0, 0, 1, 1], [], []>, transpose_lhs_hint = false} : vector<1000x128xf32>, vector<128x256xf32>, vector<1000x256xf32> -> vector<1000x256xf32>
    %get3A_151 = arith.constant 0 : index
    %get3A_152 = arith.constant 0 : index
    %get3A_153 = vector.load %arg11[%get3A_151, %get3A_152] : memref<1x256xf32, #tpu.memory_space<vmem>>, vector<1x256xf32>
    %add3A_154 = vector.broadcast %get3A_153 : vector<1x256xf32> to vector<1000x256xf32>
    %add3A_155 = arith.addf %dot_general3A_150, %add3A_154 : vector<1000x256xf32>
    %slice3A_156 = vector.extract_strided_slice %add3A_155 {offsets = [0, 0], sizes = [1000, 128], strides = [1, 1]} : vector<1000x256xf32> to vector<1000x128xf32>
    %logistic3A_157 = arith.negf %slice3A_156 : vector<1000x128xf32>
    %logistic3A_158 = math.exp %logistic3A_157 : vector<1000x128xf32>
    %logistic3A_159 = arith.constant 1.000000e+00 : f32
    %logistic3A_160 = vector.broadcast %logistic3A_159 : f32 to vector<1000x128xf32>
    %logistic3A_161 = arith.addf %logistic3A_160, %logistic3A_158 : vector<1000x128xf32>
    %logistic3A_162 = arith.divf %logistic3A_160, %logistic3A_161 : vector<1000x128xf32>
    %slice3A_163 = vector.extract_strided_slice %add3A_155 {offsets = [0, 128], sizes = [1000, 128], strides = [1, 1]} : vector<1000x256xf32> to vector<1000x128xf32>
    %custom_jvp_call3A_164 = arith.constant 0.000000e+00 : f32
    %max3A_165 = vector.broadcast %custom_jvp_call3A_164 : f32 to vector<1000x128xf32>
    %max3A_166 = arith.maximumf %slice3A_163, %max3A_165 : vector<1000x128xf32>
    %sub3A_167 = vector.broadcast %custom_jvp_call3A_164 : f32 to vector<1000x128xf32>
    %sub3A_168 = arith.subf %slice3A_163, %sub3A_167 : vector<1000x128xf32>
    %ne3A_169 = arith.cmpf one, %sub3A_168, %sub3A_168 : vector<1000x128xf32>
    %add3A_170 = vector.broadcast %custom_jvp_call3A_164 : f32 to vector<1000x128xf32>
    %add3A_171 = arith.addf %slice3A_163, %add3A_170 : vector<1000x128xf32>
    %abs3A_172 = math.absf %sub3A_168 : vector<1000x128xf32>
    %neg3A_173 = arith.constant 0.000000e+00 : f32
    %neg3A_174 = vector.broadcast %neg3A_173 : f32 to vector<1000x128xf32>
    %neg3A_175 = arith.subf %neg3A_174, %abs3A_172 : vector<1000x128xf32>
    %exp3A_176 = math.exp %neg3A_175 : vector<1000x128xf32>
    %log1p3A_177 = math.log1p %exp3A_176 : vector<1000x128xf32>
    %add3A_178 = arith.addf %max3A_166, %log1p3A_177 : vector<1000x128xf32>
    %select_n3A_179 = arith.select %ne3A_169, %add3A_171, %add3A_178 : vector<1000x128xi1>, vector<1000x128xf32>
    %mul3A_180 = arith.mulf %logistic3A_162, %select_n3A_179 : vector<1000x128xf32>
    %add3A_181 = arith.addf %add3A_120, %mul3A_180 : vector<1000x128xf32>
    %get3A_182 = arith.constant 0 : index
    %get3A_183 = arith.constant 3 : index
    %get3A_184 = arith.constant 0 : index
    %get3A_185 = vector.load %arg2[%get3A_182, %get3A_183, %get3A_184] : memref<1000x8x128xf32, #tpu.memory_space<vmem>>, vector<1000x1x128xf32>
    %get3A_186 = vector.shape_cast %get3A_185 : vector<1000x1x128xf32> to vector<1000x128xf32>
    %get3A_187 = arith.constant 0 : index
    %get3A_188 = arith.constant 0 : index
    %get3A_189 = vector.load %arg7[%get3A_187, %get3A_188] : memref<1x128xf32, #tpu.memory_space<vmem>>, vector<1x128xf32>
    %add3A_190 = vector.broadcast %get3A_189 : vector<1x128xf32> to vector<1000x128xf32>
    %add3A_191 = arith.addf %get3A_186, %add3A_190 : vector<1000x128xf32>
    %get3A_192 = arith.constant 0 : index
    %get3A_193 = arith.constant 96 : index
    %get3A_194 = vector.load %arg3[%get3A_192, %get3A_193] : memref<1000x256xf32, #tpu.memory_space<vmem>>, vector<1000x32xf32>
    %get3A_195 = arith.constant 0 : index
    %get3A_196 = arith.constant 0 : index
    %get3A_197 = vector.load %arg8[%get3A_195, %get3A_196] : memref<32x128xf32, #tpu.memory_space<vmem>>, vector<32x128xf32>
    %dot_general3A_198 = arith.constant dense<0.000000e+00> : vector<1000x128xf32>
    %dot_general3A_199 = tpu.matmul %get3A_194, %get3A_197, %dot_general3A_198 {dimension_numbers = #tpu.dot_dimension_numbers<[1], [0], [0], [1], [0, 0, 1, 1], [], []>, transpose_lhs_hint = false} : vector<1000x32xf32>, vector<32x128xf32>, vector<1000x128xf32> -> vector<1000x128xf32>
    %get3A_200 = arith.constant 0 : index
    %get3A_201 = arith.constant 0 : index
    %get3A_202 = vector.load %arg9[%get3A_200, %get3A_201] : memref<1x128xf32, #tpu.memory_space<vmem>>, vector<1x128xf32>
    %add3A_203 = vector.broadcast %get3A_202 : vector<1x128xf32> to vector<1000x128xf32>
    %add3A_204 = arith.addf %dot_general3A_199, %add3A_203 : vector<1000x128xf32>
    %mul3A_205 = arith.mulf %add3A_9, %add3A_191 : vector<1000x128xf32>
    %mul3A_206 = arith.mulf %mul3A_205, %add3A_204 : vector<1000x128xf32>
    %get3A_207 = arith.constant 0 : index
    %get3A_208 = arith.constant 0 : index
    %get3A_209 = vector.load %arg10[%get3A_207, %get3A_208] : memref<128x256xf32, #tpu.memory_space<vmem>>, vector<128x256xf32>
    %dot_general3A_210 = arith.constant dense<0.000000e+00> : vector<1000x256xf32>
    %dot_general3A_211 = tpu.matmul %mul3A_206, %get3A_209, %dot_general3A_210 {dimension_numbers = #tpu.dot_dimension_numbers<[1], [0], [0], [1], [0, 0, 1, 1], [], []>, transpose_lhs_hint = false} : vector<1000x128xf32>, vector<128x256xf32>, vector<1000x256xf32> -> vector<1000x256xf32>
    %get3A_212 = arith.constant 0 : index
    %get3A_213 = arith.constant 0 : index
    %get3A_214 = vector.load %arg11[%get3A_212, %get3A_213] : memref<1x256xf32, #tpu.memory_space<vmem>>, vector<1x256xf32>
    %add3A_215 = vector.broadcast %get3A_214 : vector<1x256xf32> to vector<1000x256xf32>
    %add3A_216 = arith.addf %dot_general3A_211, %add3A_215 : vector<1000x256xf32>
    %slice3A_217 = vector.extract_strided_slice %add3A_216 {offsets = [0, 0], sizes = [1000, 128], strides = [1, 1]} : vector<1000x256xf32> to vector<1000x128xf32>
    %logistic3A_218 = arith.negf %slice3A_217 : vector<1000x128xf32>
    %logistic3A_219 = math.exp %logistic3A_218 : vector<1000x128xf32>
    %logistic3A_220 = arith.constant 1.000000e+00 : f32
    %logistic3A_221 = vector.broadcast %logistic3A_220 : f32 to vector<1000x128xf32>
    %logistic3A_222 = arith.addf %logistic3A_221, %logistic3A_219 : vector<1000x128xf32>
    %logistic3A_223 = arith.divf %logistic3A_221, %logistic3A_222 : vector<1000x128xf32>
    %slice3A_224 = vector.extract_strided_slice %add3A_216 {offsets = [0, 128], sizes = [1000, 128], strides = [1, 1]} : vector<1000x256xf32> to vector<1000x128xf32>
    %custom_jvp_call3A_225 = arith.constant 0.000000e+00 : f32
    %max3A_226 = vector.broadcast %custom_jvp_call3A_225 : f32 to vector<1000x128xf32>
    %max3A_227 = arith.maximumf %slice3A_224, %max3A_226 : vector<1000x128xf32>
    %sub3A_228 = vector.broadcast %custom_jvp_call3A_225 : f32 to vector<1000x128xf32>
    %sub3A_229 = arith.subf %slice3A_224, %sub3A_228 : vector<1000x128xf32>
    %ne3A_230 = arith.cmpf one, %sub3A_229, %sub3A_229 : vector<1000x128xf32>
    %add3A_231 = vector.broadcast %custom_jvp_call3A_225 : f32 to vector<1000x128xf32>
    %add3A_232 = arith.addf %slice3A_224, %add3A_231 : vector<1000x128xf32>
    %abs3A_233 = math.absf %sub3A_229 : vector<1000x128xf32>
    %neg3A_234 = arith.constant 0.000000e+00 : f32
    %neg3A_235 = vector.broadcast %neg3A_234 : f32 to vector<1000x128xf32>
    %neg3A_236 = arith.subf %neg3A_235, %abs3A_233 : vector<1000x128xf32>
    %exp3A_237 = math.exp %neg3A_236 : vector<1000x128xf32>
    %log1p3A_238 = math.log1p %exp3A_237 : vector<1000x128xf32>
    %add3A_239 = arith.addf %max3A_227, %log1p3A_238 : vector<1000x128xf32>
    %select_n3A_240 = arith.select %ne3A_230, %add3A_232, %add3A_239 : vector<1000x128xi1>, vector<1000x128xf32>
    %mul3A_241 = arith.mulf %logistic3A_223, %select_n3A_240 : vector<1000x128xf32>
    %add3A_242 = arith.addf %add3A_181, %mul3A_241 : vector<1000x128xf32>
    %get3A_243 = arith.constant 0 : index
    %get3A_244 = arith.constant 4 : index
    %get3A_245 = arith.constant 0 : index
    %get3A_246 = vector.load %arg2[%get3A_243, %get3A_244, %get3A_245] : memref<1000x8x128xf32, #tpu.memory_space<vmem>>, vector<1000x1x128xf32>
    %get3A_247 = vector.shape_cast %get3A_246 : vector<1000x1x128xf32> to vector<1000x128xf32>
    %get3A_248 = arith.constant 0 : index
    %get3A_249 = arith.constant 0 : index
    %get3A_250 = vector.load %arg7[%get3A_248, %get3A_249] : memref<1x128xf32, #tpu.memory_space<vmem>>, vector<1x128xf32>
    %add3A_251 = vector.broadcast %get3A_250 : vector<1x128xf32> to vector<1000x128xf32>
    %add3A_252 = arith.addf %get3A_247, %add3A_251 : vector<1000x128xf32>
    %get3A_253 = arith.constant 0 : index
    %get3A_254 = arith.constant 128 : index
    %get3A_255 = vector.load %arg3[%get3A_253, %get3A_254] : memref<1000x256xf32, #tpu.memory_space<vmem>>, vector<1000x32xf32>
    %get3A_256 = arith.constant 0 : index
    %get3A_257 = arith.constant 0 : index
    %get3A_258 = vector.load %arg8[%get3A_256, %get3A_257] : memref<32x128xf32, #tpu.memory_space<vmem>>, vector<32x128xf32>
    %dot_general3A_259 = arith.constant dense<0.000000e+00> : vector<1000x128xf32>
    %dot_general3A_260 = tpu.matmul %get3A_255, %get3A_258, %dot_general3A_259 {dimension_numbers = #tpu.dot_dimension_numbers<[1], [0], [0], [1], [0, 0, 1, 1], [], []>, transpose_lhs_hint = false} : vector<1000x32xf32>, vector<32x128xf32>, vector<1000x128xf32> -> vector<1000x128xf32>
    %get3A_261 = arith.constant 0 : index
    %get3A_262 = arith.constant 0 : index
    %get3A_263 = vector.load %arg9[%get3A_261, %get3A_262] : memref<1x128xf32, #tpu.memory_space<vmem>>, vector<1x128xf32>
    %add3A_264 = vector.broadcast %get3A_263 : vector<1x128xf32> to vector<1000x128xf32>
    %add3A_265 = arith.addf %dot_general3A_260, %add3A_264 : vector<1000x128xf32>
    %mul3A_266 = arith.mulf %add3A_9, %add3A_252 : vector<1000x128xf32>
    %mul3A_267 = arith.mulf %mul3A_266, %add3A_265 : vector<1000x128xf32>
    %get3A_268 = arith.constant 0 : index
    %get3A_269 = arith.constant 0 : index
    %get3A_270 = vector.load %arg10[%get3A_268, %get3A_269] : memref<128x256xf32, #tpu.memory_space<vmem>>, vector<128x256xf32>
    %dot_general3A_271 = arith.constant dense<0.000000e+00> : vector<1000x256xf32>
    %dot_general3A_272 = tpu.matmul %mul3A_267, %get3A_270, %dot_general3A_271 {dimension_numbers = #tpu.dot_dimension_numbers<[1], [0], [0], [1], [0, 0, 1, 1], [], []>, transpose_lhs_hint = false} : vector<1000x128xf32>, vector<128x256xf32>, vector<1000x256xf32> -> vector<1000x256xf32>
    %get3A_273 = arith.constant 0 : index
    %get3A_274 = arith.constant 0 : index
    %get3A_275 = vector.load %arg11[%get3A_273, %get3A_274] : memref<1x256xf32, #tpu.memory_space<vmem>>, vector<1x256xf32>
    %add3A_276 = vector.broadcast %get3A_275 : vector<1x256xf32> to vector<1000x256xf32>
    %add3A_277 = arith.addf %dot_general3A_272, %add3A_276 : vector<1000x256xf32>
    %slice3A_278 = vector.extract_strided_slice %add3A_277 {offsets = [0, 0], sizes = [1000, 128], strides = [1, 1]} : vector<1000x256xf32> to vector<1000x128xf32>
    %logistic3A_279 = arith.negf %slice3A_278 : vector<1000x128xf32>
    %logistic3A_280 = math.exp %logistic3A_279 : vector<1000x128xf32>
    %logistic3A_281 = arith.constant 1.000000e+00 : f32
    %logistic3A_282 = vector.broadcast %logistic3A_281 : f32 to vector<1000x128xf32>
    %logistic3A_283 = arith.addf %logistic3A_282, %logistic3A_280 : vector<1000x128xf32>
    %logistic3A_284 = arith.divf %logistic3A_282, %logistic3A_283 : vector<1000x128xf32>
    %slice3A_285 = vector.extract_strided_slice %add3A_277 {offsets = [0, 128], sizes = [1000, 128], strides = [1, 1]} : vector<1000x256xf32> to vector<1000x128xf32>
    %custom_jvp_call3A_286 = arith.constant 0.000000e+00 : f32
    %max3A_287 = vector.broadcast %custom_jvp_call3A_286 : f32 to vector<1000x128xf32>
    %max3A_288 = arith.maximumf %slice3A_285, %max3A_287 : vector<1000x128xf32>
    %sub3A_289 = vector.broadcast %custom_jvp_call3A_286 : f32 to vector<1000x128xf32>
    %sub3A_290 = arith.subf %slice3A_285, %sub3A_289 : vector<1000x128xf32>
    %ne3A_291 = arith.cmpf one, %sub3A_290, %sub3A_290 : vector<1000x128xf32>
    %add3A_292 = vector.broadcast %custom_jvp_call3A_286 : f32 to vector<1000x128xf32>
    %add3A_293 = arith.addf %slice3A_285, %add3A_292 : vector<1000x128xf32>
    %abs3A_294 = math.absf %sub3A_290 : vector<1000x128xf32>
    %neg3A_295 = arith.constant 0.000000e+00 : f32
    %neg3A_296 = vector.broadcast %neg3A_295 : f32 to vector<1000x128xf32>
    %neg3A_297 = arith.subf %neg3A_296, %abs3A_294 : vector<1000x128xf32>
    %exp3A_298 = math.exp %neg3A_297 : vector<1000x128xf32>
    %log1p3A_299 = math.log1p %exp3A_298 : vector<1000x128xf32>
    %add3A_300 = arith.addf %max3A_288, %log1p3A_299 : vector<1000x128xf32>
    %select_n3A_301 = arith.select %ne3A_291, %add3A_293, %add3A_300 : vector<1000x128xi1>, vector<1000x128xf32>
    %mul3A_302 = arith.mulf %logistic3A_284, %select_n3A_301 : vector<1000x128xf32>
    %add3A_303 = arith.addf %add3A_242, %mul3A_302 : vector<1000x128xf32>
    %get3A_304 = arith.constant 0 : index
    %get3A_305 = arith.constant 5 : index
    %get3A_306 = arith.constant 0 : index
    %get3A_307 = vector.load %arg2[%get3A_304, %get3A_305, %get3A_306] : memref<1000x8x128xf32, #tpu.memory_space<vmem>>, vector<1000x1x128xf32>
    %get3A_308 = vector.shape_cast %get3A_307 : vector<1000x1x128xf32> to vector<1000x128xf32>
    %get3A_309 = arith.constant 0 : index
    %get3A_310 = arith.constant 0 : index
    %get3A_311 = vector.load %arg7[%get3A_309, %get3A_310] : memref<1x128xf32, #tpu.memory_space<vmem>>, vector<1x128xf32>
    %add3A_312 = vector.broadcast %get3A_311 : vector<1x128xf32> to vector<1000x128xf32>
    %add3A_313 = arith.addf %get3A_308, %add3A_312 : vector<1000x128xf32>
    %get3A_314 = arith.constant 0 : index
    %get3A_315 = arith.constant 160 : index
    %get3A_316 = vector.load %arg3[%get3A_314, %get3A_315] : memref<1000x256xf32, #tpu.memory_space<vmem>>, vector<1000x32xf32>
    %get3A_317 = arith.constant 0 : index
    %get3A_318 = arith.constant 0 : index
    %get3A_319 = vector.load %arg8[%get3A_317, %get3A_318] : memref<32x128xf32, #tpu.memory_space<vmem>>, vector<32x128xf32>
    %dot_general3A_320 = arith.constant dense<0.000000e+00> : vector<1000x128xf32>
    %dot_general3A_321 = tpu.matmul %get3A_316, %get3A_319, %dot_general3A_320 {dimension_numbers = #tpu.dot_dimension_numbers<[1], [0], [0], [1], [0, 0, 1, 1], [], []>, transpose_lhs_hint = false} : vector<1000x32xf32>, vector<32x128xf32>, vector<1000x128xf32> -> vector<1000x128xf32>
    %get3A_322 = arith.constant 0 : index
    %get3A_323 = arith.constant 0 : index
    %get3A_324 = vector.load %arg9[%get3A_322, %get3A_323] : memref<1x128xf32, #tpu.memory_space<vmem>>, vector<1x128xf32>
    %add3A_325 = vector.broadcast %get3A_324 : vector<1x128xf32> to vector<1000x128xf32>
    %add3A_326 = arith.addf %dot_general3A_321, %add3A_325 : vector<1000x128xf32>
    %mul3A_327 = arith.mulf %add3A_9, %add3A_313 : vector<1000x128xf32>
    %mul3A_328 = arith.mulf %mul3A_327, %add3A_326 : vector<1000x128xf32>
    %get3A_329 = arith.constant 0 : index
    %get3A_330 = arith.constant 0 : index
    %get3A_331 = vector.load %arg10[%get3A_329, %get3A_330] : memref<128x256xf32, #tpu.memory_space<vmem>>, vector<128x256xf32>
    %dot_general3A_332 = arith.constant dense<0.000000e+00> : vector<1000x256xf32>
    %dot_general3A_333 = tpu.matmul %mul3A_328, %get3A_331, %dot_general3A_332 {dimension_numbers = #tpu.dot_dimension_numbers<[1], [0], [0], [1], [0, 0, 1, 1], [], []>, transpose_lhs_hint = false} : vector<1000x128xf32>, vector<128x256xf32>, vector<1000x256xf32> -> vector<1000x256xf32>
    %get3A_334 = arith.constant 0 : index
    %get3A_335 = arith.constant 0 : index
    %get3A_336 = vector.load %arg11[%get3A_334, %get3A_335] : memref<1x256xf32, #tpu.memory_space<vmem>>, vector<1x256xf32>
    %add3A_337 = vector.broadcast %get3A_336 : vector<1x256xf32> to vector<1000x256xf32>
    %add3A_338 = arith.addf %dot_general3A_333, %add3A_337 : vector<1000x256xf32>
    %slice3A_339 = vector.extract_strided_slice %add3A_338 {offsets = [0, 0], sizes = [1000, 128], strides = [1, 1]} : vector<1000x256xf32> to vector<1000x128xf32>
    %logistic3A_340 = arith.negf %slice3A_339 : vector<1000x128xf32>
    %logistic3A_341 = math.exp %logistic3A_340 : vector<1000x128xf32>
    %logistic3A_342 = arith.constant 1.000000e+00 : f32
    %logistic3A_343 = vector.broadcast %logistic3A_342 : f32 to vector<1000x128xf32>
    %logistic3A_344 = arith.addf %logistic3A_343, %logistic3A_341 : vector<1000x128xf32>
    %logistic3A_345 = arith.divf %logistic3A_343, %logistic3A_344 : vector<1000x128xf32>
    %slice3A_346 = vector.extract_strided_slice %add3A_338 {offsets = [0, 128], sizes = [1000, 128], strides = [1, 1]} : vector<1000x256xf32> to vector<1000x128xf32>
    %custom_jvp_call3A_347 = arith.constant 0.000000e+00 : f32
    %max3A_348 = vector.broadcast %custom_jvp_call3A_347 : f32 to vector<1000x128xf32>
    %max3A_349 = arith.maximumf %slice3A_346, %max3A_348 : vector<1000x128xf32>
    %sub3A_350 = vector.broadcast %custom_jvp_call3A_347 : f32 to vector<1000x128xf32>
    %sub3A_351 = arith.subf %slice3A_346, %sub3A_350 : vector<1000x128xf32>
    %ne3A_352 = arith.cmpf one, %sub3A_351, %sub3A_351 : vector<1000x128xf32>
    %add3A_353 = vector.broadcast %custom_jvp_call3A_347 : f32 to vector<1000x128xf32>
    %add3A_354 = arith.addf %slice3A_346, %add3A_353 : vector<1000x128xf32>
    %abs3A_355 = math.absf %sub3A_351 : vector<1000x128xf32>
    %neg3A_356 = arith.constant 0.000000e+00 : f32
    %neg3A_357 = vector.broadcast %neg3A_356 : f32 to vector<1000x128xf32>
    %neg3A_358 = arith.subf %neg3A_357, %abs3A_355 : vector<1000x128xf32>
    %exp3A_359 = math.exp %neg3A_358 : vector<1000x128xf32>
    %log1p3A_360 = math.log1p %exp3A_359 : vector<1000x128xf32>
    %add3A_361 = arith.addf %max3A_349, %log1p3A_360 : vector<1000x128xf32>
    %select_n3A_362 = arith.select %ne3A_352, %add3A_354, %add3A_361 : vector<1000x128xi1>, vector<1000x128xf32>
    %mul3A_363 = arith.mulf %logistic3A_345, %select_n3A_362 : vector<1000x128xf32>
    %add3A_364 = arith.addf %add3A_303, %mul3A_363 : vector<1000x128xf32>
    %get3A_365 = arith.constant 0 : index
    %get3A_366 = arith.constant 6 : index
    %get3A_367 = arith.constant 0 : index
    %get3A_368 = vector.load %arg2[%get3A_365, %get3A_366, %get3A_367] : memref<1000x8x128xf32, #tpu.memory_space<vmem>>, vector<1000x1x128xf32>
    %get3A_369 = vector.shape_cast %get3A_368 : vector<1000x1x128xf32> to vector<1000x128xf32>
    %get3A_370 = arith.constant 0 : index
    %get3A_371 = arith.constant 0 : index
    %get3A_372 = vector.load %arg7[%get3A_370, %get3A_371] : memref<1x128xf32, #tpu.memory_space<vmem>>, vector<1x128xf32>
    %add3A_373 = vector.broadcast %get3A_372 : vector<1x128xf32> to vector<1000x128xf32>
    %add3A_374 = arith.addf %get3A_369, %add3A_373 : vector<1000x128xf32>
    %get3A_375 = arith.constant 0 : index
    %get3A_376 = arith.constant 192 : index
    %get3A_377 = vector.load %arg3[%get3A_375, %get3A_376] : memref<1000x256xf32, #tpu.memory_space<vmem>>, vector<1000x32xf32>
    %get3A_378 = arith.constant 0 : index
    %get3A_379 = arith.constant 0 : index
    %get3A_380 = vector.load %arg8[%get3A_378, %get3A_379] : memref<32x128xf32, #tpu.memory_space<vmem>>, vector<32x128xf32>
    %dot_general3A_381 = arith.constant dense<0.000000e+00> : vector<1000x128xf32>
    %dot_general3A_382 = tpu.matmul %get3A_377, %get3A_380, %dot_general3A_381 {dimension_numbers = #tpu.dot_dimension_numbers<[1], [0], [0], [1], [0, 0, 1, 1], [], []>, transpose_lhs_hint = false} : vector<1000x32xf32>, vector<32x128xf32>, vector<1000x128xf32> -> vector<1000x128xf32>
    %get3A_383 = arith.constant 0 : index
    %get3A_384 = arith.constant 0 : index
    %get3A_385 = vector.load %arg9[%get3A_383, %get3A_384] : memref<1x128xf32, #tpu.memory_space<vmem>>, vector<1x128xf32>
    %add3A_386 = vector.broadcast %get3A_385 : vector<1x128xf32> to vector<1000x128xf32>
    %add3A_387 = arith.addf %dot_general3A_382, %add3A_386 : vector<1000x128xf32>
    %mul3A_388 = arith.mulf %add3A_9, %add3A_374 : vector<1000x128xf32>
    %mul3A_389 = arith.mulf %mul3A_388, %add3A_387 : vector<1000x128xf32>
    %get3A_390 = arith.constant 0 : index
    %get3A_391 = arith.constant 0 : index
    %get3A_392 = vector.load %arg10[%get3A_390, %get3A_391] : memref<128x256xf32, #tpu.memory_space<vmem>>, vector<128x256xf32>
    %dot_general3A_393 = arith.constant dense<0.000000e+00> : vector<1000x256xf32>
    %dot_general3A_394 = tpu.matmul %mul3A_389, %get3A_392, %dot_general3A_393 {dimension_numbers = #tpu.dot_dimension_numbers<[1], [0], [0], [1], [0, 0, 1, 1], [], []>, transpose_lhs_hint = false} : vector<1000x128xf32>, vector<128x256xf32>, vector<1000x256xf32> -> vector<1000x256xf32>
    %get3A_395 = arith.constant 0 : index
    %get3A_396 = arith.constant 0 : index
    %get3A_397 = vector.load %arg11[%get3A_395, %get3A_396] : memref<1x256xf32, #tpu.memory_space<vmem>>, vector<1x256xf32>
    %add3A_398 = vector.broadcast %get3A_397 : vector<1x256xf32> to vector<1000x256xf32>
    %add3A_399 = arith.addf %dot_general3A_394, %add3A_398 : vector<1000x256xf32>
    %slice3A_400 = vector.extract_strided_slice %add3A_399 {offsets = [0, 0], sizes = [1000, 128], strides = [1, 1]} : vector<1000x256xf32> to vector<1000x128xf32>
    %logistic3A_401 = arith.negf %slice3A_400 : vector<1000x128xf32>
    %logistic3A_402 = math.exp %logistic3A_401 : vector<1000x128xf32>
    %logistic3A_403 = arith.constant 1.000000e+00 : f32
    %logistic3A_404 = vector.broadcast %logistic3A_403 : f32 to vector<1000x128xf32>
    %logistic3A_405 = arith.addf %logistic3A_404, %logistic3A_402 : vector<1000x128xf32>
    %logistic3A_406 = arith.divf %logistic3A_404, %logistic3A_405 : vector<1000x128xf32>
    %slice3A_407 = vector.extract_strided_slice %add3A_399 {offsets = [0, 128], sizes = [1000, 128], strides = [1, 1]} : vector<1000x256xf32> to vector<1000x128xf32>
    %custom_jvp_call3A_408 = arith.constant 0.000000e+00 : f32
    %max3A_409 = vector.broadcast %custom_jvp_call3A_408 : f32 to vector<1000x128xf32>
    %max3A_410 = arith.maximumf %slice3A_407, %max3A_409 : vector<1000x128xf32>
    %sub3A_411 = vector.broadcast %custom_jvp_call3A_408 : f32 to vector<1000x128xf32>
    %sub3A_412 = arith.subf %slice3A_407, %sub3A_411 : vector<1000x128xf32>
    %ne3A_413 = arith.cmpf one, %sub3A_412, %sub3A_412 : vector<1000x128xf32>
    %add3A_414 = vector.broadcast %custom_jvp_call3A_408 : f32 to vector<1000x128xf32>
    %add3A_415 = arith.addf %slice3A_407, %add3A_414 : vector<1000x128xf32>
    %abs3A_416 = math.absf %sub3A_412 : vector<1000x128xf32>
    %neg3A_417 = arith.constant 0.000000e+00 : f32
    %neg3A_418 = vector.broadcast %neg3A_417 : f32 to vector<1000x128xf32>
    %neg3A_419 = arith.subf %neg3A_418, %abs3A_416 : vector<1000x128xf32>
    %exp3A_420 = math.exp %neg3A_419 : vector<1000x128xf32>
    %log1p3A_421 = math.log1p %exp3A_420 : vector<1000x128xf32>
    %add3A_422 = arith.addf %max3A_410, %log1p3A_421 : vector<1000x128xf32>
    %select_n3A_423 = arith.select %ne3A_413, %add3A_415, %add3A_422 : vector<1000x128xi1>, vector<1000x128xf32>
    %mul3A_424 = arith.mulf %logistic3A_406, %select_n3A_423 : vector<1000x128xf32>
    %add3A_425 = arith.addf %add3A_364, %mul3A_424 : vector<1000x128xf32>
    %get3A_426 = arith.constant 0 : index
    %get3A_427 = arith.constant 7 : index
    %get3A_428 = arith.constant 0 : index
    %get3A_429 = vector.load %arg2[%get3A_426, %get3A_427, %get3A_428] : memref<1000x8x128xf32, #tpu.memory_space<vmem>>, vector<1000x1x128xf32>
    %get3A_430 = vector.shape_cast %get3A_429 : vector<1000x1x128xf32> to vector<1000x128xf32>
    %get3A_431 = arith.constant 0 : index
    %get3A_432 = arith.constant 0 : index
    %get3A_433 = vector.load %arg7[%get3A_431, %get3A_432] : memref<1x128xf32, #tpu.memory_space<vmem>>, vector<1x128xf32>
    %add3A_434 = vector.broadcast %get3A_433 : vector<1x128xf32> to vector<1000x128xf32>
    %add3A_435 = arith.addf %get3A_430, %add3A_434 : vector<1000x128xf32>
    %get3A_436 = arith.constant 0 : index
    %get3A_437 = arith.constant 224 : index
    %get3A_438 = vector.load %arg3[%get3A_436, %get3A_437] : memref<1000x256xf32, #tpu.memory_space<vmem>>, vector<1000x32xf32>
    %get3A_439 = arith.constant 0 : index
    %get3A_440 = arith.constant 0 : index
    %get3A_441 = vector.load %arg8[%get3A_439, %get3A_440] : memref<32x128xf32, #tpu.memory_space<vmem>>, vector<32x128xf32>
    %dot_general3A_442 = arith.constant dense<0.000000e+00> : vector<1000x128xf32>
    %dot_general3A_443 = tpu.matmul %get3A_438, %get3A_441, %dot_general3A_442 {dimension_numbers = #tpu.dot_dimension_numbers<[1], [0], [0], [1], [0, 0, 1, 1], [], []>, transpose_lhs_hint = false} : vector<1000x32xf32>, vector<32x128xf32>, vector<1000x128xf32> -> vector<1000x128xf32>
    %get3A_444 = arith.constant 0 : index
    %get3A_445 = arith.constant 0 : index
    %get3A_446 = vector.load %arg9[%get3A_444, %get3A_445] : memref<1x128xf32, #tpu.memory_space<vmem>>, vector<1x128xf32>
    %add3A_447 = vector.broadcast %get3A_446 : vector<1x128xf32> to vector<1000x128xf32>
    %add3A_448 = arith.addf %dot_general3A_443, %add3A_447 : vector<1000x128xf32>
    %mul3A_449 = arith.mulf %add3A_9, %add3A_435 : vector<1000x128xf32>
    %mul3A_450 = arith.mulf %mul3A_449, %add3A_448 : vector<1000x128xf32>
    %get3A_451 = arith.constant 0 : index
    %get3A_452 = arith.constant 0 : index
    %get3A_453 = vector.load %arg10[%get3A_451, %get3A_452] : memref<128x256xf32, #tpu.memory_space<vmem>>, vector<128x256xf32>
    %dot_general3A_454 = arith.constant dense<0.000000e+00> : vector<1000x256xf32>
    %dot_general3A_455 = tpu.matmul %mul3A_450, %get3A_453, %dot_general3A_454 {dimension_numbers = #tpu.dot_dimension_numbers<[1], [0], [0], [1], [0, 0, 1, 1], [], []>, transpose_lhs_hint = false} : vector<1000x128xf32>, vector<128x256xf32>, vector<1000x256xf32> -> vector<1000x256xf32>
    %get3A_456 = arith.constant 0 : index
    %get3A_457 = arith.constant 0 : index
    %get3A_458 = vector.load %arg11[%get3A_456, %get3A_457] : memref<1x256xf32, #tpu.memory_space<vmem>>, vector<1x256xf32>
    %add3A_459 = vector.broadcast %get3A_458 : vector<1x256xf32> to vector<1000x256xf32>
    %add3A_460 = arith.addf %dot_general3A_455, %add3A_459 : vector<1000x256xf32>
    %slice3A_461 = vector.extract_strided_slice %add3A_460 {offsets = [0, 0], sizes = [1000, 128], strides = [1, 1]} : vector<1000x256xf32> to vector<1000x128xf32>
    %logistic3A_462 = arith.negf %slice3A_461 : vector<1000x128xf32>
    %logistic3A_463 = math.exp %logistic3A_462 : vector<1000x128xf32>
    %logistic3A_464 = arith.constant 1.000000e+00 : f32
    %logistic3A_465 = vector.broadcast %logistic3A_464 : f32 to vector<1000x128xf32>
    %logistic3A_466 = arith.addf %logistic3A_465, %logistic3A_463 : vector<1000x128xf32>
    %logistic3A_467 = arith.divf %logistic3A_465, %logistic3A_466 : vector<1000x128xf32>
    %slice3A_468 = vector.extract_strided_slice %add3A_460 {offsets = [0, 128], sizes = [1000, 128], strides = [1, 1]} : vector<1000x256xf32> to vector<1000x128xf32>
    %custom_jvp_call3A_469 = arith.constant 0.000000e+00 : f32
    %max3A_470 = vector.broadcast %custom_jvp_call3A_469 : f32 to vector<1000x128xf32>
    %max3A_471 = arith.maximumf %slice3A_468, %max3A_470 : vector<1000x128xf32>
    %sub3A_472 = vector.broadcast %custom_jvp_call3A_469 : f32 to vector<1000x128xf32>
    %sub3A_473 = arith.subf %slice3A_468, %sub3A_472 : vector<1000x128xf32>
    %ne3A_474 = arith.cmpf one, %sub3A_473, %sub3A_473 : vector<1000x128xf32>
    %add3A_475 = vector.broadcast %custom_jvp_call3A_469 : f32 to vector<1000x128xf32>
    %add3A_476 = arith.addf %slice3A_468, %add3A_475 : vector<1000x128xf32>
    %abs3A_477 = math.absf %sub3A_473 : vector<1000x128xf32>
    %neg3A_478 = arith.constant 0.000000e+00 : f32
    %neg3A_479 = vector.broadcast %neg3A_478 : f32 to vector<1000x128xf32>
    %neg3A_480 = arith.subf %neg3A_479, %abs3A_477 : vector<1000x128xf32>
    %exp3A_481 = math.exp %neg3A_480 : vector<1000x128xf32>
    %log1p3A_482 = math.log1p %exp3A_481 : vector<1000x128xf32>
    %add3A_483 = arith.addf %max3A_471, %log1p3A_482 : vector<1000x128xf32>
    %select_n3A_484 = arith.select %ne3A_474, %add3A_476, %add3A_483 : vector<1000x128xi1>, vector<1000x128xf32>
    %mul3A_485 = arith.mulf %logistic3A_467, %select_n3A_484 : vector<1000x128xf32>
    %add3A_486 = arith.addf %add3A_425, %mul3A_485 : vector<1000x128xf32>
    %slice3A_487 = vector.extract_strided_slice %add3A_486 {offsets = [0, 0], sizes = [1000, 64], strides = [1, 1]} : vector<1000x128xf32> to vector<1000x64xf32>
    %slice3A_488 = vector.extract_strided_slice %add3A_486 {offsets = [0, 64], sizes = [1000, 64], strides = [1, 1]} : vector<1000x128xf32> to vector<1000x64xf32>
    %add3A_489 = arith.addf %slice3A_487, %slice3A_488 : vector<1000x64xf32>
    %reduce_sum3A = arith.constant dense<0.000000e+00> : vector<1000xf32>
    %reduce_sum3A_490 = vector.multi_reduction <add>, %add3A_489, %reduce_sum3A [1] : vector<1000x64xf32> to vector<1000xf32>
    %broadcast_in_dim3A_491 = vector.shape_cast %reduce_sum3A_490 : vector<1000xf32> to vector<1000x1xf32>
    %div3A = arith.constant 6.400000e+01 : f32
    %div3A_492 = vector.broadcast %div3A : f32 to vector<1000x1xf32>
    %div3A_493 = arith.divf %broadcast_in_dim3A_491, %div3A_492 : vector<1000x1xf32>
    %sub3A_494 = vector.broadcast %div3A_493 : vector<1000x1xf32> to vector<1000x64xf32>
    %sub3A_495 = arith.subf %add3A_489, %sub3A_494 : vector<1000x64xf32>
    %integer_pow3A = arith.mulf %sub3A_495, %sub3A_495 : vector<1000x64xf32>
    %reduce_sum3A_496 = arith.constant dense<0.000000e+00> : vector<1000xf32>
    %reduce_sum3A_497 = vector.multi_reduction <add>, %integer_pow3A, %reduce_sum3A_496 [1] : vector<1000x64xf32> to vector<1000xf32>
    %broadcast_in_dim3A_498 = vector.shape_cast %reduce_sum3A_497 : vector<1000xf32> to vector<1000x1xf32>
    %div3A_499 = arith.constant 6.400000e+01 : f32
    %div3A_500 = vector.broadcast %div3A_499 : f32 to vector<1000x1xf32>
    %div3A_501 = arith.divf %broadcast_in_dim3A_498, %div3A_500 : vector<1000x1xf32>
    %sub3A_502 = vector.broadcast %div3A_493 : vector<1000x1xf32> to vector<1000x64xf32>
    %sub3A_503 = arith.subf %add3A_489, %sub3A_502 : vector<1000x64xf32>
    %add3A_504 = arith.constant 9.99999997E-7 : f32
    %add3A_505 = vector.broadcast %add3A_504 : f32 to vector<1000x1xf32>
    %add3A_506 = arith.addf %div3A_501, %add3A_505 : vector<1000x1xf32>
    %rsqrt3A = math.rsqrt %add3A_506 : vector<1000x1xf32>
    %mul3A_507 = vector.broadcast %rsqrt3A : vector<1000x1xf32> to vector<1000x64xf32>
    %mul3A_508 = arith.mulf %sub3A_503, %mul3A_507 : vector<1000x64xf32>
    %get3A_509 = arith.constant 0 : index
    %get3A_510 = arith.constant 0 : index
    %get3A_511 = vector.load %arg12[%get3A_509, %get3A_510] : memref<1x64xf32, #tpu.memory_space<vmem>>, vector<1x64xf32>
    %mul3A_512 = vector.broadcast %get3A_511 : vector<1x64xf32> to vector<1000x64xf32>
    %mul3A_513 = arith.mulf %mul3A_508, %mul3A_512 : vector<1000x64xf32>
    %get3A_514 = arith.constant 0 : index
    %get3A_515 = arith.constant 0 : index
    %get3A_516 = vector.load %arg13[%get3A_514, %get3A_515] : memref<1x64xf32, #tpu.memory_space<vmem>>, vector<1x64xf32>
    %add3A_517 = vector.broadcast %get3A_516 : vector<1x64xf32> to vector<1000x64xf32>
    %add3A_518 = arith.addf %mul3A_513, %add3A_517 : vector<1000x64xf32>
    %add3A_519 = arith.addf %get3A_1, %add3A_518 : vector<1000x64xf32>
    %swap3A = arith.constant 0 : index
    %swap3A_520 = arith.constant 0 : index
    %swap3A_521 = vector.load %arg15[%swap3A, %swap3A_520] : memref<1000x64xf32, #tpu.memory_space<vmem>>, vector<1000x64xf32>
    tpu.vector_store %arg15[%swap3A, %swap3A_520], %add3A_519 {strides = array<i32>} : memref<1000x64xf32, #tpu.memory_space<vmem>>, vector<1000x64xf32>,
    %get3A_522 = arith.constant 0 : index
    %get3A_523 = arith.constant 0 : index
    %get3A_524 = vector.load %arg14[%get3A_522, %get3A_523] : memref<64x64xf32, #tpu.memory_space<vmem>>, vector<64x64xf32>
    %dot_general3A_525 = arith.constant dense<0.000000e+00> : vector<1000x64xf32>
    %dot_general3A_526 = tpu.matmul %add3A_519, %get3A_524, %dot_general3A_525 {dimension_numbers = #tpu.dot_dimension_numbers<[1], [0], [0], [1], [0, 0, 1, 1], [], []>, transpose_lhs_hint = false} : vector<1000x64xf32>, vector<64x64xf32>, vector<1000x64xf32> -> vector<1000x64xf32>
    %swap3A_527 = arith.constant 0 : index
    %swap3A_528 = arith.constant 0 : index
    %swap3A_529 = vector.load %arg16[%swap3A_527, %swap3A_528] : memref<1000x64xf32, #tpu.memory_space<vmem>>, vector<1000x64xf32>
    tpu.vector_store %arg16[%swap3A_527, %swap3A_528], %dot_general3A_526 {strides = array<i32>} : memref<1000x64xf32, #tpu.memory_space<vmem>>, vector<1000x64xf32>,
    return
  }
  func.func @transform_0(%arg0: i32) -> (i32, i32) {
    %c0_i32 = arith.constant 0 : i32
    %c0_i32_0 = arith.constant 0 : i32
    return %arg0, %c0_i32 : i32, i32
  }
  func.func @transform_1(%arg0: i32) -> (i32, i32, i32) {
    %c0_i32 = arith.constant 0 : i32
    %c0_i32_0 = arith.constant 0 : i32
    %c0_i32_1 = arith.constant 0 : i32
    return %arg0, %c0_i32, %c0_i32_0 : i32, i32, i32
  }
  func.func @transform_2(%arg0: i32) -> (i32, i32) {
    %add3A = arith.constant 26 : i32
    %add3A_0 = arith.addi %arg0, %add3A : i32
    %c0_i32 = arith.constant 0 : i32
    %c0_i32_1 = arith.constant 0 : i32
    return %add3A_0, %c0_i32 : i32, i32
  }
  func.func @transform_4(%arg0: i32) -> (i32, i32) {
    %c0_i32 = arith.constant 0 : i32
    %c0_i32_0 = arith.constant 0 : i32
    %c0_i32_1 = arith.constant 0 : i32
    return %c0_i32, %c0_i32_0 : i32, i32
  }
  func.func @transform_5(%arg0: i32) -> (i32, i32) {
    %c0_i32 = arith.constant 0 : i32
    %c0_i32_0 = arith.constant 0 : i32
    %c0_i32_1 = arith.constant 0 : i32
    return %c0_i32, %c0_i32_0 : i32, i32
  }
  func.func @transform_6(%arg0: i32) -> (i32, i32) {
    %c0_i32 = arith.constant 0 : i32
    %c0_i32_0 = arith.constant 0 : i32
    %c0_i32_1 = arith.constant 0 : i32
    return %c0_i32, %c0_i32_0 : i32, i32
  }
  func.func @transform_7(%arg0: i32) -> (i32, i32) {
    %c0_i32 = arith.constant 0 : i32
    %c0_i32_0 = arith.constant 0 : i32
    %c0_i32_1 = arith.constant 0 : i32
    return %c0_i32, %c0_i32_0 : i32, i32
  }
  func.func @transform_8(%arg0: i32) -> (i32, i32) {
    %c0_i32 = arith.constant 0 : i32
    %c0_i32_0 = arith.constant 0 : i32
    %c0_i32_1 = arith.constant 0 : i32
    return %c0_i32, %c0_i32_0 : i32, i32
  }
  func.func @transform_9(%arg0: i32) -> (i32, i32) {
    %c0_i32 = arith.constant 0 : i32
    %c0_i32_0 = arith.constant 0 : i32
    %c0_i32_1 = arith.constant 0 : i32
    return %c0_i32, %c0_i32_0 : i32, i32
  }
  func.func @transform_10(%arg0: i32) -> (i32, i32) {
    %c0_i32 = arith.constant 0 : i32
    %c0_i32_0 = arith.constant 0 : i32
    %c0_i32_1 = arith.constant 0 : i32
    return %c0_i32, %c0_i32_0 : i32, i32
  }
  func.func @transform_11(%arg0: i32) -> (i32, i32) {
    %c0_i32 = arith.constant 0 : i32
    %c0_i32_0 = arith.constant 0 : i32
    %c0_i32_1 = arith.constant 0 : i32
    return %c0_i32, %c0_i32_0 : i32, i32
  }
  func.func @transform_12(%arg0: i32) -> (i32, i32) {
    %c0_i32 = arith.constant 0 : i32
    %c0_i32_0 = arith.constant 0 : i32
    %c0_i32_1 = arith.constant 0 : i32
    return %c0_i32, %c0_i32_0 : i32, i32
  }
  func.func @transform_13(%arg0: i32) -> (i32, i32) {
    %c0_i32 = arith.constant 0 : i32
    %c0_i32_0 = arith.constant 0 : i32
    %c0_i32_1 = arith.constant 0 : i32
    return %c0_i32, %c0_i32_0 : i32, i32
  }
  func.func @transform_14(%arg0: i32) -> (i32, i32) {
    %c0_i32 = arith.constant 0 : i32
    %c0_i32_0 = arith.constant 0 : i32
    return %arg0, %c0_i32 : i32, i32
  }
  func.func @transform_15(%arg0: i32) -> (i32, i32) {
    %add3A = arith.constant 26 : i32
    %add3A_0 = arith.addi %arg0, %add3A : i32
    %c0_i32 = arith.constant 0 : i32
    %c0_i32_1 = arith.constant 0 : i32
    return %add3A_0, %c0_i32 : i32, i32
  }
}

module attributes {stable_mosaic.version = 14 : i64} {
  func.func @_final_kernel(%arg0: i32, %arg1: memref<1000x64xf32, #tpu.memory_space<vmem>>, %arg2: memref<1000x8x128xf32, #tpu.memory_space<vmem>>, %arg3: memref<1000x256xf32, #tpu.memory_space<vmem>>, %arg4: memref<64x128xf32, #tpu.memory_space<vmem>>, %arg5: memref<1x128xf32, #tpu.memory_space<vmem>>, %arg6: memref<1x128xf32, #tpu.memory_space<vmem>>, %arg7: memref<32x128xf32, #tpu.memory_space<vmem>>, %arg8: memref<1x128xf32, #tpu.memory_space<vmem>>, %arg9: memref<128x256xf32, #tpu.memory_space<vmem>>, %arg10: memref<1x256xf32, #tpu.memory_space<vmem>>, %arg11: memref<1x64xf32, #tpu.memory_space<vmem>>, %arg12: memref<1x64xf32, #tpu.memory_space<vmem>>, %arg13: memref<64x128xf32, #tpu.memory_space<vmem>>, %arg14: memref<1x128xf32, #tpu.memory_space<vmem>>, %arg15: memref<1x128xf32, #tpu.memory_space<vmem>>, %arg16: memref<1x1xf32, #tpu.memory_space<vmem>>, %arg17: memref<1x10x128xf32, #tpu.memory_space<vmem>>) attributes {dimension_semantics = [#tpu.dimension_semantics<arbitrary>], iteration_bounds = array<i64: 26>, scalar_prefetch = 0 : i64, scratch_operands = 0 : i64, tpu.core_type = #tpu.core_type<tc>, window_params = [{transform_indices = @transform_0, window_bounds = array<i64: 1000, 64>}, {transform_indices = @transform_1, window_bounds = array<i64: 1000, 8, 128>}, {transform_indices = @transform_2, window_bounds = array<i64: 1000, 256>}, {pipeline_mode = #tpu.pipeline_mode<synchronous>, transform_indices = @transform_3, window_bounds = array<i64: 64, 128>}, {pipeline_mode = #tpu.pipeline_mode<synchronous>, transform_indices = @transform_4, window_bounds = array<i64: 1, 128>}, {pipeline_mode = #tpu.pipeline_mode<synchronous>, transform_indices = @transform_5, window_bounds = array<i64: 1, 128>}, {pipeline_mode = #tpu.pipeline_mode<synchronous>, transform_indices = @transform_6, window_bounds = array<i64: 32, 128>}, {pipeline_mode = #tpu.pipeline_mode<synchronous>, transform_indices = @transform_7, window_bounds = array<i64: 1, 128>}, {pipeline_mode = #tpu.pipeline_mode<synchronous>, transform_indices = @transform_8, window_bounds = array<i64: 128, 256>}, {pipeline_mode = #tpu.pipeline_mode<synchronous>, transform_indices = @transform_9, window_bounds = array<i64: 1, 256>}, {pipeline_mode = #tpu.pipeline_mode<synchronous>, transform_indices = @transform_10, window_bounds = array<i64: 1, 64>}, {pipeline_mode = #tpu.pipeline_mode<synchronous>, transform_indices = @transform_11, window_bounds = array<i64: 1, 64>}, {pipeline_mode = #tpu.pipeline_mode<synchronous>, transform_indices = @transform_12, window_bounds = array<i64: 64, 128>}, {pipeline_mode = #tpu.pipeline_mode<synchronous>, transform_indices = @transform_13, window_bounds = array<i64: 1, 128>}, {pipeline_mode = #tpu.pipeline_mode<synchronous>, transform_indices = @transform_14, window_bounds = array<i64: 1, 128>}, {pipeline_mode = #tpu.pipeline_mode<synchronous>, transform_indices = @transform_15, window_bounds = array<i64: 1, 1>}, {transform_indices = @transform_16, window_bounds = array<i64: 1, 10, 128>}]} {
    %get3A = arith.constant 0 : index
    %get3A_0 = arith.constant 0 : index
    %get3A_1 = vector.load %arg1[%get3A, %get3A_0] : memref<1000x64xf32, #tpu.memory_space<vmem>>, vector<1000x64xf32>
    %get3A_2 = arith.constant 0 : index
    %get3A_3 = arith.constant 0 : index
    %get3A_4 = vector.load %arg4[%get3A_2, %get3A_3] : memref<64x128xf32, #tpu.memory_space<vmem>>, vector<64x128xf32>
    %dot_general3A = arith.constant dense<0.000000e+00> : vector<1000x128xf32>
    %dot_general3A_5 = tpu.matmul %get3A_1, %get3A_4, %dot_general3A {dimension_numbers = #tpu.dot_dimension_numbers<[1], [0], [0], [1], [0, 0, 1, 1], [], []>, transpose_lhs_hint = false} : vector<1000x64xf32>, vector<64x128xf32>, vector<1000x128xf32> -> vector<1000x128xf32>
    %get3A_6 = arith.constant 0 : index
    %get3A_7 = arith.constant 0 : index
    %get3A_8 = vector.load %arg5[%get3A_6, %get3A_7] : memref<1x128xf32, #tpu.memory_space<vmem>>, vector<1x128xf32>
    %add3A = vector.broadcast %get3A_8 : vector<1x128xf32> to vector<1000x128xf32>
    %add3A_9 = arith.addf %dot_general3A_5, %add3A : vector<1000x128xf32>
    %broadcast_in_dim3A = arith.constant 0.000000e+00 : f32
    %broadcast_in_dim3A_10 = vector.broadcast %broadcast_in_dim3A : f32 to vector<1000x128xf32>
    %get3A_11 = arith.constant 0 : index
    %get3A_12 = arith.constant 0 : index
    %get3A_13 = arith.constant 0 : index
    %get3A_14 = vector.load %arg2[%get3A_11, %get3A_12, %get3A_13] : memref<1000x8x128xf32, #tpu.memory_space<vmem>>, vector<1000x1x128xf32>
    %get3A_15 = vector.shape_cast %get3A_14 : vector<1000x1x128xf32> to vector<1000x128xf32>
    %get3A_16 = arith.constant 0 : index
    %get3A_17 = arith.constant 0 : index
    %get3A_18 = vector.load %arg6[%get3A_16, %get3A_17] : memref<1x128xf32, #tpu.memory_space<vmem>>, vector<1x128xf32>
    %add3A_19 = vector.broadcast %get3A_18 : vector<1x128xf32> to vector<1000x128xf32>
    %add3A_20 = arith.addf %get3A_15, %add3A_19 : vector<1000x128xf32>
    %get3A_21 = arith.constant 0 : index
    %get3A_22 = arith.constant 0 : index
    %get3A_23 = vector.load %arg3[%get3A_21, %get3A_22] : memref<1000x256xf32, #tpu.memory_space<vmem>>, vector<1000x32xf32>
    %get3A_24 = arith.constant 0 : index
    %get3A_25 = arith.constant 0 : index
    %get3A_26 = vector.load %arg7[%get3A_24, %get3A_25] : memref<32x128xf32, #tpu.memory_space<vmem>>, vector<32x128xf32>
    %dot_general3A_27 = arith.constant dense<0.000000e+00> : vector<1000x128xf32>
    %dot_general3A_28 = tpu.matmul %get3A_23, %get3A_26, %dot_general3A_27 {dimension_numbers = #tpu.dot_dimension_numbers<[1], [0], [0], [1], [0, 0, 1, 1], [], []>, transpose_lhs_hint = false} : vector<1000x32xf32>, vector<32x128xf32>, vector<1000x128xf32> -> vector<1000x128xf32>
    %get3A_29 = arith.constant 0 : index
    %get3A_30 = arith.constant 0 : index
    %get3A_31 = vector.load %arg8[%get3A_29, %get3A_30] : memref<1x128xf32, #tpu.memory_space<vmem>>, vector<1x128xf32>
    %add3A_32 = vector.broadcast %get3A_31 : vector<1x128xf32> to vector<1000x128xf32>
    %add3A_33 = arith.addf %dot_general3A_28, %add3A_32 : vector<1000x128xf32>
    %mul3A = arith.mulf %add3A_9, %add3A_20 : vector<1000x128xf32>
    %mul3A_34 = arith.mulf %mul3A, %add3A_33 : vector<1000x128xf32>
    %get3A_35 = arith.constant 0 : index
    %get3A_36 = arith.constant 0 : index
    %get3A_37 = vector.load %arg9[%get3A_35, %get3A_36] : memref<128x256xf32, #tpu.memory_space<vmem>>, vector<128x256xf32>
    %dot_general3A_38 = arith.constant dense<0.000000e+00> : vector<1000x256xf32>
    %dot_general3A_39 = tpu.matmul %mul3A_34, %get3A_37, %dot_general3A_38 {dimension_numbers = #tpu.dot_dimension_numbers<[1], [0], [0], [1], [0, 0, 1, 1], [], []>, transpose_lhs_hint = false} : vector<1000x128xf32>, vector<128x256xf32>, vector<1000x256xf32> -> vector<1000x256xf32>
    %get3A_40 = arith.constant 0 : index
    %get3A_41 = arith.constant 0 : index
    %get3A_42 = vector.load %arg10[%get3A_40, %get3A_41] : memref<1x256xf32, #tpu.memory_space<vmem>>, vector<1x256xf32>
    %add3A_43 = vector.broadcast %get3A_42 : vector<1x256xf32> to vector<1000x256xf32>
    %add3A_44 = arith.addf %dot_general3A_39, %add3A_43 : vector<1000x256xf32>
    %slice3A = vector.extract_strided_slice %add3A_44 {offsets = [0, 0], sizes = [1000, 128], strides = [1, 1]} : vector<1000x256xf32> to vector<1000x128xf32>
    %logistic3A = arith.negf %slice3A : vector<1000x128xf32>
    %logistic3A_45 = math.exp %logistic3A : vector<1000x128xf32>
    %logistic3A_46 = arith.constant 1.000000e+00 : f32
    %logistic3A_47 = vector.broadcast %logistic3A_46 : f32 to vector<1000x128xf32>
    %logistic3A_48 = arith.addf %logistic3A_47, %logistic3A_45 : vector<1000x128xf32>
    %logistic3A_49 = arith.divf %logistic3A_47, %logistic3A_48 : vector<1000x128xf32>
    %slice3A_50 = vector.extract_strided_slice %add3A_44 {offsets = [0, 128], sizes = [1000, 128], strides = [1, 1]} : vector<1000x256xf32> to vector<1000x128xf32>
    %custom_jvp_call3A = arith.constant 0.000000e+00 : f32
    %max3A = vector.broadcast %custom_jvp_call3A : f32 to vector<1000x128xf32>
    %max3A_51 = arith.maximumf %slice3A_50, %max3A : vector<1000x128xf32>
    %sub3A = vector.broadcast %custom_jvp_call3A : f32 to vector<1000x128xf32>
    %sub3A_52 = arith.subf %slice3A_50, %sub3A : vector<1000x128xf32>
    %ne3A = arith.cmpf one, %sub3A_52, %sub3A_52 : vector<1000x128xf32>
    %add3A_53 = vector.broadcast %custom_jvp_call3A : f32 to vector<1000x128xf32>
    %add3A_54 = arith.addf %slice3A_50, %add3A_53 : vector<1000x128xf32>
    %abs3A = math.absf %sub3A_52 : vector<1000x128xf32>
    %neg3A = arith.constant 0.000000e+00 : f32
    %neg3A_55 = vector.broadcast %neg3A : f32 to vector<1000x128xf32>
    %neg3A_56 = arith.subf %neg3A_55, %abs3A : vector<1000x128xf32>
    %exp3A = math.exp %neg3A_56 : vector<1000x128xf32>
    %log1p3A = math.log1p %exp3A : vector<1000x128xf32>
    %add3A_57 = arith.addf %max3A_51, %log1p3A : vector<1000x128xf32>
    %select_n3A = arith.select %ne3A, %add3A_54, %add3A_57 : vector<1000x128xi1>, vector<1000x128xf32>
    %mul3A_58 = arith.mulf %logistic3A_49, %select_n3A : vector<1000x128xf32>
    %add3A_59 = arith.addf %broadcast_in_dim3A_10, %mul3A_58 : vector<1000x128xf32>
    %get3A_60 = arith.constant 0 : index
    %get3A_61 = arith.constant 1 : index
    %get3A_62 = arith.constant 0 : index
    %get3A_63 = vector.load %arg2[%get3A_60, %get3A_61, %get3A_62] : memref<1000x8x128xf32, #tpu.memory_space<vmem>>, vector<1000x1x128xf32>
    %get3A_64 = vector.shape_cast %get3A_63 : vector<1000x1x128xf32> to vector<1000x128xf32>
    %get3A_65 = arith.constant 0 : index
    %get3A_66 = arith.constant 0 : index
    %get3A_67 = vector.load %arg6[%get3A_65, %get3A_66] : memref<1x128xf32, #tpu.memory_space<vmem>>, vector<1x128xf32>
    %add3A_68 = vector.broadcast %get3A_67 : vector<1x128xf32> to vector<1000x128xf32>
    %add3A_69 = arith.addf %get3A_64, %add3A_68 : vector<1000x128xf32>
    %get3A_70 = arith.constant 0 : index
    %get3A_71 = arith.constant 32 : index
    %get3A_72 = vector.load %arg3[%get3A_70, %get3A_71] : memref<1000x256xf32, #tpu.memory_space<vmem>>, vector<1000x32xf32>
    %get3A_73 = arith.constant 0 : index
    %get3A_74 = arith.constant 0 : index
    %get3A_75 = vector.load %arg7[%get3A_73, %get3A_74] : memref<32x128xf32, #tpu.memory_space<vmem>>, vector<32x128xf32>
    %dot_general3A_76 = arith.constant dense<0.000000e+00> : vector<1000x128xf32>
    %dot_general3A_77 = tpu.matmul %get3A_72, %get3A_75, %dot_general3A_76 {dimension_numbers = #tpu.dot_dimension_numbers<[1], [0], [0], [1], [0, 0, 1, 1], [], []>, transpose_lhs_hint = false} : vector<1000x32xf32>, vector<32x128xf32>, vector<1000x128xf32> -> vector<1000x128xf32>
    %get3A_78 = arith.constant 0 : index
    %get3A_79 = arith.constant 0 : index
    %get3A_80 = vector.load %arg8[%get3A_78, %get3A_79] : memref<1x128xf32, #tpu.memory_space<vmem>>, vector<1x128xf32>
    %add3A_81 = vector.broadcast %get3A_80 : vector<1x128xf32> to vector<1000x128xf32>
    %add3A_82 = arith.addf %dot_general3A_77, %add3A_81 : vector<1000x128xf32>
    %mul3A_83 = arith.mulf %add3A_9, %add3A_69 : vector<1000x128xf32>
    %mul3A_84 = arith.mulf %mul3A_83, %add3A_82 : vector<1000x128xf32>
    %get3A_85 = arith.constant 0 : index
    %get3A_86 = arith.constant 0 : index
    %get3A_87 = vector.load %arg9[%get3A_85, %get3A_86] : memref<128x256xf32, #tpu.memory_space<vmem>>, vector<128x256xf32>
    %dot_general3A_88 = arith.constant dense<0.000000e+00> : vector<1000x256xf32>
    %dot_general3A_89 = tpu.matmul %mul3A_84, %get3A_87, %dot_general3A_88 {dimension_numbers = #tpu.dot_dimension_numbers<[1], [0], [0], [1], [0, 0, 1, 1], [], []>, transpose_lhs_hint = false} : vector<1000x128xf32>, vector<128x256xf32>, vector<1000x256xf32> -> vector<1000x256xf32>
    %get3A_90 = arith.constant 0 : index
    %get3A_91 = arith.constant 0 : index
    %get3A_92 = vector.load %arg10[%get3A_90, %get3A_91] : memref<1x256xf32, #tpu.memory_space<vmem>>, vector<1x256xf32>
    %add3A_93 = vector.broadcast %get3A_92 : vector<1x256xf32> to vector<1000x256xf32>
    %add3A_94 = arith.addf %dot_general3A_89, %add3A_93 : vector<1000x256xf32>
    %slice3A_95 = vector.extract_strided_slice %add3A_94 {offsets = [0, 0], sizes = [1000, 128], strides = [1, 1]} : vector<1000x256xf32> to vector<1000x128xf32>
    %logistic3A_96 = arith.negf %slice3A_95 : vector<1000x128xf32>
    %logistic3A_97 = math.exp %logistic3A_96 : vector<1000x128xf32>
    %logistic3A_98 = arith.constant 1.000000e+00 : f32
    %logistic3A_99 = vector.broadcast %logistic3A_98 : f32 to vector<1000x128xf32>
    %logistic3A_100 = arith.addf %logistic3A_99, %logistic3A_97 : vector<1000x128xf32>
    %logistic3A_101 = arith.divf %logistic3A_99, %logistic3A_100 : vector<1000x128xf32>
    %slice3A_102 = vector.extract_strided_slice %add3A_94 {offsets = [0, 128], sizes = [1000, 128], strides = [1, 1]} : vector<1000x256xf32> to vector<1000x128xf32>
    %custom_jvp_call3A_103 = arith.constant 0.000000e+00 : f32
    %max3A_104 = vector.broadcast %custom_jvp_call3A_103 : f32 to vector<1000x128xf32>
    %max3A_105 = arith.maximumf %slice3A_102, %max3A_104 : vector<1000x128xf32>
    %sub3A_106 = vector.broadcast %custom_jvp_call3A_103 : f32 to vector<1000x128xf32>
    %sub3A_107 = arith.subf %slice3A_102, %sub3A_106 : vector<1000x128xf32>
    %ne3A_108 = arith.cmpf one, %sub3A_107, %sub3A_107 : vector<1000x128xf32>
    %add3A_109 = vector.broadcast %custom_jvp_call3A_103 : f32 to vector<1000x128xf32>
    %add3A_110 = arith.addf %slice3A_102, %add3A_109 : vector<1000x128xf32>
    %abs3A_111 = math.absf %sub3A_107 : vector<1000x128xf32>
    %neg3A_112 = arith.constant 0.000000e+00 : f32
    %neg3A_113 = vector.broadcast %neg3A_112 : f32 to vector<1000x128xf32>
    %neg3A_114 = arith.subf %neg3A_113, %abs3A_111 : vector<1000x128xf32>
    %exp3A_115 = math.exp %neg3A_114 : vector<1000x128xf32>
    %log1p3A_116 = math.log1p %exp3A_115 : vector<1000x128xf32>
    %add3A_117 = arith.addf %max3A_105, %log1p3A_116 : vector<1000x128xf32>
    %select_n3A_118 = arith.select %ne3A_108, %add3A_110, %add3A_117 : vector<1000x128xi1>, vector<1000x128xf32>
    %mul3A_119 = arith.mulf %logistic3A_101, %select_n3A_118 : vector<1000x128xf32>
    %add3A_120 = arith.addf %add3A_59, %mul3A_119 : vector<1000x128xf32>
    %get3A_121 = arith.constant 0 : index
    %get3A_122 = arith.constant 2 : index
    %get3A_123 = arith.constant 0 : index
    %get3A_124 = vector.load %arg2[%get3A_121, %get3A_122, %get3A_123] : memref<1000x8x128xf32, #tpu.memory_space<vmem>>, vector<1000x1x128xf32>
    %get3A_125 = vector.shape_cast %get3A_124 : vector<1000x1x128xf32> to vector<1000x128xf32>
    %get3A_126 = arith.constant 0 : index
    %get3A_127 = arith.constant 0 : index
    %get3A_128 = vector.load %arg6[%get3A_126, %get3A_127] : memref<1x128xf32, #tpu.memory_space<vmem>>, vector<1x128xf32>
    %add3A_129 = vector.broadcast %get3A_128 : vector<1x128xf32> to vector<1000x128xf32>
    %add3A_130 = arith.addf %get3A_125, %add3A_129 : vector<1000x128xf32>
    %get3A_131 = arith.constant 0 : index
    %get3A_132 = arith.constant 64 : index
    %get3A_133 = vector.load %arg3[%get3A_131, %get3A_132] : memref<1000x256xf32, #tpu.memory_space<vmem>>, vector<1000x32xf32>
    %get3A_134 = arith.constant 0 : index
    %get3A_135 = arith.constant 0 : index
    %get3A_136 = vector.load %arg7[%get3A_134, %get3A_135] : memref<32x128xf32, #tpu.memory_space<vmem>>, vector<32x128xf32>
    %dot_general3A_137 = arith.constant dense<0.000000e+00> : vector<1000x128xf32>
    %dot_general3A_138 = tpu.matmul %get3A_133, %get3A_136, %dot_general3A_137 {dimension_numbers = #tpu.dot_dimension_numbers<[1], [0], [0], [1], [0, 0, 1, 1], [], []>, transpose_lhs_hint = false} : vector<1000x32xf32>, vector<32x128xf32>, vector<1000x128xf32> -> vector<1000x128xf32>
    %get3A_139 = arith.constant 0 : index
    %get3A_140 = arith.constant 0 : index
    %get3A_141 = vector.load %arg8[%get3A_139, %get3A_140] : memref<1x128xf32, #tpu.memory_space<vmem>>, vector<1x128xf32>
    %add3A_142 = vector.broadcast %get3A_141 : vector<1x128xf32> to vector<1000x128xf32>
    %add3A_143 = arith.addf %dot_general3A_138, %add3A_142 : vector<1000x128xf32>
    %mul3A_144 = arith.mulf %add3A_9, %add3A_130 : vector<1000x128xf32>
    %mul3A_145 = arith.mulf %mul3A_144, %add3A_143 : vector<1000x128xf32>
    %get3A_146 = arith.constant 0 : index
    %get3A_147 = arith.constant 0 : index
    %get3A_148 = vector.load %arg9[%get3A_146, %get3A_147] : memref<128x256xf32, #tpu.memory_space<vmem>>, vector<128x256xf32>
    %dot_general3A_149 = arith.constant dense<0.000000e+00> : vector<1000x256xf32>
    %dot_general3A_150 = tpu.matmul %mul3A_145, %get3A_148, %dot_general3A_149 {dimension_numbers = #tpu.dot_dimension_numbers<[1], [0], [0], [1], [0, 0, 1, 1], [], []>, transpose_lhs_hint = false} : vector<1000x128xf32>, vector<128x256xf32>, vector<1000x256xf32> -> vector<1000x256xf32>
    %get3A_151 = arith.constant 0 : index
    %get3A_152 = arith.constant 0 : index
    %get3A_153 = vector.load %arg10[%get3A_151, %get3A_152] : memref<1x256xf32, #tpu.memory_space<vmem>>, vector<1x256xf32>
    %add3A_154 = vector.broadcast %get3A_153 : vector<1x256xf32> to vector<1000x256xf32>
    %add3A_155 = arith.addf %dot_general3A_150, %add3A_154 : vector<1000x256xf32>
    %slice3A_156 = vector.extract_strided_slice %add3A_155 {offsets = [0, 0], sizes = [1000, 128], strides = [1, 1]} : vector<1000x256xf32> to vector<1000x128xf32>
    %logistic3A_157 = arith.negf %slice3A_156 : vector<1000x128xf32>
    %logistic3A_158 = math.exp %logistic3A_157 : vector<1000x128xf32>
    %logistic3A_159 = arith.constant 1.000000e+00 : f32
    %logistic3A_160 = vector.broadcast %logistic3A_159 : f32 to vector<1000x128xf32>
    %logistic3A_161 = arith.addf %logistic3A_160, %logistic3A_158 : vector<1000x128xf32>
    %logistic3A_162 = arith.divf %logistic3A_160, %logistic3A_161 : vector<1000x128xf32>
    %slice3A_163 = vector.extract_strided_slice %add3A_155 {offsets = [0, 128], sizes = [1000, 128], strides = [1, 1]} : vector<1000x256xf32> to vector<1000x128xf32>
    %custom_jvp_call3A_164 = arith.constant 0.000000e+00 : f32
    %max3A_165 = vector.broadcast %custom_jvp_call3A_164 : f32 to vector<1000x128xf32>
    %max3A_166 = arith.maximumf %slice3A_163, %max3A_165 : vector<1000x128xf32>
    %sub3A_167 = vector.broadcast %custom_jvp_call3A_164 : f32 to vector<1000x128xf32>
    %sub3A_168 = arith.subf %slice3A_163, %sub3A_167 : vector<1000x128xf32>
    %ne3A_169 = arith.cmpf one, %sub3A_168, %sub3A_168 : vector<1000x128xf32>
    %add3A_170 = vector.broadcast %custom_jvp_call3A_164 : f32 to vector<1000x128xf32>
    %add3A_171 = arith.addf %slice3A_163, %add3A_170 : vector<1000x128xf32>
    %abs3A_172 = math.absf %sub3A_168 : vector<1000x128xf32>
    %neg3A_173 = arith.constant 0.000000e+00 : f32
    %neg3A_174 = vector.broadcast %neg3A_173 : f32 to vector<1000x128xf32>
    %neg3A_175 = arith.subf %neg3A_174, %abs3A_172 : vector<1000x128xf32>
    %exp3A_176 = math.exp %neg3A_175 : vector<1000x128xf32>
    %log1p3A_177 = math.log1p %exp3A_176 : vector<1000x128xf32>
    %add3A_178 = arith.addf %max3A_166, %log1p3A_177 : vector<1000x128xf32>
    %select_n3A_179 = arith.select %ne3A_169, %add3A_171, %add3A_178 : vector<1000x128xi1>, vector<1000x128xf32>
    %mul3A_180 = arith.mulf %logistic3A_162, %select_n3A_179 : vector<1000x128xf32>
    %add3A_181 = arith.addf %add3A_120, %mul3A_180 : vector<1000x128xf32>
    %get3A_182 = arith.constant 0 : index
    %get3A_183 = arith.constant 3 : index
    %get3A_184 = arith.constant 0 : index
    %get3A_185 = vector.load %arg2[%get3A_182, %get3A_183, %get3A_184] : memref<1000x8x128xf32, #tpu.memory_space<vmem>>, vector<1000x1x128xf32>
    %get3A_186 = vector.shape_cast %get3A_185 : vector<1000x1x128xf32> to vector<1000x128xf32>
    %get3A_187 = arith.constant 0 : index
    %get3A_188 = arith.constant 0 : index
    %get3A_189 = vector.load %arg6[%get3A_187, %get3A_188] : memref<1x128xf32, #tpu.memory_space<vmem>>, vector<1x128xf32>
    %add3A_190 = vector.broadcast %get3A_189 : vector<1x128xf32> to vector<1000x128xf32>
    %add3A_191 = arith.addf %get3A_186, %add3A_190 : vector<1000x128xf32>
    %get3A_192 = arith.constant 0 : index
    %get3A_193 = arith.constant 96 : index
    %get3A_194 = vector.load %arg3[%get3A_192, %get3A_193] : memref<1000x256xf32, #tpu.memory_space<vmem>>, vector<1000x32xf32>
    %get3A_195 = arith.constant 0 : index
    %get3A_196 = arith.constant 0 : index
    %get3A_197 = vector.load %arg7[%get3A_195, %get3A_196] : memref<32x128xf32, #tpu.memory_space<vmem>>, vector<32x128xf32>
    %dot_general3A_198 = arith.constant dense<0.000000e+00> : vector<1000x128xf32>
    %dot_general3A_199 = tpu.matmul %get3A_194, %get3A_197, %dot_general3A_198 {dimension_numbers = #tpu.dot_dimension_numbers<[1], [0], [0], [1], [0, 0, 1, 1], [], []>, transpose_lhs_hint = false} : vector<1000x32xf32>, vector<32x128xf32>, vector<1000x128xf32> -> vector<1000x128xf32>
    %get3A_200 = arith.constant 0 : index
    %get3A_201 = arith.constant 0 : index
    %get3A_202 = vector.load %arg8[%get3A_200, %get3A_201] : memref<1x128xf32, #tpu.memory_space<vmem>>, vector<1x128xf32>
    %add3A_203 = vector.broadcast %get3A_202 : vector<1x128xf32> to vector<1000x128xf32>
    %add3A_204 = arith.addf %dot_general3A_199, %add3A_203 : vector<1000x128xf32>
    %mul3A_205 = arith.mulf %add3A_9, %add3A_191 : vector<1000x128xf32>
    %mul3A_206 = arith.mulf %mul3A_205, %add3A_204 : vector<1000x128xf32>
    %get3A_207 = arith.constant 0 : index
    %get3A_208 = arith.constant 0 : index
    %get3A_209 = vector.load %arg9[%get3A_207, %get3A_208] : memref<128x256xf32, #tpu.memory_space<vmem>>, vector<128x256xf32>
    %dot_general3A_210 = arith.constant dense<0.000000e+00> : vector<1000x256xf32>
    %dot_general3A_211 = tpu.matmul %mul3A_206, %get3A_209, %dot_general3A_210 {dimension_numbers = #tpu.dot_dimension_numbers<[1], [0], [0], [1], [0, 0, 1, 1], [], []>, transpose_lhs_hint = false} : vector<1000x128xf32>, vector<128x256xf32>, vector<1000x256xf32> -> vector<1000x256xf32>
    %get3A_212 = arith.constant 0 : index
    %get3A_213 = arith.constant 0 : index
    %get3A_214 = vector.load %arg10[%get3A_212, %get3A_213] : memref<1x256xf32, #tpu.memory_space<vmem>>, vector<1x256xf32>
    %add3A_215 = vector.broadcast %get3A_214 : vector<1x256xf32> to vector<1000x256xf32>
    %add3A_216 = arith.addf %dot_general3A_211, %add3A_215 : vector<1000x256xf32>
    %slice3A_217 = vector.extract_strided_slice %add3A_216 {offsets = [0, 0], sizes = [1000, 128], strides = [1, 1]} : vector<1000x256xf32> to vector<1000x128xf32>
    %logistic3A_218 = arith.negf %slice3A_217 : vector<1000x128xf32>
    %logistic3A_219 = math.exp %logistic3A_218 : vector<1000x128xf32>
    %logistic3A_220 = arith.constant 1.000000e+00 : f32
    %logistic3A_221 = vector.broadcast %logistic3A_220 : f32 to vector<1000x128xf32>
    %logistic3A_222 = arith.addf %logistic3A_221, %logistic3A_219 : vector<1000x128xf32>
    %logistic3A_223 = arith.divf %logistic3A_221, %logistic3A_222 : vector<1000x128xf32>
    %slice3A_224 = vector.extract_strided_slice %add3A_216 {offsets = [0, 128], sizes = [1000, 128], strides = [1, 1]} : vector<1000x256xf32> to vector<1000x128xf32>
    %custom_jvp_call3A_225 = arith.constant 0.000000e+00 : f32
    %max3A_226 = vector.broadcast %custom_jvp_call3A_225 : f32 to vector<1000x128xf32>
    %max3A_227 = arith.maximumf %slice3A_224, %max3A_226 : vector<1000x128xf32>
    %sub3A_228 = vector.broadcast %custom_jvp_call3A_225 : f32 to vector<1000x128xf32>
    %sub3A_229 = arith.subf %slice3A_224, %sub3A_228 : vector<1000x128xf32>
    %ne3A_230 = arith.cmpf one, %sub3A_229, %sub3A_229 : vector<1000x128xf32>
    %add3A_231 = vector.broadcast %custom_jvp_call3A_225 : f32 to vector<1000x128xf32>
    %add3A_232 = arith.addf %slice3A_224, %add3A_231 : vector<1000x128xf32>
    %abs3A_233 = math.absf %sub3A_229 : vector<1000x128xf32>
    %neg3A_234 = arith.constant 0.000000e+00 : f32
    %neg3A_235 = vector.broadcast %neg3A_234 : f32 to vector<1000x128xf32>
    %neg3A_236 = arith.subf %neg3A_235, %abs3A_233 : vector<1000x128xf32>
    %exp3A_237 = math.exp %neg3A_236 : vector<1000x128xf32>
    %log1p3A_238 = math.log1p %exp3A_237 : vector<1000x128xf32>
    %add3A_239 = arith.addf %max3A_227, %log1p3A_238 : vector<1000x128xf32>
    %select_n3A_240 = arith.select %ne3A_230, %add3A_232, %add3A_239 : vector<1000x128xi1>, vector<1000x128xf32>
    %mul3A_241 = arith.mulf %logistic3A_223, %select_n3A_240 : vector<1000x128xf32>
    %add3A_242 = arith.addf %add3A_181, %mul3A_241 : vector<1000x128xf32>
    %get3A_243 = arith.constant 0 : index
    %get3A_244 = arith.constant 4 : index
    %get3A_245 = arith.constant 0 : index
    %get3A_246 = vector.load %arg2[%get3A_243, %get3A_244, %get3A_245] : memref<1000x8x128xf32, #tpu.memory_space<vmem>>, vector<1000x1x128xf32>
    %get3A_247 = vector.shape_cast %get3A_246 : vector<1000x1x128xf32> to vector<1000x128xf32>
    %get3A_248 = arith.constant 0 : index
    %get3A_249 = arith.constant 0 : index
    %get3A_250 = vector.load %arg6[%get3A_248, %get3A_249] : memref<1x128xf32, #tpu.memory_space<vmem>>, vector<1x128xf32>
    %add3A_251 = vector.broadcast %get3A_250 : vector<1x128xf32> to vector<1000x128xf32>
    %add3A_252 = arith.addf %get3A_247, %add3A_251 : vector<1000x128xf32>
    %get3A_253 = arith.constant 0 : index
    %get3A_254 = arith.constant 128 : index
    %get3A_255 = vector.load %arg3[%get3A_253, %get3A_254] : memref<1000x256xf32, #tpu.memory_space<vmem>>, vector<1000x32xf32>
    %get3A_256 = arith.constant 0 : index
    %get3A_257 = arith.constant 0 : index
    %get3A_258 = vector.load %arg7[%get3A_256, %get3A_257] : memref<32x128xf32, #tpu.memory_space<vmem>>, vector<32x128xf32>
    %dot_general3A_259 = arith.constant dense<0.000000e+00> : vector<1000x128xf32>
    %dot_general3A_260 = tpu.matmul %get3A_255, %get3A_258, %dot_general3A_259 {dimension_numbers = #tpu.dot_dimension_numbers<[1], [0], [0], [1], [0, 0, 1, 1], [], []>, transpose_lhs_hint = false} : vector<1000x32xf32>, vector<32x128xf32>, vector<1000x128xf32> -> vector<1000x128xf32>
    %get3A_261 = arith.constant 0 : index
    %get3A_262 = arith.constant 0 : index
    %get3A_263 = vector.load %arg8[%get3A_261, %get3A_262] : memref<1x128xf32, #tpu.memory_space<vmem>>, vector<1x128xf32>
    %add3A_264 = vector.broadcast %get3A_263 : vector<1x128xf32> to vector<1000x128xf32>
    %add3A_265 = arith.addf %dot_general3A_260, %add3A_264 : vector<1000x128xf32>
    %mul3A_266 = arith.mulf %add3A_9, %add3A_252 : vector<1000x128xf32>
    %mul3A_267 = arith.mulf %mul3A_266, %add3A_265 : vector<1000x128xf32>
    %get3A_268 = arith.constant 0 : index
    %get3A_269 = arith.constant 0 : index
    %get3A_270 = vector.load %arg9[%get3A_268, %get3A_269] : memref<128x256xf32, #tpu.memory_space<vmem>>, vector<128x256xf32>
    %dot_general3A_271 = arith.constant dense<0.000000e+00> : vector<1000x256xf32>
    %dot_general3A_272 = tpu.matmul %mul3A_267, %get3A_270, %dot_general3A_271 {dimension_numbers = #tpu.dot_dimension_numbers<[1], [0], [0], [1], [0, 0, 1, 1], [], []>, transpose_lhs_hint = false} : vector<1000x128xf32>, vector<128x256xf32>, vector<1000x256xf32> -> vector<1000x256xf32>
    %get3A_273 = arith.constant 0 : index
    %get3A_274 = arith.constant 0 : index
    %get3A_275 = vector.load %arg10[%get3A_273, %get3A_274] : memref<1x256xf32, #tpu.memory_space<vmem>>, vector<1x256xf32>
    %add3A_276 = vector.broadcast %get3A_275 : vector<1x256xf32> to vector<1000x256xf32>
    %add3A_277 = arith.addf %dot_general3A_272, %add3A_276 : vector<1000x256xf32>
    %slice3A_278 = vector.extract_strided_slice %add3A_277 {offsets = [0, 0], sizes = [1000, 128], strides = [1, 1]} : vector<1000x256xf32> to vector<1000x128xf32>
    %logistic3A_279 = arith.negf %slice3A_278 : vector<1000x128xf32>
    %logistic3A_280 = math.exp %logistic3A_279 : vector<1000x128xf32>
    %logistic3A_281 = arith.constant 1.000000e+00 : f32
    %logistic3A_282 = vector.broadcast %logistic3A_281 : f32 to vector<1000x128xf32>
    %logistic3A_283 = arith.addf %logistic3A_282, %logistic3A_280 : vector<1000x128xf32>
    %logistic3A_284 = arith.divf %logistic3A_282, %logistic3A_283 : vector<1000x128xf32>
    %slice3A_285 = vector.extract_strided_slice %add3A_277 {offsets = [0, 128], sizes = [1000, 128], strides = [1, 1]} : vector<1000x256xf32> to vector<1000x128xf32>
    %custom_jvp_call3A_286 = arith.constant 0.000000e+00 : f32
    %max3A_287 = vector.broadcast %custom_jvp_call3A_286 : f32 to vector<1000x128xf32>
    %max3A_288 = arith.maximumf %slice3A_285, %max3A_287 : vector<1000x128xf32>
    %sub3A_289 = vector.broadcast %custom_jvp_call3A_286 : f32 to vector<1000x128xf32>
    %sub3A_290 = arith.subf %slice3A_285, %sub3A_289 : vector<1000x128xf32>
    %ne3A_291 = arith.cmpf one, %sub3A_290, %sub3A_290 : vector<1000x128xf32>
    %add3A_292 = vector.broadcast %custom_jvp_call3A_286 : f32 to vector<1000x128xf32>
    %add3A_293 = arith.addf %slice3A_285, %add3A_292 : vector<1000x128xf32>
    %abs3A_294 = math.absf %sub3A_290 : vector<1000x128xf32>
    %neg3A_295 = arith.constant 0.000000e+00 : f32
    %neg3A_296 = vector.broadcast %neg3A_295 : f32 to vector<1000x128xf32>
    %neg3A_297 = arith.subf %neg3A_296, %abs3A_294 : vector<1000x128xf32>
    %exp3A_298 = math.exp %neg3A_297 : vector<1000x128xf32>
    %log1p3A_299 = math.log1p %exp3A_298 : vector<1000x128xf32>
    %add3A_300 = arith.addf %max3A_288, %log1p3A_299 : vector<1000x128xf32>
    %select_n3A_301 = arith.select %ne3A_291, %add3A_293, %add3A_300 : vector<1000x128xi1>, vector<1000x128xf32>
    %mul3A_302 = arith.mulf %logistic3A_284, %select_n3A_301 : vector<1000x128xf32>
    %add3A_303 = arith.addf %add3A_242, %mul3A_302 : vector<1000x128xf32>
    %get3A_304 = arith.constant 0 : index
    %get3A_305 = arith.constant 5 : index
    %get3A_306 = arith.constant 0 : index
    %get3A_307 = vector.load %arg2[%get3A_304, %get3A_305, %get3A_306] : memref<1000x8x128xf32, #tpu.memory_space<vmem>>, vector<1000x1x128xf32>
    %get3A_308 = vector.shape_cast %get3A_307 : vector<1000x1x128xf32> to vector<1000x128xf32>
    %get3A_309 = arith.constant 0 : index
    %get3A_310 = arith.constant 0 : index
    %get3A_311 = vector.load %arg6[%get3A_309, %get3A_310] : memref<1x128xf32, #tpu.memory_space<vmem>>, vector<1x128xf32>
    %add3A_312 = vector.broadcast %get3A_311 : vector<1x128xf32> to vector<1000x128xf32>
    %add3A_313 = arith.addf %get3A_308, %add3A_312 : vector<1000x128xf32>
    %get3A_314 = arith.constant 0 : index
    %get3A_315 = arith.constant 160 : index
    %get3A_316 = vector.load %arg3[%get3A_314, %get3A_315] : memref<1000x256xf32, #tpu.memory_space<vmem>>, vector<1000x32xf32>
    %get3A_317 = arith.constant 0 : index
    %get3A_318 = arith.constant 0 : index
    %get3A_319 = vector.load %arg7[%get3A_317, %get3A_318] : memref<32x128xf32, #tpu.memory_space<vmem>>, vector<32x128xf32>
    %dot_general3A_320 = arith.constant dense<0.000000e+00> : vector<1000x128xf32>
    %dot_general3A_321 = tpu.matmul %get3A_316, %get3A_319, %dot_general3A_320 {dimension_numbers = #tpu.dot_dimension_numbers<[1], [0], [0], [1], [0, 0, 1, 1], [], []>, transpose_lhs_hint = false} : vector<1000x32xf32>, vector<32x128xf32>, vector<1000x128xf32> -> vector<1000x128xf32>
    %get3A_322 = arith.constant 0 : index
    %get3A_323 = arith.constant 0 : index
    %get3A_324 = vector.load %arg8[%get3A_322, %get3A_323] : memref<1x128xf32, #tpu.memory_space<vmem>>, vector<1x128xf32>
    %add3A_325 = vector.broadcast %get3A_324 : vector<1x128xf32> to vector<1000x128xf32>
    %add3A_326 = arith.addf %dot_general3A_321, %add3A_325 : vector<1000x128xf32>
    %mul3A_327 = arith.mulf %add3A_9, %add3A_313 : vector<1000x128xf32>
    %mul3A_328 = arith.mulf %mul3A_327, %add3A_326 : vector<1000x128xf32>
    %get3A_329 = arith.constant 0 : index
    %get3A_330 = arith.constant 0 : index
    %get3A_331 = vector.load %arg9[%get3A_329, %get3A_330] : memref<128x256xf32, #tpu.memory_space<vmem>>, vector<128x256xf32>
    %dot_general3A_332 = arith.constant dense<0.000000e+00> : vector<1000x256xf32>
    %dot_general3A_333 = tpu.matmul %mul3A_328, %get3A_331, %dot_general3A_332 {dimension_numbers = #tpu.dot_dimension_numbers<[1], [0], [0], [1], [0, 0, 1, 1], [], []>, transpose_lhs_hint = false} : vector<1000x128xf32>, vector<128x256xf32>, vector<1000x256xf32> -> vector<1000x256xf32>
    %get3A_334 = arith.constant 0 : index
    %get3A_335 = arith.constant 0 : index
    %get3A_336 = vector.load %arg10[%get3A_334, %get3A_335] : memref<1x256xf32, #tpu.memory_space<vmem>>, vector<1x256xf32>
    %add3A_337 = vector.broadcast %get3A_336 : vector<1x256xf32> to vector<1000x256xf32>
    %add3A_338 = arith.addf %dot_general3A_333, %add3A_337 : vector<1000x256xf32>
    %slice3A_339 = vector.extract_strided_slice %add3A_338 {offsets = [0, 0], sizes = [1000, 128], strides = [1, 1]} : vector<1000x256xf32> to vector<1000x128xf32>
    %logistic3A_340 = arith.negf %slice3A_339 : vector<1000x128xf32>
    %logistic3A_341 = math.exp %logistic3A_340 : vector<1000x128xf32>
    %logistic3A_342 = arith.constant 1.000000e+00 : f32
    %logistic3A_343 = vector.broadcast %logistic3A_342 : f32 to vector<1000x128xf32>
    %logistic3A_344 = arith.addf %logistic3A_343, %logistic3A_341 : vector<1000x128xf32>
    %logistic3A_345 = arith.divf %logistic3A_343, %logistic3A_344 : vector<1000x128xf32>
    %slice3A_346 = vector.extract_strided_slice %add3A_338 {offsets = [0, 128], sizes = [1000, 128], strides = [1, 1]} : vector<1000x256xf32> to vector<1000x128xf32>
    %custom_jvp_call3A_347 = arith.constant 0.000000e+00 : f32
    %max3A_348 = vector.broadcast %custom_jvp_call3A_347 : f32 to vector<1000x128xf32>
    %max3A_349 = arith.maximumf %slice3A_346, %max3A_348 : vector<1000x128xf32>
    %sub3A_350 = vector.broadcast %custom_jvp_call3A_347 : f32 to vector<1000x128xf32>
    %sub3A_351 = arith.subf %slice3A_346, %sub3A_350 : vector<1000x128xf32>
    %ne3A_352 = arith.cmpf one, %sub3A_351, %sub3A_351 : vector<1000x128xf32>
    %add3A_353 = vector.broadcast %custom_jvp_call3A_347 : f32 to vector<1000x128xf32>
    %add3A_354 = arith.addf %slice3A_346, %add3A_353 : vector<1000x128xf32>
    %abs3A_355 = math.absf %sub3A_351 : vector<1000x128xf32>
    %neg3A_356 = arith.constant 0.000000e+00 : f32
    %neg3A_357 = vector.broadcast %neg3A_356 : f32 to vector<1000x128xf32>
    %neg3A_358 = arith.subf %neg3A_357, %abs3A_355 : vector<1000x128xf32>
    %exp3A_359 = math.exp %neg3A_358 : vector<1000x128xf32>
    %log1p3A_360 = math.log1p %exp3A_359 : vector<1000x128xf32>
    %add3A_361 = arith.addf %max3A_349, %log1p3A_360 : vector<1000x128xf32>
    %select_n3A_362 = arith.select %ne3A_352, %add3A_354, %add3A_361 : vector<1000x128xi1>, vector<1000x128xf32>
    %mul3A_363 = arith.mulf %logistic3A_345, %select_n3A_362 : vector<1000x128xf32>
    %add3A_364 = arith.addf %add3A_303, %mul3A_363 : vector<1000x128xf32>
    %get3A_365 = arith.constant 0 : index
    %get3A_366 = arith.constant 6 : index
    %get3A_367 = arith.constant 0 : index
    %get3A_368 = vector.load %arg2[%get3A_365, %get3A_366, %get3A_367] : memref<1000x8x128xf32, #tpu.memory_space<vmem>>, vector<1000x1x128xf32>
    %get3A_369 = vector.shape_cast %get3A_368 : vector<1000x1x128xf32> to vector<1000x128xf32>
    %get3A_370 = arith.constant 0 : index
    %get3A_371 = arith.constant 0 : index
    %get3A_372 = vector.load %arg6[%get3A_370, %get3A_371] : memref<1x128xf32, #tpu.memory_space<vmem>>, vector<1x128xf32>
    %add3A_373 = vector.broadcast %get3A_372 : vector<1x128xf32> to vector<1000x128xf32>
    %add3A_374 = arith.addf %get3A_369, %add3A_373 : vector<1000x128xf32>
    %get3A_375 = arith.constant 0 : index
    %get3A_376 = arith.constant 192 : index
    %get3A_377 = vector.load %arg3[%get3A_375, %get3A_376] : memref<1000x256xf32, #tpu.memory_space<vmem>>, vector<1000x32xf32>
    %get3A_378 = arith.constant 0 : index
    %get3A_379 = arith.constant 0 : index
    %get3A_380 = vector.load %arg7[%get3A_378, %get3A_379] : memref<32x128xf32, #tpu.memory_space<vmem>>, vector<32x128xf32>
    %dot_general3A_381 = arith.constant dense<0.000000e+00> : vector<1000x128xf32>
    %dot_general3A_382 = tpu.matmul %get3A_377, %get3A_380, %dot_general3A_381 {dimension_numbers = #tpu.dot_dimension_numbers<[1], [0], [0], [1], [0, 0, 1, 1], [], []>, transpose_lhs_hint = false} : vector<1000x32xf32>, vector<32x128xf32>, vector<1000x128xf32> -> vector<1000x128xf32>
    %get3A_383 = arith.constant 0 : index
    %get3A_384 = arith.constant 0 : index
    %get3A_385 = vector.load %arg8[%get3A_383, %get3A_384] : memref<1x128xf32, #tpu.memory_space<vmem>>, vector<1x128xf32>
    %add3A_386 = vector.broadcast %get3A_385 : vector<1x128xf32> to vector<1000x128xf32>
    %add3A_387 = arith.addf %dot_general3A_382, %add3A_386 : vector<1000x128xf32>
    %mul3A_388 = arith.mulf %add3A_9, %add3A_374 : vector<1000x128xf32>
    %mul3A_389 = arith.mulf %mul3A_388, %add3A_387 : vector<1000x128xf32>
    %get3A_390 = arith.constant 0 : index
    %get3A_391 = arith.constant 0 : index
    %get3A_392 = vector.load %arg9[%get3A_390, %get3A_391] : memref<128x256xf32, #tpu.memory_space<vmem>>, vector<128x256xf32>
    %dot_general3A_393 = arith.constant dense<0.000000e+00> : vector<1000x256xf32>
    %dot_general3A_394 = tpu.matmul %mul3A_389, %get3A_392, %dot_general3A_393 {dimension_numbers = #tpu.dot_dimension_numbers<[1], [0], [0], [1], [0, 0, 1, 1], [], []>, transpose_lhs_hint = false} : vector<1000x128xf32>, vector<128x256xf32>, vector<1000x256xf32> -> vector<1000x256xf32>
    %get3A_395 = arith.constant 0 : index
    %get3A_396 = arith.constant 0 : index
    %get3A_397 = vector.load %arg10[%get3A_395, %get3A_396] : memref<1x256xf32, #tpu.memory_space<vmem>>, vector<1x256xf32>
    %add3A_398 = vector.broadcast %get3A_397 : vector<1x256xf32> to vector<1000x256xf32>
    %add3A_399 = arith.addf %dot_general3A_394, %add3A_398 : vector<1000x256xf32>
    %slice3A_400 = vector.extract_strided_slice %add3A_399 {offsets = [0, 0], sizes = [1000, 128], strides = [1, 1]} : vector<1000x256xf32> to vector<1000x128xf32>
    %logistic3A_401 = arith.negf %slice3A_400 : vector<1000x128xf32>
    %logistic3A_402 = math.exp %logistic3A_401 : vector<1000x128xf32>
    %logistic3A_403 = arith.constant 1.000000e+00 : f32
    %logistic3A_404 = vector.broadcast %logistic3A_403 : f32 to vector<1000x128xf32>
    %logistic3A_405 = arith.addf %logistic3A_404, %logistic3A_402 : vector<1000x128xf32>
    %logistic3A_406 = arith.divf %logistic3A_404, %logistic3A_405 : vector<1000x128xf32>
    %slice3A_407 = vector.extract_strided_slice %add3A_399 {offsets = [0, 128], sizes = [1000, 128], strides = [1, 1]} : vector<1000x256xf32> to vector<1000x128xf32>
    %custom_jvp_call3A_408 = arith.constant 0.000000e+00 : f32
    %max3A_409 = vector.broadcast %custom_jvp_call3A_408 : f32 to vector<1000x128xf32>
    %max3A_410 = arith.maximumf %slice3A_407, %max3A_409 : vector<1000x128xf32>
    %sub3A_411 = vector.broadcast %custom_jvp_call3A_408 : f32 to vector<1000x128xf32>
    %sub3A_412 = arith.subf %slice3A_407, %sub3A_411 : vector<1000x128xf32>
    %ne3A_413 = arith.cmpf one, %sub3A_412, %sub3A_412 : vector<1000x128xf32>
    %add3A_414 = vector.broadcast %custom_jvp_call3A_408 : f32 to vector<1000x128xf32>
    %add3A_415 = arith.addf %slice3A_407, %add3A_414 : vector<1000x128xf32>
    %abs3A_416 = math.absf %sub3A_412 : vector<1000x128xf32>
    %neg3A_417 = arith.constant 0.000000e+00 : f32
    %neg3A_418 = vector.broadcast %neg3A_417 : f32 to vector<1000x128xf32>
    %neg3A_419 = arith.subf %neg3A_418, %abs3A_416 : vector<1000x128xf32>
    %exp3A_420 = math.exp %neg3A_419 : vector<1000x128xf32>
    %log1p3A_421 = math.log1p %exp3A_420 : vector<1000x128xf32>
    %add3A_422 = arith.addf %max3A_410, %log1p3A_421 : vector<1000x128xf32>
    %select_n3A_423 = arith.select %ne3A_413, %add3A_415, %add3A_422 : vector<1000x128xi1>, vector<1000x128xf32>
    %mul3A_424 = arith.mulf %logistic3A_406, %select_n3A_423 : vector<1000x128xf32>
    %add3A_425 = arith.addf %add3A_364, %mul3A_424 : vector<1000x128xf32>
    %get3A_426 = arith.constant 0 : index
    %get3A_427 = arith.constant 7 : index
    %get3A_428 = arith.constant 0 : index
    %get3A_429 = vector.load %arg2[%get3A_426, %get3A_427, %get3A_428] : memref<1000x8x128xf32, #tpu.memory_space<vmem>>, vector<1000x1x128xf32>
    %get3A_430 = vector.shape_cast %get3A_429 : vector<1000x1x128xf32> to vector<1000x128xf32>
    %get3A_431 = arith.constant 0 : index
    %get3A_432 = arith.constant 0 : index
    %get3A_433 = vector.load %arg6[%get3A_431, %get3A_432] : memref<1x128xf32, #tpu.memory_space<vmem>>, vector<1x128xf32>
    %add3A_434 = vector.broadcast %get3A_433 : vector<1x128xf32> to vector<1000x128xf32>
    %add3A_435 = arith.addf %get3A_430, %add3A_434 : vector<1000x128xf32>
    %get3A_436 = arith.constant 0 : index
    %get3A_437 = arith.constant 224 : index
    %get3A_438 = vector.load %arg3[%get3A_436, %get3A_437] : memref<1000x256xf32, #tpu.memory_space<vmem>>, vector<1000x32xf32>
    %get3A_439 = arith.constant 0 : index
    %get3A_440 = arith.constant 0 : index
    %get3A_441 = vector.load %arg7[%get3A_439, %get3A_440] : memref<32x128xf32, #tpu.memory_space<vmem>>, vector<32x128xf32>
    %dot_general3A_442 = arith.constant dense<0.000000e+00> : vector<1000x128xf32>
    %dot_general3A_443 = tpu.matmul %get3A_438, %get3A_441, %dot_general3A_442 {dimension_numbers = #tpu.dot_dimension_numbers<[1], [0], [0], [1], [0, 0, 1, 1], [], []>, transpose_lhs_hint = false} : vector<1000x32xf32>, vector<32x128xf32>, vector<1000x128xf32> -> vector<1000x128xf32>
    %get3A_444 = arith.constant 0 : index
    %get3A_445 = arith.constant 0 : index
    %get3A_446 = vector.load %arg8[%get3A_444, %get3A_445] : memref<1x128xf32, #tpu.memory_space<vmem>>, vector<1x128xf32>
    %add3A_447 = vector.broadcast %get3A_446 : vector<1x128xf32> to vector<1000x128xf32>
    %add3A_448 = arith.addf %dot_general3A_443, %add3A_447 : vector<1000x128xf32>
    %mul3A_449 = arith.mulf %add3A_9, %add3A_435 : vector<1000x128xf32>
    %mul3A_450 = arith.mulf %mul3A_449, %add3A_448 : vector<1000x128xf32>
    %get3A_451 = arith.constant 0 : index
    %get3A_452 = arith.constant 0 : index
    %get3A_453 = vector.load %arg9[%get3A_451, %get3A_452] : memref<128x256xf32, #tpu.memory_space<vmem>>, vector<128x256xf32>
    %dot_general3A_454 = arith.constant dense<0.000000e+00> : vector<1000x256xf32>
    %dot_general3A_455 = tpu.matmul %mul3A_450, %get3A_453, %dot_general3A_454 {dimension_numbers = #tpu.dot_dimension_numbers<[1], [0], [0], [1], [0, 0, 1, 1], [], []>, transpose_lhs_hint = false} : vector<1000x128xf32>, vector<128x256xf32>, vector<1000x256xf32> -> vector<1000x256xf32>
    %get3A_456 = arith.constant 0 : index
    %get3A_457 = arith.constant 0 : index
    %get3A_458 = vector.load %arg10[%get3A_456, %get3A_457] : memref<1x256xf32, #tpu.memory_space<vmem>>, vector<1x256xf32>
    %add3A_459 = vector.broadcast %get3A_458 : vector<1x256xf32> to vector<1000x256xf32>
    %add3A_460 = arith.addf %dot_general3A_455, %add3A_459 : vector<1000x256xf32>
    %slice3A_461 = vector.extract_strided_slice %add3A_460 {offsets = [0, 0], sizes = [1000, 128], strides = [1, 1]} : vector<1000x256xf32> to vector<1000x128xf32>
    %logistic3A_462 = arith.negf %slice3A_461 : vector<1000x128xf32>
    %logistic3A_463 = math.exp %logistic3A_462 : vector<1000x128xf32>
    %logistic3A_464 = arith.constant 1.000000e+00 : f32
    %logistic3A_465 = vector.broadcast %logistic3A_464 : f32 to vector<1000x128xf32>
    %logistic3A_466 = arith.addf %logistic3A_465, %logistic3A_463 : vector<1000x128xf32>
    %logistic3A_467 = arith.divf %logistic3A_465, %logistic3A_466 : vector<1000x128xf32>
    %slice3A_468 = vector.extract_strided_slice %add3A_460 {offsets = [0, 128], sizes = [1000, 128], strides = [1, 1]} : vector<1000x256xf32> to vector<1000x128xf32>
    %custom_jvp_call3A_469 = arith.constant 0.000000e+00 : f32
    %max3A_470 = vector.broadcast %custom_jvp_call3A_469 : f32 to vector<1000x128xf32>
    %max3A_471 = arith.maximumf %slice3A_468, %max3A_470 : vector<1000x128xf32>
    %sub3A_472 = vector.broadcast %custom_jvp_call3A_469 : f32 to vector<1000x128xf32>
    %sub3A_473 = arith.subf %slice3A_468, %sub3A_472 : vector<1000x128xf32>
    %ne3A_474 = arith.cmpf one, %sub3A_473, %sub3A_473 : vector<1000x128xf32>
    %add3A_475 = vector.broadcast %custom_jvp_call3A_469 : f32 to vector<1000x128xf32>
    %add3A_476 = arith.addf %slice3A_468, %add3A_475 : vector<1000x128xf32>
    %abs3A_477 = math.absf %sub3A_473 : vector<1000x128xf32>
    %neg3A_478 = arith.constant 0.000000e+00 : f32
    %neg3A_479 = vector.broadcast %neg3A_478 : f32 to vector<1000x128xf32>
    %neg3A_480 = arith.subf %neg3A_479, %abs3A_477 : vector<1000x128xf32>
    %exp3A_481 = math.exp %neg3A_480 : vector<1000x128xf32>
    %log1p3A_482 = math.log1p %exp3A_481 : vector<1000x128xf32>
    %add3A_483 = arith.addf %max3A_471, %log1p3A_482 : vector<1000x128xf32>
    %select_n3A_484 = arith.select %ne3A_474, %add3A_476, %add3A_483 : vector<1000x128xi1>, vector<1000x128xf32>
    %mul3A_485 = arith.mulf %logistic3A_467, %select_n3A_484 : vector<1000x128xf32>
    %add3A_486 = arith.addf %add3A_425, %mul3A_485 : vector<1000x128xf32>
    %slice3A_487 = vector.extract_strided_slice %add3A_486 {offsets = [0, 0], sizes = [1000, 64], strides = [1, 1]} : vector<1000x128xf32> to vector<1000x64xf32>
    %slice3A_488 = vector.extract_strided_slice %add3A_486 {offsets = [0, 64], sizes = [1000, 64], strides = [1, 1]} : vector<1000x128xf32> to vector<1000x64xf32>
    %add3A_489 = arith.addf %slice3A_487, %slice3A_488 : vector<1000x64xf32>
    %reduce_sum3A = arith.constant dense<0.000000e+00> : vector<1000xf32>
    %reduce_sum3A_490 = vector.multi_reduction <add>, %add3A_489, %reduce_sum3A [1] : vector<1000x64xf32> to vector<1000xf32>
    %broadcast_in_dim3A_491 = vector.shape_cast %reduce_sum3A_490 : vector<1000xf32> to vector<1000x1xf32>
    %div3A = arith.constant 6.400000e+01 : f32
    %div3A_492 = vector.broadcast %div3A : f32 to vector<1000x1xf32>
    %div3A_493 = arith.divf %broadcast_in_dim3A_491, %div3A_492 : vector<1000x1xf32>
    %sub3A_494 = vector.broadcast %div3A_493 : vector<1000x1xf32> to vector<1000x64xf32>
    %sub3A_495 = arith.subf %add3A_489, %sub3A_494 : vector<1000x64xf32>
    %integer_pow3A = arith.mulf %sub3A_495, %sub3A_495 : vector<1000x64xf32>
    %reduce_sum3A_496 = arith.constant dense<0.000000e+00> : vector<1000xf32>
    %reduce_sum3A_497 = vector.multi_reduction <add>, %integer_pow3A, %reduce_sum3A_496 [1] : vector<1000x64xf32> to vector<1000xf32>
    %broadcast_in_dim3A_498 = vector.shape_cast %reduce_sum3A_497 : vector<1000xf32> to vector<1000x1xf32>
    %div3A_499 = arith.constant 6.400000e+01 : f32
    %div3A_500 = vector.broadcast %div3A_499 : f32 to vector<1000x1xf32>
    %div3A_501 = arith.divf %broadcast_in_dim3A_498, %div3A_500 : vector<1000x1xf32>
    %sub3A_502 = vector.broadcast %div3A_493 : vector<1000x1xf32> to vector<1000x64xf32>
    %sub3A_503 = arith.subf %add3A_489, %sub3A_502 : vector<1000x64xf32>
    %add3A_504 = arith.constant 9.99999997E-7 : f32
    %add3A_505 = vector.broadcast %add3A_504 : f32 to vector<1000x1xf32>
    %add3A_506 = arith.addf %div3A_501, %add3A_505 : vector<1000x1xf32>
    %rsqrt3A = math.rsqrt %add3A_506 : vector<1000x1xf32>
    %mul3A_507 = vector.broadcast %rsqrt3A : vector<1000x1xf32> to vector<1000x64xf32>
    %mul3A_508 = arith.mulf %sub3A_503, %mul3A_507 : vector<1000x64xf32>
    %get3A_509 = arith.constant 0 : index
    %get3A_510 = arith.constant 0 : index
    %get3A_511 = vector.load %arg11[%get3A_509, %get3A_510] : memref<1x64xf32, #tpu.memory_space<vmem>>, vector<1x64xf32>
    %mul3A_512 = vector.broadcast %get3A_511 : vector<1x64xf32> to vector<1000x64xf32>
    %mul3A_513 = arith.mulf %mul3A_508, %mul3A_512 : vector<1000x64xf32>
    %get3A_514 = arith.constant 0 : index
    %get3A_515 = arith.constant 0 : index
    %get3A_516 = vector.load %arg12[%get3A_514, %get3A_515] : memref<1x64xf32, #tpu.memory_space<vmem>>, vector<1x64xf32>
    %add3A_517 = vector.broadcast %get3A_516 : vector<1x64xf32> to vector<1000x64xf32>
    %add3A_518 = arith.addf %mul3A_513, %add3A_517 : vector<1000x64xf32>
    %add3A_519 = arith.addf %get3A_1, %add3A_518 : vector<1000x64xf32>
    %get3A_520 = arith.constant 0 : index
    %get3A_521 = arith.constant 0 : index
    %get3A_522 = vector.load %arg13[%get3A_520, %get3A_521] : memref<64x128xf32, #tpu.memory_space<vmem>>, vector<64x128xf32>
    %dot_general3A_523 = arith.constant dense<0.000000e+00> : vector<1000x128xf32>
    %dot_general3A_524 = tpu.matmul %add3A_519, %get3A_522, %dot_general3A_523 {dimension_numbers = #tpu.dot_dimension_numbers<[1], [0], [0], [1], [0, 0, 1, 1], [], []>, transpose_lhs_hint = false} : vector<1000x64xf32>, vector<64x128xf32>, vector<1000x128xf32> -> vector<1000x128xf32>
    %get3A_525 = arith.constant 0 : index
    %get3A_526 = arith.constant 0 : index
    %get3A_527 = vector.load %arg14[%get3A_525, %get3A_526] : memref<1x128xf32, #tpu.memory_space<vmem>>, vector<1x128xf32>
    %add3A_528 = vector.broadcast %get3A_527 : vector<1x128xf32> to vector<1000x128xf32>
    %add3A_529 = arith.addf %dot_general3A_524, %add3A_528 : vector<1000x128xf32>
    %custom_jvp_call3A_530 = arith.constant 0.000000e+00 : f32
    %max3A_531 = vector.broadcast %custom_jvp_call3A_530 : f32 to vector<1000x128xf32>
    %max3A_532 = arith.maximumf %add3A_529, %max3A_531 : vector<1000x128xf32>
    %sub3A_533 = vector.broadcast %custom_jvp_call3A_530 : f32 to vector<1000x128xf32>
    %sub3A_534 = arith.subf %add3A_529, %sub3A_533 : vector<1000x128xf32>
    %ne3A_535 = arith.cmpf one, %sub3A_534, %sub3A_534 : vector<1000x128xf32>
    %add3A_536 = vector.broadcast %custom_jvp_call3A_530 : f32 to vector<1000x128xf32>
    %add3A_537 = arith.addf %add3A_529, %add3A_536 : vector<1000x128xf32>
    %abs3A_538 = math.absf %sub3A_534 : vector<1000x128xf32>
    %neg3A_539 = arith.constant 0.000000e+00 : f32
    %neg3A_540 = vector.broadcast %neg3A_539 : f32 to vector<1000x128xf32>
    %neg3A_541 = arith.subf %neg3A_540, %abs3A_538 : vector<1000x128xf32>
    %exp3A_542 = math.exp %neg3A_541 : vector<1000x128xf32>
    %log1p3A_543 = math.log1p %exp3A_542 : vector<1000x128xf32>
    %add3A_544 = arith.addf %max3A_532, %log1p3A_543 : vector<1000x128xf32>
    %select_n3A_545 = arith.select %ne3A_535, %add3A_537, %add3A_544 : vector<1000x128xi1>, vector<1000x128xf32>
    %get3A_546 = arith.constant 0 : index
    %get3A_547 = arith.constant 0 : index
    %get3A_548 = vector.load %arg15[%get3A_546, %get3A_547] : memref<1x128xf32, #tpu.memory_space<vmem>>, vector<1x128xf32>
    %mul3A_549 = vector.broadcast %get3A_548 : vector<1x128xf32> to vector<1000x128xf32>
    %mul3A_550 = arith.mulf %select_n3A_545, %mul3A_549 : vector<1000x128xf32>
    %iota3A = tpu.iota {dimensions = array<i32: 1>} : vector<10x1000xi32>
    %jit3A = arith.constant 100 : i32
    %div3A_551 = vector.broadcast %jit3A : i32 to vector<10x1000xi32>
    %div3A_552 = arith.divsi %iota3A, %div3A_551 : vector<10x1000xi32>
    %sign3A = arith.constant 0 : i32
    %sign3A_553 = vector.broadcast %sign3A : i32 to vector<10x1000xi32>
    %sign3A_554 = arith.cmpi sgt, %iota3A, %sign3A_553 : vector<10x1000xi32>
    %sign3A_555 = arith.extui %sign3A_554 : vector<10x1000xi1> to vector<10x1000xi32>
    %sign3A_556 = arith.constant 0 : i32
    %sign3A_557 = vector.broadcast %sign3A_556 : i32 to vector<10x1000xi32>
    %sign3A_558 = arith.cmpi slt, %iota3A, %sign3A_557 : vector<10x1000xi32>
    %sign3A_559 = arith.extui %sign3A_558 : vector<10x1000xi1> to vector<10x1000xi32>
    %sign3A_560 = arith.subi %sign3A_555, %sign3A_559 : vector<10x1000xi32>
    %sign3A_561 = arith.constant 0 : i32
    %sign3A_562 = arith.cmpi sgt, %jit3A, %sign3A_561 : i32
    %sign3A_563 = arith.extui %sign3A_562 : i1 to i32
    %sign3A_564 = arith.constant 0 : i32
    %sign3A_565 = arith.cmpi slt, %jit3A, %sign3A_564 : i32
    %sign3A_566 = arith.extui %sign3A_565 : i1 to i32
    %sign3A_567 = arith.subi %sign3A_563, %sign3A_566 : i32
    %ne3A_568 = vector.broadcast %sign3A_567 : i32 to vector<10x1000xi32>
    %ne3A_569 = arith.cmpi ne, %sign3A_560, %ne3A_568 : vector<10x1000xi32>
    %rem3A = vector.broadcast %jit3A : i32 to vector<10x1000xi32>
    %rem3A_570 = arith.remsi %iota3A, %rem3A : vector<10x1000xi32>
    %ne3A_571 = arith.constant 0 : i32
    %ne3A_572 = vector.broadcast %ne3A_571 : i32 to vector<10x1000xi32>
    %ne3A_573 = arith.cmpi ne, %rem3A_570, %ne3A_572 : vector<10x1000xi32>
    %and3A = arith.andi %ne3A_569, %ne3A_573 : vector<10x1000xi1>
    %sub3A_574 = arith.constant 1 : i32
    %sub3A_575 = vector.broadcast %sub3A_574 : i32 to vector<10x1000xi32>
    %sub3A_576 = arith.subi %div3A_552, %sub3A_575 : vector<10x1000xi32>
    %select_n3A_577 = arith.select %and3A, %sub3A_576, %div3A_552 : vector<10x1000xi1>, vector<10x1000xi32>
    %iota3A_578 = tpu.iota {dimensions = array<i32: 0>} : vector<10x1000xi32>
    %eq3A = arith.cmpi eq, %select_n3A_577, %iota3A_578 : vector<10x1000xi32>
    %convert_element_type3A = arith.extui %eq3A : vector<10x1000xi1> to vector<10x1000xi32>
    %convert_element_type3A_579 = arith.sitofp %convert_element_type3A : vector<10x1000xi32> to vector<10x1000xf32>
    %dot_general3A_580 = arith.constant dense<0.000000e+00> : vector<10x128xf32>
    %dot_general3A_581 = tpu.matmul %convert_element_type3A_579, %mul3A_550, %dot_general3A_580 {dimension_numbers = #tpu.dot_dimension_numbers<[1], [0], [0], [1], [0, 0, 1, 1], [], []>, precision = #tpu.contract_precision<fp32>, transpose_lhs_hint = false} : vector<10x1000xf32>, vector<1000x128xf32>, vector<10x128xf32> -> vector<10x128xf32>
    %reduce_sum3A_582 = arith.constant dense<0.000000e+00> : vector<10xf32>
    %reduce_sum3A_583 = vector.multi_reduction <add>, %dot_general3A_581, %reduce_sum3A_582 [1] : vector<10x128xf32> to vector<10xf32>
    %broadcast_in_dim3A_584 = vector.shape_cast %reduce_sum3A_583 : vector<10xf32> to vector<10x1xf32>
    %get3A_585 = arith.constant 0 : index
    %get3A_586 = arith.constant 0 : index
    %get3A_587 = vector.load %arg16[%get3A_585, %get3A_586] : memref<1x1xf32, #tpu.memory_space<vmem>>, vector<1x1xf32>
    %get3A_588 = vector.extract %get3A_587[0, 0] : f32 from vector<1x1xf32>
    %mul3A_589 = arith.constant 1.000000e+02 : f32
    %mul3A_590 = arith.mulf %mul3A_589, %get3A_588 : f32
    %add3A_591 = vector.broadcast %mul3A_590 : f32 to vector<10x1xf32>
    %add3A_592 = arith.addf %broadcast_in_dim3A_584, %add3A_591 : vector<10x1xf32>
    %broadcast_in_dim3A_593 = vector.shape_cast %add3A_592 : vector<10x1xf32> to vector<10x1xf32>
    %broadcast_in_dim3A_594 = vector.broadcast %broadcast_in_dim3A_593 : vector<10x1xf32> to vector<10x128xf32>
    %broadcast_in_dim3A_595 = vector.shape_cast %broadcast_in_dim3A_594 : vector<10x128xf32> to vector<1x10x128xf32>
    %swap3A = arith.constant 0 : index
    %swap3A_596 = arith.constant 0 : index
    %swap3A_597 = arith.constant 0 : index
    %swap3A_598 = vector.load %arg17[%swap3A, %swap3A_596, %swap3A_597] : memref<1x10x128xf32, #tpu.memory_space<vmem>>, vector<1x10x128xf32>
    tpu.vector_store %arg17[%swap3A, %swap3A_596, %swap3A_597], %broadcast_in_dim3A_595 {strides = array<i32>} : memref<1x10x128xf32, #tpu.memory_space<vmem>>, vector<1x10x128xf32>,
    return
  }
  func.func @transform_0(%arg0: i32) -> (i32, i32) {
    %c0_i32 = arith.constant 0 : i32
    %c0_i32_0 = arith.constant 0 : i32
    return %arg0, %c0_i32 : i32, i32
  }
  func.func @transform_1(%arg0: i32) -> (i32, i32, i32) {
    %c0_i32 = arith.constant 0 : i32
    %c0_i32_0 = arith.constant 0 : i32
    %c0_i32_1 = arith.constant 0 : i32
    return %arg0, %c0_i32, %c0_i32_0 : i32, i32, i32
  }
  func.func @transform_2(%arg0: i32) -> (i32, i32) {
    %add3A = arith.constant 0 : i32
    %add3A_0 = arith.addi %arg0, %add3A : i32
    %c0_i32 = arith.constant 0 : i32
    %c0_i32_1 = arith.constant 0 : i32
    return %add3A_0, %c0_i32 : i32, i32
  }
  func.func @transform_3(%arg0: i32) -> (i32, i32) {
    %c0_i32 = arith.constant 0 : i32
    %c0_i32_0 = arith.constant 0 : i32
    %c0_i32_1 = arith.constant 0 : i32
    return %c0_i32, %c0_i32_0 : i32, i32
  }
  func.func @transform_4(%arg0: i32) -> (i32, i32) {
    %c0_i32 = arith.constant 0 : i32
    %c0_i32_0 = arith.constant 0 : i32
    %c0_i32_1 = arith.constant 0 : i32
    return %c0_i32, %c0_i32_0 : i32, i32
  }
  func.func @transform_5(%arg0: i32) -> (i32, i32) {
    %c0_i32 = arith.constant 0 : i32
    %c0_i32_0 = arith.constant 0 : i32
    %c0_i32_1 = arith.constant 0 : i32
    return %c0_i32, %c0_i32_0 : i32, i32
  }
  func.func @transform_6(%arg0: i32) -> (i32, i32) {
    %c0_i32 = arith.constant 0 : i32
    %c0_i32_0 = arith.constant 0 : i32
    %c0_i32_1 = arith.constant 0 : i32
    return %c0_i32, %c0_i32_0 : i32, i32
  }
  func.func @transform_7(%arg0: i32) -> (i32, i32) {
    %c0_i32 = arith.constant 0 : i32
    %c0_i32_0 = arith.constant 0 : i32
    %c0_i32_1 = arith.constant 0 : i32
    return %c0_i32, %c0_i32_0 : i32, i32
  }
  func.func @transform_8(%arg0: i32) -> (i32, i32) {
    %c0_i32 = arith.constant 0 : i32
    %c0_i32_0 = arith.constant 0 : i32
    %c0_i32_1 = arith.constant 0 : i32
    return %c0_i32, %c0_i32_0 : i32, i32
  }
  func.func @transform_9(%arg0: i32) -> (i32, i32) {
    %c0_i32 = arith.constant 0 : i32
    %c0_i32_0 = arith.constant 0 : i32
    %c0_i32_1 = arith.constant 0 : i32
    return %c0_i32, %c0_i32_0 : i32, i32
  }
  func.func @transform_10(%arg0: i32) -> (i32, i32) {
    %c0_i32 = arith.constant 0 : i32
    %c0_i32_0 = arith.constant 0 : i32
    %c0_i32_1 = arith.constant 0 : i32
    return %c0_i32, %c0_i32_0 : i32, i32
  }
  func.func @transform_11(%arg0: i32) -> (i32, i32) {
    %c0_i32 = arith.constant 0 : i32
    %c0_i32_0 = arith.constant 0 : i32
    %c0_i32_1 = arith.constant 0 : i32
    return %c0_i32, %c0_i32_0 : i32, i32
  }
  func.func @transform_12(%arg0: i32) -> (i32, i32) {
    %c0_i32 = arith.constant 0 : i32
    %c0_i32_0 = arith.constant 0 : i32
    %c0_i32_1 = arith.constant 0 : i32
    return %c0_i32, %c0_i32_0 : i32, i32
  }
  func.func @transform_13(%arg0: i32) -> (i32, i32) {
    %c0_i32 = arith.constant 0 : i32
    %c0_i32_0 = arith.constant 0 : i32
    %c0_i32_1 = arith.constant 0 : i32
    return %c0_i32, %c0_i32_0 : i32, i32
  }
  func.func @transform_14(%arg0: i32) -> (i32, i32) {
    %c0_i32 = arith.constant 0 : i32
    %c0_i32_0 = arith.constant 0 : i32
    %c0_i32_1 = arith.constant 0 : i32
    return %c0_i32, %c0_i32_0 : i32, i32
  }
  func.func @transform_15(%arg0: i32) -> (i32, i32) {
    %c0_i32 = arith.constant 0 : i32
    %c0_i32_0 = arith.constant 0 : i32
    %c0_i32_1 = arith.constant 0 : i32
    return %c0_i32, %c0_i32_0 : i32, i32
  }
  func.func @transform_16(%arg0: i32) -> (i32, i32, i32) {
    %c0_i32 = arith.constant 0 : i32
    %c0_i32_0 = arith.constant 0 : i32
    %c0_i32_1 = arith.constant 0 : i32
    return %arg0, %c0_i32, %c0_i32_0 : i32, i32, i32
  }
}

module attributes {stable_mosaic.version = 14 : i64} {
  func.func @_final_kernel(%arg0: i32, %arg1: memref<1000x64xf32, #tpu.memory_space<vmem>>, %arg2: memref<1000x8x128xf32, #tpu.memory_space<vmem>>, %arg3: memref<1000x256xf32, #tpu.memory_space<vmem>>, %arg4: memref<64x128xf32, #tpu.memory_space<vmem>>, %arg5: memref<1x128xf32, #tpu.memory_space<vmem>>, %arg6: memref<1x128xf32, #tpu.memory_space<vmem>>, %arg7: memref<32x128xf32, #tpu.memory_space<vmem>>, %arg8: memref<1x128xf32, #tpu.memory_space<vmem>>, %arg9: memref<128x256xf32, #tpu.memory_space<vmem>>, %arg10: memref<1x256xf32, #tpu.memory_space<vmem>>, %arg11: memref<1x64xf32, #tpu.memory_space<vmem>>, %arg12: memref<1x64xf32, #tpu.memory_space<vmem>>, %arg13: memref<64x128xf32, #tpu.memory_space<vmem>>, %arg14: memref<1x128xf32, #tpu.memory_space<vmem>>, %arg15: memref<1x128xf32, #tpu.memory_space<vmem>>, %arg16: memref<1x1xf32, #tpu.memory_space<vmem>>, %arg17: memref<1x10x128xf32, #tpu.memory_space<vmem>>) attributes {dimension_semantics = [#tpu.dimension_semantics<arbitrary>], iteration_bounds = array<i64: 24>, scalar_prefetch = 0 : i64, scratch_operands = 0 : i64, tpu.core_type = #tpu.core_type<tc>, window_params = [{transform_indices = @transform_0, window_bounds = array<i64: 1000, 64>}, {transform_indices = @transform_1, window_bounds = array<i64: 1000, 8, 128>}, {transform_indices = @transform_2, window_bounds = array<i64: 1000, 256>}, {pipeline_mode = #tpu.pipeline_mode<synchronous>, transform_indices = @transform_3, window_bounds = array<i64: 64, 128>}, {pipeline_mode = #tpu.pipeline_mode<synchronous>, transform_indices = @transform_4, window_bounds = array<i64: 1, 128>}, {pipeline_mode = #tpu.pipeline_mode<synchronous>, transform_indices = @transform_5, window_bounds = array<i64: 1, 128>}, {pipeline_mode = #tpu.pipeline_mode<synchronous>, transform_indices = @transform_6, window_bounds = array<i64: 32, 128>}, {pipeline_mode = #tpu.pipeline_mode<synchronous>, transform_indices = @transform_7, window_bounds = array<i64: 1, 128>}, {pipeline_mode = #tpu.pipeline_mode<synchronous>, transform_indices = @transform_8, window_bounds = array<i64: 128, 256>}, {pipeline_mode = #tpu.pipeline_mode<synchronous>, transform_indices = @transform_9, window_bounds = array<i64: 1, 256>}, {pipeline_mode = #tpu.pipeline_mode<synchronous>, transform_indices = @transform_10, window_bounds = array<i64: 1, 64>}, {pipeline_mode = #tpu.pipeline_mode<synchronous>, transform_indices = @transform_11, window_bounds = array<i64: 1, 64>}, {pipeline_mode = #tpu.pipeline_mode<synchronous>, transform_indices = @transform_12, window_bounds = array<i64: 64, 128>}, {pipeline_mode = #tpu.pipeline_mode<synchronous>, transform_indices = @transform_13, window_bounds = array<i64: 1, 128>}, {pipeline_mode = #tpu.pipeline_mode<synchronous>, transform_indices = @transform_14, window_bounds = array<i64: 1, 128>}, {pipeline_mode = #tpu.pipeline_mode<synchronous>, transform_indices = @transform_15, window_bounds = array<i64: 1, 1>}, {transform_indices = @transform_16, window_bounds = array<i64: 1, 10, 128>}]} {
    %get3A = arith.constant 0 : index
    %get3A_0 = arith.constant 0 : index
    %get3A_1 = vector.load %arg1[%get3A, %get3A_0] : memref<1000x64xf32, #tpu.memory_space<vmem>>, vector<1000x64xf32>
    %get3A_2 = arith.constant 0 : index
    %get3A_3 = arith.constant 0 : index
    %get3A_4 = vector.load %arg4[%get3A_2, %get3A_3] : memref<64x128xf32, #tpu.memory_space<vmem>>, vector<64x128xf32>
    %dot_general3A = arith.constant dense<0.000000e+00> : vector<1000x128xf32>
    %dot_general3A_5 = tpu.matmul %get3A_1, %get3A_4, %dot_general3A {dimension_numbers = #tpu.dot_dimension_numbers<[1], [0], [0], [1], [0, 0, 1, 1], [], []>, transpose_lhs_hint = false} : vector<1000x64xf32>, vector<64x128xf32>, vector<1000x128xf32> -> vector<1000x128xf32>
    %get3A_6 = arith.constant 0 : index
    %get3A_7 = arith.constant 0 : index
    %get3A_8 = vector.load %arg5[%get3A_6, %get3A_7] : memref<1x128xf32, #tpu.memory_space<vmem>>, vector<1x128xf32>
    %add3A = vector.broadcast %get3A_8 : vector<1x128xf32> to vector<1000x128xf32>
    %add3A_9 = arith.addf %dot_general3A_5, %add3A : vector<1000x128xf32>
    %broadcast_in_dim3A = arith.constant 0.000000e+00 : f32
    %broadcast_in_dim3A_10 = vector.broadcast %broadcast_in_dim3A : f32 to vector<1000x128xf32>
    %get3A_11 = arith.constant 0 : index
    %get3A_12 = arith.constant 0 : index
    %get3A_13 = arith.constant 0 : index
    %get3A_14 = vector.load %arg2[%get3A_11, %get3A_12, %get3A_13] : memref<1000x8x128xf32, #tpu.memory_space<vmem>>, vector<1000x1x128xf32>
    %get3A_15 = vector.shape_cast %get3A_14 : vector<1000x1x128xf32> to vector<1000x128xf32>
    %get3A_16 = arith.constant 0 : index
    %get3A_17 = arith.constant 0 : index
    %get3A_18 = vector.load %arg6[%get3A_16, %get3A_17] : memref<1x128xf32, #tpu.memory_space<vmem>>, vector<1x128xf32>
    %add3A_19 = vector.broadcast %get3A_18 : vector<1x128xf32> to vector<1000x128xf32>
    %add3A_20 = arith.addf %get3A_15, %add3A_19 : vector<1000x128xf32>
    %get3A_21 = arith.constant 0 : index
    %get3A_22 = arith.constant 0 : index
    %get3A_23 = vector.load %arg3[%get3A_21, %get3A_22] : memref<1000x256xf32, #tpu.memory_space<vmem>>, vector<1000x32xf32>
    %get3A_24 = arith.constant 0 : index
    %get3A_25 = arith.constant 0 : index
    %get3A_26 = vector.load %arg7[%get3A_24, %get3A_25] : memref<32x128xf32, #tpu.memory_space<vmem>>, vector<32x128xf32>
    %dot_general3A_27 = arith.constant dense<0.000000e+00> : vector<1000x128xf32>
    %dot_general3A_28 = tpu.matmul %get3A_23, %get3A_26, %dot_general3A_27 {dimension_numbers = #tpu.dot_dimension_numbers<[1], [0], [0], [1], [0, 0, 1, 1], [], []>, transpose_lhs_hint = false} : vector<1000x32xf32>, vector<32x128xf32>, vector<1000x128xf32> -> vector<1000x128xf32>
    %get3A_29 = arith.constant 0 : index
    %get3A_30 = arith.constant 0 : index
    %get3A_31 = vector.load %arg8[%get3A_29, %get3A_30] : memref<1x128xf32, #tpu.memory_space<vmem>>, vector<1x128xf32>
    %add3A_32 = vector.broadcast %get3A_31 : vector<1x128xf32> to vector<1000x128xf32>
    %add3A_33 = arith.addf %dot_general3A_28, %add3A_32 : vector<1000x128xf32>
    %mul3A = arith.mulf %add3A_9, %add3A_20 : vector<1000x128xf32>
    %mul3A_34 = arith.mulf %mul3A, %add3A_33 : vector<1000x128xf32>
    %get3A_35 = arith.constant 0 : index
    %get3A_36 = arith.constant 0 : index
    %get3A_37 = vector.load %arg9[%get3A_35, %get3A_36] : memref<128x256xf32, #tpu.memory_space<vmem>>, vector<128x256xf32>
    %dot_general3A_38 = arith.constant dense<0.000000e+00> : vector<1000x256xf32>
    %dot_general3A_39 = tpu.matmul %mul3A_34, %get3A_37, %dot_general3A_38 {dimension_numbers = #tpu.dot_dimension_numbers<[1], [0], [0], [1], [0, 0, 1, 1], [], []>, transpose_lhs_hint = false} : vector<1000x128xf32>, vector<128x256xf32>, vector<1000x256xf32> -> vector<1000x256xf32>
    %get3A_40 = arith.constant 0 : index
    %get3A_41 = arith.constant 0 : index
    %get3A_42 = vector.load %arg10[%get3A_40, %get3A_41] : memref<1x256xf32, #tpu.memory_space<vmem>>, vector<1x256xf32>
    %add3A_43 = vector.broadcast %get3A_42 : vector<1x256xf32> to vector<1000x256xf32>
    %add3A_44 = arith.addf %dot_general3A_39, %add3A_43 : vector<1000x256xf32>
    %slice3A = vector.extract_strided_slice %add3A_44 {offsets = [0, 0], sizes = [1000, 128], strides = [1, 1]} : vector<1000x256xf32> to vector<1000x128xf32>
    %logistic3A = arith.negf %slice3A : vector<1000x128xf32>
    %logistic3A_45 = math.exp %logistic3A : vector<1000x128xf32>
    %logistic3A_46 = arith.constant 1.000000e+00 : f32
    %logistic3A_47 = vector.broadcast %logistic3A_46 : f32 to vector<1000x128xf32>
    %logistic3A_48 = arith.addf %logistic3A_47, %logistic3A_45 : vector<1000x128xf32>
    %logistic3A_49 = arith.divf %logistic3A_47, %logistic3A_48 : vector<1000x128xf32>
    %slice3A_50 = vector.extract_strided_slice %add3A_44 {offsets = [0, 128], sizes = [1000, 128], strides = [1, 1]} : vector<1000x256xf32> to vector<1000x128xf32>
    %custom_jvp_call3A = arith.constant 0.000000e+00 : f32
    %max3A = vector.broadcast %custom_jvp_call3A : f32 to vector<1000x128xf32>
    %max3A_51 = arith.maximumf %slice3A_50, %max3A : vector<1000x128xf32>
    %sub3A = vector.broadcast %custom_jvp_call3A : f32 to vector<1000x128xf32>
    %sub3A_52 = arith.subf %slice3A_50, %sub3A : vector<1000x128xf32>
    %ne3A = arith.cmpf one, %sub3A_52, %sub3A_52 : vector<1000x128xf32>
    %add3A_53 = vector.broadcast %custom_jvp_call3A : f32 to vector<1000x128xf32>
    %add3A_54 = arith.addf %slice3A_50, %add3A_53 : vector<1000x128xf32>
    %abs3A = math.absf %sub3A_52 : vector<1000x128xf32>
    %neg3A = arith.constant 0.000000e+00 : f32
    %neg3A_55 = vector.broadcast %neg3A : f32 to vector<1000x128xf32>
    %neg3A_56 = arith.subf %neg3A_55, %abs3A : vector<1000x128xf32>
    %exp3A = math.exp %neg3A_56 : vector<1000x128xf32>
    %log1p3A = math.log1p %exp3A : vector<1000x128xf32>
    %add3A_57 = arith.addf %max3A_51, %log1p3A : vector<1000x128xf32>
    %select_n3A = arith.select %ne3A, %add3A_54, %add3A_57 : vector<1000x128xi1>, vector<1000x128xf32>
    %mul3A_58 = arith.mulf %logistic3A_49, %select_n3A : vector<1000x128xf32>
    %add3A_59 = arith.addf %broadcast_in_dim3A_10, %mul3A_58 : vector<1000x128xf32>
    %get3A_60 = arith.constant 0 : index
    %get3A_61 = arith.constant 1 : index
    %get3A_62 = arith.constant 0 : index
    %get3A_63 = vector.load %arg2[%get3A_60, %get3A_61, %get3A_62] : memref<1000x8x128xf32, #tpu.memory_space<vmem>>, vector<1000x1x128xf32>
    %get3A_64 = vector.shape_cast %get3A_63 : vector<1000x1x128xf32> to vector<1000x128xf32>
    %get3A_65 = arith.constant 0 : index
    %get3A_66 = arith.constant 0 : index
    %get3A_67 = vector.load %arg6[%get3A_65, %get3A_66] : memref<1x128xf32, #tpu.memory_space<vmem>>, vector<1x128xf32>
    %add3A_68 = vector.broadcast %get3A_67 : vector<1x128xf32> to vector<1000x128xf32>
    %add3A_69 = arith.addf %get3A_64, %add3A_68 : vector<1000x128xf32>
    %get3A_70 = arith.constant 0 : index
    %get3A_71 = arith.constant 32 : index
    %get3A_72 = vector.load %arg3[%get3A_70, %get3A_71] : memref<1000x256xf32, #tpu.memory_space<vmem>>, vector<1000x32xf32>
    %get3A_73 = arith.constant 0 : index
    %get3A_74 = arith.constant 0 : index
    %get3A_75 = vector.load %arg7[%get3A_73, %get3A_74] : memref<32x128xf32, #tpu.memory_space<vmem>>, vector<32x128xf32>
    %dot_general3A_76 = arith.constant dense<0.000000e+00> : vector<1000x128xf32>
    %dot_general3A_77 = tpu.matmul %get3A_72, %get3A_75, %dot_general3A_76 {dimension_numbers = #tpu.dot_dimension_numbers<[1], [0], [0], [1], [0, 0, 1, 1], [], []>, transpose_lhs_hint = false} : vector<1000x32xf32>, vector<32x128xf32>, vector<1000x128xf32> -> vector<1000x128xf32>
    %get3A_78 = arith.constant 0 : index
    %get3A_79 = arith.constant 0 : index
    %get3A_80 = vector.load %arg8[%get3A_78, %get3A_79] : memref<1x128xf32, #tpu.memory_space<vmem>>, vector<1x128xf32>
    %add3A_81 = vector.broadcast %get3A_80 : vector<1x128xf32> to vector<1000x128xf32>
    %add3A_82 = arith.addf %dot_general3A_77, %add3A_81 : vector<1000x128xf32>
    %mul3A_83 = arith.mulf %add3A_9, %add3A_69 : vector<1000x128xf32>
    %mul3A_84 = arith.mulf %mul3A_83, %add3A_82 : vector<1000x128xf32>
    %get3A_85 = arith.constant 0 : index
    %get3A_86 = arith.constant 0 : index
    %get3A_87 = vector.load %arg9[%get3A_85, %get3A_86] : memref<128x256xf32, #tpu.memory_space<vmem>>, vector<128x256xf32>
    %dot_general3A_88 = arith.constant dense<0.000000e+00> : vector<1000x256xf32>
    %dot_general3A_89 = tpu.matmul %mul3A_84, %get3A_87, %dot_general3A_88 {dimension_numbers = #tpu.dot_dimension_numbers<[1], [0], [0], [1], [0, 0, 1, 1], [], []>, transpose_lhs_hint = false} : vector<1000x128xf32>, vector<128x256xf32>, vector<1000x256xf32> -> vector<1000x256xf32>
    %get3A_90 = arith.constant 0 : index
    %get3A_91 = arith.constant 0 : index
    %get3A_92 = vector.load %arg10[%get3A_90, %get3A_91] : memref<1x256xf32, #tpu.memory_space<vmem>>, vector<1x256xf32>
    %add3A_93 = vector.broadcast %get3A_92 : vector<1x256xf32> to vector<1000x256xf32>
    %add3A_94 = arith.addf %dot_general3A_89, %add3A_93 : vector<1000x256xf32>
    %slice3A_95 = vector.extract_strided_slice %add3A_94 {offsets = [0, 0], sizes = [1000, 128], strides = [1, 1]} : vector<1000x256xf32> to vector<1000x128xf32>
    %logistic3A_96 = arith.negf %slice3A_95 : vector<1000x128xf32>
    %logistic3A_97 = math.exp %logistic3A_96 : vector<1000x128xf32>
    %logistic3A_98 = arith.constant 1.000000e+00 : f32
    %logistic3A_99 = vector.broadcast %logistic3A_98 : f32 to vector<1000x128xf32>
    %logistic3A_100 = arith.addf %logistic3A_99, %logistic3A_97 : vector<1000x128xf32>
    %logistic3A_101 = arith.divf %logistic3A_99, %logistic3A_100 : vector<1000x128xf32>
    %slice3A_102 = vector.extract_strided_slice %add3A_94 {offsets = [0, 128], sizes = [1000, 128], strides = [1, 1]} : vector<1000x256xf32> to vector<1000x128xf32>
    %custom_jvp_call3A_103 = arith.constant 0.000000e+00 : f32
    %max3A_104 = vector.broadcast %custom_jvp_call3A_103 : f32 to vector<1000x128xf32>
    %max3A_105 = arith.maximumf %slice3A_102, %max3A_104 : vector<1000x128xf32>
    %sub3A_106 = vector.broadcast %custom_jvp_call3A_103 : f32 to vector<1000x128xf32>
    %sub3A_107 = arith.subf %slice3A_102, %sub3A_106 : vector<1000x128xf32>
    %ne3A_108 = arith.cmpf one, %sub3A_107, %sub3A_107 : vector<1000x128xf32>
    %add3A_109 = vector.broadcast %custom_jvp_call3A_103 : f32 to vector<1000x128xf32>
    %add3A_110 = arith.addf %slice3A_102, %add3A_109 : vector<1000x128xf32>
    %abs3A_111 = math.absf %sub3A_107 : vector<1000x128xf32>
    %neg3A_112 = arith.constant 0.000000e+00 : f32
    %neg3A_113 = vector.broadcast %neg3A_112 : f32 to vector<1000x128xf32>
    %neg3A_114 = arith.subf %neg3A_113, %abs3A_111 : vector<1000x128xf32>
    %exp3A_115 = math.exp %neg3A_114 : vector<1000x128xf32>
    %log1p3A_116 = math.log1p %exp3A_115 : vector<1000x128xf32>
    %add3A_117 = arith.addf %max3A_105, %log1p3A_116 : vector<1000x128xf32>
    %select_n3A_118 = arith.select %ne3A_108, %add3A_110, %add3A_117 : vector<1000x128xi1>, vector<1000x128xf32>
    %mul3A_119 = arith.mulf %logistic3A_101, %select_n3A_118 : vector<1000x128xf32>
    %add3A_120 = arith.addf %add3A_59, %mul3A_119 : vector<1000x128xf32>
    %get3A_121 = arith.constant 0 : index
    %get3A_122 = arith.constant 2 : index
    %get3A_123 = arith.constant 0 : index
    %get3A_124 = vector.load %arg2[%get3A_121, %get3A_122, %get3A_123] : memref<1000x8x128xf32, #tpu.memory_space<vmem>>, vector<1000x1x128xf32>
    %get3A_125 = vector.shape_cast %get3A_124 : vector<1000x1x128xf32> to vector<1000x128xf32>
    %get3A_126 = arith.constant 0 : index
    %get3A_127 = arith.constant 0 : index
    %get3A_128 = vector.load %arg6[%get3A_126, %get3A_127] : memref<1x128xf32, #tpu.memory_space<vmem>>, vector<1x128xf32>
    %add3A_129 = vector.broadcast %get3A_128 : vector<1x128xf32> to vector<1000x128xf32>
    %add3A_130 = arith.addf %get3A_125, %add3A_129 : vector<1000x128xf32>
    %get3A_131 = arith.constant 0 : index
    %get3A_132 = arith.constant 64 : index
    %get3A_133 = vector.load %arg3[%get3A_131, %get3A_132] : memref<1000x256xf32, #tpu.memory_space<vmem>>, vector<1000x32xf32>
    %get3A_134 = arith.constant 0 : index
    %get3A_135 = arith.constant 0 : index
    %get3A_136 = vector.load %arg7[%get3A_134, %get3A_135] : memref<32x128xf32, #tpu.memory_space<vmem>>, vector<32x128xf32>
    %dot_general3A_137 = arith.constant dense<0.000000e+00> : vector<1000x128xf32>
    %dot_general3A_138 = tpu.matmul %get3A_133, %get3A_136, %dot_general3A_137 {dimension_numbers = #tpu.dot_dimension_numbers<[1], [0], [0], [1], [0, 0, 1, 1], [], []>, transpose_lhs_hint = false} : vector<1000x32xf32>, vector<32x128xf32>, vector<1000x128xf32> -> vector<1000x128xf32>
    %get3A_139 = arith.constant 0 : index
    %get3A_140 = arith.constant 0 : index
    %get3A_141 = vector.load %arg8[%get3A_139, %get3A_140] : memref<1x128xf32, #tpu.memory_space<vmem>>, vector<1x128xf32>
    %add3A_142 = vector.broadcast %get3A_141 : vector<1x128xf32> to vector<1000x128xf32>
    %add3A_143 = arith.addf %dot_general3A_138, %add3A_142 : vector<1000x128xf32>
    %mul3A_144 = arith.mulf %add3A_9, %add3A_130 : vector<1000x128xf32>
    %mul3A_145 = arith.mulf %mul3A_144, %add3A_143 : vector<1000x128xf32>
    %get3A_146 = arith.constant 0 : index
    %get3A_147 = arith.constant 0 : index
    %get3A_148 = vector.load %arg9[%get3A_146, %get3A_147] : memref<128x256xf32, #tpu.memory_space<vmem>>, vector<128x256xf32>
    %dot_general3A_149 = arith.constant dense<0.000000e+00> : vector<1000x256xf32>
    %dot_general3A_150 = tpu.matmul %mul3A_145, %get3A_148, %dot_general3A_149 {dimension_numbers = #tpu.dot_dimension_numbers<[1], [0], [0], [1], [0, 0, 1, 1], [], []>, transpose_lhs_hint = false} : vector<1000x128xf32>, vector<128x256xf32>, vector<1000x256xf32> -> vector<1000x256xf32>
    %get3A_151 = arith.constant 0 : index
    %get3A_152 = arith.constant 0 : index
    %get3A_153 = vector.load %arg10[%get3A_151, %get3A_152] : memref<1x256xf32, #tpu.memory_space<vmem>>, vector<1x256xf32>
    %add3A_154 = vector.broadcast %get3A_153 : vector<1x256xf32> to vector<1000x256xf32>
    %add3A_155 = arith.addf %dot_general3A_150, %add3A_154 : vector<1000x256xf32>
    %slice3A_156 = vector.extract_strided_slice %add3A_155 {offsets = [0, 0], sizes = [1000, 128], strides = [1, 1]} : vector<1000x256xf32> to vector<1000x128xf32>
    %logistic3A_157 = arith.negf %slice3A_156 : vector<1000x128xf32>
    %logistic3A_158 = math.exp %logistic3A_157 : vector<1000x128xf32>
    %logistic3A_159 = arith.constant 1.000000e+00 : f32
    %logistic3A_160 = vector.broadcast %logistic3A_159 : f32 to vector<1000x128xf32>
    %logistic3A_161 = arith.addf %logistic3A_160, %logistic3A_158 : vector<1000x128xf32>
    %logistic3A_162 = arith.divf %logistic3A_160, %logistic3A_161 : vector<1000x128xf32>
    %slice3A_163 = vector.extract_strided_slice %add3A_155 {offsets = [0, 128], sizes = [1000, 128], strides = [1, 1]} : vector<1000x256xf32> to vector<1000x128xf32>
    %custom_jvp_call3A_164 = arith.constant 0.000000e+00 : f32
    %max3A_165 = vector.broadcast %custom_jvp_call3A_164 : f32 to vector<1000x128xf32>
    %max3A_166 = arith.maximumf %slice3A_163, %max3A_165 : vector<1000x128xf32>
    %sub3A_167 = vector.broadcast %custom_jvp_call3A_164 : f32 to vector<1000x128xf32>
    %sub3A_168 = arith.subf %slice3A_163, %sub3A_167 : vector<1000x128xf32>
    %ne3A_169 = arith.cmpf one, %sub3A_168, %sub3A_168 : vector<1000x128xf32>
    %add3A_170 = vector.broadcast %custom_jvp_call3A_164 : f32 to vector<1000x128xf32>
    %add3A_171 = arith.addf %slice3A_163, %add3A_170 : vector<1000x128xf32>
    %abs3A_172 = math.absf %sub3A_168 : vector<1000x128xf32>
    %neg3A_173 = arith.constant 0.000000e+00 : f32
    %neg3A_174 = vector.broadcast %neg3A_173 : f32 to vector<1000x128xf32>
    %neg3A_175 = arith.subf %neg3A_174, %abs3A_172 : vector<1000x128xf32>
    %exp3A_176 = math.exp %neg3A_175 : vector<1000x128xf32>
    %log1p3A_177 = math.log1p %exp3A_176 : vector<1000x128xf32>
    %add3A_178 = arith.addf %max3A_166, %log1p3A_177 : vector<1000x128xf32>
    %select_n3A_179 = arith.select %ne3A_169, %add3A_171, %add3A_178 : vector<1000x128xi1>, vector<1000x128xf32>
    %mul3A_180 = arith.mulf %logistic3A_162, %select_n3A_179 : vector<1000x128xf32>
    %add3A_181 = arith.addf %add3A_120, %mul3A_180 : vector<1000x128xf32>
    %get3A_182 = arith.constant 0 : index
    %get3A_183 = arith.constant 3 : index
    %get3A_184 = arith.constant 0 : index
    %get3A_185 = vector.load %arg2[%get3A_182, %get3A_183, %get3A_184] : memref<1000x8x128xf32, #tpu.memory_space<vmem>>, vector<1000x1x128xf32>
    %get3A_186 = vector.shape_cast %get3A_185 : vector<1000x1x128xf32> to vector<1000x128xf32>
    %get3A_187 = arith.constant 0 : index
    %get3A_188 = arith.constant 0 : index
    %get3A_189 = vector.load %arg6[%get3A_187, %get3A_188] : memref<1x128xf32, #tpu.memory_space<vmem>>, vector<1x128xf32>
    %add3A_190 = vector.broadcast %get3A_189 : vector<1x128xf32> to vector<1000x128xf32>
    %add3A_191 = arith.addf %get3A_186, %add3A_190 : vector<1000x128xf32>
    %get3A_192 = arith.constant 0 : index
    %get3A_193 = arith.constant 96 : index
    %get3A_194 = vector.load %arg3[%get3A_192, %get3A_193] : memref<1000x256xf32, #tpu.memory_space<vmem>>, vector<1000x32xf32>
    %get3A_195 = arith.constant 0 : index
    %get3A_196 = arith.constant 0 : index
    %get3A_197 = vector.load %arg7[%get3A_195, %get3A_196] : memref<32x128xf32, #tpu.memory_space<vmem>>, vector<32x128xf32>
    %dot_general3A_198 = arith.constant dense<0.000000e+00> : vector<1000x128xf32>
    %dot_general3A_199 = tpu.matmul %get3A_194, %get3A_197, %dot_general3A_198 {dimension_numbers = #tpu.dot_dimension_numbers<[1], [0], [0], [1], [0, 0, 1, 1], [], []>, transpose_lhs_hint = false} : vector<1000x32xf32>, vector<32x128xf32>, vector<1000x128xf32> -> vector<1000x128xf32>
    %get3A_200 = arith.constant 0 : index
    %get3A_201 = arith.constant 0 : index
    %get3A_202 = vector.load %arg8[%get3A_200, %get3A_201] : memref<1x128xf32, #tpu.memory_space<vmem>>, vector<1x128xf32>
    %add3A_203 = vector.broadcast %get3A_202 : vector<1x128xf32> to vector<1000x128xf32>
    %add3A_204 = arith.addf %dot_general3A_199, %add3A_203 : vector<1000x128xf32>
    %mul3A_205 = arith.mulf %add3A_9, %add3A_191 : vector<1000x128xf32>
    %mul3A_206 = arith.mulf %mul3A_205, %add3A_204 : vector<1000x128xf32>
    %get3A_207 = arith.constant 0 : index
    %get3A_208 = arith.constant 0 : index
    %get3A_209 = vector.load %arg9[%get3A_207, %get3A_208] : memref<128x256xf32, #tpu.memory_space<vmem>>, vector<128x256xf32>
    %dot_general3A_210 = arith.constant dense<0.000000e+00> : vector<1000x256xf32>
    %dot_general3A_211 = tpu.matmul %mul3A_206, %get3A_209, %dot_general3A_210 {dimension_numbers = #tpu.dot_dimension_numbers<[1], [0], [0], [1], [0, 0, 1, 1], [], []>, transpose_lhs_hint = false} : vector<1000x128xf32>, vector<128x256xf32>, vector<1000x256xf32> -> vector<1000x256xf32>
    %get3A_212 = arith.constant 0 : index
    %get3A_213 = arith.constant 0 : index
    %get3A_214 = vector.load %arg10[%get3A_212, %get3A_213] : memref<1x256xf32, #tpu.memory_space<vmem>>, vector<1x256xf32>
    %add3A_215 = vector.broadcast %get3A_214 : vector<1x256xf32> to vector<1000x256xf32>
    %add3A_216 = arith.addf %dot_general3A_211, %add3A_215 : vector<1000x256xf32>
    %slice3A_217 = vector.extract_strided_slice %add3A_216 {offsets = [0, 0], sizes = [1000, 128], strides = [1, 1]} : vector<1000x256xf32> to vector<1000x128xf32>
    %logistic3A_218 = arith.negf %slice3A_217 : vector<1000x128xf32>
    %logistic3A_219 = math.exp %logistic3A_218 : vector<1000x128xf32>
    %logistic3A_220 = arith.constant 1.000000e+00 : f32
    %logistic3A_221 = vector.broadcast %logistic3A_220 : f32 to vector<1000x128xf32>
    %logistic3A_222 = arith.addf %logistic3A_221, %logistic3A_219 : vector<1000x128xf32>
    %logistic3A_223 = arith.divf %logistic3A_221, %logistic3A_222 : vector<1000x128xf32>
    %slice3A_224 = vector.extract_strided_slice %add3A_216 {offsets = [0, 128], sizes = [1000, 128], strides = [1, 1]} : vector<1000x256xf32> to vector<1000x128xf32>
    %custom_jvp_call3A_225 = arith.constant 0.000000e+00 : f32
    %max3A_226 = vector.broadcast %custom_jvp_call3A_225 : f32 to vector<1000x128xf32>
    %max3A_227 = arith.maximumf %slice3A_224, %max3A_226 : vector<1000x128xf32>
    %sub3A_228 = vector.broadcast %custom_jvp_call3A_225 : f32 to vector<1000x128xf32>
    %sub3A_229 = arith.subf %slice3A_224, %sub3A_228 : vector<1000x128xf32>
    %ne3A_230 = arith.cmpf one, %sub3A_229, %sub3A_229 : vector<1000x128xf32>
    %add3A_231 = vector.broadcast %custom_jvp_call3A_225 : f32 to vector<1000x128xf32>
    %add3A_232 = arith.addf %slice3A_224, %add3A_231 : vector<1000x128xf32>
    %abs3A_233 = math.absf %sub3A_229 : vector<1000x128xf32>
    %neg3A_234 = arith.constant 0.000000e+00 : f32
    %neg3A_235 = vector.broadcast %neg3A_234 : f32 to vector<1000x128xf32>
    %neg3A_236 = arith.subf %neg3A_235, %abs3A_233 : vector<1000x128xf32>
    %exp3A_237 = math.exp %neg3A_236 : vector<1000x128xf32>
    %log1p3A_238 = math.log1p %exp3A_237 : vector<1000x128xf32>
    %add3A_239 = arith.addf %max3A_227, %log1p3A_238 : vector<1000x128xf32>
    %select_n3A_240 = arith.select %ne3A_230, %add3A_232, %add3A_239 : vector<1000x128xi1>, vector<1000x128xf32>
    %mul3A_241 = arith.mulf %logistic3A_223, %select_n3A_240 : vector<1000x128xf32>
    %add3A_242 = arith.addf %add3A_181, %mul3A_241 : vector<1000x128xf32>
    %get3A_243 = arith.constant 0 : index
    %get3A_244 = arith.constant 4 : index
    %get3A_245 = arith.constant 0 : index
    %get3A_246 = vector.load %arg2[%get3A_243, %get3A_244, %get3A_245] : memref<1000x8x128xf32, #tpu.memory_space<vmem>>, vector<1000x1x128xf32>
    %get3A_247 = vector.shape_cast %get3A_246 : vector<1000x1x128xf32> to vector<1000x128xf32>
    %get3A_248 = arith.constant 0 : index
    %get3A_249 = arith.constant 0 : index
    %get3A_250 = vector.load %arg6[%get3A_248, %get3A_249] : memref<1x128xf32, #tpu.memory_space<vmem>>, vector<1x128xf32>
    %add3A_251 = vector.broadcast %get3A_250 : vector<1x128xf32> to vector<1000x128xf32>
    %add3A_252 = arith.addf %get3A_247, %add3A_251 : vector<1000x128xf32>
    %get3A_253 = arith.constant 0 : index
    %get3A_254 = arith.constant 128 : index
    %get3A_255 = vector.load %arg3[%get3A_253, %get3A_254] : memref<1000x256xf32, #tpu.memory_space<vmem>>, vector<1000x32xf32>
    %get3A_256 = arith.constant 0 : index
    %get3A_257 = arith.constant 0 : index
    %get3A_258 = vector.load %arg7[%get3A_256, %get3A_257] : memref<32x128xf32, #tpu.memory_space<vmem>>, vector<32x128xf32>
    %dot_general3A_259 = arith.constant dense<0.000000e+00> : vector<1000x128xf32>
    %dot_general3A_260 = tpu.matmul %get3A_255, %get3A_258, %dot_general3A_259 {dimension_numbers = #tpu.dot_dimension_numbers<[1], [0], [0], [1], [0, 0, 1, 1], [], []>, transpose_lhs_hint = false} : vector<1000x32xf32>, vector<32x128xf32>, vector<1000x128xf32> -> vector<1000x128xf32>
    %get3A_261 = arith.constant 0 : index
    %get3A_262 = arith.constant 0 : index
    %get3A_263 = vector.load %arg8[%get3A_261, %get3A_262] : memref<1x128xf32, #tpu.memory_space<vmem>>, vector<1x128xf32>
    %add3A_264 = vector.broadcast %get3A_263 : vector<1x128xf32> to vector<1000x128xf32>
    %add3A_265 = arith.addf %dot_general3A_260, %add3A_264 : vector<1000x128xf32>
    %mul3A_266 = arith.mulf %add3A_9, %add3A_252 : vector<1000x128xf32>
    %mul3A_267 = arith.mulf %mul3A_266, %add3A_265 : vector<1000x128xf32>
    %get3A_268 = arith.constant 0 : index
    %get3A_269 = arith.constant 0 : index
    %get3A_270 = vector.load %arg9[%get3A_268, %get3A_269] : memref<128x256xf32, #tpu.memory_space<vmem>>, vector<128x256xf32>
    %dot_general3A_271 = arith.constant dense<0.000000e+00> : vector<1000x256xf32>
    %dot_general3A_272 = tpu.matmul %mul3A_267, %get3A_270, %dot_general3A_271 {dimension_numbers = #tpu.dot_dimension_numbers<[1], [0], [0], [1], [0, 0, 1, 1], [], []>, transpose_lhs_hint = false} : vector<1000x128xf32>, vector<128x256xf32>, vector<1000x256xf32> -> vector<1000x256xf32>
    %get3A_273 = arith.constant 0 : index
    %get3A_274 = arith.constant 0 : index
    %get3A_275 = vector.load %arg10[%get3A_273, %get3A_274] : memref<1x256xf32, #tpu.memory_space<vmem>>, vector<1x256xf32>
    %add3A_276 = vector.broadcast %get3A_275 : vector<1x256xf32> to vector<1000x256xf32>
    %add3A_277 = arith.addf %dot_general3A_272, %add3A_276 : vector<1000x256xf32>
    %slice3A_278 = vector.extract_strided_slice %add3A_277 {offsets = [0, 0], sizes = [1000, 128], strides = [1, 1]} : vector<1000x256xf32> to vector<1000x128xf32>
    %logistic3A_279 = arith.negf %slice3A_278 : vector<1000x128xf32>
    %logistic3A_280 = math.exp %logistic3A_279 : vector<1000x128xf32>
    %logistic3A_281 = arith.constant 1.000000e+00 : f32
    %logistic3A_282 = vector.broadcast %logistic3A_281 : f32 to vector<1000x128xf32>
    %logistic3A_283 = arith.addf %logistic3A_282, %logistic3A_280 : vector<1000x128xf32>
    %logistic3A_284 = arith.divf %logistic3A_282, %logistic3A_283 : vector<1000x128xf32>
    %slice3A_285 = vector.extract_strided_slice %add3A_277 {offsets = [0, 128], sizes = [1000, 128], strides = [1, 1]} : vector<1000x256xf32> to vector<1000x128xf32>
    %custom_jvp_call3A_286 = arith.constant 0.000000e+00 : f32
    %max3A_287 = vector.broadcast %custom_jvp_call3A_286 : f32 to vector<1000x128xf32>
    %max3A_288 = arith.maximumf %slice3A_285, %max3A_287 : vector<1000x128xf32>
    %sub3A_289 = vector.broadcast %custom_jvp_call3A_286 : f32 to vector<1000x128xf32>
    %sub3A_290 = arith.subf %slice3A_285, %sub3A_289 : vector<1000x128xf32>
    %ne3A_291 = arith.cmpf one, %sub3A_290, %sub3A_290 : vector<1000x128xf32>
    %add3A_292 = vector.broadcast %custom_jvp_call3A_286 : f32 to vector<1000x128xf32>
    %add3A_293 = arith.addf %slice3A_285, %add3A_292 : vector<1000x128xf32>
    %abs3A_294 = math.absf %sub3A_290 : vector<1000x128xf32>
    %neg3A_295 = arith.constant 0.000000e+00 : f32
    %neg3A_296 = vector.broadcast %neg3A_295 : f32 to vector<1000x128xf32>
    %neg3A_297 = arith.subf %neg3A_296, %abs3A_294 : vector<1000x128xf32>
    %exp3A_298 = math.exp %neg3A_297 : vector<1000x128xf32>
    %log1p3A_299 = math.log1p %exp3A_298 : vector<1000x128xf32>
    %add3A_300 = arith.addf %max3A_288, %log1p3A_299 : vector<1000x128xf32>
    %select_n3A_301 = arith.select %ne3A_291, %add3A_293, %add3A_300 : vector<1000x128xi1>, vector<1000x128xf32>
    %mul3A_302 = arith.mulf %logistic3A_284, %select_n3A_301 : vector<1000x128xf32>
    %add3A_303 = arith.addf %add3A_242, %mul3A_302 : vector<1000x128xf32>
    %get3A_304 = arith.constant 0 : index
    %get3A_305 = arith.constant 5 : index
    %get3A_306 = arith.constant 0 : index
    %get3A_307 = vector.load %arg2[%get3A_304, %get3A_305, %get3A_306] : memref<1000x8x128xf32, #tpu.memory_space<vmem>>, vector<1000x1x128xf32>
    %get3A_308 = vector.shape_cast %get3A_307 : vector<1000x1x128xf32> to vector<1000x128xf32>
    %get3A_309 = arith.constant 0 : index
    %get3A_310 = arith.constant 0 : index
    %get3A_311 = vector.load %arg6[%get3A_309, %get3A_310] : memref<1x128xf32, #tpu.memory_space<vmem>>, vector<1x128xf32>
    %add3A_312 = vector.broadcast %get3A_311 : vector<1x128xf32> to vector<1000x128xf32>
    %add3A_313 = arith.addf %get3A_308, %add3A_312 : vector<1000x128xf32>
    %get3A_314 = arith.constant 0 : index
    %get3A_315 = arith.constant 160 : index
    %get3A_316 = vector.load %arg3[%get3A_314, %get3A_315] : memref<1000x256xf32, #tpu.memory_space<vmem>>, vector<1000x32xf32>
    %get3A_317 = arith.constant 0 : index
    %get3A_318 = arith.constant 0 : index
    %get3A_319 = vector.load %arg7[%get3A_317, %get3A_318] : memref<32x128xf32, #tpu.memory_space<vmem>>, vector<32x128xf32>
    %dot_general3A_320 = arith.constant dense<0.000000e+00> : vector<1000x128xf32>
    %dot_general3A_321 = tpu.matmul %get3A_316, %get3A_319, %dot_general3A_320 {dimension_numbers = #tpu.dot_dimension_numbers<[1], [0], [0], [1], [0, 0, 1, 1], [], []>, transpose_lhs_hint = false} : vector<1000x32xf32>, vector<32x128xf32>, vector<1000x128xf32> -> vector<1000x128xf32>
    %get3A_322 = arith.constant 0 : index
    %get3A_323 = arith.constant 0 : index
    %get3A_324 = vector.load %arg8[%get3A_322, %get3A_323] : memref<1x128xf32, #tpu.memory_space<vmem>>, vector<1x128xf32>
    %add3A_325 = vector.broadcast %get3A_324 : vector<1x128xf32> to vector<1000x128xf32>
    %add3A_326 = arith.addf %dot_general3A_321, %add3A_325 : vector<1000x128xf32>
    %mul3A_327 = arith.mulf %add3A_9, %add3A_313 : vector<1000x128xf32>
    %mul3A_328 = arith.mulf %mul3A_327, %add3A_326 : vector<1000x128xf32>
    %get3A_329 = arith.constant 0 : index
    %get3A_330 = arith.constant 0 : index
    %get3A_331 = vector.load %arg9[%get3A_329, %get3A_330] : memref<128x256xf32, #tpu.memory_space<vmem>>, vector<128x256xf32>
    %dot_general3A_332 = arith.constant dense<0.000000e+00> : vector<1000x256xf32>
    %dot_general3A_333 = tpu.matmul %mul3A_328, %get3A_331, %dot_general3A_332 {dimension_numbers = #tpu.dot_dimension_numbers<[1], [0], [0], [1], [0, 0, 1, 1], [], []>, transpose_lhs_hint = false} : vector<1000x128xf32>, vector<128x256xf32>, vector<1000x256xf32> -> vector<1000x256xf32>
    %get3A_334 = arith.constant 0 : index
    %get3A_335 = arith.constant 0 : index
    %get3A_336 = vector.load %arg10[%get3A_334, %get3A_335] : memref<1x256xf32, #tpu.memory_space<vmem>>, vector<1x256xf32>
    %add3A_337 = vector.broadcast %get3A_336 : vector<1x256xf32> to vector<1000x256xf32>
    %add3A_338 = arith.addf %dot_general3A_333, %add3A_337 : vector<1000x256xf32>
    %slice3A_339 = vector.extract_strided_slice %add3A_338 {offsets = [0, 0], sizes = [1000, 128], strides = [1, 1]} : vector<1000x256xf32> to vector<1000x128xf32>
    %logistic3A_340 = arith.negf %slice3A_339 : vector<1000x128xf32>
    %logistic3A_341 = math.exp %logistic3A_340 : vector<1000x128xf32>
    %logistic3A_342 = arith.constant 1.000000e+00 : f32
    %logistic3A_343 = vector.broadcast %logistic3A_342 : f32 to vector<1000x128xf32>
    %logistic3A_344 = arith.addf %logistic3A_343, %logistic3A_341 : vector<1000x128xf32>
    %logistic3A_345 = arith.divf %logistic3A_343, %logistic3A_344 : vector<1000x128xf32>
    %slice3A_346 = vector.extract_strided_slice %add3A_338 {offsets = [0, 128], sizes = [1000, 128], strides = [1, 1]} : vector<1000x256xf32> to vector<1000x128xf32>
    %custom_jvp_call3A_347 = arith.constant 0.000000e+00 : f32
    %max3A_348 = vector.broadcast %custom_jvp_call3A_347 : f32 to vector<1000x128xf32>
    %max3A_349 = arith.maximumf %slice3A_346, %max3A_348 : vector<1000x128xf32>
    %sub3A_350 = vector.broadcast %custom_jvp_call3A_347 : f32 to vector<1000x128xf32>
    %sub3A_351 = arith.subf %slice3A_346, %sub3A_350 : vector<1000x128xf32>
    %ne3A_352 = arith.cmpf one, %sub3A_351, %sub3A_351 : vector<1000x128xf32>
    %add3A_353 = vector.broadcast %custom_jvp_call3A_347 : f32 to vector<1000x128xf32>
    %add3A_354 = arith.addf %slice3A_346, %add3A_353 : vector<1000x128xf32>
    %abs3A_355 = math.absf %sub3A_351 : vector<1000x128xf32>
    %neg3A_356 = arith.constant 0.000000e+00 : f32
    %neg3A_357 = vector.broadcast %neg3A_356 : f32 to vector<1000x128xf32>
    %neg3A_358 = arith.subf %neg3A_357, %abs3A_355 : vector<1000x128xf32>
    %exp3A_359 = math.exp %neg3A_358 : vector<1000x128xf32>
    %log1p3A_360 = math.log1p %exp3A_359 : vector<1000x128xf32>
    %add3A_361 = arith.addf %max3A_349, %log1p3A_360 : vector<1000x128xf32>
    %select_n3A_362 = arith.select %ne3A_352, %add3A_354, %add3A_361 : vector<1000x128xi1>, vector<1000x128xf32>
    %mul3A_363 = arith.mulf %logistic3A_345, %select_n3A_362 : vector<1000x128xf32>
    %add3A_364 = arith.addf %add3A_303, %mul3A_363 : vector<1000x128xf32>
    %get3A_365 = arith.constant 0 : index
    %get3A_366 = arith.constant 6 : index
    %get3A_367 = arith.constant 0 : index
    %get3A_368 = vector.load %arg2[%get3A_365, %get3A_366, %get3A_367] : memref<1000x8x128xf32, #tpu.memory_space<vmem>>, vector<1000x1x128xf32>
    %get3A_369 = vector.shape_cast %get3A_368 : vector<1000x1x128xf32> to vector<1000x128xf32>
    %get3A_370 = arith.constant 0 : index
    %get3A_371 = arith.constant 0 : index
    %get3A_372 = vector.load %arg6[%get3A_370, %get3A_371] : memref<1x128xf32, #tpu.memory_space<vmem>>, vector<1x128xf32>
    %add3A_373 = vector.broadcast %get3A_372 : vector<1x128xf32> to vector<1000x128xf32>
    %add3A_374 = arith.addf %get3A_369, %add3A_373 : vector<1000x128xf32>
    %get3A_375 = arith.constant 0 : index
    %get3A_376 = arith.constant 192 : index
    %get3A_377 = vector.load %arg3[%get3A_375, %get3A_376] : memref<1000x256xf32, #tpu.memory_space<vmem>>, vector<1000x32xf32>
    %get3A_378 = arith.constant 0 : index
    %get3A_379 = arith.constant 0 : index
    %get3A_380 = vector.load %arg7[%get3A_378, %get3A_379] : memref<32x128xf32, #tpu.memory_space<vmem>>, vector<32x128xf32>
    %dot_general3A_381 = arith.constant dense<0.000000e+00> : vector<1000x128xf32>
    %dot_general3A_382 = tpu.matmul %get3A_377, %get3A_380, %dot_general3A_381 {dimension_numbers = #tpu.dot_dimension_numbers<[1], [0], [0], [1], [0, 0, 1, 1], [], []>, transpose_lhs_hint = false} : vector<1000x32xf32>, vector<32x128xf32>, vector<1000x128xf32> -> vector<1000x128xf32>
    %get3A_383 = arith.constant 0 : index
    %get3A_384 = arith.constant 0 : index
    %get3A_385 = vector.load %arg8[%get3A_383, %get3A_384] : memref<1x128xf32, #tpu.memory_space<vmem>>, vector<1x128xf32>
    %add3A_386 = vector.broadcast %get3A_385 : vector<1x128xf32> to vector<1000x128xf32>
    %add3A_387 = arith.addf %dot_general3A_382, %add3A_386 : vector<1000x128xf32>
    %mul3A_388 = arith.mulf %add3A_9, %add3A_374 : vector<1000x128xf32>
    %mul3A_389 = arith.mulf %mul3A_388, %add3A_387 : vector<1000x128xf32>
    %get3A_390 = arith.constant 0 : index
    %get3A_391 = arith.constant 0 : index
    %get3A_392 = vector.load %arg9[%get3A_390, %get3A_391] : memref<128x256xf32, #tpu.memory_space<vmem>>, vector<128x256xf32>
    %dot_general3A_393 = arith.constant dense<0.000000e+00> : vector<1000x256xf32>
    %dot_general3A_394 = tpu.matmul %mul3A_389, %get3A_392, %dot_general3A_393 {dimension_numbers = #tpu.dot_dimension_numbers<[1], [0], [0], [1], [0, 0, 1, 1], [], []>, transpose_lhs_hint = false} : vector<1000x128xf32>, vector<128x256xf32>, vector<1000x256xf32> -> vector<1000x256xf32>
    %get3A_395 = arith.constant 0 : index
    %get3A_396 = arith.constant 0 : index
    %get3A_397 = vector.load %arg10[%get3A_395, %get3A_396] : memref<1x256xf32, #tpu.memory_space<vmem>>, vector<1x256xf32>
    %add3A_398 = vector.broadcast %get3A_397 : vector<1x256xf32> to vector<1000x256xf32>
    %add3A_399 = arith.addf %dot_general3A_394, %add3A_398 : vector<1000x256xf32>
    %slice3A_400 = vector.extract_strided_slice %add3A_399 {offsets = [0, 0], sizes = [1000, 128], strides = [1, 1]} : vector<1000x256xf32> to vector<1000x128xf32>
    %logistic3A_401 = arith.negf %slice3A_400 : vector<1000x128xf32>
    %logistic3A_402 = math.exp %logistic3A_401 : vector<1000x128xf32>
    %logistic3A_403 = arith.constant 1.000000e+00 : f32
    %logistic3A_404 = vector.broadcast %logistic3A_403 : f32 to vector<1000x128xf32>
    %logistic3A_405 = arith.addf %logistic3A_404, %logistic3A_402 : vector<1000x128xf32>
    %logistic3A_406 = arith.divf %logistic3A_404, %logistic3A_405 : vector<1000x128xf32>
    %slice3A_407 = vector.extract_strided_slice %add3A_399 {offsets = [0, 128], sizes = [1000, 128], strides = [1, 1]} : vector<1000x256xf32> to vector<1000x128xf32>
    %custom_jvp_call3A_408 = arith.constant 0.000000e+00 : f32
    %max3A_409 = vector.broadcast %custom_jvp_call3A_408 : f32 to vector<1000x128xf32>
    %max3A_410 = arith.maximumf %slice3A_407, %max3A_409 : vector<1000x128xf32>
    %sub3A_411 = vector.broadcast %custom_jvp_call3A_408 : f32 to vector<1000x128xf32>
    %sub3A_412 = arith.subf %slice3A_407, %sub3A_411 : vector<1000x128xf32>
    %ne3A_413 = arith.cmpf one, %sub3A_412, %sub3A_412 : vector<1000x128xf32>
    %add3A_414 = vector.broadcast %custom_jvp_call3A_408 : f32 to vector<1000x128xf32>
    %add3A_415 = arith.addf %slice3A_407, %add3A_414 : vector<1000x128xf32>
    %abs3A_416 = math.absf %sub3A_412 : vector<1000x128xf32>
    %neg3A_417 = arith.constant 0.000000e+00 : f32
    %neg3A_418 = vector.broadcast %neg3A_417 : f32 to vector<1000x128xf32>
    %neg3A_419 = arith.subf %neg3A_418, %abs3A_416 : vector<1000x128xf32>
    %exp3A_420 = math.exp %neg3A_419 : vector<1000x128xf32>
    %log1p3A_421 = math.log1p %exp3A_420 : vector<1000x128xf32>
    %add3A_422 = arith.addf %max3A_410, %log1p3A_421 : vector<1000x128xf32>
    %select_n3A_423 = arith.select %ne3A_413, %add3A_415, %add3A_422 : vector<1000x128xi1>, vector<1000x128xf32>
    %mul3A_424 = arith.mulf %logistic3A_406, %select_n3A_423 : vector<1000x128xf32>
    %add3A_425 = arith.addf %add3A_364, %mul3A_424 : vector<1000x128xf32>
    %get3A_426 = arith.constant 0 : index
    %get3A_427 = arith.constant 7 : index
    %get3A_428 = arith.constant 0 : index
    %get3A_429 = vector.load %arg2[%get3A_426, %get3A_427, %get3A_428] : memref<1000x8x128xf32, #tpu.memory_space<vmem>>, vector<1000x1x128xf32>
    %get3A_430 = vector.shape_cast %get3A_429 : vector<1000x1x128xf32> to vector<1000x128xf32>
    %get3A_431 = arith.constant 0 : index
    %get3A_432 = arith.constant 0 : index
    %get3A_433 = vector.load %arg6[%get3A_431, %get3A_432] : memref<1x128xf32, #tpu.memory_space<vmem>>, vector<1x128xf32>
    %add3A_434 = vector.broadcast %get3A_433 : vector<1x128xf32> to vector<1000x128xf32>
    %add3A_435 = arith.addf %get3A_430, %add3A_434 : vector<1000x128xf32>
    %get3A_436 = arith.constant 0 : index
    %get3A_437 = arith.constant 224 : index
    %get3A_438 = vector.load %arg3[%get3A_436, %get3A_437] : memref<1000x256xf32, #tpu.memory_space<vmem>>, vector<1000x32xf32>
    %get3A_439 = arith.constant 0 : index
    %get3A_440 = arith.constant 0 : index
    %get3A_441 = vector.load %arg7[%get3A_439, %get3A_440] : memref<32x128xf32, #tpu.memory_space<vmem>>, vector<32x128xf32>
    %dot_general3A_442 = arith.constant dense<0.000000e+00> : vector<1000x128xf32>
    %dot_general3A_443 = tpu.matmul %get3A_438, %get3A_441, %dot_general3A_442 {dimension_numbers = #tpu.dot_dimension_numbers<[1], [0], [0], [1], [0, 0, 1, 1], [], []>, transpose_lhs_hint = false} : vector<1000x32xf32>, vector<32x128xf32>, vector<1000x128xf32> -> vector<1000x128xf32>
    %get3A_444 = arith.constant 0 : index
    %get3A_445 = arith.constant 0 : index
    %get3A_446 = vector.load %arg8[%get3A_444, %get3A_445] : memref<1x128xf32, #tpu.memory_space<vmem>>, vector<1x128xf32>
    %add3A_447 = vector.broadcast %get3A_446 : vector<1x128xf32> to vector<1000x128xf32>
    %add3A_448 = arith.addf %dot_general3A_443, %add3A_447 : vector<1000x128xf32>
    %mul3A_449 = arith.mulf %add3A_9, %add3A_435 : vector<1000x128xf32>
    %mul3A_450 = arith.mulf %mul3A_449, %add3A_448 : vector<1000x128xf32>
    %get3A_451 = arith.constant 0 : index
    %get3A_452 = arith.constant 0 : index
    %get3A_453 = vector.load %arg9[%get3A_451, %get3A_452] : memref<128x256xf32, #tpu.memory_space<vmem>>, vector<128x256xf32>
    %dot_general3A_454 = arith.constant dense<0.000000e+00> : vector<1000x256xf32>
    %dot_general3A_455 = tpu.matmul %mul3A_450, %get3A_453, %dot_general3A_454 {dimension_numbers = #tpu.dot_dimension_numbers<[1], [0], [0], [1], [0, 0, 1, 1], [], []>, transpose_lhs_hint = false} : vector<1000x128xf32>, vector<128x256xf32>, vector<1000x256xf32> -> vector<1000x256xf32>
    %get3A_456 = arith.constant 0 : index
    %get3A_457 = arith.constant 0 : index
    %get3A_458 = vector.load %arg10[%get3A_456, %get3A_457] : memref<1x256xf32, #tpu.memory_space<vmem>>, vector<1x256xf32>
    %add3A_459 = vector.broadcast %get3A_458 : vector<1x256xf32> to vector<1000x256xf32>
    %add3A_460 = arith.addf %dot_general3A_455, %add3A_459 : vector<1000x256xf32>
    %slice3A_461 = vector.extract_strided_slice %add3A_460 {offsets = [0, 0], sizes = [1000, 128], strides = [1, 1]} : vector<1000x256xf32> to vector<1000x128xf32>
    %logistic3A_462 = arith.negf %slice3A_461 : vector<1000x128xf32>
    %logistic3A_463 = math.exp %logistic3A_462 : vector<1000x128xf32>
    %logistic3A_464 = arith.constant 1.000000e+00 : f32
    %logistic3A_465 = vector.broadcast %logistic3A_464 : f32 to vector<1000x128xf32>
    %logistic3A_466 = arith.addf %logistic3A_465, %logistic3A_463 : vector<1000x128xf32>
    %logistic3A_467 = arith.divf %logistic3A_465, %logistic3A_466 : vector<1000x128xf32>
    %slice3A_468 = vector.extract_strided_slice %add3A_460 {offsets = [0, 128], sizes = [1000, 128], strides = [1, 1]} : vector<1000x256xf32> to vector<1000x128xf32>
    %custom_jvp_call3A_469 = arith.constant 0.000000e+00 : f32
    %max3A_470 = vector.broadcast %custom_jvp_call3A_469 : f32 to vector<1000x128xf32>
    %max3A_471 = arith.maximumf %slice3A_468, %max3A_470 : vector<1000x128xf32>
    %sub3A_472 = vector.broadcast %custom_jvp_call3A_469 : f32 to vector<1000x128xf32>
    %sub3A_473 = arith.subf %slice3A_468, %sub3A_472 : vector<1000x128xf32>
    %ne3A_474 = arith.cmpf one, %sub3A_473, %sub3A_473 : vector<1000x128xf32>
    %add3A_475 = vector.broadcast %custom_jvp_call3A_469 : f32 to vector<1000x128xf32>
    %add3A_476 = arith.addf %slice3A_468, %add3A_475 : vector<1000x128xf32>
    %abs3A_477 = math.absf %sub3A_473 : vector<1000x128xf32>
    %neg3A_478 = arith.constant 0.000000e+00 : f32
    %neg3A_479 = vector.broadcast %neg3A_478 : f32 to vector<1000x128xf32>
    %neg3A_480 = arith.subf %neg3A_479, %abs3A_477 : vector<1000x128xf32>
    %exp3A_481 = math.exp %neg3A_480 : vector<1000x128xf32>
    %log1p3A_482 = math.log1p %exp3A_481 : vector<1000x128xf32>
    %add3A_483 = arith.addf %max3A_471, %log1p3A_482 : vector<1000x128xf32>
    %select_n3A_484 = arith.select %ne3A_474, %add3A_476, %add3A_483 : vector<1000x128xi1>, vector<1000x128xf32>
    %mul3A_485 = arith.mulf %logistic3A_467, %select_n3A_484 : vector<1000x128xf32>
    %add3A_486 = arith.addf %add3A_425, %mul3A_485 : vector<1000x128xf32>
    %slice3A_487 = vector.extract_strided_slice %add3A_486 {offsets = [0, 0], sizes = [1000, 64], strides = [1, 1]} : vector<1000x128xf32> to vector<1000x64xf32>
    %slice3A_488 = vector.extract_strided_slice %add3A_486 {offsets = [0, 64], sizes = [1000, 64], strides = [1, 1]} : vector<1000x128xf32> to vector<1000x64xf32>
    %add3A_489 = arith.addf %slice3A_487, %slice3A_488 : vector<1000x64xf32>
    %reduce_sum3A = arith.constant dense<0.000000e+00> : vector<1000xf32>
    %reduce_sum3A_490 = vector.multi_reduction <add>, %add3A_489, %reduce_sum3A [1] : vector<1000x64xf32> to vector<1000xf32>
    %broadcast_in_dim3A_491 = vector.shape_cast %reduce_sum3A_490 : vector<1000xf32> to vector<1000x1xf32>
    %div3A = arith.constant 6.400000e+01 : f32
    %div3A_492 = vector.broadcast %div3A : f32 to vector<1000x1xf32>
    %div3A_493 = arith.divf %broadcast_in_dim3A_491, %div3A_492 : vector<1000x1xf32>
    %sub3A_494 = vector.broadcast %div3A_493 : vector<1000x1xf32> to vector<1000x64xf32>
    %sub3A_495 = arith.subf %add3A_489, %sub3A_494 : vector<1000x64xf32>
    %integer_pow3A = arith.mulf %sub3A_495, %sub3A_495 : vector<1000x64xf32>
    %reduce_sum3A_496 = arith.constant dense<0.000000e+00> : vector<1000xf32>
    %reduce_sum3A_497 = vector.multi_reduction <add>, %integer_pow3A, %reduce_sum3A_496 [1] : vector<1000x64xf32> to vector<1000xf32>
    %broadcast_in_dim3A_498 = vector.shape_cast %reduce_sum3A_497 : vector<1000xf32> to vector<1000x1xf32>
    %div3A_499 = arith.constant 6.400000e+01 : f32
    %div3A_500 = vector.broadcast %div3A_499 : f32 to vector<1000x1xf32>
    %div3A_501 = arith.divf %broadcast_in_dim3A_498, %div3A_500 : vector<1000x1xf32>
    %sub3A_502 = vector.broadcast %div3A_493 : vector<1000x1xf32> to vector<1000x64xf32>
    %sub3A_503 = arith.subf %add3A_489, %sub3A_502 : vector<1000x64xf32>
    %add3A_504 = arith.constant 9.99999997E-7 : f32
    %add3A_505 = vector.broadcast %add3A_504 : f32 to vector<1000x1xf32>
    %add3A_506 = arith.addf %div3A_501, %add3A_505 : vector<1000x1xf32>
    %rsqrt3A = math.rsqrt %add3A_506 : vector<1000x1xf32>
    %mul3A_507 = vector.broadcast %rsqrt3A : vector<1000x1xf32> to vector<1000x64xf32>
    %mul3A_508 = arith.mulf %sub3A_503, %mul3A_507 : vector<1000x64xf32>
    %get3A_509 = arith.constant 0 : index
    %get3A_510 = arith.constant 0 : index
    %get3A_511 = vector.load %arg11[%get3A_509, %get3A_510] : memref<1x64xf32, #tpu.memory_space<vmem>>, vector<1x64xf32>
    %mul3A_512 = vector.broadcast %get3A_511 : vector<1x64xf32> to vector<1000x64xf32>
    %mul3A_513 = arith.mulf %mul3A_508, %mul3A_512 : vector<1000x64xf32>
    %get3A_514 = arith.constant 0 : index
    %get3A_515 = arith.constant 0 : index
    %get3A_516 = vector.load %arg12[%get3A_514, %get3A_515] : memref<1x64xf32, #tpu.memory_space<vmem>>, vector<1x64xf32>
    %add3A_517 = vector.broadcast %get3A_516 : vector<1x64xf32> to vector<1000x64xf32>
    %add3A_518 = arith.addf %mul3A_513, %add3A_517 : vector<1000x64xf32>
    %add3A_519 = arith.addf %get3A_1, %add3A_518 : vector<1000x64xf32>
    %get3A_520 = arith.constant 0 : index
    %get3A_521 = arith.constant 0 : index
    %get3A_522 = vector.load %arg13[%get3A_520, %get3A_521] : memref<64x128xf32, #tpu.memory_space<vmem>>, vector<64x128xf32>
    %dot_general3A_523 = arith.constant dense<0.000000e+00> : vector<1000x128xf32>
    %dot_general3A_524 = tpu.matmul %add3A_519, %get3A_522, %dot_general3A_523 {dimension_numbers = #tpu.dot_dimension_numbers<[1], [0], [0], [1], [0, 0, 1, 1], [], []>, transpose_lhs_hint = false} : vector<1000x64xf32>, vector<64x128xf32>, vector<1000x128xf32> -> vector<1000x128xf32>
    %get3A_525 = arith.constant 0 : index
    %get3A_526 = arith.constant 0 : index
    %get3A_527 = vector.load %arg14[%get3A_525, %get3A_526] : memref<1x128xf32, #tpu.memory_space<vmem>>, vector<1x128xf32>
    %add3A_528 = vector.broadcast %get3A_527 : vector<1x128xf32> to vector<1000x128xf32>
    %add3A_529 = arith.addf %dot_general3A_524, %add3A_528 : vector<1000x128xf32>
    %custom_jvp_call3A_530 = arith.constant 0.000000e+00 : f32
    %max3A_531 = vector.broadcast %custom_jvp_call3A_530 : f32 to vector<1000x128xf32>
    %max3A_532 = arith.maximumf %add3A_529, %max3A_531 : vector<1000x128xf32>
    %sub3A_533 = vector.broadcast %custom_jvp_call3A_530 : f32 to vector<1000x128xf32>
    %sub3A_534 = arith.subf %add3A_529, %sub3A_533 : vector<1000x128xf32>
    %ne3A_535 = arith.cmpf one, %sub3A_534, %sub3A_534 : vector<1000x128xf32>
    %add3A_536 = vector.broadcast %custom_jvp_call3A_530 : f32 to vector<1000x128xf32>
    %add3A_537 = arith.addf %add3A_529, %add3A_536 : vector<1000x128xf32>
    %abs3A_538 = math.absf %sub3A_534 : vector<1000x128xf32>
    %neg3A_539 = arith.constant 0.000000e+00 : f32
    %neg3A_540 = vector.broadcast %neg3A_539 : f32 to vector<1000x128xf32>
    %neg3A_541 = arith.subf %neg3A_540, %abs3A_538 : vector<1000x128xf32>
    %exp3A_542 = math.exp %neg3A_541 : vector<1000x128xf32>
    %log1p3A_543 = math.log1p %exp3A_542 : vector<1000x128xf32>
    %add3A_544 = arith.addf %max3A_532, %log1p3A_543 : vector<1000x128xf32>
    %select_n3A_545 = arith.select %ne3A_535, %add3A_537, %add3A_544 : vector<1000x128xi1>, vector<1000x128xf32>
    %get3A_546 = arith.constant 0 : index
    %get3A_547 = arith.constant 0 : index
    %get3A_548 = vector.load %arg15[%get3A_546, %get3A_547] : memref<1x128xf32, #tpu.memory_space<vmem>>, vector<1x128xf32>
    %mul3A_549 = vector.broadcast %get3A_548 : vector<1x128xf32> to vector<1000x128xf32>
    %mul3A_550 = arith.mulf %select_n3A_545, %mul3A_549 : vector<1000x128xf32>
    %iota3A = tpu.iota {dimensions = array<i32: 1>} : vector<10x1000xi32>
    %jit3A = arith.constant 100 : i32
    %div3A_551 = vector.broadcast %jit3A : i32 to vector<10x1000xi32>
    %div3A_552 = arith.divsi %iota3A, %div3A_551 : vector<10x1000xi32>
    %sign3A = arith.constant 0 : i32
    %sign3A_553 = vector.broadcast %sign3A : i32 to vector<10x1000xi32>
    %sign3A_554 = arith.cmpi sgt, %iota3A, %sign3A_553 : vector<10x1000xi32>
    %sign3A_555 = arith.extui %sign3A_554 : vector<10x1000xi1> to vector<10x1000xi32>
    %sign3A_556 = arith.constant 0 : i32
    %sign3A_557 = vector.broadcast %sign3A_556 : i32 to vector<10x1000xi32>
    %sign3A_558 = arith.cmpi slt, %iota3A, %sign3A_557 : vector<10x1000xi32>
    %sign3A_559 = arith.extui %sign3A_558 : vector<10x1000xi1> to vector<10x1000xi32>
    %sign3A_560 = arith.subi %sign3A_555, %sign3A_559 : vector<10x1000xi32>
    %sign3A_561 = arith.constant 0 : i32
    %sign3A_562 = arith.cmpi sgt, %jit3A, %sign3A_561 : i32
    %sign3A_563 = arith.extui %sign3A_562 : i1 to i32
    %sign3A_564 = arith.constant 0 : i32
    %sign3A_565 = arith.cmpi slt, %jit3A, %sign3A_564 : i32
    %sign3A_566 = arith.extui %sign3A_565 : i1 to i32
    %sign3A_567 = arith.subi %sign3A_563, %sign3A_566 : i32
    %ne3A_568 = vector.broadcast %sign3A_567 : i32 to vector<10x1000xi32>
    %ne3A_569 = arith.cmpi ne, %sign3A_560, %ne3A_568 : vector<10x1000xi32>
    %rem3A = vector.broadcast %jit3A : i32 to vector<10x1000xi32>
    %rem3A_570 = arith.remsi %iota3A, %rem3A : vector<10x1000xi32>
    %ne3A_571 = arith.constant 0 : i32
    %ne3A_572 = vector.broadcast %ne3A_571 : i32 to vector<10x1000xi32>
    %ne3A_573 = arith.cmpi ne, %rem3A_570, %ne3A_572 : vector<10x1000xi32>
    %and3A = arith.andi %ne3A_569, %ne3A_573 : vector<10x1000xi1>
    %sub3A_574 = arith.constant 1 : i32
    %sub3A_575 = vector.broadcast %sub3A_574 : i32 to vector<10x1000xi32>
    %sub3A_576 = arith.subi %div3A_552, %sub3A_575 : vector<10x1000xi32>
    %select_n3A_577 = arith.select %and3A, %sub3A_576, %div3A_552 : vector<10x1000xi1>, vector<10x1000xi32>
    %iota3A_578 = tpu.iota {dimensions = array<i32: 0>} : vector<10x1000xi32>
    %eq3A = arith.cmpi eq, %select_n3A_577, %iota3A_578 : vector<10x1000xi32>
    %convert_element_type3A = arith.extui %eq3A : vector<10x1000xi1> to vector<10x1000xi32>
    %convert_element_type3A_579 = arith.sitofp %convert_element_type3A : vector<10x1000xi32> to vector<10x1000xf32>
    %dot_general3A_580 = arith.constant dense<0.000000e+00> : vector<10x128xf32>
    %dot_general3A_581 = tpu.matmul %convert_element_type3A_579, %mul3A_550, %dot_general3A_580 {dimension_numbers = #tpu.dot_dimension_numbers<[1], [0], [0], [1], [0, 0, 1, 1], [], []>, precision = #tpu.contract_precision<fp32>, transpose_lhs_hint = false} : vector<10x1000xf32>, vector<1000x128xf32>, vector<10x128xf32> -> vector<10x128xf32>
    %reduce_sum3A_582 = arith.constant dense<0.000000e+00> : vector<10xf32>
    %reduce_sum3A_583 = vector.multi_reduction <add>, %dot_general3A_581, %reduce_sum3A_582 [1] : vector<10x128xf32> to vector<10xf32>
    %broadcast_in_dim3A_584 = vector.shape_cast %reduce_sum3A_583 : vector<10xf32> to vector<10x1xf32>
    %get3A_585 = arith.constant 0 : index
    %get3A_586 = arith.constant 0 : index
    %get3A_587 = vector.load %arg16[%get3A_585, %get3A_586] : memref<1x1xf32, #tpu.memory_space<vmem>>, vector<1x1xf32>
    %get3A_588 = vector.extract %get3A_587[0, 0] : f32 from vector<1x1xf32>
    %mul3A_589 = arith.constant 1.000000e+02 : f32
    %mul3A_590 = arith.mulf %mul3A_589, %get3A_588 : f32
    %add3A_591 = vector.broadcast %mul3A_590 : f32 to vector<10x1xf32>
    %add3A_592 = arith.addf %broadcast_in_dim3A_584, %add3A_591 : vector<10x1xf32>
    %broadcast_in_dim3A_593 = vector.shape_cast %add3A_592 : vector<10x1xf32> to vector<10x1xf32>
    %broadcast_in_dim3A_594 = vector.broadcast %broadcast_in_dim3A_593 : vector<10x1xf32> to vector<10x128xf32>
    %broadcast_in_dim3A_595 = vector.shape_cast %broadcast_in_dim3A_594 : vector<10x128xf32> to vector<1x10x128xf32>
    %swap3A = arith.constant 0 : index
    %swap3A_596 = arith.constant 0 : index
    %swap3A_597 = arith.constant 0 : index
    %swap3A_598 = vector.load %arg17[%swap3A, %swap3A_596, %swap3A_597] : memref<1x10x128xf32, #tpu.memory_space<vmem>>, vector<1x10x128xf32>
    tpu.vector_store %arg17[%swap3A, %swap3A_596, %swap3A_597], %broadcast_in_dim3A_595 {strides = array<i32>} : memref<1x10x128xf32, #tpu.memory_space<vmem>>, vector<1x10x128xf32>,
    return
  }
  func.func @transform_0(%arg0: i32) -> (i32, i32) {
    %c0_i32 = arith.constant 0 : i32
    %c0_i32_0 = arith.constant 0 : i32
    return %arg0, %c0_i32 : i32, i32
  }
  func.func @transform_1(%arg0: i32) -> (i32, i32, i32) {
    %c0_i32 = arith.constant 0 : i32
    %c0_i32_0 = arith.constant 0 : i32
    %c0_i32_1 = arith.constant 0 : i32
    return %arg0, %c0_i32, %c0_i32_0 : i32, i32, i32
  }
  func.func @transform_2(%arg0: i32) -> (i32, i32) {
    %add3A = arith.constant 26 : i32
    %add3A_0 = arith.addi %arg0, %add3A : i32
    %c0_i32 = arith.constant 0 : i32
    %c0_i32_1 = arith.constant 0 : i32
    return %add3A_0, %c0_i32 : i32, i32
  }
  func.func @transform_3(%arg0: i32) -> (i32, i32) {
    %c0_i32 = arith.constant 0 : i32
    %c0_i32_0 = arith.constant 0 : i32
    %c0_i32_1 = arith.constant 0 : i32
    return %c0_i32, %c0_i32_0 : i32, i32
  }
  func.func @transform_4(%arg0: i32) -> (i32, i32) {
    %c0_i32 = arith.constant 0 : i32
    %c0_i32_0 = arith.constant 0 : i32
    %c0_i32_1 = arith.constant 0 : i32
    return %c0_i32, %c0_i32_0 : i32, i32
  }
  func.func @transform_5(%arg0: i32) -> (i32, i32) {
    %c0_i32 = arith.constant 0 : i32
    %c0_i32_0 = arith.constant 0 : i32
    %c0_i32_1 = arith.constant 0 : i32
    return %c0_i32, %c0_i32_0 : i32, i32
  }
  func.func @transform_6(%arg0: i32) -> (i32, i32) {
    %c0_i32 = arith.constant 0 : i32
    %c0_i32_0 = arith.constant 0 : i32
    %c0_i32_1 = arith.constant 0 : i32
    return %c0_i32, %c0_i32_0 : i32, i32
  }
  func.func @transform_7(%arg0: i32) -> (i32, i32) {
    %c0_i32 = arith.constant 0 : i32
    %c0_i32_0 = arith.constant 0 : i32
    %c0_i32_1 = arith.constant 0 : i32
    return %c0_i32, %c0_i32_0 : i32, i32
  }
  func.func @transform_8(%arg0: i32) -> (i32, i32) {
    %c0_i32 = arith.constant 0 : i32
    %c0_i32_0 = arith.constant 0 : i32
    %c0_i32_1 = arith.constant 0 : i32
    return %c0_i32, %c0_i32_0 : i32, i32
  }
  func.func @transform_9(%arg0: i32) -> (i32, i32) {
    %c0_i32 = arith.constant 0 : i32
    %c0_i32_0 = arith.constant 0 : i32
    %c0_i32_1 = arith.constant 0 : i32
    return %c0_i32, %c0_i32_0 : i32, i32
  }
  func.func @transform_10(%arg0: i32) -> (i32, i32) {
    %c0_i32 = arith.constant 0 : i32
    %c0_i32_0 = arith.constant 0 : i32
    %c0_i32_1 = arith.constant 0 : i32
    return %c0_i32, %c0_i32_0 : i32, i32
  }
  func.func @transform_11(%arg0: i32) -> (i32, i32) {
    %c0_i32 = arith.constant 0 : i32
    %c0_i32_0 = arith.constant 0 : i32
    %c0_i32_1 = arith.constant 0 : i32
    return %c0_i32, %c0_i32_0 : i32, i32
  }
  func.func @transform_12(%arg0: i32) -> (i32, i32) {
    %c0_i32 = arith.constant 0 : i32
    %c0_i32_0 = arith.constant 0 : i32
    %c0_i32_1 = arith.constant 0 : i32
    return %c0_i32, %c0_i32_0 : i32, i32
  }
  func.func @transform_13(%arg0: i32) -> (i32, i32) {
    %c0_i32 = arith.constant 0 : i32
    %c0_i32_0 = arith.constant 0 : i32
    %c0_i32_1 = arith.constant 0 : i32
    return %c0_i32, %c0_i32_0 : i32, i32
  }
  func.func @transform_14(%arg0: i32) -> (i32, i32) {
    %c0_i32 = arith.constant 0 : i32
    %c0_i32_0 = arith.constant 0 : i32
    %c0_i32_1 = arith.constant 0 : i32
    return %c0_i32, %c0_i32_0 : i32, i32
  }
  func.func @transform_15(%arg0: i32) -> (i32, i32) {
    %c0_i32 = arith.constant 0 : i32
    %c0_i32_0 = arith.constant 0 : i32
    %c0_i32_1 = arith.constant 0 : i32
    return %c0_i32, %c0_i32_0 : i32, i32
  }
  func.func @transform_16(%arg0: i32) -> (i32, i32, i32) {
    %c0_i32 = arith.constant 0 : i32
    %c0_i32_0 = arith.constant 0 : i32
    %c0_i32_1 = arith.constant 0 : i32
    return %arg0, %c0_i32, %c0_i32_0 : i32, i32, i32
  }
}

</mosaic_0001>

<sc_bundles>
// kernel: kernel.15.cloned.1.call-start
scs
__scs_entry_jumppad:
0x0: {  	(pc) =	sbr.rel $0x88, $3  }
0x1: {  	(tag) =	ssettag $0x0;
	lr =	simm.s32 $0x1  }
0x2: {  	[smem:$0x3F72] =	sst lr;
	_ =	strace $0xD0000000  }
0x3: {  	_ = 	snop  }
0x4: {  	_ = 	snop  }
0x5: {  	_ = 	snop  }
0x6: {  	_ = 	snop  }
0x7: {  	_ = 	snop  }
__scs_overlays_trampoline_lowered:
0x8: {  	[smem:$0x3F81] =	sst s0  }
0x9: {  	[smem:$0x3F82] =	sst s1  }
0xa: {  	[smem:$0x3F83] =	sst s2  }
0xb: {  	[smem:$0x3F84] =	sst s3  }
0xc: {  	[smem:$0x3F85] =	sst s4  }
0xd: {  	[smem:$0x3F86] =	sst s5  }
0xe: {  	[smem:$0x3F87] =	sst s6  }
0xf: {  	[smem:$0x3F88] =	sst s7  }
0x10: {  	[smem:$0x3F89] =	sst s8  }
0x11: {  	[smem:$0x3F8A] =	sst s9;
	s0 =	simm.s32 @!p0 $0x0  }
0x12: {  	s1 =	sld [smem:$0x3F70];
	s0 =	simm.s32 @p0 $0x1  }
0x13: {  	[smem:$0x3F8B] =	sst s0;
	s0 =	simm.s32 @!p1 $0x0  }
0x14: {  	s2 =	sld [smem:$0x3F6F];
	s0 =	simm.s32 @p1 $0x1  }
0x15: {  	[smem:$0x3F8C] =	sst s0;
	s0 =	simm.s32 @!p2 $0x0  }
0x16: {  	s3 =	sld [smem:$0x3FDB];
	s0 =	simm.s32 @p2 $0x1  }
0x17: {  	s4 =	simm.s32 $0x1BF5;
	[smem:$0x3F8E] =	sst s0  }
0x18: {  	s0 =	sld [smem:$0x3F71];
	_ =	swait.ge [sflag:s4], $0x0  }
0x19: {  	s7 =	sld [smem:$0x3F72]  }
0x1a: {  	s8 =	sadd.s32 $0xFFFFE003, lr  }
0x1b: {  	s9 =	sadd.s32 $0xFFFFFEF7, lr;
	s5 =	simm.s32 $0xFFFFFFFF;
	p2 =	slt.u32 s8, $0xFFFFF086  }
0x1c: {  	p1 =	slt.u32 s9, $0xF7A;
	s5 =	simm.s32 @!p2 $0x0  }
0x1d: {  	s5 =	simm.s32 @p1 $0x1;
	p0 =	seq.s32 s7, s2  }
0x1e: {  	s7 =	smul.u32 @!p0 $0xF7A, s2;
	p2 =	seq.s32 @!p0 s5, $0x0  }
0x1f: {  	s9 =	smul.u32 $0xF7A, s1;
	s8 =	simm.s32 @!p0 $0x1BF5;
	p2 =	por !p2, p0  }
0x20: {  	[sflag:s8] =	ssyncset.s32 @!p0 $0xFFFFF086;
	s6 =	sadd.s32 @!p0 s3, s7;
	s7 =	simm.s32 @!p0 $0x108  }
0x21: {  	s3 =	sadd.s32 s3, s9;
	s6 =	sadd.s32 @!p0 $0x88, s6;
	s7 =	simm.s32 @p2 $0x1082  }
0x22: {  	[simem:s7], [sflag:s8] =	dma.local @!p0 [hbm:s6], $0xF7A  }
0x23: {  	s9 =	sor.u32 $0xD0000000, s2;
	s6 =	simm.s32 $0x108;
	_ =	swait.ge @!p0 [sflag:s8], $0x0  }
0x24: {  	s3 =	sadd.s32 $0x88, s3;
	s6 =	simm.s32 @!p1 $0x1082;
	[sflag:s4] =	ssyncset.s32 $0xFFFFF086  }
0x25: {  	[simem:s6], [sflag:s4] =	dma.local [hbm:s3], $0xF7A  }
0x26: {  	[smem:$0x3F72] =	sst s1;
	(tag) =	ssettag s2;
	_ =	strace s9  }
0x27: {  	s1 =	sld [smem:$0x3F82]  }
0x28: {  	s2 =	sld [smem:$0x3F83]  }
0x29: {  	s4 =	sld [smem:$0x3F85]  }
0x2a: {  	p0 =	seq.s32 s5, $0x0;
	s5 =	sld [smem:$0x3F86]  }
0x2b: {  	s6 =	sld [smem:$0x3F87]  }
0x2c: {  	s7 =	sld [smem:$0x3F88]  }
0x2d: {  	s3 =	simm.s32 $0x108;
	s8 =	sld [smem:$0x3F89]  }
0x2e: {  	s3 =	simm.s32 @!p0 $0x1082;
	s9 =	sld [smem:$0x3F8A]  }
0x2f: {  	lr =	sadd.s32 s0, s3;
	s0 =	sld [smem:$0x3F81]  }
0x30: {  	s3 =	sld [smem:$0x3F84]  }
0x31: {  	[smem:$0x3F8D] =	sst s10  }
0x32: {  	s10 =	sld [smem:$0x3F8B];
	_ =	sdelay $0x3  }
0x33: {  	p0 =	seq.s32 s10, $0x1;
	s10 =	sld [smem:$0x3F8D];
	_ =	sdelay $0x3  }
0x34: {  	[smem:$0x3F8D] =	sst s10  }
0x35: {  	s10 =	sld [smem:$0x3F8C];
	_ =	sdelay $0x3  }
0x36: {  	p1 =	seq.s32 s10, $0x1;
	s10 =	sld [smem:$0x3F8D];
	_ =	sdelay $0x3  }
0x37: {  	[smem:$0x3F8D] =	sst s10  }
0x38: {  	s10 =	sld [smem:$0x3F8E]  }
0x39: {  	_ = 	snop;
	(pc) =	sbr.ind lr, $3  }
0x3a: {  	_ = 	snop  }
0x3b: {  	_ = 	snop  }
0x3c: {  	p2 =	seq.s32 s10, $0x1;
	s10 =	sld [smem:$0x3F8D]  }
0x3d: {  	_ =	shalt  }
0x3e: {  	_ =	shalt  }
0x3f: {  	_ =	shalt  }
0x40: {  	_ =	shalt  }
0x41: {  	_ =	shalt  }
0x42: {  	_ =	shalt  }
0x43: {  	_ =	shalt  }
0x44: {  	_ =	shalt  }
0x45: {  	_ =	shalt  }
0x46: {  	_ =	shalt  }
0x47: {  	_ =	shalt  }
0x48: {  	_ =	shalt  }
0x49: {  	_ =	shalt  }
0x4a: {  	_ =	shalt  }
0x4b: {  	_ =	shalt  }
0x4c: {  	_ =	shalt  }
0x4d: {  	_ =	shalt  }
0x4e: {  	_ =	shalt  }
0x4f: {  	_ =	shalt  }
0x50: {  	_ =	shalt  }
0x51: {  	_ =	shalt  }
0x52: {  	_ =	shalt  }
0x53: {  	_ =	shalt  }
0x54: {  	_ =	shalt  }
0x55: {  	_ =	shalt  }
0x56: {  	_ =	shalt  }
0x57: {  	_ =	shalt  }
0x58: {  	_ =	shalt  }
0x59: {  	_ =	shalt  }
0x5a: {  	_ =	shalt  }
0x5b: {  	_ =	shalt  }
0x5c: {  	_ =	shalt  }
0x5d: {  	_ =	shalt  }
0x5e: {  	_ =	shalt  }
0x5f: {  	_ =	shalt  }
0x60: {  	_ =	shalt  }
0x61: {  	_ =	shalt  }
0x62: {  	_ =	shalt  }
0x63: {  	_ =	shalt  }
0x64: {  	_ =	shalt  }
0x65: {  	_ =	shalt  }
0x66: {  	_ =	shalt  }
0x67: {  	_ =	shalt  }
0x68: {  	_ =	shalt  }
0x69: {  	_ =	shalt  }
0x6a: {  	_ =	shalt  }
0x6b: {  	_ =	shalt  }
0x6c: {  	_ =	shalt  }
0x6d: {  	_ =	shalt  }
0x6e: {  	_ =	shalt  }
0x6f: {  	_ =	shalt  }
0x70: {  	_ =	shalt  }
0x71: {  	_ =	shalt  }
0x72: {  	_ =	shalt  }
0x73: {  	_ =	shalt  }
0x74: {  	_ =	shalt  }
0x75: {  	_ =	shalt  }
0x76: {  	_ =	shalt  }
0x77: {  	_ =	shalt  }
0x78: {  	_ =	shalt  }
0x79: {  	_ =	shalt  }
0x7a: {  	_ =	shalt  }
0x7b: {  	_ =	shalt  }
0x7c: {  	_ =	shalt  }
0x7d: {  	_ =	shalt  }
0x7e: {  	_ =	shalt  }
0x7f: {  	_ =	shalt  }
0x80: {  	_ =	shalt  }
0x81: {  	_ =	shalt  }
0x82: {  	_ =	shalt  }
0x83: {  	_ =	shalt  }
0x84: {  	_ =	shalt  }
0x85: {  	_ =	shalt  }
0x86: {  	_ =	shalt  }
0x87: {  	_ =	shalt  }
.Lfunc_end0:
.L_simem_size_0:
called_computation_lowered:
.L_overlay_start_0:
0x88: {  	s2 =	sld [smem:$0x3FD9]  }
0x89: {  	s3 =	sld [smem:$0x3FFE];
	_ =	sdelay $0x1  }
0x8a: {  	s1 =	srdreg.scid  }
0x8b: {  	s0 =	sand.u32 $0x1, s1  }
0x8c: {  	s16 =	sshll.u32 s0, $0xA;
	s2 =	sadd.s32 s3, s2  }
0x8d: {  	s2 =	sadd.s32 s2, s16  }
0x8e: {  	[smem:$0x3F99] =	sst s2  }
0x8f: {  	_ = 	snop  }
0x90: {  	(tm) =	ssettm $0x1  }
0x91: {  	s17 =	sld [smem:$0x3FFB];
	_ =	sdelay $0x3  }
0x92: {  	_ =	strace s17  }
0x93: {  	s2 =	sld [smem:$0x3FFC];
	_ =	sdelay $0x3  }
0x94: {  	_ =	strace s2  }
0x95: {  	s2 =	sld [smem:$0x3FFD];
	_ =	sdelay $0x3  }
0x96: {  	_ =	strace s2  }
0x97: {  	_ =	strace $0x8FFFFFFF  }
0x98: {  	s18 =	sld [smem:$0x3FDB];
	_ =	sdelay $0x1  }
0x99: {  	s19 =	simm.s32 $_scs_section_size  }
0x9a: {  	s4 =	simm.s32 $_size__tile_overlayer_lowered;
	s5 =	simm.s32 $_tile_overlayer_lowered  }
0x9b: {  	s22 =	simm.s32 $0x1BFF;
	s21 =	sshll.u32 s5, $0x1;
	s2 =	sadd.s32 s19, s18  }
0x9c: {  	s6 =	simm.s32 $0x0;
	s20 =	sshll.u32 s4, $0x1;
	s4 =	sadd.s32 s21, s2  }
0x9d: {  	[timem:s6], [sflag:s22] =	dma.local [hbm:s4], s20  }
0x9e: {  	_ =	swait.ge [sflag:s22], s20  }
0x9f: {  	s3 =	ssub.s32 $0x0, s20;
	[sflag:s22] =	ssyncset.done $0x0  }
0xa0: {  	[sflag:s22] =	ssyncadd.s32 s3;
	_ =	sdelay $0x1  }
0xa1: {  	s23 =	simm.s32 $0x1B8B  }
0xa2: {  	_ =	swait.ge [sflag:s23], $0x1  }
0xa3: {  	[sflag:s23] =	ssyncset.done $0x0  }
0xa4: {  	s25 =	simm.s32 $0x1B8E;
	s24 =	sld [smem:$0x3FFE];
	[sflag:s23] =	ssyncadd.s32 $0xFFFFFFFF  }
0xa5: {  	s26 =	simm.s32 $execute0_lowered;
	[smem:$0x3FD2] =	sst s25  }
0xa6: {  	s4 =	sshll.u32 s26, $0x1;
	_ =	strace $0x80000046;
	[dreg:$0x1] =	wrdreg $0xFFFFFFFF  }
0xa7: {  	s28 =	simm.s32 $_size_execute0_lowered;
	s2 =	sadd.s32 s2, s4;
	[dreg:$0x0] =	wrdreg $0x0  }
0xa8: {  	s4 =	sshll.u32 s28, $0x1;
	[dreg:$0x2] =	wrdreg s2  }
0xa9: {  	[dreg:$0x3] =	wrdreg s4  }
0xaa: {  	[dreg:$0x4] =	wrdreg $0xC0  }
0xab: {  	_ =	task [dreg:s6], $0x5FFFF  }
0xac: {  	[dreg:$0x1] =	wrdreg $0xFFFFFFFF  }
0xad: {  	[dreg:$0x0] =	wrdreg $0x60  }
0xae: {  	[dreg:$0x2] =	wrdreg s24  }
0xaf: {  	[dreg:$0x3] =	wrdreg $0x9  }
0xb0: {  	_ =	task.clear_ibuf [dreg:s6], $0x4FFFF;
	_ =	strace $0x90000046  }
0xb1: {  	s29 =	simm.s32 $0x9;
	_ =	strace $0x80000048  }
0xb2: {  	_ =	swait.ge [sflag:s29], $0x1  }
0xb3: {  	[sflag:s29] =	ssyncadd.s32 $0xFFFFFFFF  }
0xb4: {  	_ =	strace $0x90000048  }
0xb5: {  	_ =	sfence  }
0xb6: {  	s30 =	sld [smem:$0x0];
	_ =	sdelay $0x2  }
0xb7: {  	s31 =	sshll.u32 s1, $0xD;
	s1 =	sshrl.u32 s1, $0x2  }
0xb8: {  	s3 =	sand.u32 $0x4000, s31;
	s1 =	sadd.s32 s1, s30  }
0xb9: {  	s0 =	sor.u32 s3, s0;
	s1 =	sshll.u32 s1, $0x11  }
0xba: {  	s0 =	sor.u32 s1, s0  }
0xbb: {  	s0 =	sadd.s32 $0x8F2B, s0  }
0xbc: {  	[sflag:s0] =	ssyncadd.remote.s32 $0x1  }
0xbd: {  	_ =	sfence.sel $0xFFFF  }
0xbe: {  	[dreg:$0x0] =	wrdreg $0xFFFFFFFF;
	(pc) =	sbr.abs _section_cstart, $3  }
0xbf: {  	[dreg:$0x1] =	wrdreg $0xFFFFFFFF  }
0xc0: {  	_ =	task.clear_ibuf [dreg:s6], $0x2FFFF;
	_ =	strace $0x9FFFFFFF  }
0xc1: {  	(tm) =	ssettm $0x7FFFFFFF  }
tec
execute0_lowered:
.L_overlay_start_1:
0x0: {  	(tag) =	ssettag $0x1  }
0x1: {  	s5 =	rddreg [dreg:$0x0]  }
0x2: {  	s0 =	rddreg [dreg:$0x1];
	s2 =	simm.s32 $0x0  }
0x3: {  	s3 =	srdreg.scid;
	s1 =	stileid.u32;
	s17 =	simm.s32 $0x3E8  }
0x4: {  	s18 =	simm.s32 $0x7D0;
	s19 =	simm.s32 $0x1;
	s20 =	simm.s32 $0x101D0  }
0x5: {  	s21 =	simm.s32 $0x2;
	s22 =	simm.s32 $0x3;
	s23 =	simm.s32 $0x0  }
0x6: {  	[smem:$0x7FF] =	sst s2;
	s6 =	sand.u32 $0x1, s3;
	s4 =	sshll.u32 s1, $0x1  }
0x7: {  	s3 =	sadd.s32 $0x1A8400, s5;
	s15 =	sadd.s32 $0x20A000, s5;
	s29 =	smul.u32 $0x6590, s1  }
0x8: {  	s7 =	ssub.s32 $0x2, s6;
	s8 =	sor.u32 s6, s4;
	s13 =	smul.u32 $0x32C8, s6  }
0x9: {  	_ =	strace $0x80000047;
	s9 =	sshrl.u32 s7, $0x1;
	s10 =	smul.u32 $0x32C8, s8  }
0xa: {  	s4 =	sadd.s32 $0x9000, s5;
	s25 =	smul.u32 $0x19640, s8;
	s11 =	ssub.s32 s7, s9  }
0xb: {  	s30 =	sadd.s32 s13, s29;
	s26 =	sshrl.u32 s10, $0x3;
	s28 =	sadd.s32 $0x3E8, s10  }
0xc: {  	s6 =	sadd.s32 s15, s25;
	s10 =	sadd.s32 $0x2EE0, s10;
	s13 =	sadd.s32 $0xBB8, s30  }
0xd: {  	s11 =	smax.u32 s11, $0x1;
	s5 =	sadd.s32 s4, s26;
	s12 =	sshrl.u32 s28, $0x3  }
0xe: {  	s8 =	sshll.u32 s28, $0x3;
	s31 =	sshrl.u32 s10, $0x3;
	s10 =	sshll.u32 s10, $0x3  }
0xf: {  	s14 =	sshrl.u32 s13, $0x3;
	s7 =	sadd.s32 s4, s12;
	s8 =	sadd.s32 s15, s8  }
0x10: {  	s9 =	sadd.s32 s4, s31;
	s10 =	sadd.s32 s15, s10;
	s12 =	sadd.s32 $0x7D0, s30  }
0x11: {  	s13 =	sshll.u32 s14, $0x6;
	s14 =	sadd.s32 s14, s4;
	s16 =	sshll.u32 s12, $0x3  }
0x12: {  	s13 =	sadd.s32 s13, s15;
	s15 =	sadd.s32 s16, s15;
	s16 =	simm.s32 $0x4  }
.LBB2_1:
0x13: {  	[tilespmem:s2], [sflag:$0x4] =	stream.linear.gather [hbm4b:s5+s2], $0x3E8, $0x38;
	[tilespmem:$0x1FBD0] =	vst v63  }
0x14: {  	_ =	swait.ge [sflag:s16], $0x3E8  }
0x15: {  	[sflag:s16] =	ssyncset.done $0x0  }
0x16: {  	[sflag:s16] =	ssyncadd.s32 $0xFFFFFC18  }
0x17: {  	[tilespmem:s18], [sflag:$0x1] =	stream.indirect.gather [hbm4b:s3+s17], $0x40, s2, s17, $0xb8;
	[tilespmem:$0x1FBD0] =	vst v63  }
0x18: {  	_ =	swait.ge [sflag:s19], $0xFA00  }
0x19: {  	[sflag:s19] =	ssyncset.done $0x0  }
0x1a: {  	[sflag:s19] =	ssyncadd.s32 $0xFFFF0600  }
0x1b: {  	[hbm4b:s6+s2] =	stream.linear.scatter [tilespmem:s18], [sflag:$0x2], $0xFA00, $0x38;
	[tilespmem:$0x1FBD0] =	vst v63  }
0x1c: {  	_ = 	snop  }
0x1d: {  	[tilespmem:s17], [sflag:$0x4] =	stream.linear.gather [hbm4b:s7+s2], $0x3E8, $0x38;
	[tilespmem:$0x1FBD0] =	vst v63  }
0x1e: {  	_ =	swait.ge [sflag:s16], $0x3E8  }
0x1f: {  	[sflag:s16] =	ssyncset.done $0x0  }
0x20: {  	[sflag:s16] =	ssyncadd.s32 $0xFFFFFC18  }
0x21: {  	[tilespmem:s20], [sflag:$0x1] =	stream.indirect.gather [hbm4b:s3+s17], $0x40, s17, s17, $0xb8;
	[tilespmem:$0x1FBD0] =	vst v63  }
0x22: {  	_ =	swait.ge [sflag:s19], $0xFA00  }
0x23: {  	[sflag:s19] =	ssyncset.done $0x0  }
0x24: {  	[sflag:s19] =	ssyncadd.s32 $0xFFFF0600  }
0x25: {  	[hbm4b:s8+s2] =	stream.linear.scatter [tilespmem:s20], [sflag:$0x3], $0xFA00, $0x38;
	[tilespmem:$0x1FBD0] =	vst v63  }
0x26: {  	_ =	swait.ge [sflag:s21], $0xFA00  }
0x27: {  	s24 =	sshrl.u32 s12, $0x3;
	[sflag:s21] =	ssyncset.done $0x0  }
0x28: {  	s24 =	sadd.s32 s4, s24;
	[sflag:s21] =	ssyncadd.s32 $0xFFFF0600  }
0x29: {  	[tilespmem:s2], [sflag:$0x4] =	stream.linear.gather [hbm4b:s24+s2], $0x3E8, $0x38;
	[tilespmem:$0x1FBD0] =	vst v63  }
0x2a: {  	_ =	swait.ge [sflag:s16], $0x3E8  }
0x2b: {  	[sflag:s16] =	ssyncset.done $0x0  }
0x2c: {  	[sflag:s16] =	ssyncadd.s32 $0xFFFFFC18  }
0x2d: {  	[tilespmem:s18], [sflag:$0x1] =	stream.indirect.gather [hbm4b:s3+s17], $0x40, s2, s17, $0xb8;
	[tilespmem:$0x1FBD0] =	vst v63  }
0x2e: {  	_ =	swait.ge [sflag:s19], $0xFA00  }
0x2f: {  	[sflag:s19] =	ssyncset.done $0x0  }
0x30: {  	s31 =	sadd.s32 $0x0, s15;
	[sflag:s19] =	ssyncadd.s32 $0xFFFF0600  }
0x31: {  	[hbm4b:s31+s2] =	stream.linear.scatter [tilespmem:s18], [sflag:$0x2], $0xFA00, $0x38;
	[tilespmem:$0x1FBD0] =	vst v63  }
0x32: {  	_ =	swait.ge [sflag:s22], $0xFA00  }
0x33: {  	[sflag:s22] =	ssyncset.done $0x0  }
0x34: {  	[sflag:s22] =	ssyncadd.s32 $0xFFFF0600  }
0x35: {  	[tilespmem:s17], [sflag:$0x4] =	stream.linear.gather [hbm4b:s14+s2], $0x3E8, $0x38;
	[tilespmem:$0x1FBD0] =	vst v63  }
0x36: {  	_ =	swait.ge [sflag:s16], $0x3E8  }
0x37: {  	[sflag:s16] =	ssyncset.done $0x0  }
0x38: {  	[sflag:s16] =	ssyncadd.s32 $0xFFFFFC18  }
0x39: {  	[tilespmem:s20], [sflag:$0x1] =	stream.indirect.gather [hbm4b:s3+s17], $0x40, s17, s17, $0xb8;
	[tilespmem:$0x1FBD0] =	vst v63  }
0x3a: {  	_ =	swait.ge [sflag:s19], $0xFA00  }
0x3b: {  	s25 =	sadd.s32 $0x7D0, s12;
	s28 =	sadd.s32 $0x0, s13;
	[sflag:s19] =	ssyncset.done $0x0  }
0x3c: {  	s26 =	sadd.s32 $0xFA, s14;
	s24 =	simm.s32 $0x3E80;
	[sflag:s19] =	ssyncadd.s32 $0xFFFF0600  }
.LBB2_2:
0x3d: {  	[hbm4b:s28+s2] =	stream.linear.scatter [tilespmem:s20], [sflag:$0x3], $0xFA00, $0x38;
	[tilespmem:$0x1FBD0] =	vst v63  }
0x3e: {  	s28 =	smov.u32 s24  }
0x3f: {  	p0 =	sne.s32 s24, $0xFA00;
	s24 =	sadd.s32 $0x3E80, s24;
	_ =	swait.ge [sflag:s21], $0xFA00  }
0x40: {  	s29 =	sshrl.u32 s25, $0x3;
	[sflag:s21] =	ssyncset.done $0x0  }
0x41: {  	s29 =	sadd.s32 s4, s29;
	[sflag:s21] =	ssyncadd.s32 $0xFFFF0600  }
0x42: {  	[tilespmem:s2], [sflag:$0x4] =	stream.linear.gather [hbm4b:s29+s2], $0x3E8, $0x38;
	[tilespmem:$0x1FBD0] =	vst v63  }
0x43: {  	_ =	swait.ge [sflag:s16], $0x3E8  }
0x44: {  	[sflag:s16] =	ssyncset.done $0x0  }
0x45: {  	[sflag:s16] =	ssyncadd.s32 $0xFFFFFC18  }
0x46: {  	[tilespmem:s18], [sflag:$0x1] =	stream.indirect.gather [hbm4b:s3+s17], $0x40, s2, s17, $0xb8;
	[tilespmem:$0x1FBD0] =	vst v63  }
0x47: {  	_ =	swait.ge [sflag:s19], $0xFA00  }
0x48: {  	[sflag:s19] =	ssyncset.done $0x0  }
0x49: {  	s29 =	sadd.s32 s28, s15;
	[sflag:s19] =	ssyncadd.s32 $0xFFFF0600  }
0x4a: {  	[hbm4b:s29+s2] =	stream.linear.scatter [tilespmem:s18], [sflag:$0x2], $0xFA00, $0x38;
	[tilespmem:$0x1FBD0] =	vst v63  }
0x4b: {  	_ =	swait.ge [sflag:s22], $0xFA00  }
0x4c: {  	[sflag:s22] =	ssyncset.done $0x0  }
0x4d: {  	[sflag:s22] =	ssyncadd.s32 $0xFFFF0600  }
0x4e: {  	[tilespmem:s17], [sflag:$0x4] =	stream.linear.gather [hbm4b:s26+s2], $0x3E8, $0x38;
	[tilespmem:$0x1FBD0] =	vst v63  }
0x4f: {  	_ =	swait.ge [sflag:s16], $0x3E8  }
0x50: {  	[sflag:s16] =	ssyncset.done $0x0  }
.Ltmp0:
0x51: {  	[sflag:s16] =	ssyncadd.s32 $0xFFFFFC18;
	(pc) =	sbr.rel @p0 .LBB2_2-.Ltmp0, $4  }
0x52: {  	[tilespmem:s20], [sflag:$0x1] =	stream.indirect.gather [hbm4b:s3+s17], $0x40, s17, s17, $0xb8;
	[tilespmem:$0x1FBD0] =	vst v63  }
0x53: {  	_ =	swait.ge [sflag:s19], $0xFA00  }
0x54: {  	s25 =	sadd.s32 $0x7D0, s25;
	[sflag:s19] =	ssyncset.done $0x0  }
0x55: {  	s28 =	sadd.s32 s28, s13;
	s26 =	sadd.s32 $0xFA, s26;
	[sflag:s19] =	ssyncadd.s32 $0xFFFF0600  }
0x56: {  	[hbm4b:s28+s2] =	stream.linear.scatter [tilespmem:s20], [sflag:$0x3], $0xFA00, $0x38;
	[tilespmem:$0x1FBD0] =	vst v63  }
0x57: {  	_ =	swait.ge [sflag:s21], $0xFA00  }
0x58: {  	[sflag:s21] =	ssyncset.done $0x0  }
0x59: {  	[sflag:s21] =	ssyncadd.s32 $0xFFFF0600  }
0x5a: {  	[tilespmem:s2], [sflag:$0x4] =	stream.linear.gather [hbm4b:s9+s2], $0x3E8, $0x38;
	[tilespmem:$0x1FBD0] =	vst v63  }
0x5b: {  	_ =	swait.ge [sflag:s16], $0x3E8  }
0x5c: {  	[sflag:s16] =	ssyncset.done $0x0  }
0x5d: {  	[sflag:s16] =	ssyncadd.s32 $0xFFFFFC18  }
0x5e: {  	[tilespmem:s18], [sflag:$0x1] =	stream.indirect.gather [hbm4b:s3+s17], $0x40, s2, s17, $0xb8;
	[tilespmem:$0x1FBD0] =	vst v63  }
0x5f: {  	_ =	swait.ge [sflag:s19], $0xFA00  }
0x60: {  	[sflag:s19] =	ssyncset.done $0x0  }
0x61: {  	s23 =	sadd.s32 $0x1, s23;
	[sflag:s19] =	ssyncadd.s32 $0xFFFF0600  }
0x62: {  	[hbm4b:s10+s2] =	stream.linear.scatter [tilespmem:s18], [sflag:$0x2], $0xFA00, $0x38;
	[tilespmem:$0x1FBD0] =	vst v63  }
0x63: {  	p0 =	sne.s32 s23, s11;
	_ =	swait.ge [sflag:s21], $0xFA00  }
.Ltmp1:
0x64: {  	[sflag:s21] =	ssyncset.done $0x0;
	(pc) =	sbr.rel @p0 .LBB2_1-.Ltmp1, $4  }
0x65: {  	[sflag:s21] =	ssyncadd.s32 $0xFFFF0600  }
0x66: {  	_ =	swait.ge [sflag:s22], $0xFA00  }
0x67: {  	[sflag:s22] =	ssyncset.done $0x0  }
0x68: {  	[sflag:s22] =	ssyncadd.s32 $0xFFFF0600  }
0x69: {  	_ =	sfence.sel $0x180000  }
0x6a: {  	[bflag:$0x0] =	sbarrier.arrive $0xFFFF  }
0x6b: {  	p0 =	sne.s32 s1, $0x0;
	_ =	strace $0x90000047  }
0x6c: {  	s0 =	sadd.s32 @!p0 $0x100000, s0;
	[bflag:$0x2] =	sbarrier.arrive $0xFFFF  }
0x6d: {  	[sflag:s0] =	ssyncadd.tile.s32 @!p0 $0x1;
	_ =	shalt  }
.Lfunc_end2:
_tile_overlayer_lowered:
.L_overlay_start_2:
0x6e: {  	(tag) =	ssettag $0x2  }
0x6f: {  	s0 =	rddreg [dreg:$0x0];
	s2 =	stileid.u32  }
0x70: {  	s1 =	rddreg [dreg:$0x1];
	p0 =	sne.s32 s2, $0x0  }
0x71: {  	s3 =	rddreg [dreg:$0x2];
	[bflag:$0x3] =	sbarrier.arrive $0xFFFF;
	s2 =	simm.s32 @!p0 $0x1C04  }
0x72: {  	[timem:s3], [sflag:s2] =	dma.local @!p0 [hbm:s0], s1  }
0x73: {  	s0 =	simm.s32 @!p0 $0x4  }
0x74: {  	_ =	swait.ge @!p0 [sflag:s0], s1  }
0x75: {  	s1 =	ssub.s32 @!p0 $0x0, s1;
	[sflag:s0] =	ssyncset.done @!p0 $0x0  }
0x76: {  	[sflag:s0] =	ssyncadd.s32 @!p0 s1  }
0x77: {  	[bflag:$0x3] =	sbarrier.arrive $0xFFFF  }
0x78: {  	_ =	shalt  }

// kernel: kernel.18.cloned.1.call-start
scs
__scs_entry_jumppad:
0x0: {  	(pc) =	sbr.rel $0x88, $3  }
0x1: {  	(tag) =	ssettag $0x0;
	lr =	simm.s32 $0x1  }
0x2: {  	[smem:$0x3F72] =	sst lr;
	_ =	strace $0xD0000000  }
0x3: {  	_ = 	snop  }
0x4: {  	_ = 	snop  }
0x5: {  	_ = 	snop  }
0x6: {  	_ = 	snop  }
0x7: {  	_ = 	snop  }
__scs_overlays_trampoline_lowered:
0x8: {  	[smem:$0x3F81] =	sst s0  }
0x9: {  	[smem:$0x3F82] =	sst s1  }
0xa: {  	[smem:$0x3F83] =	sst s2  }
0xb: {  	[smem:$0x3F84] =	sst s3  }
0xc: {  	[smem:$0x3F85] =	sst s4  }
0xd: {  	[smem:$0x3F86] =	sst s5  }
0xe: {  	[smem:$0x3F87] =	sst s6  }
0xf: {  	[smem:$0x3F88] =	sst s7  }
0x10: {  	[smem:$0x3F89] =	sst s8  }
0x11: {  	[smem:$0x3F8A] =	sst s9;
	s0 =	simm.s32 @!p0 $0x0  }
0x12: {  	s1 =	sld [smem:$0x3F70];
	s0 =	simm.s32 @p0 $0x1  }
0x13: {  	[smem:$0x3F8B] =	sst s0;
	s0 =	simm.s32 @!p1 $0x0  }
0x14: {  	s2 =	sld [smem:$0x3F6F];
	s0 =	simm.s32 @p1 $0x1  }
0x15: {  	[smem:$0x3F8C] =	sst s0;
	s0 =	simm.s32 @!p2 $0x0  }
0x16: {  	s3 =	sld [smem:$0x3FDB];
	s0 =	simm.s32 @p2 $0x1  }
0x17: {  	s4 =	simm.s32 $0x1BF5;
	[smem:$0x3F8E] =	sst s0  }
0x18: {  	s0 =	sld [smem:$0x3F71];
	_ =	swait.ge [sflag:s4], $0x0  }
0x19: {  	s7 =	sld [smem:$0x3F72]  }
0x1a: {  	s8 =	sadd.s32 $0xFFFFE003, lr  }
0x1b: {  	s9 =	sadd.s32 $0xFFFFFEF7, lr;
	s5 =	simm.s32 $0xFFFFFFFF;
	p2 =	slt.u32 s8, $0xFFFFF086  }
0x1c: {  	p1 =	slt.u32 s9, $0xF7A;
	s5 =	simm.s32 @!p2 $0x0  }
0x1d: {  	s5 =	simm.s32 @p1 $0x1;
	p0 =	seq.s32 s7, s2  }
0x1e: {  	s7 =	smul.u32 @!p0 $0xF7A, s2;
	p2 =	seq.s32 @!p0 s5, $0x0  }
0x1f: {  	s9 =	smul.u32 $0xF7A, s1;
	s8 =	simm.s32 @!p0 $0x1BF5;
	p2 =	por !p2, p0  }
0x20: {  	[sflag:s8] =	ssyncset.s32 @!p0 $0xFFFFF086;
	s6 =	sadd.s32 @!p0 s3, s7;
	s7 =	simm.s32 @!p0 $0x108  }
0x21: {  	s3 =	sadd.s32 s3, s9;
	s6 =	sadd.s32 @!p0 $0x88, s6;
	s7 =	simm.s32 @p2 $0x1082  }
0x22: {  	[simem:s7], [sflag:s8] =	dma.local @!p0 [hbm:s6], $0xF7A  }
0x23: {  	s9 =	sor.u32 $0xD0000000, s2;
	s6 =	simm.s32 $0x108;
	_ =	swait.ge @!p0 [sflag:s8], $0x0  }
0x24: {  	s3 =	sadd.s32 $0x88, s3;
	s6 =	simm.s32 @!p1 $0x1082;
	[sflag:s4] =	ssyncset.s32 $0xFFFFF086  }
0x25: {  	[simem:s6], [sflag:s4] =	dma.local [hbm:s3], $0xF7A  }
0x26: {  	[smem:$0x3F72] =	sst s1;
	(tag) =	ssettag s2;
	_ =	strace s9  }
0x27: {  	s1 =	sld [smem:$0x3F82]  }
0x28: {  	s2 =	sld [smem:$0x3F83]  }
0x29: {  	s4 =	sld [smem:$0x3F85]  }
0x2a: {  	p0 =	seq.s32 s5, $0x0;
	s5 =	sld [smem:$0x3F86]  }
0x2b: {  	s6 =	sld [smem:$0x3F87]  }
0x2c: {  	s7 =	sld [smem:$0x3F88]  }
0x2d: {  	s3 =	simm.s32 $0x108;
	s8 =	sld [smem:$0x3F89]  }
0x2e: {  	s3 =	simm.s32 @!p0 $0x1082;
	s9 =	sld [smem:$0x3F8A]  }
0x2f: {  	lr =	sadd.s32 s0, s3;
	s0 =	sld [smem:$0x3F81]  }
0x30: {  	s3 =	sld [smem:$0x3F84]  }
0x31: {  	[smem:$0x3F8D] =	sst s10  }
0x32: {  	s10 =	sld [smem:$0x3F8B];
	_ =	sdelay $0x3  }
0x33: {  	p0 =	seq.s32 s10, $0x1;
	s10 =	sld [smem:$0x3F8D];
	_ =	sdelay $0x3  }
0x34: {  	[smem:$0x3F8D] =	sst s10  }
0x35: {  	s10 =	sld [smem:$0x3F8C];
	_ =	sdelay $0x3  }
0x36: {  	p1 =	seq.s32 s10, $0x1;
	s10 =	sld [smem:$0x3F8D];
	_ =	sdelay $0x3  }
0x37: {  	[smem:$0x3F8D] =	sst s10  }
0x38: {  	s10 =	sld [smem:$0x3F8E]  }
0x39: {  	_ = 	snop;
	(pc) =	sbr.ind lr, $3  }
0x3a: {  	_ = 	snop  }
0x3b: {  	_ = 	snop  }
0x3c: {  	p2 =	seq.s32 s10, $0x1;
	s10 =	sld [smem:$0x3F8D]  }
0x3d: {  	_ =	shalt  }
0x3e: {  	_ =	shalt  }
0x3f: {  	_ =	shalt  }
0x40: {  	_ =	shalt  }
0x41: {  	_ =	shalt  }
0x42: {  	_ =	shalt  }
0x43: {  	_ =	shalt  }
0x44: {  	_ =	shalt  }
0x45: {  	_ =	shalt  }
0x46: {  	_ =	shalt  }
0x47: {  	_ =	shalt  }
0x48: {  	_ =	shalt  }
0x49: {  	_ =	shalt  }
0x4a: {  	_ =	shalt  }
0x4b: {  	_ =	shalt  }
0x4c: {  	_ =	shalt  }
0x4d: {  	_ =	shalt  }
0x4e: {  	_ =	shalt  }
0x4f: {  	_ =	shalt  }
0x50: {  	_ =	shalt  }
0x51: {  	_ =	shalt  }
0x52: {  	_ =	shalt  }
0x53: {  	_ =	shalt  }
0x54: {  	_ =	shalt  }
0x55: {  	_ =	shalt  }
0x56: {  	_ =	shalt  }
0x57: {  	_ =	shalt  }
0x58: {  	_ =	shalt  }
0x59: {  	_ =	shalt  }
0x5a: {  	_ =	shalt  }
0x5b: {  	_ =	shalt  }
0x5c: {  	_ =	shalt  }
0x5d: {  	_ =	shalt  }
0x5e: {  	_ =	shalt  }
0x5f: {  	_ =	shalt  }
0x60: {  	_ =	shalt  }
0x61: {  	_ =	shalt  }
0x62: {  	_ =	shalt  }
0x63: {  	_ =	shalt  }
0x64: {  	_ =	shalt  }
0x65: {  	_ =	shalt  }
0x66: {  	_ =	shalt  }
0x67: {  	_ =	shalt  }
0x68: {  	_ =	shalt  }
0x69: {  	_ =	shalt  }
0x6a: {  	_ =	shalt  }
0x6b: {  	_ =	shalt  }
0x6c: {  	_ =	shalt  }
0x6d: {  	_ =	shalt  }
0x6e: {  	_ =	shalt  }
0x6f: {  	_ =	shalt  }
0x70: {  	_ =	shalt  }
0x71: {  	_ =	shalt  }
0x72: {  	_ =	shalt  }
0x73: {  	_ =	shalt  }
0x74: {  	_ =	shalt  }
0x75: {  	_ =	shalt  }
0x76: {  	_ =	shalt  }
0x77: {  	_ =	shalt  }
0x78: {  	_ =	shalt  }
0x79: {  	_ =	shalt  }
0x7a: {  	_ =	shalt  }
0x7b: {  	_ =	shalt  }
0x7c: {  	_ =	shalt  }
0x7d: {  	_ =	shalt  }
0x7e: {  	_ =	shalt  }
0x7f: {  	_ =	shalt  }
0x80: {  	_ =	shalt  }
0x81: {  	_ =	shalt  }
0x82: {  	_ =	shalt  }
0x83: {  	_ =	shalt  }
0x84: {  	_ =	shalt  }
0x85: {  	_ =	shalt  }
0x86: {  	_ =	shalt  }
0x87: {  	_ =	shalt  }
.Lfunc_end0:
.L_simem_size_0:
called_computation.1_lowered:
.L_overlay_start_0:
0x88: {  	s2 =	sld [smem:$0x3FD9]  }
0x89: {  	s3 =	sld [smem:$0x3FFE];
	_ =	sdelay $0x1  }
0x8a: {  	s1 =	srdreg.scid  }
0x8b: {  	s0 =	sand.u32 $0x1, s1  }
0x8c: {  	s17 =	sshll.u32 s0, $0xA;
	s2 =	sadd.s32 s3, s2  }
0x8d: {  	s2 =	sadd.s32 s2, s17  }
0x8e: {  	[smem:$0x3F99] =	sst s2  }
0x8f: {  	_ = 	snop  }
0x90: {  	(tm) =	ssettm $0x1  }
0x91: {  	s18 =	sld [smem:$0x3FFB];
	_ =	sdelay $0x3  }
0x92: {  	_ =	strace s18  }
0x93: {  	s2 =	sld [smem:$0x3FFC];
	_ =	sdelay $0x3  }
0x94: {  	_ =	strace s2  }
0x95: {  	s2 =	sld [smem:$0x3FFD];
	_ =	sdelay $0x3  }
0x96: {  	_ =	strace s2  }
0x97: {  	_ =	strace $0x8FFFFFFF  }
0x98: {  	s19 =	sld [smem:$0x3FDB];
	_ =	sdelay $0x1  }
0x99: {  	s20 =	simm.s32 $_scs_section_size  }
0x9a: {  	s4 =	simm.s32 $_size__tile_overlayer_lowered;
	s5 =	simm.s32 $_tile_overlayer_lowered  }
0x9b: {  	s6 =	simm.s32 $0x1BFF;
	s21 =	sshll.u32 s5, $0x1;
	s3 =	sadd.s32 s20, s19  }
0x9c: {  	s22 =	simm.s32 $0x0;
	s4 =	sshll.u32 s4, $0x1;
	s5 =	sadd.s32 s21, s3  }
0x9d: {  	[timem:s22], [sflag:s6] =	dma.local [hbm:s5], s4  }
0x9e: {  	_ =	swait.ge [sflag:s6], s4  }
0x9f: {  	s4 =	ssub.s32 $0x0, s4;
	[sflag:s6] =	ssyncset.done $0x0  }
0xa0: {  	[sflag:s6] =	ssyncadd.s32 s4;
	_ =	sdelay $0x1  }
0xa1: {  	s23 =	simm.s32 $0x1B8B  }
0xa2: {  	_ =	swait.ge [sflag:s23], $0x1  }
0xa3: {  	[sflag:s23] =	ssyncset.done $0x0  }
0xa4: {  	[sflag:s23] =	ssyncadd.s32 $0xFFFFFFFF  }
0xa5: {  	s4 =	sld [smem:$0x0]  }
0xa6: {  	s5 =	sand.u32 $0xFFFFFFFE, s1  }
0xa7: {  	p0 =	sne.s32 s1, s5  }
0xa8: {  	s5 =	sshll.u32 @p0 s5, $0xE  }
0xa9: {  	s5 =	sadd.s32 @p0 $0x11B8D, s5;
	s6 =	sshll.u32 @p0 s4, $0x11  }
0xaa: {  	s5 =	sor.u32 @p0 s6, s5  }
0xab: {  	[sflag:s5] =	ssyncadd.remote.s32 @p0 $0x1;
	_ =	sdelay $0x1  }
0xac: {  	s5 =	simm.s32 @p0 $0x1B8D  }
0xad: {  	_ =	swait.eq @p0 [sflag:s5], $0x1  }
0xae: {  	[sflag:s5] =	ssyncadd.s32 @p0 $0xFFFFFFFF  }
0xaf: {  	s6 =	sshll.u32 @!p0 s1, $0xE  }
0xb0: {  	s6 =	sor.u32 @!p0 $0x4000, s6;
	s5 =	simm.s32 @!p0 $0x1B8D  }
0xb1: {  	s4 =	sshll.u32 @!p0 s4, $0x11;
	s6 =	sadd.s32 @!p0 $0x11B8D, s6;
	_ =	swait.eq @!p0 [sflag:s5], $0x1  }
0xb2: {  	s4 =	sor.u32 @!p0 s4, s6;
	[sflag:s5] =	ssyncadd.s32 @!p0 $0xFFFFFFFF  }
0xb3: {  	s25 =	simm.s32 $0x1B8E;
	s24 =	sld [smem:$0x3FFE];
	[sflag:s4] =	ssyncadd.remote.s32 @!p0 $0x1  }
0xb4: {  	s26 =	simm.s32 $execute0_lowered;
	[smem:$0x3FD2] =	sst s25  }
0xb5: {  	s5 =	sshll.u32 s26, $0x1;
	_ =	strace $0x80000049;
	[dreg:$0x1] =	wrdreg $0xFFFFFFFF  }
0xb6: {  	s28 =	simm.s32 $_size_execute0_lowered;
	s3 =	sadd.s32 s3, s5;
	[dreg:$0x0] =	wrdreg $0x0  }
0xb7: {  	s5 =	sshll.u32 s28, $0x1;
	[dreg:$0x2] =	wrdreg s3  }
0xb8: {  	[dreg:$0x3] =	wrdreg s5  }
0xb9: {  	[dreg:$0x4] =	wrdreg $0xC0  }
0xba: {  	_ =	task [dreg:s22], $0x5FFFF  }
0xbb: {  	[dreg:$0x1] =	wrdreg $0xFFFFFFFF  }
0xbc: {  	[dreg:$0x0] =	wrdreg $0x60  }
0xbd: {  	[dreg:$0x2] =	wrdreg s24  }
0xbe: {  	[dreg:$0x3] =	wrdreg $0xA  }
0xbf: {  	_ =	task.clear_ibuf [dreg:s22], $0x4FFFF;
	_ =	strace $0x90000049  }
0xc0: {  	s29 =	simm.s32 $0xA;
	_ =	strace $0x8000004B  }
0xc1: {  	_ =	swait.ge [sflag:s29], $0x1  }
0xc2: {  	[sflag:s29] =	ssyncadd.s32 $0xFFFFFFFF  }
0xc3: {  	_ =	strace $0x9000004B  }
0xc4: {  	_ =	sfence  }
0xc5: {  	s30 =	sld [smem:$0x0];
	_ =	sdelay $0x2  }
0xc6: {  	s31 =	sshll.u32 s1, $0xD;
	s1 =	sshrl.u32 s1, $0x2  }
0xc7: {  	s4 =	sand.u32 $0x4000, s31;
	s1 =	sadd.s32 s1, s30  }
0xc8: {  	s0 =	sor.u32 s4, s0;
	s1 =	sshll.u32 s1, $0x11  }
0xc9: {  	s0 =	sor.u32 s1, s0  }
0xca: {  	s0 =	sadd.s32 $0x8F2B, s0  }
0xcb: {  	[sflag:s0] =	ssyncadd.remote.s32 $0x1  }
0xcc: {  	_ =	sfence.sel $0xFFFF  }
0xcd: {  	[dreg:$0x0] =	wrdreg $0xFFFFFFFF;
	(pc) =	sbr.abs _section_cstart, $3  }
0xce: {  	[dreg:$0x1] =	wrdreg $0xFFFFFFFF  }
0xcf: {  	_ =	task.clear_ibuf [dreg:s22], $0x2FFFF;
	_ =	strace $0x9FFFFFFF  }
0xd0: {  	(tm) =	ssettm $0x7FFFFFFF  }
0xd1: {  	_ =	shalt  }
tec
execute0_lowered:
.L_overlay_start_1:
0x0: {  	(tag) =	ssettag $0x1  }
0x1: {  	s4 =	rddreg [dreg:$0x0]  }
0x2: {  	s0 =	rddreg [dreg:$0x1];
	s2 =	simm.s32 $0x0  }
0x3: {  	s3 =	srdreg.scid;
	s1 =	stileid.u32;
	s14 =	simm.s32 $0x3E8  }
0x4: {  	s15 =	simm.s32 $0x7D0;
	s16 =	simm.s32 $0x1;
	s17 =	simm.s32 $0x101D0  }
0x5: {  	s18 =	simm.s32 $0x2;
	s19 =	simm.s32 $0x3;
	s20 =	simm.s32 $0x0  }
0x6: {  	s5 =	sand.u32 $0x1, s3;
	s26 =	sshll.u32 s1, $0x1;
	s13 =	smul.u32 $0x5DC0, s1  }
0x7: {  	[smem:$0x7FF] =	sst s2;
	s6 =	sor.u32 s5, s26;
	s29 =	smul.u32 $0x2EE0, s5  }
0x8: {  	s3 =	sadd.s32 $0x1A8400, s4;
	s12 =	sadd.s32 $0x9000, s4;
	s7 =	smul.u32 $0x2EE0, s6  }
0x9: {  	s10 =	sadd.s32 $0x536800, s4;
	s28 =	ssub.s32 $0x2, s5;
	s8 =	smul.u32 $0x17700, s6  }
0xa: {  	_ =	strace $0x8000004A;
	s6 =	smul.u32 $0xBB800, s6;
	s11 =	sshrl.u32 s28, $0x1  }
0xb: {  	s11 =	ssub.s32 s28, s11;
	s13 =	sadd.s32 s29, s13;
	s9 =	sshrl.u32 s7, $0x3  }
0xc: {  	s5 =	sadd.s32 s10, s8;
	s7 =	sadd.s32 $0x65CE8, s7;
	s6 =	sshrl.u32 s6, $0x3  }
0xd: {  	s8 =	smax.u32 s11, $0x1;
	s31 =	sshll.u32 s13, $0x3;
	s9 =	sadd.s32 s12, s9  }
0xe: {  	s7 =	sshrl.u32 s7, $0x3;
	s30 =	sadd.s32 s10, s6;
	s11 =	sadd.s32 s10, s31  }
0xf: {  	s4 =	sadd.s32 $0xCB20, s9;
	s6 =	sadd.s32 s12, s7;
	s7 =	sadd.s32 $0x1F40, s30  }
0x10: {  	s9 =	sadd.s32 $0x664B8, s13;
	s13 =	sadd.s32 $0x660D0, s13;
	s10 =	sadd.s32 $0x5DC0, s11  }
0x11: {  	s11 =	sadd.s32 $0x3E80, s11;
	s9 =	sshrl.u32 s9, $0x3;
	s13 =	sshrl.u32 s13, $0x3  }
0x12: {  	s9 =	sadd.s32 s9, s12;
	s12 =	sadd.s32 s13, s12;
	s13 =	simm.s32 $0x4  }
.LBB2_1:
0x13: {  	[tilespmem:s2], [sflag:$0x4] =	stream.linear.gather [hbm4b:s4+s2], $0x3E8, $0x38;
	[tilespmem:$0x1FBD0] =	vst v63  }
0x14: {  	_ =	swait.ge [sflag:s13], $0x3E8  }
0x15: {  	[sflag:s13] =	ssyncset.done $0x0  }
0x16: {  	[sflag:s13] =	ssyncadd.s32 $0xFFFFFC18  }
0x17: {  	[tilespmem:s15], [sflag:$0x1] =	stream.indirect.gather [hbm4b:s3+s14], $0x40, s2, s14, $0xb8;
	[tilespmem:$0x1FBD0] =	vst v63  }
0x18: {  	_ =	swait.ge [sflag:s16], $0xFA00  }
0x19: {  	[sflag:s16] =	ssyncset.done $0x0  }
0x1a: {  	[sflag:s16] =	ssyncadd.s32 $0xFFFF0600  }
0x1b: {  	[hbm4b:s5+s2] =	stream.linear.scatter [tilespmem:s15], [sflag:$0x2], $0xFA00, $0x38;
	[tilespmem:$0x1FBD0] =	vst v63  }
0x1c: {  	_ = 	snop  }
0x1d: {  	[tilespmem:s14], [sflag:$0x4] =	stream.linear.gather [hbm4b:s6+s2], $0x3E8, $0x38;
	[tilespmem:$0x1FBD0] =	vst v63  }
0x1e: {  	_ =	swait.ge [sflag:s13], $0x3E8  }
0x1f: {  	[sflag:s13] =	ssyncset.done $0x0  }
0x20: {  	[sflag:s13] =	ssyncadd.s32 $0xFFFFFC18  }
0x21: {  	[tilespmem:s17], [sflag:$0x1] =	stream.indirect.gather [hbm4b:s3+s14], $0x40, s14, s14, $0xb8;
	[tilespmem:$0x1FBD0] =	vst v63  }
0x22: {  	_ =	swait.ge [sflag:s16], $0xFA00  }
0x23: {  	[sflag:s16] =	ssyncset.done $0x0  }
0x24: {  	[sflag:s16] =	ssyncadd.s32 $0xFFFF0600  }
0x25: {  	[hbm4b:s7+s2] =	stream.linear.scatter [tilespmem:s17], [sflag:$0x3], $0xFA00, $0x38;
	[tilespmem:$0x1FBD0] =	vst v63  }
0x26: {  	_ =	swait.ge [sflag:s18], $0xFA00  }
0x27: {  	[sflag:s18] =	ssyncset.done $0x0  }
0x28: {  	s21 =	sadd.s32 $0x0, s12;
	[sflag:s18] =	ssyncadd.s32 $0xFFFF0600  }
0x29: {  	[tilespmem:s2], [sflag:$0x4] =	stream.linear.gather [hbm4b:s21+s2], $0x3E8, $0x38;
	[tilespmem:$0x1FBD0] =	vst v63  }
0x2a: {  	_ =	swait.ge [sflag:s13], $0x3E8  }
0x2b: {  	[sflag:s13] =	ssyncset.done $0x0  }
0x2c: {  	[sflag:s13] =	ssyncadd.s32 $0xFFFFFC18  }
0x2d: {  	[tilespmem:s15], [sflag:$0x1] =	stream.indirect.gather [hbm4b:s3+s14], $0x40, s2, s14, $0xb8;
	[tilespmem:$0x1FBD0] =	vst v63  }
0x2e: {  	_ =	swait.ge [sflag:s16], $0xFA00  }
0x2f: {  	[sflag:s16] =	ssyncset.done $0x0  }
0x30: {  	[sflag:s16] =	ssyncadd.s32 $0xFFFF0600  }
0x31: {  	[hbm4b:s11+s2] =	stream.linear.scatter [tilespmem:s15], [sflag:$0x2], $0xFA00, $0x38;
	[tilespmem:$0x1FBD0] =	vst v63  }
0x32: {  	_ =	swait.ge [sflag:s19], $0xFA00  }
0x33: {  	[sflag:s19] =	ssyncset.done $0x0  }
0x34: {  	s31 =	sadd.s32 $0x0, s9;
	[sflag:s19] =	ssyncadd.s32 $0xFFFF0600  }
0x35: {  	[tilespmem:s14], [sflag:$0x4] =	stream.linear.gather [hbm4b:s31+s2], $0x3E8, $0x38;
	[tilespmem:$0x1FBD0] =	vst v63  }
0x36: {  	_ =	swait.ge [sflag:s13], $0x3E8  }
0x37: {  	[sflag:s13] =	ssyncset.done $0x0  }
0x38: {  	[sflag:s13] =	ssyncadd.s32 $0xFFFFFC18  }
0x39: {  	[tilespmem:s17], [sflag:$0x1] =	stream.indirect.gather [hbm4b:s3+s14], $0x40, s14, s14, $0xb8;
	[tilespmem:$0x1FBD0] =	vst v63  }
0x3a: {  	_ =	swait.ge [sflag:s16], $0xFA00  }
0x3b: {  	s22 =	sadd.s32 $0x3E80, s10;
	s23 =	sadd.s32 $0x3E80, s11;
	[sflag:s16] =	ssyncset.done $0x0  }
0x3c: {  	s24 =	smov.u32 s10;
	s21 =	simm.s32 $0xFA;
	[sflag:s16] =	ssyncadd.s32 $0xFFFF0600  }
.LBB2_2:
0x3d: {  	[hbm4b:s24+s2] =	stream.linear.scatter [tilespmem:s17], [sflag:$0x3], $0xFA00, $0x38;
	[tilespmem:$0x1FBD0] =	vst v63  }
0x3e: {  	s25 =	smov.u32 s21;
	s24 =	smov.u32 s22  }
0x3f: {  	p0 =	sne.s32 s21, $0x3E8;
	s21 =	sadd.s32 $0xFA, s21;
	_ =	swait.ge [sflag:s18], $0xFA00  }
0x40: {  	[sflag:s18] =	ssyncset.done $0x0  }
0x41: {  	s26 =	sadd.s32 s25, s12;
	[sflag:s18] =	ssyncadd.s32 $0xFFFF0600  }
0x42: {  	[tilespmem:s2], [sflag:$0x4] =	stream.linear.gather [hbm4b:s26+s2], $0x3E8, $0x38;
	[tilespmem:$0x1FBD0] =	vst v63  }
0x43: {  	_ =	swait.ge [sflag:s13], $0x3E8  }
0x44: {  	[sflag:s13] =	ssyncset.done $0x0  }
0x45: {  	[sflag:s13] =	ssyncadd.s32 $0xFFFFFC18  }
0x46: {  	[tilespmem:s15], [sflag:$0x1] =	stream.indirect.gather [hbm4b:s3+s14], $0x40, s2, s14, $0xb8;
	[tilespmem:$0x1FBD0] =	vst v63  }
0x47: {  	_ =	swait.ge [sflag:s16], $0xFA00  }
0x48: {  	[sflag:s16] =	ssyncset.done $0x0  }
0x49: {  	[sflag:s16] =	ssyncadd.s32 $0xFFFF0600  }
0x4a: {  	[hbm4b:s23+s2] =	stream.linear.scatter [tilespmem:s15], [sflag:$0x2], $0xFA00, $0x38;
	[tilespmem:$0x1FBD0] =	vst v63  }
0x4b: {  	_ =	swait.ge [sflag:s19], $0xFA00  }
0x4c: {  	[sflag:s19] =	ssyncset.done $0x0  }
0x4d: {  	s25 =	sadd.s32 s25, s9;
	[sflag:s19] =	ssyncadd.s32 $0xFFFF0600  }
0x4e: {  	[tilespmem:s14], [sflag:$0x4] =	stream.linear.gather [hbm4b:s25+s2], $0x3E8, $0x38;
	[tilespmem:$0x1FBD0] =	vst v63  }
0x4f: {  	_ =	swait.ge [sflag:s13], $0x3E8  }
0x50: {  	[sflag:s13] =	ssyncset.done $0x0  }
.Ltmp0:
0x51: {  	[sflag:s13] =	ssyncadd.s32 $0xFFFFFC18;
	(pc) =	sbr.rel @p0 .LBB2_2-.Ltmp0, $4  }
0x52: {  	[tilespmem:s17], [sflag:$0x1] =	stream.indirect.gather [hbm4b:s3+s14], $0x40, s14, s14, $0xb8;
	[tilespmem:$0x1FBD0] =	vst v63  }
0x53: {  	_ =	swait.ge [sflag:s16], $0xFA00  }
0x54: {  	[sflag:s16] =	ssyncset.done $0x0  }
0x55: {  	s22 =	sadd.s32 $0x3E80, s22;
	s23 =	sadd.s32 $0x3E80, s23;
	[sflag:s16] =	ssyncadd.s32 $0xFFFF0600  }
0x56: {  	[hbm4b:s24+s2] =	stream.linear.scatter [tilespmem:s17], [sflag:$0x3], $0xFA00, $0x38;
	[tilespmem:$0x1FBD0] =	vst v63  }
0x57: {  	s20 =	sadd.s32 $0x1, s20  }
0x58: {  	_ =	swait.ge [sflag:s18], $0xFA00;
	p0 =	sne.s32 s20, s8  }
.Ltmp1:
0x59: {  	[sflag:s18] =	ssyncset.done $0x0;
	(pc) =	sbr.rel @p0 .LBB2_1-.Ltmp1, $4  }
0x5a: {  	[sflag:s18] =	ssyncadd.s32 $0xFFFF0600  }
0x5b: {  	_ =	swait.ge [sflag:s19], $0xFA00  }
0x5c: {  	[sflag:s19] =	ssyncset.done $0x0  }
0x5d: {  	[sflag:s19] =	ssyncadd.s32 $0xFFFF0600  }
0x5e: {  	_ =	sfence.sel $0x180000  }
0x5f: {  	[bflag:$0x0] =	sbarrier.arrive $0xFFFF  }
0x60: {  	p0 =	sne.s32 s1, $0x0;
	_ =	strace $0x9000004A  }
0x61: {  	s0 =	sadd.s32 @!p0 $0x100000, s0;
	[bflag:$0x2] =	sbarrier.arrive $0xFFFF  }
0x62: {  	[sflag:s0] =	ssyncadd.tile.s32 @!p0 $0x1;
	_ =	shalt  }
.Lfunc_end2:
_tile_overlayer_lowered:
.L_overlay_start_2:
0x63: {  	(tag) =	ssettag $0x2  }
0x64: {  	s0 =	rddreg [dreg:$0x0];
	s2 =	stileid.u32  }
0x65: {  	s1 =	rddreg [dreg:$0x1];
	p0 =	sne.s32 s2, $0x0  }
0x66: {  	s3 =	rddreg [dreg:$0x2];
	[bflag:$0x3] =	sbarrier.arrive $0xFFFF;
	s2 =	simm.s32 @!p0 $0x1C04  }
0x67: {  	[timem:s3], [sflag:s2] =	dma.local @!p0 [hbm:s0], s1  }
0x68: {  	s0 =	simm.s32 @!p0 $0x4  }
0x69: {  	_ =	swait.ge @!p0 [sflag:s0], s1  }
0x6a: {  	s1 =	ssub.s32 @!p0 $0x0, s1;
	[sflag:s0] =	ssyncset.done @!p0 $0x0  }
0x6b: {  	[sflag:s0] =	ssyncadd.s32 @!p0 s1  }
0x6c: {  	[bflag:$0x3] =	sbarrier.arrive $0xFFFF  }
0x6d: {  	_ =	shalt  }

// kernel: kernel.21.cloned.1.call-start
scs
__scs_entry_jumppad:
0x0: {  	(pc) =	sbr.rel $0x88, $3  }
0x1: {  	(tag) =	ssettag $0x0;
	lr =	simm.s32 $0x1  }
0x2: {  	[smem:$0x3F72] =	sst lr;
	_ =	strace $0xD0000000  }
0x3: {  	_ = 	snop  }
0x4: {  	_ = 	snop  }
0x5: {  	_ = 	snop  }
0x6: {  	_ = 	snop  }
0x7: {  	_ = 	snop  }
__scs_overlays_trampoline_lowered:
0x8: {  	[smem:$0x3F81] =	sst s0  }
0x9: {  	[smem:$0x3F82] =	sst s1  }
0xa: {  	[smem:$0x3F83] =	sst s2  }
0xb: {  	[smem:$0x3F84] =	sst s3  }
0xc: {  	[smem:$0x3F85] =	sst s4  }
0xd: {  	[smem:$0x3F86] =	sst s5  }
0xe: {  	[smem:$0x3F87] =	sst s6  }
0xf: {  	[smem:$0x3F88] =	sst s7  }
0x10: {  	[smem:$0x3F89] =	sst s8  }
0x11: {  	[smem:$0x3F8A] =	sst s9;
	s0 =	simm.s32 @!p0 $0x0  }
0x12: {  	s1 =	sld [smem:$0x3F70];
	s0 =	simm.s32 @p0 $0x1  }
0x13: {  	[smem:$0x3F8B] =	sst s0;
	s0 =	simm.s32 @!p1 $0x0  }
0x14: {  	s2 =	sld [smem:$0x3F6F];
	s0 =	simm.s32 @p1 $0x1  }
0x15: {  	[smem:$0x3F8C] =	sst s0;
	s0 =	simm.s32 @!p2 $0x0  }
0x16: {  	s3 =	sld [smem:$0x3FDB];
	s0 =	simm.s32 @p2 $0x1  }
0x17: {  	s4 =	simm.s32 $0x1BF5;
	[smem:$0x3F8E] =	sst s0  }
0x18: {  	s0 =	sld [smem:$0x3F71];
	_ =	swait.ge [sflag:s4], $0x0  }
0x19: {  	s7 =	sld [smem:$0x3F72]  }
0x1a: {  	s8 =	sadd.s32 $0xFFFFE003, lr  }
0x1b: {  	s9 =	sadd.s32 $0xFFFFFEF7, lr;
	s5 =	simm.s32 $0xFFFFFFFF;
	p2 =	slt.u32 s8, $0xFFFFF086  }
0x1c: {  	p1 =	slt.u32 s9, $0xF7A;
	s5 =	simm.s32 @!p2 $0x0  }
0x1d: {  	s5 =	simm.s32 @p1 $0x1;
	p0 =	seq.s32 s7, s2  }
0x1e: {  	s7 =	smul.u32 @!p0 $0xF7A, s2;
	p2 =	seq.s32 @!p0 s5, $0x0  }
0x1f: {  	s9 =	smul.u32 $0xF7A, s1;
	s8 =	simm.s32 @!p0 $0x1BF5;
	p2 =	por !p2, p0  }
0x20: {  	[sflag:s8] =	ssyncset.s32 @!p0 $0xFFFFF086;
	s6 =	sadd.s32 @!p0 s3, s7;
	s7 =	simm.s32 @!p0 $0x108  }
0x21: {  	s3 =	sadd.s32 s3, s9;
	s6 =	sadd.s32 @!p0 $0x88, s6;
	s7 =	simm.s32 @p2 $0x1082  }
0x22: {  	[simem:s7], [sflag:s8] =	dma.local @!p0 [hbm:s6], $0xF7A  }
0x23: {  	s9 =	sor.u32 $0xD0000000, s2;
	s6 =	simm.s32 $0x108;
	_ =	swait.ge @!p0 [sflag:s8], $0x0  }
0x24: {  	s3 =	sadd.s32 $0x88, s3;
	s6 =	simm.s32 @!p1 $0x1082;
	[sflag:s4] =	ssyncset.s32 $0xFFFFF086  }
0x25: {  	[simem:s6], [sflag:s4] =	dma.local [hbm:s3], $0xF7A  }
0x26: {  	[smem:$0x3F72] =	sst s1;
	(tag) =	ssettag s2;
	_ =	strace s9  }
0x27: {  	s1 =	sld [smem:$0x3F82]  }
0x28: {  	s2 =	sld [smem:$0x3F83]  }
0x29: {  	s4 =	sld [smem:$0x3F85]  }
0x2a: {  	p0 =	seq.s32 s5, $0x0;
	s5 =	sld [smem:$0x3F86]  }
0x2b: {  	s6 =	sld [smem:$0x3F87]  }
0x2c: {  	s7 =	sld [smem:$0x3F88]  }
0x2d: {  	s3 =	simm.s32 $0x108;
	s8 =	sld [smem:$0x3F89]  }
0x2e: {  	s3 =	simm.s32 @!p0 $0x1082;
	s9 =	sld [smem:$0x3F8A]  }
0x2f: {  	lr =	sadd.s32 s0, s3;
	s0 =	sld [smem:$0x3F81]  }
0x30: {  	s3 =	sld [smem:$0x3F84]  }
0x31: {  	[smem:$0x3F8D] =	sst s10  }
0x32: {  	s10 =	sld [smem:$0x3F8B];
	_ =	sdelay $0x3  }
0x33: {  	p0 =	seq.s32 s10, $0x1;
	s10 =	sld [smem:$0x3F8D];
	_ =	sdelay $0x3  }
0x34: {  	[smem:$0x3F8D] =	sst s10  }
0x35: {  	s10 =	sld [smem:$0x3F8C];
	_ =	sdelay $0x3  }
0x36: {  	p1 =	seq.s32 s10, $0x1;
	s10 =	sld [smem:$0x3F8D];
	_ =	sdelay $0x3  }
0x37: {  	[smem:$0x3F8D] =	sst s10  }
0x38: {  	s10 =	sld [smem:$0x3F8E]  }
0x39: {  	_ = 	snop;
	(pc) =	sbr.ind lr, $3  }
0x3a: {  	_ = 	snop  }
0x3b: {  	_ = 	snop  }
0x3c: {  	p2 =	seq.s32 s10, $0x1;
	s10 =	sld [smem:$0x3F8D]  }
0x3d: {  	_ =	shalt  }
0x3e: {  	_ =	shalt  }
0x3f: {  	_ =	shalt  }
0x40: {  	_ =	shalt  }
0x41: {  	_ =	shalt  }
0x42: {  	_ =	shalt  }
0x43: {  	_ =	shalt  }
0x44: {  	_ =	shalt  }
0x45: {  	_ =	shalt  }
0x46: {  	_ =	shalt  }
0x47: {  	_ =	shalt  }
0x48: {  	_ =	shalt  }
0x49: {  	_ =	shalt  }
0x4a: {  	_ =	shalt  }
0x4b: {  	_ =	shalt  }
0x4c: {  	_ =	shalt  }
0x4d: {  	_ =	shalt  }
0x4e: {  	_ =	shalt  }
0x4f: {  	_ =	shalt  }
0x50: {  	_ =	shalt  }
0x51: {  	_ =	shalt  }
0x52: {  	_ =	shalt  }
0x53: {  	_ =	shalt  }
0x54: {  	_ =	shalt  }
0x55: {  	_ =	shalt  }
0x56: {  	_ =	shalt  }
0x57: {  	_ =	shalt  }
0x58: {  	_ =	shalt  }
0x59: {  	_ =	shalt  }
0x5a: {  	_ =	shalt  }
0x5b: {  	_ =	shalt  }
0x5c: {  	_ =	shalt  }
0x5d: {  	_ =	shalt  }
0x5e: {  	_ =	shalt  }
0x5f: {  	_ =	shalt  }
0x60: {  	_ =	shalt  }
0x61: {  	_ =	shalt  }
0x62: {  	_ =	shalt  }
0x63: {  	_ =	shalt  }
0x64: {  	_ =	shalt  }
0x65: {  	_ =	shalt  }
0x66: {  	_ =	shalt  }
0x67: {  	_ =	shalt  }
0x68: {  	_ =	shalt  }
0x69: {  	_ =	shalt  }
0x6a: {  	_ =	shalt  }
0x6b: {  	_ =	shalt  }
0x6c: {  	_ =	shalt  }
0x6d: {  	_ =	shalt  }
0x6e: {  	_ =	shalt  }
0x6f: {  	_ =	shalt  }
0x70: {  	_ =	shalt  }
0x71: {  	_ =	shalt  }
0x72: {  	_ =	shalt  }
0x73: {  	_ =	shalt  }
0x74: {  	_ =	shalt  }
0x75: {  	_ =	shalt  }
0x76: {  	_ =	shalt  }
0x77: {  	_ =	shalt  }
0x78: {  	_ =	shalt  }
0x79: {  	_ =	shalt  }
0x7a: {  	_ =	shalt  }
0x7b: {  	_ =	shalt  }
0x7c: {  	_ =	shalt  }
0x7d: {  	_ =	shalt  }
0x7e: {  	_ =	shalt  }
0x7f: {  	_ =	shalt  }
0x80: {  	_ =	shalt  }
0x81: {  	_ =	shalt  }
0x82: {  	_ =	shalt  }
0x83: {  	_ =	shalt  }
0x84: {  	_ =	shalt  }
0x85: {  	_ =	shalt  }
0x86: {  	_ =	shalt  }
0x87: {  	_ =	shalt  }
.Lfunc_end0:
.L_simem_size_0:
called_computation.2_lowered:
.L_overlay_start_0:
0x88: {  	s2 =	sld [smem:$0x3FD9]  }
0x89: {  	s3 =	sld [smem:$0x3FFE];
	_ =	sdelay $0x1  }
0x8a: {  	s1 =	srdreg.scid  }
0x8b: {  	s0 =	sand.u32 $0x1, s1  }
0x8c: {  	s16 =	sshll.u32 s0, $0xA;
	s2 =	sadd.s32 s3, s2  }
0x8d: {  	s2 =	sadd.s32 s2, s16  }
0x8e: {  	[smem:$0x3F99] =	sst s2  }
0x8f: {  	_ = 	snop  }
0x90: {  	(tm) =	ssettm $0x1  }
0x91: {  	s17 =	sld [smem:$0x3FFB];
	_ =	sdelay $0x3  }
0x92: {  	_ =	strace s17  }
0x93: {  	s2 =	sld [smem:$0x3FFC];
	_ =	sdelay $0x3  }
0x94: {  	_ =	strace s2  }
0x95: {  	s2 =	sld [smem:$0x3FFD];
	_ =	sdelay $0x3  }
0x96: {  	_ =	strace s2  }
0x97: {  	_ =	strace $0x8FFFFFFF  }
0x98: {  	s18 =	sld [smem:$0x3FDB];
	_ =	sdelay $0x1  }
0x99: {  	s19 =	simm.s32 $_scs_section_size  }
0x9a: {  	s4 =	simm.s32 $_size__tile_overlayer_lowered;
	s5 =	simm.s32 $_tile_overlayer_lowered  }
0x9b: {  	s22 =	simm.s32 $0x1BFF;
	s21 =	sshll.u32 s5, $0x1;
	s2 =	sadd.s32 s19, s18  }
0x9c: {  	s6 =	simm.s32 $0x0;
	s20 =	sshll.u32 s4, $0x1;
	s4 =	sadd.s32 s21, s2  }
0x9d: {  	[timem:s6], [sflag:s22] =	dma.local [hbm:s4], s20  }
0x9e: {  	_ =	swait.ge [sflag:s22], s20  }
0x9f: {  	s3 =	ssub.s32 $0x0, s20;
	[sflag:s22] =	ssyncset.done $0x0  }
0xa0: {  	[sflag:s22] =	ssyncadd.s32 s3;
	_ =	sdelay $0x1  }
0xa1: {  	s23 =	simm.s32 $0x1B8B  }
0xa2: {  	_ =	swait.ge [sflag:s23], $0x1  }
0xa3: {  	[sflag:s23] =	ssyncset.done $0x0  }
0xa4: {  	s25 =	simm.s32 $0x1B8E;
	s24 =	sld [smem:$0x3FFE];
	[sflag:s23] =	ssyncadd.s32 $0xFFFFFFFF  }
0xa5: {  	s26 =	simm.s32 $execute0_lowered;
	[smem:$0x3FD2] =	sst s25  }
0xa6: {  	s4 =	sshll.u32 s26, $0x1;
	_ =	strace $0x8000004C;
	[dreg:$0x1] =	wrdreg $0xFFFFFFFF  }
0xa7: {  	s28 =	simm.s32 $_size_execute0_lowered;
	s2 =	sadd.s32 s2, s4;
	[dreg:$0x0] =	wrdreg $0x0  }
0xa8: {  	s4 =	sshll.u32 s28, $0x1;
	[dreg:$0x2] =	wrdreg s2  }
0xa9: {  	[dreg:$0x3] =	wrdreg s4  }
0xaa: {  	[dreg:$0x4] =	wrdreg $0xC0  }
0xab: {  	_ =	task [dreg:s6], $0x5FFFF  }
0xac: {  	[dreg:$0x1] =	wrdreg $0xFFFFFFFF  }
0xad: {  	[dreg:$0x0] =	wrdreg $0x60  }
0xae: {  	[dreg:$0x2] =	wrdreg s24  }
0xaf: {  	[dreg:$0x3] =	wrdreg $0x9  }
0xb0: {  	_ =	task.clear_ibuf [dreg:s6], $0x4FFFF;
	_ =	strace $0x9000004C  }
0xb1: {  	s29 =	simm.s32 $0x9;
	_ =	strace $0x8000004E  }
0xb2: {  	_ =	swait.ge [sflag:s29], $0x1  }
0xb3: {  	[sflag:s29] =	ssyncadd.s32 $0xFFFFFFFF  }
0xb4: {  	_ =	strace $0x9000004E  }
0xb5: {  	_ =	sfence  }
0xb6: {  	s30 =	sld [smem:$0x0];
	_ =	sdelay $0x2  }
0xb7: {  	s31 =	sshll.u32 s1, $0xD;
	s1 =	sshrl.u32 s1, $0x2  }
0xb8: {  	s3 =	sand.u32 $0x4000, s31;
	s1 =	sadd.s32 s1, s30  }
0xb9: {  	s0 =	sor.u32 s3, s0;
	s1 =	sshll.u32 s1, $0x11  }
0xba: {  	s0 =	sor.u32 s1, s0  }
0xbb: {  	s0 =	sadd.s32 $0x8F2B, s0  }
0xbc: {  	[sflag:s0] =	ssyncadd.remote.s32 $0x1  }
0xbd: {  	_ =	sfence.sel $0xFFFF  }
0xbe: {  	[dreg:$0x0] =	wrdreg $0xFFFFFFFF;
	(pc) =	sbr.abs _section_cstart, $3  }
0xbf: {  	[dreg:$0x1] =	wrdreg $0xFFFFFFFF  }
0xc0: {  	_ =	task.clear_ibuf [dreg:s6], $0x2FFFF;
	_ =	strace $0x9FFFFFFF  }
0xc1: {  	(tm) =	ssettm $0x7FFFFFFF  }
tec
execute0_lowered:
.L_overlay_start_1:
0x0: {  	(tag) =	ssettag $0x1  }
0x1: {  	s5 =	rddreg [dreg:$0x0]  }
0x2: {  	s0 =	rddreg [dreg:$0x1];
	s2 =	simm.s32 $0x0  }
0x3: {  	s3 =	srdreg.scid;
	s1 =	stileid.u32;
	s17 =	simm.s32 $0x3E8  }
0x4: {  	s18 =	simm.s32 $0x7D0;
	s19 =	simm.s32 $0x1;
	s20 =	simm.s32 $0x101D0  }
0x5: {  	s21 =	simm.s32 $0x2;
	s22 =	simm.s32 $0x3;
	s23 =	simm.s32 $0x0  }
0x6: {  	[smem:$0x7FF] =	sst s2;
	s6 =	sand.u32 $0x1, s3;
	s4 =	sshll.u32 s1, $0x1  }
0x7: {  	s3 =	sadd.s32 $0xE6200, s5;
	s15 =	sadd.s32 $0x147E00, s5;
	s29 =	smul.u32 $0x6590, s1  }
0x8: {  	s7 =	ssub.s32 $0x2, s6;
	s8 =	sor.u32 s6, s4;
	s13 =	smul.u32 $0x32C8, s6  }
0x9: {  	_ =	strace $0x8000004D;
	s9 =	sshrl.u32 s7, $0x1;
	s10 =	smul.u32 $0x32C8, s8  }
0xa: {  	s4 =	sadd.s32 $0x9000, s5;
	s25 =	smul.u32 $0x19640, s8;
	s11 =	ssub.s32 s7, s9  }
0xb: {  	s30 =	sadd.s32 s13, s29;
	s26 =	sshrl.u32 s10, $0x3;
	s28 =	sadd.s32 $0x3E8, s10  }
0xc: {  	s6 =	sadd.s32 s15, s25;
	s10 =	sadd.s32 $0x2EE0, s10;
	s13 =	sadd.s32 $0xBB8, s30  }
0xd: {  	s11 =	smax.u32 s11, $0x1;
	s5 =	sadd.s32 s4, s26;
	s12 =	sshrl.u32 s28, $0x3  }
0xe: {  	s8 =	sshll.u32 s28, $0x3;
	s31 =	sshrl.u32 s10, $0x3;
	s10 =	sshll.u32 s10, $0x3  }
0xf: {  	s14 =	sshrl.u32 s13, $0x3;
	s7 =	sadd.s32 s4, s12;
	s8 =	sadd.s32 s15, s8  }
0x10: {  	s9 =	sadd.s32 s4, s31;
	s10 =	sadd.s32 s15, s10;
	s12 =	sadd.s32 $0x7D0, s30  }
0x11: {  	s13 =	sshll.u32 s14, $0x6;
	s14 =	sadd.s32 s14, s4;
	s16 =	sshll.u32 s12, $0x3  }
0x12: {  	s13 =	sadd.s32 s13, s15;
	s15 =	sadd.s32 s16, s15;
	s16 =	simm.s32 $0x4  }
.LBB2_1:
0x13: {  	[tilespmem:s2], [sflag:$0x4] =	stream.linear.gather [hbm4b:s5+s2], $0x3E8, $0x38;
	[tilespmem:$0x1FBD0] =	vst v63  }
0x14: {  	_ =	swait.ge [sflag:s16], $0x3E8  }
0x15: {  	[sflag:s16] =	ssyncset.done $0x0  }
0x16: {  	[sflag:s16] =	ssyncadd.s32 $0xFFFFFC18  }
0x17: {  	[tilespmem:s18], [sflag:$0x1] =	stream.indirect.gather [hbm4b:s3+s17], $0x40, s2, s17, $0xb8;
	[tilespmem:$0x1FBD0] =	vst v63  }
0x18: {  	_ =	swait.ge [sflag:s19], $0xFA00  }
0x19: {  	[sflag:s19] =	ssyncset.done $0x0  }
0x1a: {  	[sflag:s19] =	ssyncadd.s32 $0xFFFF0600  }
0x1b: {  	[hbm4b:s6+s2] =	stream.linear.scatter [tilespmem:s18], [sflag:$0x2], $0xFA00, $0x38;
	[tilespmem:$0x1FBD0] =	vst v63  }
0x1c: {  	_ = 	snop  }
0x1d: {  	[tilespmem:s17], [sflag:$0x4] =	stream.linear.gather [hbm4b:s7+s2], $0x3E8, $0x38;
	[tilespmem:$0x1FBD0] =	vst v63  }
0x1e: {  	_ =	swait.ge [sflag:s16], $0x3E8  }
0x1f: {  	[sflag:s16] =	ssyncset.done $0x0  }
0x20: {  	[sflag:s16] =	ssyncadd.s32 $0xFFFFFC18  }
0x21: {  	[tilespmem:s20], [sflag:$0x1] =	stream.indirect.gather [hbm4b:s3+s17], $0x40, s17, s17, $0xb8;
	[tilespmem:$0x1FBD0] =	vst v63  }
0x22: {  	_ =	swait.ge [sflag:s19], $0xFA00  }
0x23: {  	[sflag:s19] =	ssyncset.done $0x0  }
0x24: {  	[sflag:s19] =	ssyncadd.s32 $0xFFFF0600  }
0x25: {  	[hbm4b:s8+s2] =	stream.linear.scatter [tilespmem:s20], [sflag:$0x3], $0xFA00, $0x38;
	[tilespmem:$0x1FBD0] =	vst v63  }
0x26: {  	_ =	swait.ge [sflag:s21], $0xFA00  }
0x27: {  	s24 =	sshrl.u32 s12, $0x3;
	[sflag:s21] =	ssyncset.done $0x0  }
0x28: {  	s24 =	sadd.s32 s4, s24;
	[sflag:s21] =	ssyncadd.s32 $0xFFFF0600  }
0x29: {  	[tilespmem:s2], [sflag:$0x4] =	stream.linear.gather [hbm4b:s24+s2], $0x3E8, $0x38;
	[tilespmem:$0x1FBD0] =	vst v63  }
0x2a: {  	_ =	swait.ge [sflag:s16], $0x3E8  }
0x2b: {  	[sflag:s16] =	ssyncset.done $0x0  }
0x2c: {  	[sflag:s16] =	ssyncadd.s32 $0xFFFFFC18  }
0x2d: {  	[tilespmem:s18], [sflag:$0x1] =	stream.indirect.gather [hbm4b:s3+s17], $0x40, s2, s17, $0xb8;
	[tilespmem:$0x1FBD0] =	vst v63  }
0x2e: {  	_ =	swait.ge [sflag:s19], $0xFA00  }
0x2f: {  	[sflag:s19] =	ssyncset.done $0x0  }
0x30: {  	s31 =	sadd.s32 $0x0, s15;
	[sflag:s19] =	ssyncadd.s32 $0xFFFF0600  }
0x31: {  	[hbm4b:s31+s2] =	stream.linear.scatter [tilespmem:s18], [sflag:$0x2], $0xFA00, $0x38;
	[tilespmem:$0x1FBD0] =	vst v63  }
0x32: {  	_ =	swait.ge [sflag:s22], $0xFA00  }
0x33: {  	[sflag:s22] =	ssyncset.done $0x0  }
0x34: {  	[sflag:s22] =	ssyncadd.s32 $0xFFFF0600  }
0x35: {  	[tilespmem:s17], [sflag:$0x4] =	stream.linear.gather [hbm4b:s14+s2], $0x3E8, $0x38;
	[tilespmem:$0x1FBD0] =	vst v63  }
0x36: {  	_ =	swait.ge [sflag:s16], $0x3E8  }
0x37: {  	[sflag:s16] =	ssyncset.done $0x0  }
0x38: {  	[sflag:s16] =	ssyncadd.s32 $0xFFFFFC18  }
0x39: {  	[tilespmem:s20], [sflag:$0x1] =	stream.indirect.gather [hbm4b:s3+s17], $0x40, s17, s17, $0xb8;
	[tilespmem:$0x1FBD0] =	vst v63  }
0x3a: {  	_ =	swait.ge [sflag:s19], $0xFA00  }
0x3b: {  	s25 =	sadd.s32 $0x7D0, s12;
	s28 =	sadd.s32 $0x0, s13;
	[sflag:s19] =	ssyncset.done $0x0  }
0x3c: {  	s26 =	sadd.s32 $0xFA, s14;
	s24 =	simm.s32 $0x3E80;
	[sflag:s19] =	ssyncadd.s32 $0xFFFF0600  }
.LBB2_2:
0x3d: {  	[hbm4b:s28+s2] =	stream.linear.scatter [tilespmem:s20], [sflag:$0x3], $0xFA00, $0x38;
	[tilespmem:$0x1FBD0] =	vst v63  }
0x3e: {  	s28 =	smov.u32 s24  }
0x3f: {  	p0 =	sne.s32 s24, $0xFA00;
	s24 =	sadd.s32 $0x3E80, s24;
	_ =	swait.ge [sflag:s21], $0xFA00  }
0x40: {  	s29 =	sshrl.u32 s25, $0x3;
	[sflag:s21] =	ssyncset.done $0x0  }
0x41: {  	s29 =	sadd.s32 s4, s29;
	[sflag:s21] =	ssyncadd.s32 $0xFFFF0600  }
0x42: {  	[tilespmem:s2], [sflag:$0x4] =	stream.linear.gather [hbm4b:s29+s2], $0x3E8, $0x38;
	[tilespmem:$0x1FBD0] =	vst v63  }
0x43: {  	_ =	swait.ge [sflag:s16], $0x3E8  }
0x44: {  	[sflag:s16] =	ssyncset.done $0x0  }
0x45: {  	[sflag:s16] =	ssyncadd.s32 $0xFFFFFC18  }
0x46: {  	[tilespmem:s18], [sflag:$0x1] =	stream.indirect.gather [hbm4b:s3+s17], $0x40, s2, s17, $0xb8;
	[tilespmem:$0x1FBD0] =	vst v63  }
0x47: {  	_ =	swait.ge [sflag:s19], $0xFA00  }
0x48: {  	[sflag:s19] =	ssyncset.done $0x0  }
0x49: {  	s29 =	sadd.s32 s28, s15;
	[sflag:s19] =	ssyncadd.s32 $0xFFFF0600  }
0x4a: {  	[hbm4b:s29+s2] =	stream.linear.scatter [tilespmem:s18], [sflag:$0x2], $0xFA00, $0x38;
	[tilespmem:$0x1FBD0] =	vst v63  }
0x4b: {  	_ =	swait.ge [sflag:s22], $0xFA00  }
0x4c: {  	[sflag:s22] =	ssyncset.done $0x0  }
0x4d: {  	[sflag:s22] =	ssyncadd.s32 $0xFFFF0600  }
0x4e: {  	[tilespmem:s17], [sflag:$0x4] =	stream.linear.gather [hbm4b:s26+s2], $0x3E8, $0x38;
	[tilespmem:$0x1FBD0] =	vst v63  }
0x4f: {  	_ =	swait.ge [sflag:s16], $0x3E8  }
0x50: {  	[sflag:s16] =	ssyncset.done $0x0  }
.Ltmp0:
0x51: {  	[sflag:s16] =	ssyncadd.s32 $0xFFFFFC18;
	(pc) =	sbr.rel @p0 .LBB2_2-.Ltmp0, $4  }
0x52: {  	[tilespmem:s20], [sflag:$0x1] =	stream.indirect.gather [hbm4b:s3+s17], $0x40, s17, s17, $0xb8;
	[tilespmem:$0x1FBD0] =	vst v63  }
0x53: {  	_ =	swait.ge [sflag:s19], $0xFA00  }
0x54: {  	s25 =	sadd.s32 $0x7D0, s25;
	[sflag:s19] =	ssyncset.done $0x0  }
0x55: {  	s28 =	sadd.s32 s28, s13;
	s26 =	sadd.s32 $0xFA, s26;
	[sflag:s19] =	ssyncadd.s32 $0xFFFF0600  }
0x56: {  	[hbm4b:s28+s2] =	stream.linear.scatter [tilespmem:s20], [sflag:$0x3], $0xFA00, $0x38;
	[tilespmem:$0x1FBD0] =	vst v63  }
0x57: {  	_ =	swait.ge [sflag:s21], $0xFA00  }
0x58: {  	[sflag:s21] =	ssyncset.done $0x0  }
0x59: {  	[sflag:s21] =	ssyncadd.s32 $0xFFFF0600  }
0x5a: {  	[tilespmem:s2], [sflag:$0x4] =	stream.linear.gather [hbm4b:s9+s2], $0x3E8, $0x38;
	[tilespmem:$0x1FBD0] =	vst v63  }
0x5b: {  	_ =	swait.ge [sflag:s16], $0x3E8  }
0x5c: {  	[sflag:s16] =	ssyncset.done $0x0  }
0x5d: {  	[sflag:s16] =	ssyncadd.s32 $0xFFFFFC18  }
0x5e: {  	[tilespmem:s18], [sflag:$0x1] =	stream.indirect.gather [hbm4b:s3+s17], $0x40, s2, s17, $0xb8;
	[tilespmem:$0x1FBD0] =	vst v63  }
0x5f: {  	_ =	swait.ge [sflag:s19], $0xFA00  }
0x60: {  	[sflag:s19] =	ssyncset.done $0x0  }
0x61: {  	s23 =	sadd.s32 $0x1, s23;
	[sflag:s19] =	ssyncadd.s32 $0xFFFF0600  }
0x62: {  	[hbm4b:s10+s2] =	stream.linear.scatter [tilespmem:s18], [sflag:$0x2], $0xFA00, $0x38;
	[tilespmem:$0x1FBD0] =	vst v63  }
0x63: {  	p0 =	sne.s32 s23, s11;
	_ =	swait.ge [sflag:s21], $0xFA00  }
.Ltmp1:
0x64: {  	[sflag:s21] =	ssyncset.done $0x0;
	(pc) =	sbr.rel @p0 .LBB2_1-.Ltmp1, $4  }
0x65: {  	[sflag:s21] =	ssyncadd.s32 $0xFFFF0600  }
0x66: {  	_ =	swait.ge [sflag:s22], $0xFA00  }
0x67: {  	[sflag:s22] =	ssyncset.done $0x0  }
0x68: {  	[sflag:s22] =	ssyncadd.s32 $0xFFFF0600  }
0x69: {  	_ =	sfence.sel $0x180000  }
0x6a: {  	[bflag:$0x0] =	sbarrier.arrive $0xFFFF  }
0x6b: {  	p0 =	sne.s32 s1, $0x0;
	_ =	strace $0x9000004D  }
0x6c: {  	s0 =	sadd.s32 @!p0 $0x100000, s0;
	[bflag:$0x2] =	sbarrier.arrive $0xFFFF  }
0x6d: {  	[sflag:s0] =	ssyncadd.tile.s32 @!p0 $0x1;
	_ =	shalt  }
.Lfunc_end2:
_tile_overlayer_lowered:
.L_overlay_start_2:
0x6e: {  	(tag) =	ssettag $0x2  }
0x6f: {  	s0 =	rddreg [dreg:$0x0];
	s2 =	stileid.u32  }
0x70: {  	s1 =	rddreg [dreg:$0x1];
	p0 =	sne.s32 s2, $0x0  }
0x71: {  	s3 =	rddreg [dreg:$0x2];
	[bflag:$0x3] =	sbarrier.arrive $0xFFFF;
	s2 =	simm.s32 @!p0 $0x1C04  }
0x72: {  	[timem:s3], [sflag:s2] =	dma.local @!p0 [hbm:s0], s1  }
0x73: {  	s0 =	simm.s32 @!p0 $0x4  }
0x74: {  	_ =	swait.ge @!p0 [sflag:s0], s1  }
0x75: {  	s1 =	ssub.s32 @!p0 $0x0, s1;
	[sflag:s0] =	ssyncset.done @!p0 $0x0  }
0x76: {  	[sflag:s0] =	ssyncadd.s32 @!p0 s1  }
0x77: {  	[bflag:$0x3] =	sbarrier.arrive $0xFFFF  }
0x78: {  	_ =	shalt  }

// kernel: kernel.24.cloned.1.call-start
scs
__scs_entry_jumppad:
0x0: {  	(pc) =	sbr.rel $0x88, $3  }
0x1: {  	(tag) =	ssettag $0x0;
	lr =	simm.s32 $0x1  }
0x2: {  	[smem:$0x3F72] =	sst lr;
	_ =	strace $0xD0000000  }
0x3: {  	_ = 	snop  }
0x4: {  	_ = 	snop  }
0x5: {  	_ = 	snop  }
0x6: {  	_ = 	snop  }
0x7: {  	_ = 	snop  }
__scs_overlays_trampoline_lowered:
0x8: {  	[smem:$0x3F81] =	sst s0  }
0x9: {  	[smem:$0x3F82] =	sst s1  }
0xa: {  	[smem:$0x3F83] =	sst s2  }
0xb: {  	[smem:$0x3F84] =	sst s3  }
0xc: {  	[smem:$0x3F85] =	sst s4  }
0xd: {  	[smem:$0x3F86] =	sst s5  }
0xe: {  	[smem:$0x3F87] =	sst s6  }
0xf: {  	[smem:$0x3F88] =	sst s7  }
0x10: {  	[smem:$0x3F89] =	sst s8  }
0x11: {  	[smem:$0x3F8A] =	sst s9;
	s0 =	simm.s32 @!p0 $0x0  }
0x12: {  	s1 =	sld [smem:$0x3F70];
	s0 =	simm.s32 @p0 $0x1  }
0x13: {  	[smem:$0x3F8B] =	sst s0;
	s0 =	simm.s32 @!p1 $0x0  }
0x14: {  	s2 =	sld [smem:$0x3F6F];
	s0 =	simm.s32 @p1 $0x1  }
0x15: {  	[smem:$0x3F8C] =	sst s0;
	s0 =	simm.s32 @!p2 $0x0  }
0x16: {  	s3 =	sld [smem:$0x3FDB];
	s0 =	simm.s32 @p2 $0x1  }
0x17: {  	s4 =	simm.s32 $0x1BF5;
	[smem:$0x3F8E] =	sst s0  }
0x18: {  	s0 =	sld [smem:$0x3F71];
	_ =	swait.ge [sflag:s4], $0x0  }
0x19: {  	s7 =	sld [smem:$0x3F72]  }
0x1a: {  	s8 =	sadd.s32 $0xFFFFE003, lr  }
0x1b: {  	s9 =	sadd.s32 $0xFFFFFEF7, lr;
	s5 =	simm.s32 $0xFFFFFFFF;
	p2 =	slt.u32 s8, $0xFFFFF086  }
0x1c: {  	p1 =	slt.u32 s9, $0xF7A;
	s5 =	simm.s32 @!p2 $0x0  }
0x1d: {  	s5 =	simm.s32 @p1 $0x1;
	p0 =	seq.s32 s7, s2  }
0x1e: {  	s7 =	smul.u32 @!p0 $0xF7A, s2;
	p2 =	seq.s32 @!p0 s5, $0x0  }
0x1f: {  	s9 =	smul.u32 $0xF7A, s1;
	s8 =	simm.s32 @!p0 $0x1BF5;
	p2 =	por !p2, p0  }
0x20: {  	[sflag:s8] =	ssyncset.s32 @!p0 $0xFFFFF086;
	s6 =	sadd.s32 @!p0 s3, s7;
	s7 =	simm.s32 @!p0 $0x108  }
0x21: {  	s3 =	sadd.s32 s3, s9;
	s6 =	sadd.s32 @!p0 $0x88, s6;
	s7 =	simm.s32 @p2 $0x1082  }
0x22: {  	[simem:s7], [sflag:s8] =	dma.local @!p0 [hbm:s6], $0xF7A  }
0x23: {  	s9 =	sor.u32 $0xD0000000, s2;
	s6 =	simm.s32 $0x108;
	_ =	swait.ge @!p0 [sflag:s8], $0x0  }
0x24: {  	s3 =	sadd.s32 $0x88, s3;
	s6 =	simm.s32 @!p1 $0x1082;
	[sflag:s4] =	ssyncset.s32 $0xFFFFF086  }
0x25: {  	[simem:s6], [sflag:s4] =	dma.local [hbm:s3], $0xF7A  }
0x26: {  	[smem:$0x3F72] =	sst s1;
	(tag) =	ssettag s2;
	_ =	strace s9  }
0x27: {  	s1 =	sld [smem:$0x3F82]  }
0x28: {  	s2 =	sld [smem:$0x3F83]  }
0x29: {  	s4 =	sld [smem:$0x3F85]  }
0x2a: {  	p0 =	seq.s32 s5, $0x0;
	s5 =	sld [smem:$0x3F86]  }
0x2b: {  	s6 =	sld [smem:$0x3F87]  }
0x2c: {  	s7 =	sld [smem:$0x3F88]  }
0x2d: {  	s3 =	simm.s32 $0x108;
	s8 =	sld [smem:$0x3F89]  }
0x2e: {  	s3 =	simm.s32 @!p0 $0x1082;
	s9 =	sld [smem:$0x3F8A]  }
0x2f: {  	lr =	sadd.s32 s0, s3;
	s0 =	sld [smem:$0x3F81]  }
0x30: {  	s3 =	sld [smem:$0x3F84]  }
0x31: {  	[smem:$0x3F8D] =	sst s10  }
0x32: {  	s10 =	sld [smem:$0x3F8B];
	_ =	sdelay $0x3  }
0x33: {  	p0 =	seq.s32 s10, $0x1;
	s10 =	sld [smem:$0x3F8D];
	_ =	sdelay $0x3  }
0x34: {  	[smem:$0x3F8D] =	sst s10  }
0x35: {  	s10 =	sld [smem:$0x3F8C];
	_ =	sdelay $0x3  }
0x36: {  	p1 =	seq.s32 s10, $0x1;
	s10 =	sld [smem:$0x3F8D];
	_ =	sdelay $0x3  }
0x37: {  	[smem:$0x3F8D] =	sst s10  }
0x38: {  	s10 =	sld [smem:$0x3F8E]  }
0x39: {  	_ = 	snop;
	(pc) =	sbr.ind lr, $3  }
0x3a: {  	_ = 	snop  }
0x3b: {  	_ = 	snop  }
0x3c: {  	p2 =	seq.s32 s10, $0x1;
	s10 =	sld [smem:$0x3F8D]  }
0x3d: {  	_ =	shalt  }
0x3e: {  	_ =	shalt  }
0x3f: {  	_ =	shalt  }
0x40: {  	_ =	shalt  }
0x41: {  	_ =	shalt  }
0x42: {  	_ =	shalt  }
0x43: {  	_ =	shalt  }
0x44: {  	_ =	shalt  }
0x45: {  	_ =	shalt  }
0x46: {  	_ =	shalt  }
0x47: {  	_ =	shalt  }
0x48: {  	_ =	shalt  }
0x49: {  	_ =	shalt  }
0x4a: {  	_ =	shalt  }
0x4b: {  	_ =	shalt  }
0x4c: {  	_ =	shalt  }
0x4d: {  	_ =	shalt  }
0x4e: {  	_ =	shalt  }
0x4f: {  	_ =	shalt  }
0x50: {  	_ =	shalt  }
0x51: {  	_ =	shalt  }
0x52: {  	_ =	shalt  }
0x53: {  	_ =	shalt  }
0x54: {  	_ =	shalt  }
0x55: {  	_ =	shalt  }
0x56: {  	_ =	shalt  }
0x57: {  	_ =	shalt  }
0x58: {  	_ =	shalt  }
0x59: {  	_ =	shalt  }
0x5a: {  	_ =	shalt  }
0x5b: {  	_ =	shalt  }
0x5c: {  	_ =	shalt  }
0x5d: {  	_ =	shalt  }
0x5e: {  	_ =	shalt  }
0x5f: {  	_ =	shalt  }
0x60: {  	_ =	shalt  }
0x61: {  	_ =	shalt  }
0x62: {  	_ =	shalt  }
0x63: {  	_ =	shalt  }
0x64: {  	_ =	shalt  }
0x65: {  	_ =	shalt  }
0x66: {  	_ =	shalt  }
0x67: {  	_ =	shalt  }
0x68: {  	_ =	shalt  }
0x69: {  	_ =	shalt  }
0x6a: {  	_ =	shalt  }
0x6b: {  	_ =	shalt  }
0x6c: {  	_ =	shalt  }
0x6d: {  	_ =	shalt  }
0x6e: {  	_ =	shalt  }
0x6f: {  	_ =	shalt  }
0x70: {  	_ =	shalt  }
0x71: {  	_ =	shalt  }
0x72: {  	_ =	shalt  }
0x73: {  	_ =	shalt  }
0x74: {  	_ =	shalt  }
0x75: {  	_ =	shalt  }
0x76: {  	_ =	shalt  }
0x77: {  	_ =	shalt  }
0x78: {  	_ =	shalt  }
0x79: {  	_ =	shalt  }
0x7a: {  	_ =	shalt  }
0x7b: {  	_ =	shalt  }
0x7c: {  	_ =	shalt  }
0x7d: {  	_ =	shalt  }
0x7e: {  	_ =	shalt  }
0x7f: {  	_ =	shalt  }
0x80: {  	_ =	shalt  }
0x81: {  	_ =	shalt  }
0x82: {  	_ =	shalt  }
0x83: {  	_ =	shalt  }
0x84: {  	_ =	shalt  }
0x85: {  	_ =	shalt  }
0x86: {  	_ =	shalt  }
0x87: {  	_ =	shalt  }
.Lfunc_end0:
.L_simem_size_0:
called_computation.3_lowered:
.L_overlay_start_0:
0x88: {  	s2 =	sld [smem:$0x3FD9]  }
0x89: {  	s3 =	sld [smem:$0x3FFE];
	_ =	sdelay $0x1  }
0x8a: {  	s1 =	srdreg.scid  }
0x8b: {  	s0 =	sand.u32 $0x1, s1  }
0x8c: {  	s17 =	sshll.u32 s0, $0xA;
	s2 =	sadd.s32 s3, s2  }
0x8d: {  	s2 =	sadd.s32 s2, s17  }
0x8e: {  	[smem:$0x3F99] =	sst s2  }
0x8f: {  	_ = 	snop  }
0x90: {  	(tm) =	ssettm $0x1  }
0x91: {  	s18 =	sld [smem:$0x3FFB];
	_ =	sdelay $0x3  }
0x92: {  	_ =	strace s18  }
0x93: {  	s2 =	sld [smem:$0x3FFC];
	_ =	sdelay $0x3  }
0x94: {  	_ =	strace s2  }
0x95: {  	s2 =	sld [smem:$0x3FFD];
	_ =	sdelay $0x3  }
0x96: {  	_ =	strace s2  }
0x97: {  	_ =	strace $0x8FFFFFFF  }
0x98: {  	s19 =	sld [smem:$0x3FDB];
	_ =	sdelay $0x1  }
0x99: {  	s20 =	simm.s32 $_scs_section_size  }
0x9a: {  	s4 =	simm.s32 $_size__tile_overlayer_lowered;
	s5 =	simm.s32 $_tile_overlayer_lowered  }
0x9b: {  	s6 =	simm.s32 $0x1BFF;
	s21 =	sshll.u32 s5, $0x1;
	s3 =	sadd.s32 s20, s19  }
0x9c: {  	s22 =	simm.s32 $0x0;
	s4 =	sshll.u32 s4, $0x1;
	s5 =	sadd.s32 s21, s3  }
0x9d: {  	[timem:s22], [sflag:s6] =	dma.local [hbm:s5], s4  }
0x9e: {  	_ =	swait.ge [sflag:s6], s4  }
0x9f: {  	s4 =	ssub.s32 $0x0, s4;
	[sflag:s6] =	ssyncset.done $0x0  }
0xa0: {  	[sflag:s6] =	ssyncadd.s32 s4;
	_ =	sdelay $0x1  }
0xa1: {  	s23 =	simm.s32 $0x1B8B  }
0xa2: {  	_ =	swait.ge [sflag:s23], $0x1  }
0xa3: {  	[sflag:s23] =	ssyncset.done $0x0  }
0xa4: {  	[sflag:s23] =	ssyncadd.s32 $0xFFFFFFFF  }
0xa5: {  	s4 =	sld [smem:$0x0]  }
0xa6: {  	s5 =	sand.u32 $0xFFFFFFFE, s1  }
0xa7: {  	p0 =	sne.s32 s1, s5  }
0xa8: {  	s5 =	sshll.u32 @p0 s5, $0xE  }
0xa9: {  	s5 =	sadd.s32 @p0 $0x11B8D, s5;
	s6 =	sshll.u32 @p0 s4, $0x11  }
0xaa: {  	s5 =	sor.u32 @p0 s6, s5  }
0xab: {  	[sflag:s5] =	ssyncadd.remote.s32 @p0 $0x1;
	_ =	sdelay $0x1  }
0xac: {  	s5 =	simm.s32 @p0 $0x1B8D  }
0xad: {  	_ =	swait.eq @p0 [sflag:s5], $0x1  }
0xae: {  	[sflag:s5] =	ssyncadd.s32 @p0 $0xFFFFFFFF  }
0xaf: {  	s6 =	sshll.u32 @!p0 s1, $0xE  }
0xb0: {  	s6 =	sor.u32 @!p0 $0x4000, s6;
	s5 =	simm.s32 @!p0 $0x1B8D  }
0xb1: {  	s4 =	sshll.u32 @!p0 s4, $0x11;
	s6 =	sadd.s32 @!p0 $0x11B8D, s6;
	_ =	swait.eq @!p0 [sflag:s5], $0x1  }
0xb2: {  	s4 =	sor.u32 @!p0 s4, s6;
	[sflag:s5] =	ssyncadd.s32 @!p0 $0xFFFFFFFF  }
0xb3: {  	s25 =	simm.s32 $0x1B8E;
	s24 =	sld [smem:$0x3FFE];
	[sflag:s4] =	ssyncadd.remote.s32 @!p0 $0x1  }
0xb4: {  	s26 =	simm.s32 $execute0_lowered;
	[smem:$0x3FD2] =	sst s25  }
0xb5: {  	s5 =	sshll.u32 s26, $0x1;
	_ =	strace $0x8000004F;
	[dreg:$0x1] =	wrdreg $0xFFFFFFFF  }
0xb6: {  	s28 =	simm.s32 $_size_execute0_lowered;
	s3 =	sadd.s32 s3, s5;
	[dreg:$0x0] =	wrdreg $0x0  }
0xb7: {  	s5 =	sshll.u32 s28, $0x1;
	[dreg:$0x2] =	wrdreg s3  }
0xb8: {  	[dreg:$0x3] =	wrdreg s5  }
0xb9: {  	[dreg:$0x4] =	wrdreg $0xC0  }
0xba: {  	_ =	task [dreg:s22], $0x5FFFF  }
0xbb: {  	[dreg:$0x1] =	wrdreg $0xFFFFFFFF  }
0xbc: {  	[dreg:$0x0] =	wrdreg $0x60  }
0xbd: {  	[dreg:$0x2] =	wrdreg s24  }
0xbe: {  	[dreg:$0x3] =	wrdreg $0xA  }
0xbf: {  	_ =	task.clear_ibuf [dreg:s22], $0x4FFFF;
	_ =	strace $0x9000004F  }
0xc0: {  	s29 =	simm.s32 $0xA;
	_ =	strace $0x80000051  }
0xc1: {  	_ =	swait.ge [sflag:s29], $0x1  }
0xc2: {  	[sflag:s29] =	ssyncadd.s32 $0xFFFFFFFF  }
0xc3: {  	_ =	strace $0x90000051  }
0xc4: {  	_ =	sfence  }
0xc5: {  	s30 =	sld [smem:$0x0];
	_ =	sdelay $0x2  }
0xc6: {  	s31 =	sshll.u32 s1, $0xD;
	s1 =	sshrl.u32 s1, $0x2  }
0xc7: {  	s4 =	sand.u32 $0x4000, s31;
	s1 =	sadd.s32 s1, s30  }
0xc8: {  	s0 =	sor.u32 s4, s0;
	s1 =	sshll.u32 s1, $0x11  }
0xc9: {  	s0 =	sor.u32 s1, s0  }
0xca: {  	s0 =	sadd.s32 $0x8F2B, s0  }
0xcb: {  	[sflag:s0] =	ssyncadd.remote.s32 $0x1  }
0xcc: {  	_ =	sfence.sel $0xFFFF  }
0xcd: {  	[dreg:$0x0] =	wrdreg $0xFFFFFFFF;
	(pc) =	sbr.abs _section_cstart, $3  }
0xce: {  	[dreg:$0x1] =	wrdreg $0xFFFFFFFF  }
0xcf: {  	_ =	task.clear_ibuf [dreg:s22], $0x2FFFF;
	_ =	strace $0x9FFFFFFF  }
0xd0: {  	(tm) =	ssettm $0x7FFFFFFF  }
0xd1: {  	_ =	shalt  }
tec
execute0_lowered:
.L_overlay_start_1:
0x0: {  	(tag) =	ssettag $0x1  }
0x1: {  	s4 =	rddreg [dreg:$0x0]  }
0x2: {  	s0 =	rddreg [dreg:$0x1];
	s3 =	srdreg.scid  }
0x3: {  	s1 =	stileid.u32;
	s2 =	simm.s32 $0x0;
	s14 =	simm.s32 $0x3E8  }
0x4: {  	s15 =	simm.s32 $0x7D0;
	s16 =	simm.s32 $0x1;
	s17 =	simm.s32 $0x101D0  }
0x5: {  	s18 =	simm.s32 $0x2;
	s19 =	simm.s32 $0x3;
	s20 =	simm.s32 $0x0  }
0x6: {  	s5 =	sand.u32 $0x1, s3;
	s26 =	sshll.u32 s1, $0x1;
	s13 =	smul.u32 $0x5DC0, s1  }
0x7: {  	[smem:$0x7FF] =	sst s2;
	s6 =	sor.u32 s5, s26;
	s29 =	smul.u32 $0x2EE0, s5  }
0x8: {  	s3 =	sadd.s32 $0xE6200, s4;
	s12 =	sadd.s32 $0x9000, s4;
	s7 =	smul.u32 $0x2EE0, s6  }
0x9: {  	s10 =	sadd.s32 $0x474600, s4;
	s28 =	ssub.s32 $0x2, s5;
	s8 =	smul.u32 $0x17700, s6  }
0xa: {  	_ =	strace $0x80000050;
	s6 =	smul.u32 $0xBB800, s6;
	s11 =	sshrl.u32 s28, $0x1  }
0xb: {  	s11 =	ssub.s32 s28, s11;
	s13 =	sadd.s32 s29, s13;
	s9 =	sshrl.u32 s7, $0x3  }
0xc: {  	s5 =	sadd.s32 s10, s8;
	s7 =	sadd.s32 $0x65CE8, s7;
	s6 =	sshrl.u32 s6, $0x3  }
0xd: {  	s8 =	smax.u32 s11, $0x1;
	s31 =	sshll.u32 s13, $0x3;
	s9 =	sadd.s32 s12, s9  }
0xe: {  	s7 =	sshrl.u32 s7, $0x3;
	s30 =	sadd.s32 s10, s6;
	s11 =	sadd.s32 s10, s31  }
0xf: {  	s4 =	sadd.s32 $0xCB20, s9;
	s6 =	sadd.s32 s12, s7;
	s7 =	sadd.s32 $0x1F40, s30  }
0x10: {  	s9 =	sadd.s32 $0x664B8, s13;
	s13 =	sadd.s32 $0x660D0, s13;
	s10 =	sadd.s32 $0x5DC0, s11  }
0x11: {  	s11 =	sadd.s32 $0x3E80, s11;
	s9 =	sshrl.u32 s9, $0x3;
	s13 =	sshrl.u32 s13, $0x3  }
0x12: {  	s9 =	sadd.s32 s9, s12;
	s12 =	sadd.s32 s13, s12;
	s13 =	simm.s32 $0x4  }
.LBB2_1:
0x13: {  	[tilespmem:s2], [sflag:$0x4] =	stream.linear.gather [hbm4b:s4+s2], $0x3E8, $0x38;
	[tilespmem:$0x1FBD0] =	vst v63  }
0x14: {  	_ =	swait.ge [sflag:s13], $0x3E8  }
0x15: {  	[sflag:s13] =	ssyncset.done $0x0  }
0x16: {  	[sflag:s13] =	ssyncadd.s32 $0xFFFFFC18  }
0x17: {  	[tilespmem:s15], [sflag:$0x1] =	stream.indirect.gather [hbm4b:s3+s14], $0x40, s2, s14, $0xb8;
	[tilespmem:$0x1FBD0] =	vst v63  }
0x18: {  	_ =	swait.ge [sflag:s16], $0xFA00  }
0x19: {  	[sflag:s16] =	ssyncset.done $0x0  }
0x1a: {  	[sflag:s16] =	ssyncadd.s32 $0xFFFF0600  }
0x1b: {  	[hbm4b:s5+s2] =	stream.linear.scatter [tilespmem:s15], [sflag:$0x2], $0xFA00, $0x38;
	[tilespmem:$0x1FBD0] =	vst v63  }
0x1c: {  	_ = 	snop  }
0x1d: {  	[tilespmem:s14], [sflag:$0x4] =	stream.linear.gather [hbm4b:s6+s2], $0x3E8, $0x38;
	[tilespmem:$0x1FBD0] =	vst v63  }
0x1e: {  	_ =	swait.ge [sflag:s13], $0x3E8  }
0x1f: {  	[sflag:s13] =	ssyncset.done $0x0  }
0x20: {  	[sflag:s13] =	ssyncadd.s32 $0xFFFFFC18  }
0x21: {  	[tilespmem:s17], [sflag:$0x1] =	stream.indirect.gather [hbm4b:s3+s14], $0x40, s14, s14, $0xb8;
	[tilespmem:$0x1FBD0] =	vst v63  }
0x22: {  	_ =	swait.ge [sflag:s16], $0xFA00  }
0x23: {  	[sflag:s16] =	ssyncset.done $0x0  }
0x24: {  	[sflag:s16] =	ssyncadd.s32 $0xFFFF0600  }
0x25: {  	[hbm4b:s7+s2] =	stream.linear.scatter [tilespmem:s17], [sflag:$0x3], $0xFA00, $0x38;
	[tilespmem:$0x1FBD0] =	vst v63  }
0x26: {  	_ =	swait.ge [sflag:s18], $0xFA00  }
0x27: {  	[sflag:s18] =	ssyncset.done $0x0  }
0x28: {  	s21 =	sadd.s32 $0x0, s12;
	[sflag:s18] =	ssyncadd.s32 $0xFFFF0600  }
0x29: {  	[tilespmem:s2], [sflag:$0x4] =	stream.linear.gather [hbm4b:s21+s2], $0x3E8, $0x38;
	[tilespmem:$0x1FBD0] =	vst v63  }
0x2a: {  	_ =	swait.ge [sflag:s13], $0x3E8  }
0x2b: {  	[sflag:s13] =	ssyncset.done $0x0  }
0x2c: {  	[sflag:s13] =	ssyncadd.s32 $0xFFFFFC18  }
0x2d: {  	[tilespmem:s15], [sflag:$0x1] =	stream.indirect.gather [hbm4b:s3+s14], $0x40, s2, s14, $0xb8;
	[tilespmem:$0x1FBD0] =	vst v63  }
0x2e: {  	_ =	swait.ge [sflag:s16], $0xFA00  }
0x2f: {  	[sflag:s16] =	ssyncset.done $0x0  }
0x30: {  	[sflag:s16] =	ssyncadd.s32 $0xFFFF0600  }
0x31: {  	[hbm4b:s11+s2] =	stream.linear.scatter [tilespmem:s15], [sflag:$0x2], $0xFA00, $0x38;
	[tilespmem:$0x1FBD0] =	vst v63  }
0x32: {  	_ =	swait.ge [sflag:s19], $0xFA00  }
0x33: {  	[sflag:s19] =	ssyncset.done $0x0  }
0x34: {  	s31 =	sadd.s32 $0x0, s9;
	[sflag:s19] =	ssyncadd.s32 $0xFFFF0600  }
0x35: {  	[tilespmem:s14], [sflag:$0x4] =	stream.linear.gather [hbm4b:s31+s2], $0x3E8, $0x38;
	[tilespmem:$0x1FBD0] =	vst v63  }
0x36: {  	_ =	swait.ge [sflag:s13], $0x3E8  }
0x37: {  	[sflag:s13] =	ssyncset.done $0x0  }
0x38: {  	[sflag:s13] =	ssyncadd.s32 $0xFFFFFC18  }
0x39: {  	[tilespmem:s17], [sflag:$0x1] =	stream.indirect.gather [hbm4b:s3+s14], $0x40, s14, s14, $0xb8;
	[tilespmem:$0x1FBD0] =	vst v63  }
0x3a: {  	_ =	swait.ge [sflag:s16], $0xFA00  }
0x3b: {  	s22 =	sadd.s32 $0x3E80, s10;
	s23 =	sadd.s32 $0x3E80, s11;
	[sflag:s16] =	ssyncset.done $0x0  }
0x3c: {  	s24 =	smov.u32 s10;
	s21 =	simm.s32 $0xFA;
	[sflag:s16] =	ssyncadd.s32 $0xFFFF0600  }
.LBB2_2:
0x3d: {  	[hbm4b:s24+s2] =	stream.linear.scatter [tilespmem:s17], [sflag:$0x3], $0xFA00, $0x38;
	[tilespmem:$0x1FBD0] =	vst v63  }
0x3e: {  	s25 =	smov.u32 s21;
	s24 =	smov.u32 s22  }
0x3f: {  	p0 =	sne.s32 s21, $0x3E8;
	s21 =	sadd.s32 $0xFA, s21;
	_ =	swait.ge [sflag:s18], $0xFA00  }
0x40: {  	[sflag:s18] =	ssyncset.done $0x0  }
0x41: {  	s26 =	sadd.s32 s25, s12;
	[sflag:s18] =	ssyncadd.s32 $0xFFFF0600  }
0x42: {  	[tilespmem:s2], [sflag:$0x4] =	stream.linear.gather [hbm4b:s26+s2], $0x3E8, $0x38;
	[tilespmem:$0x1FBD0] =	vst v63  }
0x43: {  	_ =	swait.ge [sflag:s13], $0x3E8  }
0x44: {  	[sflag:s13] =	ssyncset.done $0x0  }
0x45: {  	[sflag:s13] =	ssyncadd.s32 $0xFFFFFC18  }
0x46: {  	[tilespmem:s15], [sflag:$0x1] =	stream.indirect.gather [hbm4b:s3+s14], $0x40, s2, s14, $0xb8;
	[tilespmem:$0x1FBD0] =	vst v63  }
0x47: {  	_ =	swait.ge [sflag:s16], $0xFA00  }
0x48: {  	[sflag:s16] =	ssyncset.done $0x0  }
0x49: {  	[sflag:s16] =	ssyncadd.s32 $0xFFFF0600  }
0x4a: {  	[hbm4b:s23+s2] =	stream.linear.scatter [tilespmem:s15], [sflag:$0x2], $0xFA00, $0x38;
	[tilespmem:$0x1FBD0] =	vst v63  }
0x4b: {  	_ =	swait.ge [sflag:s19], $0xFA00  }
0x4c: {  	[sflag:s19] =	ssyncset.done $0x0  }
0x4d: {  	s25 =	sadd.s32 s25, s9;
	[sflag:s19] =	ssyncadd.s32 $0xFFFF0600  }
0x4e: {  	[tilespmem:s14], [sflag:$0x4] =	stream.linear.gather [hbm4b:s25+s2], $0x3E8, $0x38;
	[tilespmem:$0x1FBD0] =	vst v63  }
0x4f: {  	_ =	swait.ge [sflag:s13], $0x3E8  }
0x50: {  	[sflag:s13] =	ssyncset.done $0x0  }
.Ltmp0:
0x51: {  	[sflag:s13] =	ssyncadd.s32 $0xFFFFFC18;
	(pc) =	sbr.rel @p0 .LBB2_2-.Ltmp0, $4  }
0x52: {  	[tilespmem:s17], [sflag:$0x1] =	stream.indirect.gather [hbm4b:s3+s14], $0x40, s14, s14, $0xb8;
	[tilespmem:$0x1FBD0] =	vst v63  }
0x53: {  	_ =	swait.ge [sflag:s16], $0xFA00  }
0x54: {  	[sflag:s16] =	ssyncset.done $0x0  }
0x55: {  	s22 =	sadd.s32 $0x3E80, s22;
	s23 =	sadd.s32 $0x3E80, s23;
	[sflag:s16] =	ssyncadd.s32 $0xFFFF0600  }
0x56: {  	[hbm4b:s24+s2] =	stream.linear.scatter [tilespmem:s17], [sflag:$0x3], $0xFA00, $0x38;
	[tilespmem:$0x1FBD0] =	vst v63  }
0x57: {  	s20 =	sadd.s32 $0x1, s20  }
0x58: {  	_ =	swait.ge [sflag:s18], $0xFA00;
	p0 =	sne.s32 s20, s8  }
.Ltmp1:
0x59: {  	[sflag:s18] =	ssyncset.done $0x0;
	(pc) =	sbr.rel @p0 .LBB2_1-.Ltmp1, $4  }
0x5a: {  	[sflag:s18] =	ssyncadd.s32 $0xFFFF0600  }
0x5b: {  	_ =	swait.ge [sflag:s19], $0xFA00  }
0x5c: {  	[sflag:s19] =	ssyncset.done $0x0  }
0x5d: {  	[sflag:s19] =	ssyncadd.s32 $0xFFFF0600  }
0x5e: {  	_ =	sfence.sel $0x180000  }
0x5f: {  	[bflag:$0x0] =	sbarrier.arrive $0xFFFF  }
0x60: {  	p0 =	sne.s32 s1, $0x0;
	_ =	strace $0x90000050  }
0x61: {  	s0 =	sadd.s32 @!p0 $0x100000, s0;
	[bflag:$0x2] =	sbarrier.arrive $0xFFFF  }
0x62: {  	[sflag:s0] =	ssyncadd.tile.s32 @!p0 $0x1;
	_ =	shalt  }
.Lfunc_end2:
_tile_overlayer_lowered:
.L_overlay_start_2:
0x63: {  	(tag) =	ssettag $0x2  }
0x64: {  	s0 =	rddreg [dreg:$0x0];
	s2 =	stileid.u32  }
0x65: {  	s1 =	rddreg [dreg:$0x1];
	p0 =	sne.s32 s2, $0x0  }
0x66: {  	s3 =	rddreg [dreg:$0x2];
	[bflag:$0x3] =	sbarrier.arrive $0xFFFF;
	s2 =	simm.s32 @!p0 $0x1C04  }
0x67: {  	[timem:s3], [sflag:s2] =	dma.local @!p0 [hbm:s0], s1  }
0x68: {  	s0 =	simm.s32 @!p0 $0x4  }
0x69: {  	_ =	swait.ge @!p0 [sflag:s0], s1  }
0x6a: {  	s1 =	ssub.s32 @!p0 $0x0, s1;
	[sflag:s0] =	ssyncset.done @!p0 $0x0  }
0x6b: {  	[sflag:s0] =	ssyncadd.s32 @!p0 s1  }
0x6c: {  	[bflag:$0x3] =	sbarrier.arrive $0xFFFF  }
0x6d: {  	_ =	shalt  }

// kernel: kernel.27.cloned.1.call-start
scs
__scs_entry_jumppad:
0x0: {  	(pc) =	sbr.rel $0x88, $3  }
0x1: {  	(tag) =	ssettag $0x0;
	lr =	simm.s32 $0x1  }
0x2: {  	[smem:$0x3F72] =	sst lr;
	_ =	strace $0xD0000000  }
0x3: {  	_ = 	snop  }
0x4: {  	_ = 	snop  }
0x5: {  	_ = 	snop  }
0x6: {  	_ = 	snop  }
0x7: {  	_ = 	snop  }
__scs_overlays_trampoline_lowered:
0x8: {  	[smem:$0x3F81] =	sst s0  }
0x9: {  	[smem:$0x3F82] =	sst s1  }
0xa: {  	[smem:$0x3F83] =	sst s2  }
0xb: {  	[smem:$0x3F84] =	sst s3  }
0xc: {  	[smem:$0x3F85] =	sst s4  }
0xd: {  	[smem:$0x3F86] =	sst s5  }
0xe: {  	[smem:$0x3F87] =	sst s6  }
0xf: {  	[smem:$0x3F88] =	sst s7  }
0x10: {  	[smem:$0x3F89] =	sst s8  }
0x11: {  	[smem:$0x3F8A] =	sst s9;
	s0 =	simm.s32 @!p0 $0x0  }
0x12: {  	s1 =	sld [smem:$0x3F70];
	s0 =	simm.s32 @p0 $0x1  }
0x13: {  	[smem:$0x3F8B] =	sst s0;
	s0 =	simm.s32 @!p1 $0x0  }
0x14: {  	s2 =	sld [smem:$0x3F6F];
	s0 =	simm.s32 @p1 $0x1  }
0x15: {  	[smem:$0x3F8C] =	sst s0;
	s0 =	simm.s32 @!p2 $0x0  }
0x16: {  	s3 =	sld [smem:$0x3FDB];
	s0 =	simm.s32 @p2 $0x1  }
0x17: {  	s4 =	simm.s32 $0x1BF5;
	[smem:$0x3F8E] =	sst s0  }
0x18: {  	s0 =	sld [smem:$0x3F71];
	_ =	swait.ge [sflag:s4], $0x0  }
0x19: {  	s7 =	sld [smem:$0x3F72]  }
0x1a: {  	s8 =	sadd.s32 $0xFFFFE003, lr  }
0x1b: {  	s9 =	sadd.s32 $0xFFFFFEF7, lr;
	s5 =	simm.s32 $0xFFFFFFFF;
	p2 =	slt.u32 s8, $0xFFFFF086  }
0x1c: {  	p1 =	slt.u32 s9, $0xF7A;
	s5 =	simm.s32 @!p2 $0x0  }
0x1d: {  	s5 =	simm.s32 @p1 $0x1;
	p0 =	seq.s32 s7, s2  }
0x1e: {  	s7 =	smul.u32 @!p0 $0xF7A, s2;
	p2 =	seq.s32 @!p0 s5, $0x0  }
0x1f: {  	s9 =	smul.u32 $0xF7A, s1;
	s8 =	simm.s32 @!p0 $0x1BF5;
	p2 =	por !p2, p0  }
0x20: {  	[sflag:s8] =	ssyncset.s32 @!p0 $0xFFFFF086;
	s6 =	sadd.s32 @!p0 s3, s7;
	s7 =	simm.s32 @!p0 $0x108  }
0x21: {  	s3 =	sadd.s32 s3, s9;
	s6 =	sadd.s32 @!p0 $0x88, s6;
	s7 =	simm.s32 @p2 $0x1082  }
0x22: {  	[simem:s7], [sflag:s8] =	dma.local @!p0 [hbm:s6], $0xF7A  }
0x23: {  	s9 =	sor.u32 $0xD0000000, s2;
	s6 =	simm.s32 $0x108;
	_ =	swait.ge @!p0 [sflag:s8], $0x0  }
0x24: {  	s3 =	sadd.s32 $0x88, s3;
	s6 =	simm.s32 @!p1 $0x1082;
	[sflag:s4] =	ssyncset.s32 $0xFFFFF086  }
0x25: {  	[simem:s6], [sflag:s4] =	dma.local [hbm:s3], $0xF7A  }
0x26: {  	[smem:$0x3F72] =	sst s1;
	(tag) =	ssettag s2;
	_ =	strace s9  }
0x27: {  	s1 =	sld [smem:$0x3F82]  }
0x28: {  	s2 =	sld [smem:$0x3F83]  }
0x29: {  	s4 =	sld [smem:$0x3F85]  }
0x2a: {  	p0 =	seq.s32 s5, $0x0;
	s5 =	sld [smem:$0x3F86]  }
0x2b: {  	s6 =	sld [smem:$0x3F87]  }
0x2c: {  	s7 =	sld [smem:$0x3F88]  }
0x2d: {  	s3 =	simm.s32 $0x108;
	s8 =	sld [smem:$0x3F89]  }
0x2e: {  	s3 =	simm.s32 @!p0 $0x1082;
	s9 =	sld [smem:$0x3F8A]  }
0x2f: {  	lr =	sadd.s32 s0, s3;
	s0 =	sld [smem:$0x3F81]  }
0x30: {  	s3 =	sld [smem:$0x3F84]  }
0x31: {  	[smem:$0x3F8D] =	sst s10  }
0x32: {  	s10 =	sld [smem:$0x3F8B];
	_ =	sdelay $0x3  }
0x33: {  	p0 =	seq.s32 s10, $0x1;
	s10 =	sld [smem:$0x3F8D];
	_ =	sdelay $0x3  }
0x34: {  	[smem:$0x3F8D] =	sst s10  }
0x35: {  	s10 =	sld [smem:$0x3F8C];
	_ =	sdelay $0x3  }
0x36: {  	p1 =	seq.s32 s10, $0x1;
	s10 =	sld [smem:$0x3F8D];
	_ =	sdelay $0x3  }
0x37: {  	[smem:$0x3F8D] =	sst s10  }
0x38: {  	s10 =	sld [smem:$0x3F8E]  }
0x39: {  	_ = 	snop;
	(pc) =	sbr.ind lr, $3  }
0x3a: {  	_ = 	snop  }
0x3b: {  	_ = 	snop  }
0x3c: {  	p2 =	seq.s32 s10, $0x1;
	s10 =	sld [smem:$0x3F8D]  }
0x3d: {  	_ =	shalt  }
0x3e: {  	_ =	shalt  }
0x3f: {  	_ =	shalt  }
0x40: {  	_ =	shalt  }
0x41: {  	_ =	shalt  }
0x42: {  	_ =	shalt  }
0x43: {  	_ =	shalt  }
0x44: {  	_ =	shalt  }
0x45: {  	_ =	shalt  }
0x46: {  	_ =	shalt  }
0x47: {  	_ =	shalt  }
0x48: {  	_ =	shalt  }
0x49: {  	_ =	shalt  }
0x4a: {  	_ =	shalt  }
0x4b: {  	_ =	shalt  }
0x4c: {  	_ =	shalt  }
0x4d: {  	_ =	shalt  }
0x4e: {  	_ =	shalt  }
0x4f: {  	_ =	shalt  }
0x50: {  	_ =	shalt  }
0x51: {  	_ =	shalt  }
0x52: {  	_ =	shalt  }
0x53: {  	_ =	shalt  }
0x54: {  	_ =	shalt  }
0x55: {  	_ =	shalt  }
0x56: {  	_ =	shalt  }
0x57: {  	_ =	shalt  }
0x58: {  	_ =	shalt  }
0x59: {  	_ =	shalt  }
0x5a: {  	_ =	shalt  }
0x5b: {  	_ =	shalt  }
0x5c: {  	_ =	shalt  }
0x5d: {  	_ =	shalt  }
0x5e: {  	_ =	shalt  }
0x5f: {  	_ =	shalt  }
0x60: {  	_ =	shalt  }
0x61: {  	_ =	shalt  }
0x62: {  	_ =	shalt  }
0x63: {  	_ =	shalt  }
0x64: {  	_ =	shalt  }
0x65: {  	_ =	shalt  }
0x66: {  	_ =	shalt  }
0x67: {  	_ =	shalt  }
0x68: {  	_ =	shalt  }
0x69: {  	_ =	shalt  }
0x6a: {  	_ =	shalt  }
0x6b: {  	_ =	shalt  }
0x6c: {  	_ =	shalt  }
0x6d: {  	_ =	shalt  }
0x6e: {  	_ =	shalt  }
0x6f: {  	_ =	shalt  }
0x70: {  	_ =	shalt  }
0x71: {  	_ =	shalt  }
0x72: {  	_ =	shalt  }
0x73: {  	_ =	shalt  }
0x74: {  	_ =	shalt  }
0x75: {  	_ =	shalt  }
0x76: {  	_ =	shalt  }
0x77: {  	_ =	shalt  }
0x78: {  	_ =	shalt  }
0x79: {  	_ =	shalt  }
0x7a: {  	_ =	shalt  }
0x7b: {  	_ =	shalt  }
0x7c: {  	_ =	shalt  }
0x7d: {  	_ =	shalt  }
0x7e: {  	_ =	shalt  }
0x7f: {  	_ =	shalt  }
0x80: {  	_ =	shalt  }
0x81: {  	_ =	shalt  }
0x82: {  	_ =	shalt  }
0x83: {  	_ =	shalt  }
0x84: {  	_ =	shalt  }
0x85: {  	_ =	shalt  }
0x86: {  	_ =	shalt  }
0x87: {  	_ =	shalt  }
.Lfunc_end0:
.L_simem_size_0:
called_computation.4_lowered:
.L_overlay_start_0:
0x88: {  	s2 =	sld [smem:$0x3FD9]  }
0x89: {  	s3 =	sld [smem:$0x3FFE];
	_ =	sdelay $0x1  }
0x8a: {  	s1 =	srdreg.scid  }
0x8b: {  	s0 =	sand.u32 $0x1, s1  }
0x8c: {  	s16 =	sshll.u32 s0, $0xA;
	s2 =	sadd.s32 s3, s2  }
0x8d: {  	s2 =	sadd.s32 s2, s16  }
0x8e: {  	[smem:$0x3F99] =	sst s2  }
0x8f: {  	_ = 	snop  }
0x90: {  	(tm) =	ssettm $0x1  }
0x91: {  	s17 =	sld [smem:$0x3FFB];
	_ =	sdelay $0x3  }
0x92: {  	_ =	strace s17  }
0x93: {  	s2 =	sld [smem:$0x3FFC];
	_ =	sdelay $0x3  }
0x94: {  	_ =	strace s2  }
0x95: {  	s2 =	sld [smem:$0x3FFD];
	_ =	sdelay $0x3  }
0x96: {  	_ =	strace s2  }
0x97: {  	_ =	strace $0x8FFFFFFF  }
0x98: {  	s18 =	sld [smem:$0x3FDB];
	_ =	sdelay $0x1  }
0x99: {  	s19 =	simm.s32 $_scs_section_size  }
0x9a: {  	s4 =	simm.s32 $_size__tile_overlayer_lowered;
	s5 =	simm.s32 $_tile_overlayer_lowered  }
0x9b: {  	s22 =	simm.s32 $0x1BFF;
	s21 =	sshll.u32 s5, $0x1;
	s2 =	sadd.s32 s19, s18  }
0x9c: {  	s6 =	simm.s32 $0x0;
	s20 =	sshll.u32 s4, $0x1;
	s4 =	sadd.s32 s21, s2  }
0x9d: {  	[timem:s6], [sflag:s22] =	dma.local [hbm:s4], s20  }
0x9e: {  	_ =	swait.ge [sflag:s22], s20  }
0x9f: {  	s3 =	ssub.s32 $0x0, s20;
	[sflag:s22] =	ssyncset.done $0x0  }
0xa0: {  	[sflag:s22] =	ssyncadd.s32 s3;
	_ =	sdelay $0x1  }
0xa1: {  	s23 =	simm.s32 $0x1B8B  }
0xa2: {  	_ =	swait.ge [sflag:s23], $0x1  }
0xa3: {  	[sflag:s23] =	ssyncset.done $0x0  }
0xa4: {  	s25 =	simm.s32 $0x1B8E;
	s24 =	sld [smem:$0x3FFE];
	[sflag:s23] =	ssyncadd.s32 $0xFFFFFFFF  }
0xa5: {  	s26 =	simm.s32 $execute0_lowered;
	[smem:$0x3FD2] =	sst s25  }
0xa6: {  	s4 =	sshll.u32 s26, $0x1;
	_ =	strace $0x80000052;
	[dreg:$0x1] =	wrdreg $0xFFFFFFFF  }
0xa7: {  	s28 =	simm.s32 $_size_execute0_lowered;
	s2 =	sadd.s32 s2, s4;
	[dreg:$0x0] =	wrdreg $0x0  }
0xa8: {  	s4 =	sshll.u32 s28, $0x1;
	[dreg:$0x2] =	wrdreg s2  }
0xa9: {  	[dreg:$0x3] =	wrdreg s4  }
0xaa: {  	[dreg:$0x4] =	wrdreg $0xC0  }
0xab: {  	_ =	task [dreg:s6], $0x5FFFF  }
0xac: {  	[dreg:$0x1] =	wrdreg $0xFFFFFFFF  }
0xad: {  	[dreg:$0x0] =	wrdreg $0x60  }
0xae: {  	[dreg:$0x2] =	wrdreg s24  }
0xaf: {  	[dreg:$0x3] =	wrdreg $0x9  }
0xb0: {  	_ =	task.clear_ibuf [dreg:s6], $0x4FFFF;
	_ =	strace $0x90000052  }
0xb1: {  	s29 =	simm.s32 $0x9;
	_ =	strace $0x80000054  }
0xb2: {  	_ =	swait.ge [sflag:s29], $0x1  }
0xb3: {  	[sflag:s29] =	ssyncadd.s32 $0xFFFFFFFF  }
0xb4: {  	_ =	strace $0x90000054  }
0xb5: {  	_ =	sfence  }
0xb6: {  	s30 =	sld [smem:$0x0];
	_ =	sdelay $0x2  }
0xb7: {  	s31 =	sshll.u32 s1, $0xD;
	s1 =	sshrl.u32 s1, $0x2  }
0xb8: {  	s3 =	sand.u32 $0x4000, s31;
	s1 =	sadd.s32 s1, s30  }
0xb9: {  	s0 =	sor.u32 s3, s0;
	s1 =	sshll.u32 s1, $0x11  }
0xba: {  	s0 =	sor.u32 s1, s0  }
0xbb: {  	s0 =	sadd.s32 $0x8F2B, s0  }
0xbc: {  	[sflag:s0] =	ssyncadd.remote.s32 $0x1  }
0xbd: {  	_ =	sfence.sel $0xFFFF  }
0xbe: {  	[dreg:$0x0] =	wrdreg $0xFFFFFFFF;
	(pc) =	sbr.abs _section_cstart, $3  }
0xbf: {  	[dreg:$0x1] =	wrdreg $0xFFFFFFFF  }
0xc0: {  	_ =	task.clear_ibuf [dreg:s6], $0x2FFFF;
	_ =	strace $0x9FFFFFFF  }
0xc1: {  	(tm) =	ssettm $0x7FFFFFFF  }
tec
execute0_lowered:
.L_overlay_start_1:
0x0: {  	(tag) =	ssettag $0x1  }
0x1: {  	s5 =	rddreg [dreg:$0x0]  }
0x2: {  	s0 =	rddreg [dreg:$0x1];
	s2 =	simm.s32 $0x0  }
0x3: {  	s3 =	srdreg.scid;
	s1 =	stileid.u32;
	s17 =	simm.s32 $0x3E8  }
0x4: {  	s18 =	simm.s32 $0x7D0;
	s19 =	simm.s32 $0x1;
	s20 =	simm.s32 $0x101D0  }
0x5: {  	s21 =	simm.s32 $0x2;
	s22 =	simm.s32 $0x3;
	s23 =	simm.s32 $0x0  }
0x6: {  	[smem:$0x7FF] =	sst s2;
	s6 =	sand.u32 $0x1, s3;
	s4 =	sshll.u32 s1, $0x1  }
0x7: {  	s3 =	sadd.s32 $0xE6200, s5;
	s15 =	sadd.s32 $0x147E00, s5;
	s29 =	smul.u32 $0x6590, s1  }
0x8: {  	s7 =	ssub.s32 $0x2, s6;
	s8 =	sor.u32 s6, s4;
	s13 =	smul.u32 $0x32C8, s6  }
0x9: {  	_ =	strace $0x80000053;
	s9 =	sshrl.u32 s7, $0x1;
	s10 =	smul.u32 $0x32C8, s8  }
0xa: {  	s4 =	sadd.s32 $0x9000, s5;
	s25 =	smul.u32 $0x19640, s8;
	s11 =	ssub.s32 s7, s9  }
0xb: {  	s30 =	sadd.s32 s13, s29;
	s26 =	sshrl.u32 s10, $0x3;
	s28 =	sadd.s32 $0x3E8, s10  }
0xc: {  	s6 =	sadd.s32 s15, s25;
	s10 =	sadd.s32 $0x2EE0, s10;
	s13 =	sadd.s32 $0xBB8, s30  }
0xd: {  	s11 =	smax.u32 s11, $0x1;
	s5 =	sadd.s32 s4, s26;
	s12 =	sshrl.u32 s28, $0x3  }
0xe: {  	s8 =	sshll.u32 s28, $0x3;
	s31 =	sshrl.u32 s10, $0x3;
	s10 =	sshll.u32 s10, $0x3  }
0xf: {  	s14 =	sshrl.u32 s13, $0x3;
	s7 =	sadd.s32 s4, s12;
	s8 =	sadd.s32 s15, s8  }
0x10: {  	s9 =	sadd.s32 s4, s31;
	s10 =	sadd.s32 s15, s10;
	s12 =	sadd.s32 $0x7D0, s30  }
0x11: {  	s13 =	sshll.u32 s14, $0x6;
	s14 =	sadd.s32 s14, s4;
	s16 =	sshll.u32 s12, $0x3  }
0x12: {  	s13 =	sadd.s32 s13, s15;
	s15 =	sadd.s32 s16, s15;
	s16 =	simm.s32 $0x4  }
.LBB2_1:
0x13: {  	[tilespmem:s2], [sflag:$0x4] =	stream.linear.gather [hbm4b:s5+s2], $0x3E8, $0x38;
	[tilespmem:$0x1FBD0] =	vst v63  }
0x14: {  	_ =	swait.ge [sflag:s16], $0x3E8  }
0x15: {  	[sflag:s16] =	ssyncset.done $0x0  }
0x16: {  	[sflag:s16] =	ssyncadd.s32 $0xFFFFFC18  }
0x17: {  	[tilespmem:s18], [sflag:$0x1] =	stream.indirect.gather [hbm4b:s3+s17], $0x40, s2, s17, $0xb8;
	[tilespmem:$0x1FBD0] =	vst v63  }
0x18: {  	_ =	swait.ge [sflag:s19], $0xFA00  }
0x19: {  	[sflag:s19] =	ssyncset.done $0x0  }
0x1a: {  	[sflag:s19] =	ssyncadd.s32 $0xFFFF0600  }
0x1b: {  	[hbm4b:s6+s2] =	stream.linear.scatter [tilespmem:s18], [sflag:$0x2], $0xFA00, $0x38;
	[tilespmem:$0x1FBD0] =	vst v63  }
0x1c: {  	_ = 	snop  }
0x1d: {  	[tilespmem:s17], [sflag:$0x4] =	stream.linear.gather [hbm4b:s7+s2], $0x3E8, $0x38;
	[tilespmem:$0x1FBD0] =	vst v63  }
0x1e: {  	_ =	swait.ge [sflag:s16], $0x3E8  }
0x1f: {  	[sflag:s16] =	ssyncset.done $0x0  }
0x20: {  	[sflag:s16] =	ssyncadd.s32 $0xFFFFFC18  }
0x21: {  	[tilespmem:s20], [sflag:$0x1] =	stream.indirect.gather [hbm4b:s3+s17], $0x40, s17, s17, $0xb8;
	[tilespmem:$0x1FBD0] =	vst v63  }
0x22: {  	_ =	swait.ge [sflag:s19], $0xFA00  }
0x23: {  	[sflag:s19] =	ssyncset.done $0x0  }
0x24: {  	[sflag:s19] =	ssyncadd.s32 $0xFFFF0600  }
0x25: {  	[hbm4b:s8+s2] =	stream.linear.scatter [tilespmem:s20], [sflag:$0x3], $0xFA00, $0x38;
	[tilespmem:$0x1FBD0] =	vst v63  }
0x26: {  	_ =	swait.ge [sflag:s21], $0xFA00  }
0x27: {  	s24 =	sshrl.u32 s12, $0x3;
	[sflag:s21] =	ssyncset.done $0x0  }
0x28: {  	s24 =	sadd.s32 s4, s24;
	[sflag:s21] =	ssyncadd.s32 $0xFFFF0600  }
0x29: {  	[tilespmem:s2], [sflag:$0x4] =	stream.linear.gather [hbm4b:s24+s2], $0x3E8, $0x38;
	[tilespmem:$0x1FBD0] =	vst v63  }
0x2a: {  	_ =	swait.ge [sflag:s16], $0x3E8  }
0x2b: {  	[sflag:s16] =	ssyncset.done $0x0  }
0x2c: {  	[sflag:s16] =	ssyncadd.s32 $0xFFFFFC18  }
0x2d: {  	[tilespmem:s18], [sflag:$0x1] =	stream.indirect.gather [hbm4b:s3+s17], $0x40, s2, s17, $0xb8;
	[tilespmem:$0x1FBD0] =	vst v63  }
0x2e: {  	_ =	swait.ge [sflag:s19], $0xFA00  }
0x2f: {  	[sflag:s19] =	ssyncset.done $0x0  }
0x30: {  	s31 =	sadd.s32 $0x0, s15;
	[sflag:s19] =	ssyncadd.s32 $0xFFFF0600  }
0x31: {  	[hbm4b:s31+s2] =	stream.linear.scatter [tilespmem:s18], [sflag:$0x2], $0xFA00, $0x38;
	[tilespmem:$0x1FBD0] =	vst v63  }
0x32: {  	_ =	swait.ge [sflag:s22], $0xFA00  }
0x33: {  	[sflag:s22] =	ssyncset.done $0x0  }
0x34: {  	[sflag:s22] =	ssyncadd.s32 $0xFFFF0600  }
0x35: {  	[tilespmem:s17], [sflag:$0x4] =	stream.linear.gather [hbm4b:s14+s2], $0x3E8, $0x38;
	[tilespmem:$0x1FBD0] =	vst v63  }
0x36: {  	_ =	swait.ge [sflag:s16], $0x3E8  }
0x37: {  	[sflag:s16] =	ssyncset.done $0x0  }
0x38: {  	[sflag:s16] =	ssyncadd.s32 $0xFFFFFC18  }
0x39: {  	[tilespmem:s20], [sflag:$0x1] =	stream.indirect.gather [hbm4b:s3+s17], $0x40, s17, s17, $0xb8;
	[tilespmem:$0x1FBD0] =	vst v63  }
0x3a: {  	_ =	swait.ge [sflag:s19], $0xFA00  }
0x3b: {  	s25 =	sadd.s32 $0x7D0, s12;
	s28 =	sadd.s32 $0x0, s13;
	[sflag:s19] =	ssyncset.done $0x0  }
0x3c: {  	s26 =	sadd.s32 $0xFA, s14;
	s24 =	simm.s32 $0x3E80;
	[sflag:s19] =	ssyncadd.s32 $0xFFFF0600  }
.LBB2_2:
0x3d: {  	[hbm4b:s28+s2] =	stream.linear.scatter [tilespmem:s20], [sflag:$0x3], $0xFA00, $0x38;
	[tilespmem:$0x1FBD0] =	vst v63  }
0x3e: {  	s28 =	smov.u32 s24  }
0x3f: {  	p0 =	sne.s32 s24, $0xFA00;
	s24 =	sadd.s32 $0x3E80, s24;
	_ =	swait.ge [sflag:s21], $0xFA00  }
0x40: {  	s29 =	sshrl.u32 s25, $0x3;
	[sflag:s21] =	ssyncset.done $0x0  }
0x41: {  	s29 =	sadd.s32 s4, s29;
	[sflag:s21] =	ssyncadd.s32 $0xFFFF0600  }
0x42: {  	[tilespmem:s2], [sflag:$0x4] =	stream.linear.gather [hbm4b:s29+s2], $0x3E8, $0x38;
	[tilespmem:$0x1FBD0] =	vst v63  }
0x43: {  	_ =	swait.ge [sflag:s16], $0x3E8  }
0x44: {  	[sflag:s16] =	ssyncset.done $0x0  }
0x45: {  	[sflag:s16] =	ssyncadd.s32 $0xFFFFFC18  }
0x46: {  	[tilespmem:s18], [sflag:$0x1] =	stream.indirect.gather [hbm4b:s3+s17], $0x40, s2, s17, $0xb8;
	[tilespmem:$0x1FBD0] =	vst v63  }
0x47: {  	_ =	swait.ge [sflag:s19], $0xFA00  }
0x48: {  	[sflag:s19] =	ssyncset.done $0x0  }
0x49: {  	s29 =	sadd.s32 s28, s15;
	[sflag:s19] =	ssyncadd.s32 $0xFFFF0600  }
0x4a: {  	[hbm4b:s29+s2] =	stream.linear.scatter [tilespmem:s18], [sflag:$0x2], $0xFA00, $0x38;
	[tilespmem:$0x1FBD0] =	vst v63  }
0x4b: {  	_ =	swait.ge [sflag:s22], $0xFA00  }
0x4c: {  	[sflag:s22] =	ssyncset.done $0x0  }
0x4d: {  	[sflag:s22] =	ssyncadd.s32 $0xFFFF0600  }
0x4e: {  	[tilespmem:s17], [sflag:$0x4] =	stream.linear.gather [hbm4b:s26+s2], $0x3E8, $0x38;
	[tilespmem:$0x1FBD0] =	vst v63  }
0x4f: {  	_ =	swait.ge [sflag:s16], $0x3E8  }
0x50: {  	[sflag:s16] =	ssyncset.done $0x0  }
.Ltmp0:
0x51: {  	[sflag:s16] =	ssyncadd.s32 $0xFFFFFC18;
	(pc) =	sbr.rel @p0 .LBB2_2-.Ltmp0, $4  }
0x52: {  	[tilespmem:s20], [sflag:$0x1] =	stream.indirect.gather [hbm4b:s3+s17], $0x40, s17, s17, $0xb8;
	[tilespmem:$0x1FBD0] =	vst v63  }
0x53: {  	_ =	swait.ge [sflag:s19], $0xFA00  }
0x54: {  	s25 =	sadd.s32 $0x7D0, s25;
	[sflag:s19] =	ssyncset.done $0x0  }
0x55: {  	s28 =	sadd.s32 s28, s13;
	s26 =	sadd.s32 $0xFA, s26;
	[sflag:s19] =	ssyncadd.s32 $0xFFFF0600  }
0x56: {  	[hbm4b:s28+s2] =	stream.linear.scatter [tilespmem:s20], [sflag:$0x3], $0xFA00, $0x38;
	[tilespmem:$0x1FBD0] =	vst v63  }
0x57: {  	_ =	swait.ge [sflag:s21], $0xFA00  }
0x58: {  	[sflag:s21] =	ssyncset.done $0x0  }
0x59: {  	[sflag:s21] =	ssyncadd.s32 $0xFFFF0600  }
0x5a: {  	[tilespmem:s2], [sflag:$0x4] =	stream.linear.gather [hbm4b:s9+s2], $0x3E8, $0x38;
	[tilespmem:$0x1FBD0] =	vst v63  }
0x5b: {  	_ =	swait.ge [sflag:s16], $0x3E8  }
0x5c: {  	[sflag:s16] =	ssyncset.done $0x0  }
0x5d: {  	[sflag:s16] =	ssyncadd.s32 $0xFFFFFC18  }
0x5e: {  	[tilespmem:s18], [sflag:$0x1] =	stream.indirect.gather [hbm4b:s3+s17], $0x40, s2, s17, $0xb8;
	[tilespmem:$0x1FBD0] =	vst v63  }
0x5f: {  	_ =	swait.ge [sflag:s19], $0xFA00  }
0x60: {  	[sflag:s19] =	ssyncset.done $0x0  }
0x61: {  	s23 =	sadd.s32 $0x1, s23;
	[sflag:s19] =	ssyncadd.s32 $0xFFFF0600  }
0x62: {  	[hbm4b:s10+s2] =	stream.linear.scatter [tilespmem:s18], [sflag:$0x2], $0xFA00, $0x38;
	[tilespmem:$0x1FBD0] =	vst v63  }
0x63: {  	p0 =	sne.s32 s23, s11;
	_ =	swait.ge [sflag:s21], $0xFA00  }
.Ltmp1:
0x64: {  	[sflag:s21] =	ssyncset.done $0x0;
	(pc) =	sbr.rel @p0 .LBB2_1-.Ltmp1, $4  }
0x65: {  	[sflag:s21] =	ssyncadd.s32 $0xFFFF0600  }
0x66: {  	_ =	swait.ge [sflag:s22], $0xFA00  }
0x67: {  	[sflag:s22] =	ssyncset.done $0x0  }
0x68: {  	[sflag:s22] =	ssyncadd.s32 $0xFFFF0600  }
0x69: {  	_ =	sfence.sel $0x180000  }
0x6a: {  	[bflag:$0x0] =	sbarrier.arrive $0xFFFF  }
0x6b: {  	p0 =	sne.s32 s1, $0x0;
	_ =	strace $0x90000053  }
0x6c: {  	s0 =	sadd.s32 @!p0 $0x100000, s0;
	[bflag:$0x2] =	sbarrier.arrive $0xFFFF  }
0x6d: {  	[sflag:s0] =	ssyncadd.tile.s32 @!p0 $0x1;
	_ =	shalt  }
.Lfunc_end2:
_tile_overlayer_lowered:
.L_overlay_start_2:
0x6e: {  	(tag) =	ssettag $0x2  }
0x6f: {  	s0 =	rddreg [dreg:$0x0];
	s2 =	stileid.u32  }
0x70: {  	s1 =	rddreg [dreg:$0x1];
	p0 =	sne.s32 s2, $0x0  }
0x71: {  	s3 =	rddreg [dreg:$0x2];
	[bflag:$0x3] =	sbarrier.arrive $0xFFFF;
	s2 =	simm.s32 @!p0 $0x1C04  }
0x72: {  	[timem:s3], [sflag:s2] =	dma.local @!p0 [hbm:s0], s1  }
0x73: {  	s0 =	simm.s32 @!p0 $0x4  }
0x74: {  	_ =	swait.ge @!p0 [sflag:s0], s1  }
0x75: {  	s1 =	ssub.s32 @!p0 $0x0, s1;
	[sflag:s0] =	ssyncset.done @!p0 $0x0  }
0x76: {  	[sflag:s0] =	ssyncadd.s32 @!p0 s1  }
0x77: {  	[bflag:$0x3] =	sbarrier.arrive $0xFFFF  }
0x78: {  	_ =	shalt  }

// kernel: kernel.30.cloned.1.call-start
scs
__scs_entry_jumppad:
0x0: {  	(pc) =	sbr.rel $0x88, $3  }
0x1: {  	(tag) =	ssettag $0x0;
	lr =	simm.s32 $0x1  }
0x2: {  	[smem:$0x3F72] =	sst lr;
	_ =	strace $0xD0000000  }
0x3: {  	_ = 	snop  }
0x4: {  	_ = 	snop  }
0x5: {  	_ = 	snop  }
0x6: {  	_ = 	snop  }
0x7: {  	_ = 	snop  }
__scs_overlays_trampoline_lowered:
0x8: {  	[smem:$0x3F81] =	sst s0  }
0x9: {  	[smem:$0x3F82] =	sst s1  }
0xa: {  	[smem:$0x3F83] =	sst s2  }
0xb: {  	[smem:$0x3F84] =	sst s3  }
0xc: {  	[smem:$0x3F85] =	sst s4  }
0xd: {  	[smem:$0x3F86] =	sst s5  }
0xe: {  	[smem:$0x3F87] =	sst s6  }
0xf: {  	[smem:$0x3F88] =	sst s7  }
0x10: {  	[smem:$0x3F89] =	sst s8  }
0x11: {  	[smem:$0x3F8A] =	sst s9;
	s0 =	simm.s32 @!p0 $0x0  }
0x12: {  	s1 =	sld [smem:$0x3F70];
	s0 =	simm.s32 @p0 $0x1  }
0x13: {  	[smem:$0x3F8B] =	sst s0;
	s0 =	simm.s32 @!p1 $0x0  }
0x14: {  	s2 =	sld [smem:$0x3F6F];
	s0 =	simm.s32 @p1 $0x1  }
0x15: {  	[smem:$0x3F8C] =	sst s0;
	s0 =	simm.s32 @!p2 $0x0  }
0x16: {  	s3 =	sld [smem:$0x3FDB];
	s0 =	simm.s32 @p2 $0x1  }
0x17: {  	s4 =	simm.s32 $0x1BF5;
	[smem:$0x3F8E] =	sst s0  }
0x18: {  	s0 =	sld [smem:$0x3F71];
	_ =	swait.ge [sflag:s4], $0x0  }
0x19: {  	s7 =	sld [smem:$0x3F72]  }
0x1a: {  	s8 =	sadd.s32 $0xFFFFE003, lr  }
0x1b: {  	s9 =	sadd.s32 $0xFFFFFEF7, lr;
	s5 =	simm.s32 $0xFFFFFFFF;
	p2 =	slt.u32 s8, $0xFFFFF086  }
0x1c: {  	p1 =	slt.u32 s9, $0xF7A;
	s5 =	simm.s32 @!p2 $0x0  }
0x1d: {  	s5 =	simm.s32 @p1 $0x1;
	p0 =	seq.s32 s7, s2  }
0x1e: {  	s7 =	smul.u32 @!p0 $0xF7A, s2;
	p2 =	seq.s32 @!p0 s5, $0x0  }
0x1f: {  	s9 =	smul.u32 $0xF7A, s1;
	s8 =	simm.s32 @!p0 $0x1BF5;
	p2 =	por !p2, p0  }
0x20: {  	[sflag:s8] =	ssyncset.s32 @!p0 $0xFFFFF086;
	s6 =	sadd.s32 @!p0 s3, s7;
	s7 =	simm.s32 @!p0 $0x108  }
0x21: {  	s3 =	sadd.s32 s3, s9;
	s6 =	sadd.s32 @!p0 $0x88, s6;
	s7 =	simm.s32 @p2 $0x1082  }
0x22: {  	[simem:s7], [sflag:s8] =	dma.local @!p0 [hbm:s6], $0xF7A  }
0x23: {  	s9 =	sor.u32 $0xD0000000, s2;
	s6 =	simm.s32 $0x108;
	_ =	swait.ge @!p0 [sflag:s8], $0x0  }
0x24: {  	s3 =	sadd.s32 $0x88, s3;
	s6 =	simm.s32 @!p1 $0x1082;
	[sflag:s4] =	ssyncset.s32 $0xFFFFF086  }
0x25: {  	[simem:s6], [sflag:s4] =	dma.local [hbm:s3], $0xF7A  }
0x26: {  	[smem:$0x3F72] =	sst s1;
	(tag) =	ssettag s2;
	_ =	strace s9  }
0x27: {  	s1 =	sld [smem:$0x3F82]  }
0x28: {  	s2 =	sld [smem:$0x3F83]  }
0x29: {  	s4 =	sld [smem:$0x3F85]  }
0x2a: {  	p0 =	seq.s32 s5, $0x0;
	s5 =	sld [smem:$0x3F86]  }
0x2b: {  	s6 =	sld [smem:$0x3F87]  }
0x2c: {  	s7 =	sld [smem:$0x3F88]  }
0x2d: {  	s3 =	simm.s32 $0x108;
	s8 =	sld [smem:$0x3F89]  }
0x2e: {  	s3 =	simm.s32 @!p0 $0x1082;
	s9 =	sld [smem:$0x3F8A]  }
0x2f: {  	lr =	sadd.s32 s0, s3;
	s0 =	sld [smem:$0x3F81]  }
0x30: {  	s3 =	sld [smem:$0x3F84]  }
0x31: {  	[smem:$0x3F8D] =	sst s10  }
0x32: {  	s10 =	sld [smem:$0x3F8B];
	_ =	sdelay $0x3  }
0x33: {  	p0 =	seq.s32 s10, $0x1;
	s10 =	sld [smem:$0x3F8D];
	_ =	sdelay $0x3  }
0x34: {  	[smem:$0x3F8D] =	sst s10  }
0x35: {  	s10 =	sld [smem:$0x3F8C];
	_ =	sdelay $0x3  }
0x36: {  	p1 =	seq.s32 s10, $0x1;
	s10 =	sld [smem:$0x3F8D];
	_ =	sdelay $0x3  }
0x37: {  	[smem:$0x3F8D] =	sst s10  }
0x38: {  	s10 =	sld [smem:$0x3F8E]  }
0x39: {  	_ = 	snop;
	(pc) =	sbr.ind lr, $3  }
0x3a: {  	_ = 	snop  }
0x3b: {  	_ = 	snop  }
0x3c: {  	p2 =	seq.s32 s10, $0x1;
	s10 =	sld [smem:$0x3F8D]  }
0x3d: {  	_ =	shalt  }
0x3e: {  	_ =	shalt  }
0x3f: {  	_ =	shalt  }
0x40: {  	_ =	shalt  }
0x41: {  	_ =	shalt  }
0x42: {  	_ =	shalt  }
0x43: {  	_ =	shalt  }
0x44: {  	_ =	shalt  }
0x45: {  	_ =	shalt  }
0x46: {  	_ =	shalt  }
0x47: {  	_ =	shalt  }
0x48: {  	_ =	shalt  }
0x49: {  	_ =	shalt  }
0x4a: {  	_ =	shalt  }
0x4b: {  	_ =	shalt  }
0x4c: {  	_ =	shalt  }
0x4d: {  	_ =	shalt  }
0x4e: {  	_ =	shalt  }
0x4f: {  	_ =	shalt  }
0x50: {  	_ =	shalt  }
0x51: {  	_ =	shalt  }
0x52: {  	_ =	shalt  }
0x53: {  	_ =	shalt  }
0x54: {  	_ =	shalt  }
0x55: {  	_ =	shalt  }
0x56: {  	_ =	shalt  }
0x57: {  	_ =	shalt  }
0x58: {  	_ =	shalt  }
0x59: {  	_ =	shalt  }
0x5a: {  	_ =	shalt  }
0x5b: {  	_ =	shalt  }
0x5c: {  	_ =	shalt  }
0x5d: {  	_ =	shalt  }
0x5e: {  	_ =	shalt  }
0x5f: {  	_ =	shalt  }
0x60: {  	_ =	shalt  }
0x61: {  	_ =	shalt  }
0x62: {  	_ =	shalt  }
0x63: {  	_ =	shalt  }
0x64: {  	_ =	shalt  }
0x65: {  	_ =	shalt  }
0x66: {  	_ =	shalt  }
0x67: {  	_ =	shalt  }
0x68: {  	_ =	shalt  }
0x69: {  	_ =	shalt  }
0x6a: {  	_ =	shalt  }
0x6b: {  	_ =	shalt  }
0x6c: {  	_ =	shalt  }
0x6d: {  	_ =	shalt  }
0x6e: {  	_ =	shalt  }
0x6f: {  	_ =	shalt  }
0x70: {  	_ =	shalt  }
0x71: {  	_ =	shalt  }
0x72: {  	_ =	shalt  }
0x73: {  	_ =	shalt  }
0x74: {  	_ =	shalt  }
0x75: {  	_ =	shalt  }
0x76: {  	_ =	shalt  }
0x77: {  	_ =	shalt  }
0x78: {  	_ =	shalt  }
0x79: {  	_ =	shalt  }
0x7a: {  	_ =	shalt  }
0x7b: {  	_ =	shalt  }
0x7c: {  	_ =	shalt  }
0x7d: {  	_ =	shalt  }
0x7e: {  	_ =	shalt  }
0x7f: {  	_ =	shalt  }
0x80: {  	_ =	shalt  }
0x81: {  	_ =	shalt  }
0x82: {  	_ =	shalt  }
0x83: {  	_ =	shalt  }
0x84: {  	_ =	shalt  }
0x85: {  	_ =	shalt  }
0x86: {  	_ =	shalt  }
0x87: {  	_ =	shalt  }
.Lfunc_end0:
.L_simem_size_0:
called_computation.5_lowered:
.L_overlay_start_0:
0x88: {  	s2 =	sld [smem:$0x3FD9]  }
0x89: {  	s3 =	sld [smem:$0x3FFE];
	_ =	sdelay $0x1  }
0x8a: {  	s1 =	srdreg.scid  }
0x8b: {  	s0 =	sand.u32 $0x1, s1  }
0x8c: {  	s17 =	sshll.u32 s0, $0xA;
	s2 =	sadd.s32 s3, s2  }
0x8d: {  	s2 =	sadd.s32 s2, s17  }
0x8e: {  	[smem:$0x3F99] =	sst s2  }
0x8f: {  	_ = 	snop  }
0x90: {  	(tm) =	ssettm $0x1  }
0x91: {  	s18 =	sld [smem:$0x3FFB];
	_ =	sdelay $0x3  }
0x92: {  	_ =	strace s18  }
0x93: {  	s2 =	sld [smem:$0x3FFC];
	_ =	sdelay $0x3  }
0x94: {  	_ =	strace s2  }
0x95: {  	s2 =	sld [smem:$0x3FFD];
	_ =	sdelay $0x3  }
0x96: {  	_ =	strace s2  }
0x97: {  	_ =	strace $0x8FFFFFFF  }
0x98: {  	s19 =	sld [smem:$0x3FDB];
	_ =	sdelay $0x1  }
0x99: {  	s20 =	simm.s32 $_scs_section_size  }
0x9a: {  	s4 =	simm.s32 $_size__tile_overlayer_lowered;
	s5 =	simm.s32 $_tile_overlayer_lowered  }
0x9b: {  	s6 =	simm.s32 $0x1BFF;
	s21 =	sshll.u32 s5, $0x1;
	s3 =	sadd.s32 s20, s19  }
0x9c: {  	s22 =	simm.s32 $0x0;
	s4 =	sshll.u32 s4, $0x1;
	s5 =	sadd.s32 s21, s3  }
0x9d: {  	[timem:s22], [sflag:s6] =	dma.local [hbm:s5], s4  }
0x9e: {  	_ =	swait.ge [sflag:s6], s4  }
0x9f: {  	s4 =	ssub.s32 $0x0, s4;
	[sflag:s6] =	ssyncset.done $0x0  }
0xa0: {  	[sflag:s6] =	ssyncadd.s32 s4;
	_ =	sdelay $0x1  }
0xa1: {  	s23 =	simm.s32 $0x1B8B  }
0xa2: {  	_ =	swait.ge [sflag:s23], $0x1  }
0xa3: {  	[sflag:s23] =	ssyncset.done $0x0  }
0xa4: {  	[sflag:s23] =	ssyncadd.s32 $0xFFFFFFFF  }
0xa5: {  	s4 =	sld [smem:$0x0]  }
0xa6: {  	s5 =	sand.u32 $0xFFFFFFFE, s1  }
0xa7: {  	p0 =	sne.s32 s1, s5  }
0xa8: {  	s5 =	sshll.u32 @p0 s5, $0xE  }
0xa9: {  	s5 =	sadd.s32 @p0 $0x11B8D, s5;
	s6 =	sshll.u32 @p0 s4, $0x11  }
0xaa: {  	s5 =	sor.u32 @p0 s6, s5  }
0xab: {  	[sflag:s5] =	ssyncadd.remote.s32 @p0 $0x1;
	_ =	sdelay $0x1  }
0xac: {  	s5 =	simm.s32 @p0 $0x1B8D  }
0xad: {  	_ =	swait.eq @p0 [sflag:s5], $0x1  }
0xae: {  	[sflag:s5] =	ssyncadd.s32 @p0 $0xFFFFFFFF  }
0xaf: {  	s6 =	sshll.u32 @!p0 s1, $0xE  }
0xb0: {  	s6 =	sor.u32 @!p0 $0x4000, s6;
	s5 =	simm.s32 @!p0 $0x1B8D  }
0xb1: {  	s4 =	sshll.u32 @!p0 s4, $0x11;
	s6 =	sadd.s32 @!p0 $0x11B8D, s6;
	_ =	swait.eq @!p0 [sflag:s5], $0x1  }
0xb2: {  	s4 =	sor.u32 @!p0 s4, s6;
	[sflag:s5] =	ssyncadd.s32 @!p0 $0xFFFFFFFF  }
0xb3: {  	s25 =	simm.s32 $0x1B8E;
	s24 =	sld [smem:$0x3FFE];
	[sflag:s4] =	ssyncadd.remote.s32 @!p0 $0x1  }
0xb4: {  	s26 =	simm.s32 $execute0_lowered;
	[smem:$0x3FD2] =	sst s25  }
0xb5: {  	s5 =	sshll.u32 s26, $0x1;
	_ =	strace $0x80000055;
	[dreg:$0x1] =	wrdreg $0xFFFFFFFF  }
0xb6: {  	s28 =	simm.s32 $_size_execute0_lowered;
	s3 =	sadd.s32 s3, s5;
	[dreg:$0x0] =	wrdreg $0x0  }
0xb7: {  	s5 =	sshll.u32 s28, $0x1;
	[dreg:$0x2] =	wrdreg s3  }
0xb8: {  	[dreg:$0x3] =	wrdreg s5  }
0xb9: {  	[dreg:$0x4] =	wrdreg $0xC0  }
0xba: {  	_ =	task [dreg:s22], $0x5FFFF  }
0xbb: {  	[dreg:$0x1] =	wrdreg $0xFFFFFFFF  }
0xbc: {  	[dreg:$0x0] =	wrdreg $0x60  }
0xbd: {  	[dreg:$0x2] =	wrdreg s24  }
0xbe: {  	[dreg:$0x3] =	wrdreg $0xA  }
0xbf: {  	_ =	task.clear_ibuf [dreg:s22], $0x4FFFF;
	_ =	strace $0x90000055  }
0xc0: {  	s29 =	simm.s32 $0xA;
	_ =	strace $0x80000057  }
0xc1: {  	_ =	swait.ge [sflag:s29], $0x1  }
0xc2: {  	[sflag:s29] =	ssyncadd.s32 $0xFFFFFFFF  }
0xc3: {  	_ =	strace $0x90000057  }
0xc4: {  	_ =	sfence  }
0xc5: {  	s30 =	sld [smem:$0x0];
	_ =	sdelay $0x2  }
0xc6: {  	s31 =	sshll.u32 s1, $0xD;
	s1 =	sshrl.u32 s1, $0x2  }
0xc7: {  	s4 =	sand.u32 $0x4000, s31;
	s1 =	sadd.s32 s1, s30  }
0xc8: {  	s0 =	sor.u32 s4, s0;
	s1 =	sshll.u32 s1, $0x11  }
0xc9: {  	s0 =	sor.u32 s1, s0  }
0xca: {  	s0 =	sadd.s32 $0x8F2B, s0  }
0xcb: {  	[sflag:s0] =	ssyncadd.remote.s32 $0x1  }
0xcc: {  	_ =	sfence.sel $0xFFFF  }
0xcd: {  	[dreg:$0x0] =	wrdreg $0xFFFFFFFF;
	(pc) =	sbr.abs _section_cstart, $3  }
0xce: {  	[dreg:$0x1] =	wrdreg $0xFFFFFFFF  }
0xcf: {  	_ =	task.clear_ibuf [dreg:s22], $0x2FFFF;
	_ =	strace $0x9FFFFFFF  }
0xd0: {  	(tm) =	ssettm $0x7FFFFFFF  }
0xd1: {  	_ =	shalt  }
tec
execute0_lowered:
.L_overlay_start_1:
0x0: {  	(tag) =	ssettag $0x1  }
0x1: {  	s4 =	rddreg [dreg:$0x0]  }
0x2: {  	s0 =	rddreg [dreg:$0x1];
	s3 =	srdreg.scid  }
0x3: {  	s1 =	stileid.u32;
	s2 =	simm.s32 $0x0;
	s14 =	simm.s32 $0x3E8  }
0x4: {  	s15 =	simm.s32 $0x7D0;
	s16 =	simm.s32 $0x1;
	s17 =	simm.s32 $0x101D0  }
0x5: {  	s18 =	simm.s32 $0x2;
	s19 =	simm.s32 $0x3;
	s20 =	simm.s32 $0x0  }
0x6: {  	s5 =	sand.u32 $0x1, s3;
	s26 =	sshll.u32 s1, $0x1;
	s13 =	smul.u32 $0x5DC0, s1  }
0x7: {  	[smem:$0x7FF] =	sst s2;
	s6 =	sor.u32 s5, s26;
	s29 =	smul.u32 $0x2EE0, s5  }
0x8: {  	s3 =	sadd.s32 $0xE6200, s4;
	s12 =	sadd.s32 $0x9000, s4;
	s7 =	smul.u32 $0x2EE0, s6  }
0x9: {  	s10 =	sadd.s32 $0x474600, s4;
	s28 =	ssub.s32 $0x2, s5;
	s8 =	smul.u32 $0x17700, s6  }
0xa: {  	_ =	strace $0x80000056;
	s6 =	smul.u32 $0xBB800, s6;
	s11 =	sshrl.u32 s28, $0x1  }
0xb: {  	s11 =	ssub.s32 s28, s11;
	s13 =	sadd.s32 s29, s13;
	s9 =	sshrl.u32 s7, $0x3  }
0xc: {  	s5 =	sadd.s32 s10, s8;
	s7 =	sadd.s32 $0x65CE8, s7;
	s6 =	sshrl.u32 s6, $0x3  }
0xd: {  	s8 =	smax.u32 s11, $0x1;
	s31 =	sshll.u32 s13, $0x3;
	s9 =	sadd.s32 s12, s9  }
0xe: {  	s7 =	sshrl.u32 s7, $0x3;
	s30 =	sadd.s32 s10, s6;
	s11 =	sadd.s32 s10, s31  }
0xf: {  	s4 =	sadd.s32 $0xCB20, s9;
	s6 =	sadd.s32 s12, s7;
	s7 =	sadd.s32 $0x1F40, s30  }
0x10: {  	s9 =	sadd.s32 $0x664B8, s13;
	s13 =	sadd.s32 $0x660D0, s13;
	s10 =	sadd.s32 $0x5DC0, s11  }
0x11: {  	s11 =	sadd.s32 $0x3E80, s11;
	s9 =	sshrl.u32 s9, $0x3;
	s13 =	sshrl.u32 s13, $0x3  }
0x12: {  	s9 =	sadd.s32 s9, s12;
	s12 =	sadd.s32 s13, s12;
	s13 =	simm.s32 $0x4  }
.LBB2_1:
0x13: {  	[tilespmem:s2], [sflag:$0x4] =	stream.linear.gather [hbm4b:s4+s2], $0x3E8, $0x38;
	[tilespmem:$0x1FBD0] =	vst v63  }
0x14: {  	_ =	swait.ge [sflag:s13], $0x3E8  }
0x15: {  	[sflag:s13] =	ssyncset.done $0x0  }
0x16: {  	[sflag:s13] =	ssyncadd.s32 $0xFFFFFC18  }
0x17: {  	[tilespmem:s15], [sflag:$0x1] =	stream.indirect.gather [hbm4b:s3+s14], $0x40, s2, s14, $0xb8;
	[tilespmem:$0x1FBD0] =	vst v63  }
0x18: {  	_ =	swait.ge [sflag:s16], $0xFA00  }
0x19: {  	[sflag:s16] =	ssyncset.done $0x0  }
0x1a: {  	[sflag:s16] =	ssyncadd.s32 $0xFFFF0600  }
0x1b: {  	[hbm4b:s5+s2] =	stream.linear.scatter [tilespmem:s15], [sflag:$0x2], $0xFA00, $0x38;
	[tilespmem:$0x1FBD0] =	vst v63  }
0x1c: {  	_ = 	snop  }
0x1d: {  	[tilespmem:s14], [sflag:$0x4] =	stream.linear.gather [hbm4b:s6+s2], $0x3E8, $0x38;
	[tilespmem:$0x1FBD0] =	vst v63  }
0x1e: {  	_ =	swait.ge [sflag:s13], $0x3E8  }
0x1f: {  	[sflag:s13] =	ssyncset.done $0x0  }
0x20: {  	[sflag:s13] =	ssyncadd.s32 $0xFFFFFC18  }
0x21: {  	[tilespmem:s17], [sflag:$0x1] =	stream.indirect.gather [hbm4b:s3+s14], $0x40, s14, s14, $0xb8;
	[tilespmem:$0x1FBD0] =	vst v63  }
0x22: {  	_ =	swait.ge [sflag:s16], $0xFA00  }
0x23: {  	[sflag:s16] =	ssyncset.done $0x0  }
0x24: {  	[sflag:s16] =	ssyncadd.s32 $0xFFFF0600  }
0x25: {  	[hbm4b:s7+s2] =	stream.linear.scatter [tilespmem:s17], [sflag:$0x3], $0xFA00, $0x38;
	[tilespmem:$0x1FBD0] =	vst v63  }
0x26: {  	_ =	swait.ge [sflag:s18], $0xFA00  }
0x27: {  	[sflag:s18] =	ssyncset.done $0x0  }
0x28: {  	s21 =	sadd.s32 $0x0, s12;
	[sflag:s18] =	ssyncadd.s32 $0xFFFF0600  }
0x29: {  	[tilespmem:s2], [sflag:$0x4] =	stream.linear.gather [hbm4b:s21+s2], $0x3E8, $0x38;
	[tilespmem:$0x1FBD0] =	vst v63  }
0x2a: {  	_ =	swait.ge [sflag:s13], $0x3E8  }
0x2b: {  	[sflag:s13] =	ssyncset.done $0x0  }
0x2c: {  	[sflag:s13] =	ssyncadd.s32 $0xFFFFFC18  }
0x2d: {  	[tilespmem:s15], [sflag:$0x1] =	stream.indirect.gather [hbm4b:s3+s14], $0x40, s2, s14, $0xb8;
	[tilespmem:$0x1FBD0] =	vst v63  }
0x2e: {  	_ =	swait.ge [sflag:s16], $0xFA00  }
0x2f: {  	[sflag:s16] =	ssyncset.done $0x0  }
0x30: {  	[sflag:s16] =	ssyncadd.s32 $0xFFFF0600  }
0x31: {  	[hbm4b:s11+s2] =	stream.linear.scatter [tilespmem:s15], [sflag:$0x2], $0xFA00, $0x38;
	[tilespmem:$0x1FBD0] =	vst v63  }
0x32: {  	_ =	swait.ge [sflag:s19], $0xFA00  }
0x33: {  	[sflag:s19] =	ssyncset.done $0x0  }
0x34: {  	s31 =	sadd.s32 $0x0, s9;
	[sflag:s19] =	ssyncadd.s32 $0xFFFF0600  }
0x35: {  	[tilespmem:s14], [sflag:$0x4] =	stream.linear.gather [hbm4b:s31+s2], $0x3E8, $0x38;
	[tilespmem:$0x1FBD0] =	vst v63  }
0x36: {  	_ =	swait.ge [sflag:s13], $0x3E8  }
0x37: {  	[sflag:s13] =	ssyncset.done $0x0  }
0x38: {  	[sflag:s13] =	ssyncadd.s32 $0xFFFFFC18  }
0x39: {  	[tilespmem:s17], [sflag:$0x1] =	stream.indirect.gather [hbm4b:s3+s14], $0x40, s14, s14, $0xb8;
	[tilespmem:$0x1FBD0] =	vst v63  }
0x3a: {  	_ =	swait.ge [sflag:s16], $0xFA00  }
0x3b: {  	s22 =	sadd.s32 $0x3E80, s10;
	s23 =	sadd.s32 $0x3E80, s11;
	[sflag:s16] =	ssyncset.done $0x0  }
0x3c: {  	s24 =	smov.u32 s10;
	s21 =	simm.s32 $0xFA;
	[sflag:s16] =	ssyncadd.s32 $0xFFFF0600  }
.LBB2_2:
0x3d: {  	[hbm4b:s24+s2] =	stream.linear.scatter [tilespmem:s17], [sflag:$0x3], $0xFA00, $0x38;
	[tilespmem:$0x1FBD0] =	vst v63  }
0x3e: {  	s25 =	smov.u32 s21;
	s24 =	smov.u32 s22  }
0x3f: {  	p0 =	sne.s32 s21, $0x3E8;
	s21 =	sadd.s32 $0xFA, s21;
	_ =	swait.ge [sflag:s18], $0xFA00  }
0x40: {  	[sflag:s18] =	ssyncset.done $0x0  }
0x41: {  	s26 =	sadd.s32 s25, s12;
	[sflag:s18] =	ssyncadd.s32 $0xFFFF0600  }
0x42: {  	[tilespmem:s2], [sflag:$0x4] =	stream.linear.gather [hbm4b:s26+s2], $0x3E8, $0x38;
	[tilespmem:$0x1FBD0] =	vst v63  }
0x43: {  	_ =	swait.ge [sflag:s13], $0x3E8  }
0x44: {  	[sflag:s13] =	ssyncset.done $0x0  }
0x45: {  	[sflag:s13] =	ssyncadd.s32 $0xFFFFFC18  }
0x46: {  	[tilespmem:s15], [sflag:$0x1] =	stream.indirect.gather [hbm4b:s3+s14], $0x40, s2, s14, $0xb8;
	[tilespmem:$0x1FBD0] =	vst v63  }
0x47: {  	_ =	swait.ge [sflag:s16], $0xFA00  }
0x48: {  	[sflag:s16] =	ssyncset.done $0x0  }
0x49: {  	[sflag:s16] =	ssyncadd.s32 $0xFFFF0600  }
0x4a: {  	[hbm4b:s23+s2] =	stream.linear.scatter [tilespmem:s15], [sflag:$0x2], $0xFA00, $0x38;
	[tilespmem:$0x1FBD0] =	vst v63  }
0x4b: {  	_ =	swait.ge [sflag:s19], $0xFA00  }
0x4c: {  	[sflag:s19] =	ssyncset.done $0x0  }
0x4d: {  	s25 =	sadd.s32 s25, s9;
	[sflag:s19] =	ssyncadd.s32 $0xFFFF0600  }
0x4e: {  	[tilespmem:s14], [sflag:$0x4] =	stream.linear.gather [hbm4b:s25+s2], $0x3E8, $0x38;
	[tilespmem:$0x1FBD0] =	vst v63  }
0x4f: {  	_ =	swait.ge [sflag:s13], $0x3E8  }
0x50: {  	[sflag:s13] =	ssyncset.done $0x0  }
.Ltmp0:
0x51: {  	[sflag:s13] =	ssyncadd.s32 $0xFFFFFC18;
	(pc) =	sbr.rel @p0 .LBB2_2-.Ltmp0, $4  }
0x52: {  	[tilespmem:s17], [sflag:$0x1] =	stream.indirect.gather [hbm4b:s3+s14], $0x40, s14, s14, $0xb8;
	[tilespmem:$0x1FBD0] =	vst v63  }
0x53: {  	_ =	swait.ge [sflag:s16], $0xFA00  }
0x54: {  	[sflag:s16] =	ssyncset.done $0x0  }
0x55: {  	s22 =	sadd.s32 $0x3E80, s22;
	s23 =	sadd.s32 $0x3E80, s23;
	[sflag:s16] =	ssyncadd.s32 $0xFFFF0600  }
0x56: {  	[hbm4b:s24+s2] =	stream.linear.scatter [tilespmem:s17], [sflag:$0x3], $0xFA00, $0x38;
	[tilespmem:$0x1FBD0] =	vst v63  }
0x57: {  	s20 =	sadd.s32 $0x1, s20  }
0x58: {  	_ =	swait.ge [sflag:s18], $0xFA00;
	p0 =	sne.s32 s20, s8  }
.Ltmp1:
0x59: {  	[sflag:s18] =	ssyncset.done $0x0;
	(pc) =	sbr.rel @p0 .LBB2_1-.Ltmp1, $4  }
0x5a: {  	[sflag:s18] =	ssyncadd.s32 $0xFFFF0600  }
0x5b: {  	_ =	swait.ge [sflag:s19], $0xFA00  }
0x5c: {  	[sflag:s19] =	ssyncset.done $0x0  }
0x5d: {  	[sflag:s19] =	ssyncadd.s32 $0xFFFF0600  }
0x5e: {  	_ =	sfence.sel $0x180000  }
0x5f: {  	[bflag:$0x0] =	sbarrier.arrive $0xFFFF  }
0x60: {  	p0 =	sne.s32 s1, $0x0;
	_ =	strace $0x90000056  }
0x61: {  	s0 =	sadd.s32 @!p0 $0x100000, s0;
	[bflag:$0x2] =	sbarrier.arrive $0xFFFF  }
0x62: {  	[sflag:s0] =	ssyncadd.tile.s32 @!p0 $0x1;
	_ =	shalt  }
.Lfunc_end2:
_tile_overlayer_lowered:
.L_overlay_start_2:
0x63: {  	(tag) =	ssettag $0x2  }
0x64: {  	s0 =	rddreg [dreg:$0x0];
	s2 =	stileid.u32  }
0x65: {  	s1 =	rddreg [dreg:$0x1];
	p0 =	sne.s32 s2, $0x0  }
0x66: {  	s3 =	rddreg [dreg:$0x2];
	[bflag:$0x3] =	sbarrier.arrive $0xFFFF;
	s2 =	simm.s32 @!p0 $0x1C04  }
0x67: {  	[timem:s3], [sflag:s2] =	dma.local @!p0 [hbm:s0], s1  }
0x68: {  	s0 =	simm.s32 @!p0 $0x4  }
0x69: {  	_ =	swait.ge @!p0 [sflag:s0], s1  }
0x6a: {  	s1 =	ssub.s32 @!p0 $0x0, s1;
	[sflag:s0] =	ssyncset.done @!p0 $0x0  }
0x6b: {  	[sflag:s0] =	ssyncadd.s32 @!p0 s1  }
0x6c: {  	[bflag:$0x3] =	sbarrier.arrive $0xFFFF  }
0x6d: {  	_ =	shalt  }

</sc_bundles>
